<compile_context>
chip_gen: v7x
topology: tpu7x:2x2x1
jax: 0.10.2.dev20260603
libtpu: 0.0.44.dev20260713+nightly
codegen_flags: <defaults>
</compile_context>

<pallas_src>
import functools

import jax
import jax.numpy as jnp
from jax import lax
from jax.experimental import pallas as pl
from jax.experimental.pallas import tpu as pltpu
from jax.experimental.pallas import tpu_sc as plsc

def _mesh():
    return plsc.VectorSubcoreMesh(core_axis_name="c", subcore_axis_name="s")


_NB = 8
_CH = 128
_NWORKERS = 32


def _make_prop(NP, C, rw):
    nbody = rw // _NB
    rpt = NP // 16
    one_d = C == 1
    tshape = (NP,) if one_d else (NP, C)
    oshape = (2, NP) if one_d else (2, NP, C)
    bshape = (_NB, _CH) if one_d else (_NB, _CH, C)

    @functools.partial(
        pl.kernel,
        out_type=jax.ShapeDtypeStruct(oshape, jnp.float32),
        mesh=_mesh(),
        scratch_types=[
            pltpu.VMEM((_NB, _CH), jnp.int32),
            pltpu.VMEM((_NB, _CH), jnp.int32),
            pltpu.VMEM(bshape, jnp.float32),
            pltpu.VMEM_SHARED(tshape, jnp.float32),
            pltpu.SemaphoreType.DMA,
            pltpu.SemaphoreType.DMA,
        ],
        compiler_params=pltpu.CompilerParams(use_tc_tiling_on_sc=False),
    )
    def prop(z_hbm, src_hbm, dst_hbm, zeros_hbm, out_hbm,
             src_v, dst_v, buf_v, acc, gsem, ssem):
        cid = lax.axis_index("c")
        sid = lax.axis_index("s")
        w = sid * 2 + cid
        pltpu.sync_copy(zeros_hbm.at[pl.ds(sid * rpt, rpt)],
                        acc.at[pl.ds(sid * rpt, rpt)])
        plsc.subcore_barrier()
        base = w * rw

        def body(j, carry):
            r0 = base + j * _NB
            pltpu.sync_copy(src_hbm.at[pl.ds(r0, _NB)], src_v)
            pltpu.sync_copy(dst_hbm.at[pl.ds(r0, _NB)], dst_v)
            g = [pltpu.async_copy(z_hbm.at[src_v.at[k]], buf_v.at[k], gsem)
                 for k in range(_NB)]
            s = []
            for k in range(_NB):
                g[k].wait()
                s.append(pltpu.async_copy(buf_v.at[k], acc.at[dst_v.at[k]],
                                          ssem, add=True))
            for h in s:
                h.wait()
            return carry

        lax.fori_loop(0, nbody, body, 0)
        plsc.subcore_barrier()
        pltpu.sync_copy(acc.at[pl.ds(sid * rpt, rpt)],
                        out_hbm.at[cid, pl.ds(sid * rpt, rpt)])

    return prop


def _make_deg(NP, rw):
    nbody = rw // _NB
    rpt = NP // 16

    @functools.partial(
        pl.kernel,
        out_type=jax.ShapeDtypeStruct((2, NP), jnp.float32),
        mesh=_mesh(),
        scratch_types=[
            pltpu.VMEM((_NB, _CH), jnp.int32),
            pltpu.VMEM((_CH,), jnp.float32),
            pltpu.VMEM_SHARED((NP,), jnp.float32),
            pltpu.SemaphoreType.DMA,
        ],
        compiler_params=pltpu.CompilerParams(use_tc_tiling_on_sc=False),
    )
    def deg(dst_hbm, ones_hbm, zeros_hbm, out_hbm, dst_v, ones_v, acc, ssem):
        cid = lax.axis_index("c")
        sid = lax.axis_index("s")
        w = sid * 2 + cid
        pltpu.sync_copy(zeros_hbm.at[pl.ds(sid * rpt, rpt)],
                        acc.at[pl.ds(sid * rpt, rpt)])
        pltpu.sync_copy(ones_hbm, ones_v)
        plsc.subcore_barrier()
        base = w * rw

        def body(j, carry):
            r0 = base + j * _NB
            pltpu.sync_copy(dst_hbm.at[pl.ds(r0, _NB)], dst_v)
            s = [pltpu.async_copy(ones_v, acc.at[dst_v.at[k]], ssem, add=True)
                 for k in range(_NB)]
            for h in s:
                h.wait()
            return carry

        lax.fori_loop(0, nbody, body, 0)
        plsc.subcore_barrier()
        pltpu.sync_copy(acc.at[pl.ds(sid * rpt, rpt)],
                        out_hbm.at[cid, pl.ds(sid * rpt, rpt)])

    return deg


def _tc0(degp, xp, R, grid):

    def body(degp_ref, x_ref, dis_ref, z1_ref):
        deg = degp_ref[0] + degp_ref[1] + 1.0
        dis = lax.rsqrt(deg)
        dis_ref[...] = dis
        z1_ref[...] = dis * x_ref[...]

    return pl.pallas_call(
        body,
        grid=(grid,),
        in_specs=[
            pl.BlockSpec((2, R, 1), lambda i: (0, i, 0)),
            pl.BlockSpec((R, 1), lambda i: (i, 0)),
        ],
        out_specs=[pl.BlockSpec((R, 1), lambda i: (i, 0)),
                   pl.BlockSpec((R, 1), lambda i: (i, 0))],
        out_shape=[jax.ShapeDtypeStruct((R * grid, 1), jnp.float32),
                   jax.ShapeDtypeStruct((R * grid, 1), jnp.float32)],
    )(degp, xp)


def _tc1(s1c, z1c, disc, W1, b1, W2, R, grid):

    def body(s1_ref, z1_ref, dis_ref, w1_ref, b1_ref, w2_ref, za_ref, zb_ref):
        dc = dis_ref[...]
        pc = dc * (s1_ref[0] + s1_ref[1] + z1_ref[...])
        h1 = jnp.maximum(pc * w1_ref[...] + b1_ref[...], 0.0)
        z2 = dc * jnp.dot(h1, w2_ref[...], preferred_element_type=jnp.float32)
        za_ref[...] = z2[:, :16]
        zb_ref[...] = z2[:, 16:]

    return pl.pallas_call(
        body,
        grid=(grid,),
        in_specs=[
            pl.BlockSpec((2, R, 1), lambda i: (0, i, 0)),
            pl.BlockSpec((R, 1), lambda i: (i, 0)),
            pl.BlockSpec((R, 1), lambda i: (i, 0)),
            pl.BlockSpec((1, 64), lambda i: (0, 0)),
            pl.BlockSpec((1, 64), lambda i: (0, 0)),
            pl.BlockSpec((64, 32), lambda i: (0, 0)),
        ],
        out_specs=[pl.BlockSpec((R, 16), lambda i: (i, 0)),
                   pl.BlockSpec((R, 16), lambda i: (i, 0))],
        out_shape=[jax.ShapeDtypeStruct((R * grid, 16), jnp.float32),
                   jax.ShapeDtypeStruct((R * grid, 16), jnp.float32)],
    )(s1c, z1c, disc, W1, b1.reshape(1, 64), W2)


def _tc2(s2a, s2b, z2a, z2b, disc, b2, W3, R, grid):

    def body(sa_ref, sb_ref, za_ref, zb_ref, dis_ref, b2_ref, w3_ref, z3_ref):
        dc = dis_ref[...]
        ha = dc * (sa_ref[0] + sa_ref[1] + za_ref[...])
        hb = dc * (sb_ref[0] + sb_ref[1] + zb_ref[...])
        h2 = jnp.maximum(jnp.concatenate([ha, hb], axis=1) + b2_ref[...], 0.0)
        z3_ref[...] = dc * jnp.dot(h2, w3_ref[...],
                                   preferred_element_type=jnp.float32)

    return pl.pallas_call(
        body,
        grid=(grid,),
        in_specs=[
            pl.BlockSpec((2, R, 16), lambda i: (0, i, 0)),
            pl.BlockSpec((2, R, 16), lambda i: (0, i, 0)),
            pl.BlockSpec((R, 16), lambda i: (i, 0)),
            pl.BlockSpec((R, 16), lambda i: (i, 0)),
            pl.BlockSpec((R, 1), lambda i: (i, 0)),
            pl.BlockSpec((1, 32), lambda i: (0, 0)),
            pl.BlockSpec((32, 16), lambda i: (0, 0)),
        ],
        out_specs=pl.BlockSpec((R, 16), lambda i: (i, 0)),
        out_shape=jax.ShapeDtypeStruct((R * grid, 16), jnp.float32),
    )(s2a, s2b, z2a, z2b, disc, b2.reshape(1, 32), W3)


def _tc3(s3p, z3, disc, b3, Wp, n, R, grid):

    def body(s3_ref, z3_ref, dis_ref, b3_ref, wp_ref, zp_ref, hsum_ref):
        i = pl.program_id(0)
        dc = dis_ref[...]
        h3 = jnp.maximum(dc * (s3_ref[0] + s3_ref[1] + z3_ref[...])
                         + b3_ref[...], 0.0)
        zp_ref[...] = dc * jnp.dot(h3, wp_ref[...],
                                   preferred_element_type=jnp.float32)
        gidx = i * R + lax.broadcasted_iota(jnp.int32, (R, 1), 0)
        h3m = jnp.where(gidx < n, h3, 0.0)
        colsum = jnp.sum(h3m, axis=0, keepdims=True)

        @pl.when(i == 0)
        def _():
            hsum_ref[...] = jnp.zeros_like(hsum_ref)

        hsum_ref[...] += colsum

    return pl.pallas_call(
        body,
        grid=(grid,),
        in_specs=[
            pl.BlockSpec((2, R, 16), lambda i: (0, i, 0)),
            pl.BlockSpec((R, 16), lambda i: (i, 0)),
            pl.BlockSpec((R, 1), lambda i: (i, 0)),
            pl.BlockSpec((1, 16), lambda i: (0, 0)),
            pl.BlockSpec((16, 1), lambda i: (0, 0)),
        ],
        out_specs=[pl.BlockSpec((R, 1), lambda i: (i, 0)),
                   pl.BlockSpec((1, 16), lambda i: (0, 0))],
        out_shape=[jax.ShapeDtypeStruct((R * grid, 1), jnp.float32),
                   jax.ShapeDtypeStruct((1, 16), jnp.float32)],
    )(s3p, z3, disc, b3.reshape(1, 16), Wp)


def _tc4(spc, zpc, disc, bp, hsum, Wv, bv, n, R, grid):

    def body(sp_ref, zp_ref, dis_ref, bp_ref, hsum_ref, wv_ref, bv_ref,
             pol_ref, val_ref):
        i = pl.program_id(0)
        pol_ref[...] = (dis_ref[...] * (sp_ref[0] + sp_ref[1] + zp_ref[...])
                        + bp_ref[0, 0])

        @pl.when(i == 0)
        def _():
            m = hsum_ref[...] * (1.0 / n)
            v = jnp.dot(m, wv_ref[...], preferred_element_type=jnp.float32)
            val_ref[...] = jax.nn.sigmoid(v + bv_ref[...])

    return pl.pallas_call(
        body,
        grid=(grid,),
        in_specs=[
            pl.BlockSpec((2, R, 1), lambda i: (0, i, 0)),
            pl.BlockSpec((R, 1), lambda i: (i, 0)),
            pl.BlockSpec((R, 1), lambda i: (i, 0)),
            pl.BlockSpec((1, 1), lambda i: (0, 0)),
            pl.BlockSpec((1, 16), lambda i: (0, 0)),
            pl.BlockSpec((16, 1), lambda i: (0, 0)),
            pl.BlockSpec((1, 1), lambda i: (0, 0)),
        ],
        out_specs=[pl.BlockSpec((R, 1), lambda i: (i, 0)),
                   pl.BlockSpec((1, 1), lambda i: (0, 0))],
        out_shape=[jax.ShapeDtypeStruct((R * grid, 1), jnp.float32),
                   jax.ShapeDtypeStruct((1, 1), jnp.float32)],
    )(spc, zpc, disc, bp.reshape(1, 1), hsum, Wv, bv.reshape(1, 1))


def kernel(x, edge_index, W1, b1, W2, b2, W3, b3, Wv, bv, Wp, bp):
    n = x.shape[0]
    e = edge_index.shape[1]
    grid = 25
    R = 2048
    NP = -(-(n + 1) // (grid * R)) * (grid * R)
    rw = -(-e // (_NWORKERS * _CH * _NB)) * _NB
    EPR = _NWORKERS * rw

    src = edge_index[0].astype(jnp.int32)
    dst = edge_index[1].astype(jnp.int32)
    pad = EPR * _CH - e
    padv = jnp.full((pad,), n, jnp.int32)
    srcp = jnp.concatenate([src, padv]).reshape(EPR, _CH)
    dstp = jnp.concatenate([dst, padv]).reshape(EPR, _CH)

    xp = jnp.pad(x, ((0, NP - n), (0, 0)))
    zeros1 = jnp.zeros((NP,), jnp.float32)
    zeros16 = jnp.zeros((NP, 16), jnp.float32)
    ones = jnp.ones((_CH,), jnp.float32)

    prop1 = _make_prop(NP, 1, rw)
    prop16 = _make_prop(NP, 16, rw)
    degk = _make_deg(NP, rw)

    degp = degk(dstp, ones, zeros1)
    disc, z1c = _tc0(degp.reshape(2, NP, 1), xp, R, grid)

    s1 = prop1(z1c.reshape(NP), srcp, dstp, zeros1)
    z2a, z2b = _tc1(s1.reshape(2, NP, 1), z1c, disc, W1, b1, W2, R, grid)

    s2a = prop16(z2a, srcp, dstp, zeros16)
    s2b = prop16(z2b, srcp, dstp, zeros16)
    z3 = _tc2(s2a, s2b, z2a, z2b, disc, b2, W3, R, grid)

    s3 = prop16(z3, srcp, dstp, zeros16)
    zpc, hsum = _tc3(s3, z3, disc, b3, Wp, n, R, grid)

    sp = prop1(zpc.reshape(NP), srcp, dstp, zeros1)
    polc, val = _tc4(sp.reshape(2, NP, 1), zpc, disc, bp, hsum, Wv, bv,
                     n, R, grid)

    policy = polc[:n, 0]
    value = val.reshape(1)
    return (value, policy)

# --- scband reference (transcript-rebuilt; emitter-appended) ---
"""Pipeline reference for scband-gnnmonte-carlo-47055661695333 (READ-ONLY COPY).

The authoritative reference and input builder live on the scoring server;
editing this copy changes nothing except your own understanding.
"""

import jax, jax.numpy as jnp
import numpy as np

N = 50000
E = 1600000

def glorot(key, shape):
    fan_in, fan_out = shape
    lim = (6.0 / (fan_in + fan_out)) ** 0.5
    return jax.random.uniform(key, shape, jnp.float32, -lim, lim)

def gcn_conv(x, edge_index, W, b):
    # GCNConv with self-loops and symmetric normalization: D^{-1/2}(A+I)D^{-1/2} X W + b
    n = x.shape[0]
    loop = jnp.arange(n, dtype=edge_index.dtype)
    src = jnp.concatenate([edge_index[0], loop])
    dst = jnp.concatenate([edge_index[1], loop])
    deg = jnp.zeros((n,), dtype=x.dtype).at[dst].add(1.0)
    dis = jax.lax.rsqrt(deg)
    norm = dis[src] * dis[dst]
    h = x @ W
    msg = h[src] * norm[:, None]
    out = jnp.zeros((n, W.shape[1]), dtype=x.dtype).at[dst].add(msg)
    return out + b

def setup_inputs(seed: int = 0) -> dict:
    key = jax.random.key(seed)
    ks = jax.random.split(key, 8)
    x = jax.random.normal(ks[0], (N, 1), jnp.float32)
    edge_index = jax.random.randint(ks[1], (2, E), 0, N)
    W1 = glorot(ks[2], (1, 64)); b1 = jnp.zeros((64,), jnp.float32)
    W2 = glorot(ks[3], (64, 32)); b2 = jnp.zeros((32,), jnp.float32)
    W3 = glorot(ks[4], (32, 16)); b3 = jnp.zeros((16,), jnp.float32)
    Wv = glorot(ks[5], (16, 1)); bv = jnp.zeros((1,), jnp.float32)
    Wp = glorot(ks[6], (16, 1)); bp = jnp.zeros((1,), jnp.float32)
    return {"x": x, "edge_index": edge_index, "W1": W1, "b1": b1, "W2": W2, "b2": b2, "W3": W3, "b3": b3, "Wv": Wv, "bv": bv, "Wp": Wp, "bp": bp}

def reference(x, edge_index, W1, b1, W2, b2, W3, b3, Wv, bv, Wp, bp):
    h = jax.nn.relu(gcn_conv(x, edge_index, W1, b1))
    h = jax.nn.relu(gcn_conv(h, edge_index, W2, b2))
    h = jax.nn.relu(gcn_conv(h, edge_index, W3, b3))
    value = jax.nn.sigmoid(h.mean(axis=0) @ Wv + bv)
    policy = gcn_conv(h, edge_index, Wp, bp).squeeze(-1)
    return (value, policy)

if __name__ == "__main__":
    import jax
    _d = setup_inputs()
    print(jax.jit(kernel)(*tuple(_d.values())))

</pallas_src>

<mosaic_0001>
#map = affine_map<(d0, d1) -> (0)>
#map1 = affine_map<(d0, d1) -> (0, 0)>
module attributes {stable_mosaic.version = 14 : i64} {
  func.func @prop(%arg0: i32, %arg1: i32, %arg2: memref<51200xf32, #tpu.memory_space<hbm>>, %arg3: memref<12544x128xi32, #tpu.memory_space<hbm>>, %arg4: memref<12544x128xi32, #tpu.memory_space<hbm>>, %arg5: memref<51200xf32, #tpu.memory_space<hbm>>, %arg6: memref<2x51200xf32, #tpu.memory_space<hbm>>, %arg7: memref<8x128xi32, #tpu.memory_space<vmem>>, %arg8: memref<8x128xi32, #tpu.memory_space<vmem>>, %arg9: memref<8x128xf32, #tpu.memory_space<vmem>>, %arg10: memref<51200xf32, #tpu.memory_space<vmem_shared>>, %arg11: memref<!tpu.dma_semaphore, #tpu.memory_space<semaphore_mem>>, %arg12: memref<!tpu.dma_semaphore, #tpu.memory_space<semaphore_mem>>) attributes {dimension_semantics = [#tpu.dimension_semantics<core_parallel>, #tpu.dimension_semantics<subcore_parallel>], iteration_bounds = array<i64: 2, 16>, scalar_prefetch = 0 : i64, scratch_operands = 6 : i64, tpu.core_type = #tpu.core_type<sc_vector_subcore>, window_params = [{transform_indices = #map}, {transform_indices = #map1}, {transform_indices = #map1}, {transform_indices = #map}, {transform_indices = #map1}]} {
    %mul3A = arith.constant 2 : i32
    %mul3A_0 = arith.muli %arg1, %mul3A : i32
    %add3A = arith.addi %mul3A_0, %arg0 : i32
    %mul3A_1 = arith.constant 3200 : i32
    %mul3A_2 = arith.muli %arg1, %mul3A_1 : i32
    %mul3A_3 = arith.constant 3200 : i32
    %mul3A_4 = arith.muli %arg1, %mul3A_3 : i32
    "tpu.region"() ({
      %run_scoped3A = tpu.sem_alloc : memref<!tpu.dma_semaphore, #tpu.memory_space<semaphore_mem>>
      %dma_start3A = tpu.memref_slice %arg10[%mul3A_4] : memref<51200xf32, #tpu.memory_space<vmem_shared>> -> memref<3200xf32, #tpu.memory_space<vmem_shared>>
      %dma_start3A_17 = tpu.memref_slice %arg5[%mul3A_2] : memref<51200xf32, #tpu.memory_space<hbm>> -> memref<3200xf32, #tpu.memory_space<hbm>>
      tpu.enqueue_dma source(%dma_start3A_17 : memref<3200xf32, #tpu.memory_space<hbm>>) target(%dma_start3A : memref<3200xf32, #tpu.memory_space<vmem_shared>>) target_semaphore(%run_scoped3A : memref<!tpu.dma_semaphore, #tpu.memory_space<semaphore_mem>>)
      %dma_wait3A = tpu.memref_slice %arg10[%mul3A_4] : memref<51200xf32, #tpu.memory_space<vmem_shared>> -> memref<3200xf32, #tpu.memory_space<vmem_shared>>
      %dma_wait3A_18 = tpu.memref_slice %arg5[%mul3A_2] : memref<51200xf32, #tpu.memory_space<hbm>> -> memref<3200xf32, #tpu.memory_space<hbm>>
      tpu.wait_dma2 semaphore(%run_scoped3A : memref<!tpu.dma_semaphore, #tpu.memory_space<semaphore_mem>>) src(%dma_wait3A_18 : memref<3200xf32, #tpu.memory_space<hbm>>) dst(%dma_wait3A : memref<3200xf32, #tpu.memory_space<vmem_shared>>)
      tpu.yield
    }) : () -> ()
    %barrier3A = arith.constant 0 : index
    tpu.barrier barrier_id(%barrier3A)
    %mul3A_5 = arith.constant 392 : i32
    %mul3A_6 = arith.muli %add3A, %mul3A_5 : i32
    %scan3A = arith.constant 0 : i32
    %scan3A_7 = arith.constant 0 : i32
    %scan3A_8 = arith.constant 49 : i32
    %scan3A_9 = arith.addi %scan3A_7, %scan3A_8 : i32
    %scan3A_10 = arith.constant 1 : i32
    scf.for %scan3A_17 = %scan3A_7 to %scan3A_9 step %scan3A_10  : i32 {
      %mul3A_18 = arith.constant 8 : i32
      %mul3A_19 = arith.muli %scan3A_17, %mul3A_18 : i32
      %add3A_20 = arith.addi %mul3A_6, %mul3A_19 : i32
      "tpu.region"() ({
        %run_scoped3A = tpu.sem_alloc : memref<!tpu.dma_semaphore, #tpu.memory_space<semaphore_mem>>
        %dma_start3A_339 = arith.constant 0 : i32
        %dma_start3A_340 = tpu.memref_slice %arg3[%add3A_20, %dma_start3A_339] : memref<12544x128xi32, #tpu.memory_space<hbm>> -> memref<8x128xi32, #tpu.memory_space<hbm>>
        %dma_start3A_341 = arith.constant 0 : i32
        %dma_start3A_342 = tpu.memref_slice %arg3[%add3A_20, %dma_start3A_341] : memref<12544x128xi32, #tpu.memory_space<hbm>> -> memref<8x128xi32, #tpu.memory_space<hbm>>
        tpu.enqueue_dma source(%dma_start3A_342 : memref<8x128xi32, #tpu.memory_space<hbm>>) target(%arg7 : memref<8x128xi32, #tpu.memory_space<vmem>>) target_semaphore(%run_scoped3A : memref<!tpu.dma_semaphore, #tpu.memory_space<semaphore_mem>>)
        %dma_wait3A_343 = arith.constant 0 : i32
        %dma_wait3A_344 = tpu.memref_slice %arg3[%add3A_20, %dma_wait3A_343] : memref<12544x128xi32, #tpu.memory_space<hbm>> -> memref<8x128xi32, #tpu.memory_space<hbm>>
        %dma_wait3A_345 = arith.constant 0 : i32
        %dma_wait3A_346 = tpu.memref_slice %arg3[%add3A_20, %dma_wait3A_345] : memref<12544x128xi32, #tpu.memory_space<hbm>> -> memref<8x128xi32, #tpu.memory_space<hbm>>
        tpu.wait_dma2 semaphore(%run_scoped3A : memref<!tpu.dma_semaphore, #tpu.memory_space<semaphore_mem>>) src(%dma_wait3A_346 : memref<8x128xi32, #tpu.memory_space<hbm>>) dst(%arg7 : memref<8x128xi32, #tpu.memory_space<vmem>>)
        tpu.yield
      }) : () -> ()
      "tpu.region"() ({
        %run_scoped3A = tpu.sem_alloc : memref<!tpu.dma_semaphore, #tpu.memory_space<semaphore_mem>>
        %dma_start3A_339 = arith.constant 0 : i32
        %dma_start3A_340 = tpu.memref_slice %arg4[%add3A_20, %dma_start3A_339] : memref<12544x128xi32, #tpu.memory_space<hbm>> -> memref<8x128xi32, #tpu.memory_space<hbm>>
        %dma_start3A_341 = arith.constant 0 : i32
        %dma_start3A_342 = tpu.memref_slice %arg4[%add3A_20, %dma_start3A_341] : memref<12544x128xi32, #tpu.memory_space<hbm>> -> memref<8x128xi32, #tpu.memory_space<hbm>>
        tpu.enqueue_dma source(%dma_start3A_342 : memref<8x128xi32, #tpu.memory_space<hbm>>) target(%arg8 : memref<8x128xi32, #tpu.memory_space<vmem>>) target_semaphore(%run_scoped3A : memref<!tpu.dma_semaphore, #tpu.memory_space<semaphore_mem>>)
        %dma_wait3A_343 = arith.constant 0 : i32
        %dma_wait3A_344 = tpu.memref_slice %arg4[%add3A_20, %dma_wait3A_343] : memref<12544x128xi32, #tpu.memory_space<hbm>> -> memref<8x128xi32, #tpu.memory_space<hbm>>
        %dma_wait3A_345 = arith.constant 0 : i32
        %dma_wait3A_346 = tpu.memref_slice %arg4[%add3A_20, %dma_wait3A_345] : memref<12544x128xi32, #tpu.memory_space<hbm>> -> memref<8x128xi32, #tpu.memory_space<hbm>>
        tpu.wait_dma2 semaphore(%run_scoped3A : memref<!tpu.dma_semaphore, #tpu.memory_space<semaphore_mem>>) src(%dma_wait3A_346 : memref<8x128xi32, #tpu.memory_space<hbm>>) dst(%arg8 : memref<8x128xi32, #tpu.memory_space<vmem>>)
        tpu.yield
      }) : () -> ()
      %dma_start3A = arith.constant 0 : i32
      %dma_start3A_21 = arith.constant 0 : i32
      %dma_start3A_22 = arith.constant 0 : i32
      %dma_start3A_23 = tpu.memref_slice %arg9[%dma_start3A_21, %dma_start3A_22] : memref<8x128xf32, #tpu.memory_space<vmem>> -> memref<1x128xf32, #tpu.memory_space<vmem>>
      %dma_start3A_24 = tpu.memref_squeeze %dma_start3A_23 : memref<1x128xf32, #tpu.memory_space<vmem>> -> memref<128xf32, #tpu.memory_space<vmem>>
      %dma_start3A_25 = arith.constant 0 : i32
      %dma_start3A_26 = tpu.memref_slice %arg7[%dma_start3A, %dma_start3A_25] : memref<8x128xi32, #tpu.memory_space<vmem>> -> memref<1x128xi32, #tpu.memory_space<vmem>>
      %dma_start3A_27 = tpu.memref_squeeze %dma_start3A_26 : memref<1x128xi32, #tpu.memory_space<vmem>> -> memref<128xi32, #tpu.memory_space<vmem>>
      %dma_start3A_28 = arith.constant 0 : i32
      %dma_start3A_29 = tpu.memref_slice %arg2[%dma_start3A_28] : memref<51200xf32, #tpu.memory_space<hbm>> -> memref<51200xf32, #tpu.memory_space<hbm>>
      tpu.enqueue_indirect_dma source(%dma_start3A_29 : memref<51200xf32, #tpu.memory_space<hbm>>) target(%dma_start3A_24 : memref<128xf32, #tpu.memory_space<vmem>>) offsets(%dma_start3A_27 : memref<128xi32, #tpu.memory_space<vmem>>) semaphore(%arg11 : memref<!tpu.dma_semaphore, #tpu.memory_space<semaphore_mem>>)
      %dma_start3A_30 = arith.constant 1 : i32
      %dma_start3A_31 = arith.constant 1 : i32
      %dma_start3A_32 = arith.constant 0 : i32
      %dma_start3A_33 = tpu.memref_slice %arg9[%dma_start3A_31, %dma_start3A_32] : memref<8x128xf32, #tpu.memory_space<vmem>> -> memref<1x128xf32, #tpu.memory_space<vmem>>
      %dma_start3A_34 = tpu.memref_squeeze %dma_start3A_33 : memref<1x128xf32, #tpu.memory_space<vmem>> -> memref<128xf32, #tpu.memory_space<vmem>>
      %dma_start3A_35 = arith.constant 0 : i32
      %dma_start3A_36 = tpu.memref_slice %arg7[%dma_start3A_30, %dma_start3A_35] : memref<8x128xi32, #tpu.memory_space<vmem>> -> memref<1x128xi32, #tpu.memory_space<vmem>>
      %dma_start3A_37 = tpu.memref_squeeze %dma_start3A_36 : memref<1x128xi32, #tpu.memory_space<vmem>> -> memref<128xi32, #tpu.memory_space<vmem>>
      %dma_start3A_38 = arith.constant 0 : i32
      %dma_start3A_39 = tpu.memref_slice %arg2[%dma_start3A_38] : memref<51200xf32, #tpu.memory_space<hbm>> -> memref<51200xf32, #tpu.memory_space<hbm>>
      tpu.enqueue_indirect_dma source(%dma_start3A_39 : memref<51200xf32, #tpu.memory_space<hbm>>) target(%dma_start3A_34 : memref<128xf32, #tpu.memory_space<vmem>>) offsets(%dma_start3A_37 : memref<128xi32, #tpu.memory_space<vmem>>) semaphore(%arg11 : memref<!tpu.dma_semaphore, #tpu.memory_space<semaphore_mem>>)
      %dma_start3A_40 = arith.constant 2 : i32
      %dma_start3A_41 = arith.constant 2 : i32
      %dma_start3A_42 = arith.constant 0 : i32
      %dma_start3A_43 = tpu.memref_slice %arg9[%dma_start3A_41, %dma_start3A_42] : memref<8x128xf32, #tpu.memory_space<vmem>> -> memref<1x128xf32, #tpu.memory_space<vmem>>
      %dma_start3A_44 = tpu.memref_squeeze %dma_start3A_43 : memref<1x128xf32, #tpu.memory_space<vmem>> -> memref<128xf32, #tpu.memory_space<vmem>>
      %dma_start3A_45 = arith.constant 0 : i32
      %dma_start3A_46 = tpu.memref_slice %arg7[%dma_start3A_40, %dma_start3A_45] : memref<8x128xi32, #tpu.memory_space<vmem>> -> memref<1x128xi32, #tpu.memory_space<vmem>>
      %dma_start3A_47 = tpu.memref_squeeze %dma_start3A_46 : memref<1x128xi32, #tpu.memory_space<vmem>> -> memref<128xi32, #tpu.memory_space<vmem>>
      %dma_start3A_48 = arith.constant 0 : i32
      %dma_start3A_49 = tpu.memref_slice %arg2[%dma_start3A_48] : memref<51200xf32, #tpu.memory_space<hbm>> -> memref<51200xf32, #tpu.memory_space<hbm>>
      tpu.enqueue_indirect_dma source(%dma_start3A_49 : memref<51200xf32, #tpu.memory_space<hbm>>) target(%dma_start3A_44 : memref<128xf32, #tpu.memory_space<vmem>>) offsets(%dma_start3A_47 : memref<128xi32, #tpu.memory_space<vmem>>) semaphore(%arg11 : memref<!tpu.dma_semaphore, #tpu.memory_space<semaphore_mem>>)
      %dma_start3A_50 = arith.constant 3 : i32
      %dma_start3A_51 = arith.constant 3 : i32
      %dma_start3A_52 = arith.constant 0 : i32
      %dma_start3A_53 = tpu.memref_slice %arg9[%dma_start3A_51, %dma_start3A_52] : memref<8x128xf32, #tpu.memory_space<vmem>> -> memref<1x128xf32, #tpu.memory_space<vmem>>
      %dma_start3A_54 = tpu.memref_squeeze %dma_start3A_53 : memref<1x128xf32, #tpu.memory_space<vmem>> -> memref<128xf32, #tpu.memory_space<vmem>>
      %dma_start3A_55 = arith.constant 0 : i32
      %dma_start3A_56 = tpu.memref_slice %arg7[%dma_start3A_50, %dma_start3A_55] : memref<8x128xi32, #tpu.memory_space<vmem>> -> memref<1x128xi32, #tpu.memory_space<vmem>>
      %dma_start3A_57 = tpu.memref_squeeze %dma_start3A_56 : memref<1x128xi32, #tpu.memory_space<vmem>> -> memref<128xi32, #tpu.memory_space<vmem>>
      %dma_start3A_58 = arith.constant 0 : i32
      %dma_start3A_59 = tpu.memref_slice %arg2[%dma_start3A_58] : memref<51200xf32, #tpu.memory_space<hbm>> -> memref<51200xf32, #tpu.memory_space<hbm>>
      tpu.enqueue_indirect_dma source(%dma_start3A_59 : memref<51200xf32, #tpu.memory_space<hbm>>) target(%dma_start3A_54 : memref<128xf32, #tpu.memory_space<vmem>>) offsets(%dma_start3A_57 : memref<128xi32, #tpu.memory_space<vmem>>) semaphore(%arg11 : memref<!tpu.dma_semaphore, #tpu.memory_space<semaphore_mem>>)
      %dma_start3A_60 = arith.constant 4 : i32
      %dma_start3A_61 = arith.constant 4 : i32
      %dma_start3A_62 = arith.constant 0 : i32
      %dma_start3A_63 = tpu.memref_slice %arg9[%dma_start3A_61, %dma_start3A_62] : memref<8x128xf32, #tpu.memory_space<vmem>> -> memref<1x128xf32, #tpu.memory_space<vmem>>
      %dma_start3A_64 = tpu.memref_squeeze %dma_start3A_63 : memref<1x128xf32, #tpu.memory_space<vmem>> -> memref<128xf32, #tpu.memory_space<vmem>>
      %dma_start3A_65 = arith.constant 0 : i32
      %dma_start3A_66 = tpu.memref_slice %arg7[%dma_start3A_60, %dma_start3A_65] : memref<8x128xi32, #tpu.memory_space<vmem>> -> memref<1x128xi32, #tpu.memory_space<vmem>>
      %dma_start3A_67 = tpu.memref_squeeze %dma_start3A_66 : memref<1x128xi32, #tpu.memory_space<vmem>> -> memref<128xi32, #tpu.memory_space<vmem>>
      %dma_start3A_68 = arith.constant 0 : i32
      %dma_start3A_69 = tpu.memref_slice %arg2[%dma_start3A_68] : memref<51200xf32, #tpu.memory_space<hbm>> -> memref<51200xf32, #tpu.memory_space<hbm>>
      tpu.enqueue_indirect_dma source(%dma_start3A_69 : memref<51200xf32, #tpu.memory_space<hbm>>) target(%dma_start3A_64 : memref<128xf32, #tpu.memory_space<vmem>>) offsets(%dma_start3A_67 : memref<128xi32, #tpu.memory_space<vmem>>) semaphore(%arg11 : memref<!tpu.dma_semaphore, #tpu.memory_space<semaphore_mem>>)
      %dma_start3A_70 = arith.constant 5 : i32
      %dma_start3A_71 = arith.constant 5 : i32
      %dma_start3A_72 = arith.constant 0 : i32
      %dma_start3A_73 = tpu.memref_slice %arg9[%dma_start3A_71, %dma_start3A_72] : memref<8x128xf32, #tpu.memory_space<vmem>> -> memref<1x128xf32, #tpu.memory_space<vmem>>
      %dma_start3A_74 = tpu.memref_squeeze %dma_start3A_73 : memref<1x128xf32, #tpu.memory_space<vmem>> -> memref<128xf32, #tpu.memory_space<vmem>>
      %dma_start3A_75 = arith.constant 0 : i32
      %dma_start3A_76 = tpu.memref_slice %arg7[%dma_start3A_70, %dma_start3A_75] : memref<8x128xi32, #tpu.memory_space<vmem>> -> memref<1x128xi32, #tpu.memory_space<vmem>>
      %dma_start3A_77 = tpu.memref_squeeze %dma_start3A_76 : memref<1x128xi32, #tpu.memory_space<vmem>> -> memref<128xi32, #tpu.memory_space<vmem>>
      %dma_start3A_78 = arith.constant 0 : i32
      %dma_start3A_79 = tpu.memref_slice %arg2[%dma_start3A_78] : memref<51200xf32, #tpu.memory_space<hbm>> -> memref<51200xf32, #tpu.memory_space<hbm>>
      tpu.enqueue_indirect_dma source(%dma_start3A_79 : memref<51200xf32, #tpu.memory_space<hbm>>) target(%dma_start3A_74 : memref<128xf32, #tpu.memory_space<vmem>>) offsets(%dma_start3A_77 : memref<128xi32, #tpu.memory_space<vmem>>) semaphore(%arg11 : memref<!tpu.dma_semaphore, #tpu.memory_space<semaphore_mem>>)
      %dma_start3A_80 = arith.constant 6 : i32
      %dma_start3A_81 = arith.constant 6 : i32
      %dma_start3A_82 = arith.constant 0 : i32
      %dma_start3A_83 = tpu.memref_slice %arg9[%dma_start3A_81, %dma_start3A_82] : memref<8x128xf32, #tpu.memory_space<vmem>> -> memref<1x128xf32, #tpu.memory_space<vmem>>
      %dma_start3A_84 = tpu.memref_squeeze %dma_start3A_83 : memref<1x128xf32, #tpu.memory_space<vmem>> -> memref<128xf32, #tpu.memory_space<vmem>>
      %dma_start3A_85 = arith.constant 0 : i32
      %dma_start3A_86 = tpu.memref_slice %arg7[%dma_start3A_80, %dma_start3A_85] : memref<8x128xi32, #tpu.memory_space<vmem>> -> memref<1x128xi32, #tpu.memory_space<vmem>>
      %dma_start3A_87 = tpu.memref_squeeze %dma_start3A_86 : memref<1x128xi32, #tpu.memory_space<vmem>> -> memref<128xi32, #tpu.memory_space<vmem>>
      %dma_start3A_88 = arith.constant 0 : i32
      %dma_start3A_89 = tpu.memref_slice %arg2[%dma_start3A_88] : memref<51200xf32, #tpu.memory_space<hbm>> -> memref<51200xf32, #tpu.memory_space<hbm>>
      tpu.enqueue_indirect_dma source(%dma_start3A_89 : memref<51200xf32, #tpu.memory_space<hbm>>) target(%dma_start3A_84 : memref<128xf32, #tpu.memory_space<vmem>>) offsets(%dma_start3A_87 : memref<128xi32, #tpu.memory_space<vmem>>) semaphore(%arg11 : memref<!tpu.dma_semaphore, #tpu.memory_space<semaphore_mem>>)
      %dma_start3A_90 = arith.constant 7 : i32
      %dma_start3A_91 = arith.constant 7 : i32
      %dma_start3A_92 = arith.constant 0 : i32
      %dma_start3A_93 = tpu.memref_slice %arg9[%dma_start3A_91, %dma_start3A_92] : memref<8x128xf32, #tpu.memory_space<vmem>> -> memref<1x128xf32, #tpu.memory_space<vmem>>
      %dma_start3A_94 = tpu.memref_squeeze %dma_start3A_93 : memref<1x128xf32, #tpu.memory_space<vmem>> -> memref<128xf32, #tpu.memory_space<vmem>>
      %dma_start3A_95 = arith.constant 0 : i32
      %dma_start3A_96 = tpu.memref_slice %arg7[%dma_start3A_90, %dma_start3A_95] : memref<8x128xi32, #tpu.memory_space<vmem>> -> memref<1x128xi32, #tpu.memory_space<vmem>>
      %dma_start3A_97 = tpu.memref_squeeze %dma_start3A_96 : memref<1x128xi32, #tpu.memory_space<vmem>> -> memref<128xi32, #tpu.memory_space<vmem>>
      %dma_start3A_98 = arith.constant 0 : i32
      %dma_start3A_99 = tpu.memref_slice %arg2[%dma_start3A_98] : memref<51200xf32, #tpu.memory_space<hbm>> -> memref<51200xf32, #tpu.memory_space<hbm>>
      tpu.enqueue_indirect_dma source(%dma_start3A_99 : memref<51200xf32, #tpu.memory_space<hbm>>) target(%dma_start3A_94 : memref<128xf32, #tpu.memory_space<vmem>>) offsets(%dma_start3A_97 : memref<128xi32, #tpu.memory_space<vmem>>) semaphore(%arg11 : memref<!tpu.dma_semaphore, #tpu.memory_space<semaphore_mem>>)
      %dma_wait3A = arith.constant 0 : i32
      %dma_wait3A_100 = arith.constant 0 : i32
      %dma_wait3A_101 = arith.constant 0 : i32
      %dma_wait3A_102 = tpu.memref_slice %arg9[%dma_wait3A_100, %dma_wait3A_101] : memref<8x128xf32, #tpu.memory_space<vmem>> -> memref<1x128xf32, #tpu.memory_space<vmem>>
      %dma_wait3A_103 = tpu.memref_squeeze %dma_wait3A_102 : memref<1x128xf32, #tpu.memory_space<vmem>> -> memref<128xf32, #tpu.memory_space<vmem>>
      %dma_wait3A_104 = arith.constant 0 : i32
      %dma_wait3A_105 = tpu.memref_slice %arg7[%dma_wait3A, %dma_wait3A_104] : memref<8x128xi32, #tpu.memory_space<vmem>> -> memref<1x128xi32, #tpu.memory_space<vmem>>
      %dma_wait3A_106 = tpu.memref_squeeze %dma_wait3A_105 : memref<1x128xi32, #tpu.memory_space<vmem>> -> memref<128xi32, #tpu.memory_space<vmem>>
      %dma_wait3A_107 = arith.constant 0 : i32
      %dma_wait3A_108 = tpu.memref_slice %arg2[%dma_wait3A_107] : memref<51200xf32, #tpu.memory_space<hbm>> -> memref<51200xf32, #tpu.memory_space<hbm>>
      tpu.wait_indirect_dma semaphore(%arg11 : memref<!tpu.dma_semaphore, #tpu.memory_space<semaphore_mem>>) src(%dma_wait3A_108 : memref<51200xf32, #tpu.memory_space<hbm>>) dst(%dma_wait3A_103 : memref<128xf32, #tpu.memory_space<vmem>>)
      %dma_start3A_109 = arith.constant 0 : i32
      %dma_start3A_110 = arith.constant 0 : i32
      %dma_start3A_111 = arith.constant 0 : i32
      %dma_start3A_112 = tpu.memref_slice %arg9[%dma_start3A_109, %dma_start3A_111] : memref<8x128xf32, #tpu.memory_space<vmem>> -> memref<1x128xf32, #tpu.memory_space<vmem>>
      %dma_start3A_113 = tpu.memref_squeeze %dma_start3A_112 : memref<1x128xf32, #tpu.memory_space<vmem>> -> memref<128xf32, #tpu.memory_space<vmem>>
      %dma_start3A_114 = arith.constant 0 : i32
      %dma_start3A_115 = tpu.memref_slice %arg8[%dma_start3A_110, %dma_start3A_114] : memref<8x128xi32, #tpu.memory_space<vmem>> -> memref<1x128xi32, #tpu.memory_space<vmem>>
      %dma_start3A_116 = tpu.memref_squeeze %dma_start3A_115 : memref<1x128xi32, #tpu.memory_space<vmem>> -> memref<128xi32, #tpu.memory_space<vmem>>
      %dma_start3A_117 = arith.constant 0 : i32
      %dma_start3A_118 = tpu.memref_slice %arg10[%dma_start3A_117] : memref<51200xf32, #tpu.memory_space<vmem_shared>> -> memref<51200xf32, #tpu.memory_space<vmem_shared>>
      tpu.enqueue_indirect_dma source(%dma_start3A_113 : memref<128xf32, #tpu.memory_space<vmem>>) target(%dma_start3A_118 : memref<51200xf32, #tpu.memory_space<vmem_shared>>) offsets(%dma_start3A_116 : memref<128xi32, #tpu.memory_space<vmem>>) semaphore(%arg12 : memref<!tpu.dma_semaphore, #tpu.memory_space<semaphore_mem>>) {add = true}
      %dma_wait3A_119 = arith.constant 1 : i32
      %dma_wait3A_120 = arith.constant 1 : i32
      %dma_wait3A_121 = arith.constant 0 : i32
      %dma_wait3A_122 = tpu.memref_slice %arg9[%dma_wait3A_120, %dma_wait3A_121] : memref<8x128xf32, #tpu.memory_space<vmem>> -> memref<1x128xf32, #tpu.memory_space<vmem>>
      %dma_wait3A_123 = tpu.memref_squeeze %dma_wait3A_122 : memref<1x128xf32, #tpu.memory_space<vmem>> -> memref<128xf32, #tpu.memory_space<vmem>>
      %dma_wait3A_124 = arith.constant 0 : i32
      %dma_wait3A_125 = tpu.memref_slice %arg7[%dma_wait3A_119, %dma_wait3A_124] : memref<8x128xi32, #tpu.memory_space<vmem>> -> memref<1x128xi32, #tpu.memory_space<vmem>>
      %dma_wait3A_126 = tpu.memref_squeeze %dma_wait3A_125 : memref<1x128xi32, #tpu.memory_space<vmem>> -> memref<128xi32, #tpu.memory_space<vmem>>
      %dma_wait3A_127 = arith.constant 0 : i32
      %dma_wait3A_128 = tpu.memref_slice %arg2[%dma_wait3A_127] : memref<51200xf32, #tpu.memory_space<hbm>> -> memref<51200xf32, #tpu.memory_space<hbm>>
      tpu.wait_indirect_dma semaphore(%arg11 : memref<!tpu.dma_semaphore, #tpu.memory_space<semaphore_mem>>) src(%dma_wait3A_128 : memref<51200xf32, #tpu.memory_space<hbm>>) dst(%dma_wait3A_123 : memref<128xf32, #tpu.memory_space<vmem>>)
      %dma_start3A_129 = arith.constant 1 : i32
      %dma_start3A_130 = arith.constant 1 : i32
      %dma_start3A_131 = arith.constant 0 : i32
      %dma_start3A_132 = tpu.memref_slice %arg9[%dma_start3A_129, %dma_start3A_131] : memref<8x128xf32, #tpu.memory_space<vmem>> -> memref<1x128xf32, #tpu.memory_space<vmem>>
      %dma_start3A_133 = tpu.memref_squeeze %dma_start3A_132 : memref<1x128xf32, #tpu.memory_space<vmem>> -> memref<128xf32, #tpu.memory_space<vmem>>
      %dma_start3A_134 = arith.constant 0 : i32
      %dma_start3A_135 = tpu.memref_slice %arg8[%dma_start3A_130, %dma_start3A_134] : memref<8x128xi32, #tpu.memory_space<vmem>> -> memref<1x128xi32, #tpu.memory_space<vmem>>
      %dma_start3A_136 = tpu.memref_squeeze %dma_start3A_135 : memref<1x128xi32, #tpu.memory_space<vmem>> -> memref<128xi32, #tpu.memory_space<vmem>>
      %dma_start3A_137 = arith.constant 0 : i32
      %dma_start3A_138 = tpu.memref_slice %arg10[%dma_start3A_137] : memref<51200xf32, #tpu.memory_space<vmem_shared>> -> memref<51200xf32, #tpu.memory_space<vmem_shared>>
      tpu.enqueue_indirect_dma source(%dma_start3A_133 : memref<128xf32, #tpu.memory_space<vmem>>) target(%dma_start3A_138 : memref<51200xf32, #tpu.memory_space<vmem_shared>>) offsets(%dma_start3A_136 : memref<128xi32, #tpu.memory_space<vmem>>) semaphore(%arg12 : memref<!tpu.dma_semaphore, #tpu.memory_space<semaphore_mem>>) {add = true}
      %dma_wait3A_139 = arith.constant 2 : i32
      %dma_wait3A_140 = arith.constant 2 : i32
      %dma_wait3A_141 = arith.constant 0 : i32
      %dma_wait3A_142 = tpu.memref_slice %arg9[%dma_wait3A_140, %dma_wait3A_141] : memref<8x128xf32, #tpu.memory_space<vmem>> -> memref<1x128xf32, #tpu.memory_space<vmem>>
      %dma_wait3A_143 = tpu.memref_squeeze %dma_wait3A_142 : memref<1x128xf32, #tpu.memory_space<vmem>> -> memref<128xf32, #tpu.memory_space<vmem>>
      %dma_wait3A_144 = arith.constant 0 : i32
      %dma_wait3A_145 = tpu.memref_slice %arg7[%dma_wait3A_139, %dma_wait3A_144] : memref<8x128xi32, #tpu.memory_space<vmem>> -> memref<1x128xi32, #tpu.memory_space<vmem>>
      %dma_wait3A_146 = tpu.memref_squeeze %dma_wait3A_145 : memref<1x128xi32, #tpu.memory_space<vmem>> -> memref<128xi32, #tpu.memory_space<vmem>>
      %dma_wait3A_147 = arith.constant 0 : i32
      %dma_wait3A_148 = tpu.memref_slice %arg2[%dma_wait3A_147] : memref<51200xf32, #tpu.memory_space<hbm>> -> memref<51200xf32, #tpu.memory_space<hbm>>
      tpu.wait_indirect_dma semaphore(%arg11 : memref<!tpu.dma_semaphore, #tpu.memory_space<semaphore_mem>>) src(%dma_wait3A_148 : memref<51200xf32, #tpu.memory_space<hbm>>) dst(%dma_wait3A_143 : memref<128xf32, #tpu.memory_space<vmem>>)
      %dma_start3A_149 = arith.constant 2 : i32
      %dma_start3A_150 = arith.constant 2 : i32
      %dma_start3A_151 = arith.constant 0 : i32
      %dma_start3A_152 = tpu.memref_slice %arg9[%dma_start3A_149, %dma_start3A_151] : memref<8x128xf32, #tpu.memory_space<vmem>> -> memref<1x128xf32, #tpu.memory_space<vmem>>
      %dma_start3A_153 = tpu.memref_squeeze %dma_start3A_152 : memref<1x128xf32, #tpu.memory_space<vmem>> -> memref<128xf32, #tpu.memory_space<vmem>>
      %dma_start3A_154 = arith.constant 0 : i32
      %dma_start3A_155 = tpu.memref_slice %arg8[%dma_start3A_150, %dma_start3A_154] : memref<8x128xi32, #tpu.memory_space<vmem>> -> memref<1x128xi32, #tpu.memory_space<vmem>>
      %dma_start3A_156 = tpu.memref_squeeze %dma_start3A_155 : memref<1x128xi32, #tpu.memory_space<vmem>> -> memref<128xi32, #tpu.memory_space<vmem>>
      %dma_start3A_157 = arith.constant 0 : i32
      %dma_start3A_158 = tpu.memref_slice %arg10[%dma_start3A_157] : memref<51200xf32, #tpu.memory_space<vmem_shared>> -> memref<51200xf32, #tpu.memory_space<vmem_shared>>
      tpu.enqueue_indirect_dma source(%dma_start3A_153 : memref<128xf32, #tpu.memory_space<vmem>>) target(%dma_start3A_158 : memref<51200xf32, #tpu.memory_space<vmem_shared>>) offsets(%dma_start3A_156 : memref<128xi32, #tpu.memory_space<vmem>>) semaphore(%arg12 : memref<!tpu.dma_semaphore, #tpu.memory_space<semaphore_mem>>) {add = true}
      %dma_wait3A_159 = arith.constant 3 : i32
      %dma_wait3A_160 = arith.constant 3 : i32
      %dma_wait3A_161 = arith.constant 0 : i32
      %dma_wait3A_162 = tpu.memref_slice %arg9[%dma_wait3A_160, %dma_wait3A_161] : memref<8x128xf32, #tpu.memory_space<vmem>> -> memref<1x128xf32, #tpu.memory_space<vmem>>
      %dma_wait3A_163 = tpu.memref_squeeze %dma_wait3A_162 : memref<1x128xf32, #tpu.memory_space<vmem>> -> memref<128xf32, #tpu.memory_space<vmem>>
      %dma_wait3A_164 = arith.constant 0 : i32
      %dma_wait3A_165 = tpu.memref_slice %arg7[%dma_wait3A_159, %dma_wait3A_164] : memref<8x128xi32, #tpu.memory_space<vmem>> -> memref<1x128xi32, #tpu.memory_space<vmem>>
      %dma_wait3A_166 = tpu.memref_squeeze %dma_wait3A_165 : memref<1x128xi32, #tpu.memory_space<vmem>> -> memref<128xi32, #tpu.memory_space<vmem>>
      %dma_wait3A_167 = arith.constant 0 : i32
      %dma_wait3A_168 = tpu.memref_slice %arg2[%dma_wait3A_167] : memref<51200xf32, #tpu.memory_space<hbm>> -> memref<51200xf32, #tpu.memory_space<hbm>>
      tpu.wait_indirect_dma semaphore(%arg11 : memref<!tpu.dma_semaphore, #tpu.memory_space<semaphore_mem>>) src(%dma_wait3A_168 : memref<51200xf32, #tpu.memory_space<hbm>>) dst(%dma_wait3A_163 : memref<128xf32, #tpu.memory_space<vmem>>)
      %dma_start3A_169 = arith.constant 3 : i32
      %dma_start3A_170 = arith.constant 3 : i32
      %dma_start3A_171 = arith.constant 0 : i32
      %dma_start3A_172 = tpu.memref_slice %arg9[%dma_start3A_169, %dma_start3A_171] : memref<8x128xf32, #tpu.memory_space<vmem>> -> memref<1x128xf32, #tpu.memory_space<vmem>>
      %dma_start3A_173 = tpu.memref_squeeze %dma_start3A_172 : memref<1x128xf32, #tpu.memory_space<vmem>> -> memref<128xf32, #tpu.memory_space<vmem>>
      %dma_start3A_174 = arith.constant 0 : i32
      %dma_start3A_175 = tpu.memref_slice %arg8[%dma_start3A_170, %dma_start3A_174] : memref<8x128xi32, #tpu.memory_space<vmem>> -> memref<1x128xi32, #tpu.memory_space<vmem>>
      %dma_start3A_176 = tpu.memref_squeeze %dma_start3A_175 : memref<1x128xi32, #tpu.memory_space<vmem>> -> memref<128xi32, #tpu.memory_space<vmem>>
      %dma_start3A_177 = arith.constant 0 : i32
      %dma_start3A_178 = tpu.memref_slice %arg10[%dma_start3A_177] : memref<51200xf32, #tpu.memory_space<vmem_shared>> -> memref<51200xf32, #tpu.memory_space<vmem_shared>>
      tpu.enqueue_indirect_dma source(%dma_start3A_173 : memref<128xf32, #tpu.memory_space<vmem>>) target(%dma_start3A_178 : memref<51200xf32, #tpu.memory_space<vmem_shared>>) offsets(%dma_start3A_176 : memref<128xi32, #tpu.memory_space<vmem>>) semaphore(%arg12 : memref<!tpu.dma_semaphore, #tpu.memory_space<semaphore_mem>>) {add = true}
      %dma_wait3A_179 = arith.constant 4 : i32
      %dma_wait3A_180 = arith.constant 4 : i32
      %dma_wait3A_181 = arith.constant 0 : i32
      %dma_wait3A_182 = tpu.memref_slice %arg9[%dma_wait3A_180, %dma_wait3A_181] : memref<8x128xf32, #tpu.memory_space<vmem>> -> memref<1x128xf32, #tpu.memory_space<vmem>>
      %dma_wait3A_183 = tpu.memref_squeeze %dma_wait3A_182 : memref<1x128xf32, #tpu.memory_space<vmem>> -> memref<128xf32, #tpu.memory_space<vmem>>
      %dma_wait3A_184 = arith.constant 0 : i32
      %dma_wait3A_185 = tpu.memref_slice %arg7[%dma_wait3A_179, %dma_wait3A_184] : memref<8x128xi32, #tpu.memory_space<vmem>> -> memref<1x128xi32, #tpu.memory_space<vmem>>
      %dma_wait3A_186 = tpu.memref_squeeze %dma_wait3A_185 : memref<1x128xi32, #tpu.memory_space<vmem>> -> memref<128xi32, #tpu.memory_space<vmem>>
      %dma_wait3A_187 = arith.constant 0 : i32
      %dma_wait3A_188 = tpu.memref_slice %arg2[%dma_wait3A_187] : memref<51200xf32, #tpu.memory_space<hbm>> -> memref<51200xf32, #tpu.memory_space<hbm>>
      tpu.wait_indirect_dma semaphore(%arg11 : memref<!tpu.dma_semaphore, #tpu.memory_space<semaphore_mem>>) src(%dma_wait3A_188 : memref<51200xf32, #tpu.memory_space<hbm>>) dst(%dma_wait3A_183 : memref<128xf32, #tpu.memory_space<vmem>>)
      %dma_start3A_189 = arith.constant 4 : i32
      %dma_start3A_190 = arith.constant 4 : i32
      %dma_start3A_191 = arith.constant 0 : i32
      %dma_start3A_192 = tpu.memref_slice %arg9[%dma_start3A_189, %dma_start3A_191] : memref<8x128xf32, #tpu.memory_space<vmem>> -> memref<1x128xf32, #tpu.memory_space<vmem>>
      %dma_start3A_193 = tpu.memref_squeeze %dma_start3A_192 : memref<1x128xf32, #tpu.memory_space<vmem>> -> memref<128xf32, #tpu.memory_space<vmem>>
      %dma_start3A_194 = arith.constant 0 : i32
      %dma_start3A_195 = tpu.memref_slice %arg8[%dma_start3A_190, %dma_start3A_194] : memref<8x128xi32, #tpu.memory_space<vmem>> -> memref<1x128xi32, #tpu.memory_space<vmem>>
      %dma_start3A_196 = tpu.memref_squeeze %dma_start3A_195 : memref<1x128xi32, #tpu.memory_space<vmem>> -> memref<128xi32, #tpu.memory_space<vmem>>
      %dma_start3A_197 = arith.constant 0 : i32
      %dma_start3A_198 = tpu.memref_slice %arg10[%dma_start3A_197] : memref<51200xf32, #tpu.memory_space<vmem_shared>> -> memref<51200xf32, #tpu.memory_space<vmem_shared>>
      tpu.enqueue_indirect_dma source(%dma_start3A_193 : memref<128xf32, #tpu.memory_space<vmem>>) target(%dma_start3A_198 : memref<51200xf32, #tpu.memory_space<vmem_shared>>) offsets(%dma_start3A_196 : memref<128xi32, #tpu.memory_space<vmem>>) semaphore(%arg12 : memref<!tpu.dma_semaphore, #tpu.memory_space<semaphore_mem>>) {add = true}
      %dma_wait3A_199 = arith.constant 5 : i32
      %dma_wait3A_200 = arith.constant 5 : i32
      %dma_wait3A_201 = arith.constant 0 : i32
      %dma_wait3A_202 = tpu.memref_slice %arg9[%dma_wait3A_200, %dma_wait3A_201] : memref<8x128xf32, #tpu.memory_space<vmem>> -> memref<1x128xf32, #tpu.memory_space<vmem>>
      %dma_wait3A_203 = tpu.memref_squeeze %dma_wait3A_202 : memref<1x128xf32, #tpu.memory_space<vmem>> -> memref<128xf32, #tpu.memory_space<vmem>>
      %dma_wait3A_204 = arith.constant 0 : i32
      %dma_wait3A_205 = tpu.memref_slice %arg7[%dma_wait3A_199, %dma_wait3A_204] : memref<8x128xi32, #tpu.memory_space<vmem>> -> memref<1x128xi32, #tpu.memory_space<vmem>>
      %dma_wait3A_206 = tpu.memref_squeeze %dma_wait3A_205 : memref<1x128xi32, #tpu.memory_space<vmem>> -> memref<128xi32, #tpu.memory_space<vmem>>
      %dma_wait3A_207 = arith.constant 0 : i32
      %dma_wait3A_208 = tpu.memref_slice %arg2[%dma_wait3A_207] : memref<51200xf32, #tpu.memory_space<hbm>> -> memref<51200xf32, #tpu.memory_space<hbm>>
      tpu.wait_indirect_dma semaphore(%arg11 : memref<!tpu.dma_semaphore, #tpu.memory_space<semaphore_mem>>) src(%dma_wait3A_208 : memref<51200xf32, #tpu.memory_space<hbm>>) dst(%dma_wait3A_203 : memref<128xf32, #tpu.memory_space<vmem>>)
      %dma_start3A_209 = arith.constant 5 : i32
      %dma_start3A_210 = arith.constant 5 : i32
      %dma_start3A_211 = arith.constant 0 : i32
      %dma_start3A_212 = tpu.memref_slice %arg9[%dma_start3A_209, %dma_start3A_211] : memref<8x128xf32, #tpu.memory_space<vmem>> -> memref<1x128xf32, #tpu.memory_space<vmem>>
      %dma_start3A_213 = tpu.memref_squeeze %dma_start3A_212 : memref<1x128xf32, #tpu.memory_space<vmem>> -> memref<128xf32, #tpu.memory_space<vmem>>
      %dma_start3A_214 = arith.constant 0 : i32
      %dma_start3A_215 = tpu.memref_slice %arg8[%dma_start3A_210, %dma_start3A_214] : memref<8x128xi32, #tpu.memory_space<vmem>> -> memref<1x128xi32, #tpu.memory_space<vmem>>
      %dma_start3A_216 = tpu.memref_squeeze %dma_start3A_215 : memref<1x128xi32, #tpu.memory_space<vmem>> -> memref<128xi32, #tpu.memory_space<vmem>>
      %dma_start3A_217 = arith.constant 0 : i32
      %dma_start3A_218 = tpu.memref_slice %arg10[%dma_start3A_217] : memref<51200xf32, #tpu.memory_space<vmem_shared>> -> memref<51200xf32, #tpu.memory_space<vmem_shared>>
      tpu.enqueue_indirect_dma source(%dma_start3A_213 : memref<128xf32, #tpu.memory_space<vmem>>) target(%dma_start3A_218 : memref<51200xf32, #tpu.memory_space<vmem_shared>>) offsets(%dma_start3A_216 : memref<128xi32, #tpu.memory_space<vmem>>) semaphore(%arg12 : memref<!tpu.dma_semaphore, #tpu.memory_space<semaphore_mem>>) {add = true}
      %dma_wait3A_219 = arith.constant 6 : i32
      %dma_wait3A_220 = arith.constant 6 : i32
      %dma_wait3A_221 = arith.constant 0 : i32
      %dma_wait3A_222 = tpu.memref_slice %arg9[%dma_wait3A_220, %dma_wait3A_221] : memref<8x128xf32, #tpu.memory_space<vmem>> -> memref<1x128xf32, #tpu.memory_space<vmem>>
      %dma_wait3A_223 = tpu.memref_squeeze %dma_wait3A_222 : memref<1x128xf32, #tpu.memory_space<vmem>> -> memref<128xf32, #tpu.memory_space<vmem>>
      %dma_wait3A_224 = arith.constant 0 : i32
      %dma_wait3A_225 = tpu.memref_slice %arg7[%dma_wait3A_219, %dma_wait3A_224] : memref<8x128xi32, #tpu.memory_space<vmem>> -> memref<1x128xi32, #tpu.memory_space<vmem>>
      %dma_wait3A_226 = tpu.memref_squeeze %dma_wait3A_225 : memref<1x128xi32, #tpu.memory_space<vmem>> -> memref<128xi32, #tpu.memory_space<vmem>>
      %dma_wait3A_227 = arith.constant 0 : i32
      %dma_wait3A_228 = tpu.memref_slice %arg2[%dma_wait3A_227] : memref<51200xf32, #tpu.memory_space<hbm>> -> memref<51200xf32, #tpu.memory_space<hbm>>
      tpu.wait_indirect_dma semaphore(%arg11 : memref<!tpu.dma_semaphore, #tpu.memory_space<semaphore_mem>>) src(%dma_wait3A_228 : memref<51200xf32, #tpu.memory_space<hbm>>) dst(%dma_wait3A_223 : memref<128xf32, #tpu.memory_space<vmem>>)
      %dma_start3A_229 = arith.constant 6 : i32
      %dma_start3A_230 = arith.constant 6 : i32
      %dma_start3A_231 = arith.constant 0 : i32
      %dma_start3A_232 = tpu.memref_slice %arg9[%dma_start3A_229, %dma_start3A_231] : memref<8x128xf32, #tpu.memory_space<vmem>> -> memref<1x128xf32, #tpu.memory_space<vmem>>
      %dma_start3A_233 = tpu.memref_squeeze %dma_start3A_232 : memref<1x128xf32, #tpu.memory_space<vmem>> -> memref<128xf32, #tpu.memory_space<vmem>>
      %dma_start3A_234 = arith.constant 0 : i32
      %dma_start3A_235 = tpu.memref_slice %arg8[%dma_start3A_230, %dma_start3A_234] : memref<8x128xi32, #tpu.memory_space<vmem>> -> memref<1x128xi32, #tpu.memory_space<vmem>>
      %dma_start3A_236 = tpu.memref_squeeze %dma_start3A_235 : memref<1x128xi32, #tpu.memory_space<vmem>> -> memref<128xi32, #tpu.memory_space<vmem>>
      %dma_start3A_237 = arith.constant 0 : i32
      %dma_start3A_238 = tpu.memref_slice %arg10[%dma_start3A_237] : memref<51200xf32, #tpu.memory_space<vmem_shared>> -> memref<51200xf32, #tpu.memory_space<vmem_shared>>
      tpu.enqueue_indirect_dma source(%dma_start3A_233 : memref<128xf32, #tpu.memory_space<vmem>>) target(%dma_start3A_238 : memref<51200xf32, #tpu.memory_space<vmem_shared>>) offsets(%dma_start3A_236 : memref<128xi32, #tpu.memory_space<vmem>>) semaphore(%arg12 : memref<!tpu.dma_semaphore, #tpu.memory_space<semaphore_mem>>) {add = true}
      %dma_wait3A_239 = arith.constant 7 : i32
      %dma_wait3A_240 = arith.constant 7 : i32
      %dma_wait3A_241 = arith.constant 0 : i32
      %dma_wait3A_242 = tpu.memref_slice %arg9[%dma_wait3A_240, %dma_wait3A_241] : memref<8x128xf32, #tpu.memory_space<vmem>> -> memref<1x128xf32, #tpu.memory_space<vmem>>
      %dma_wait3A_243 = tpu.memref_squeeze %dma_wait3A_242 : memref<1x128xf32, #tpu.memory_space<vmem>> -> memref<128xf32, #tpu.memory_space<vmem>>
      %dma_wait3A_244 = arith.constant 0 : i32
      %dma_wait3A_245 = tpu.memref_slice %arg7[%dma_wait3A_239, %dma_wait3A_244] : memref<8x128xi32, #tpu.memory_space<vmem>> -> memref<1x128xi32, #tpu.memory_space<vmem>>
      %dma_wait3A_246 = tpu.memref_squeeze %dma_wait3A_245 : memref<1x128xi32, #tpu.memory_space<vmem>> -> memref<128xi32, #tpu.memory_space<vmem>>
      %dma_wait3A_247 = arith.constant 0 : i32
      %dma_wait3A_248 = tpu.memref_slice %arg2[%dma_wait3A_247] : memref<51200xf32, #tpu.memory_space<hbm>> -> memref<51200xf32, #tpu.memory_space<hbm>>
      tpu.wait_indirect_dma semaphore(%arg11 : memref<!tpu.dma_semaphore, #tpu.memory_space<semaphore_mem>>) src(%dma_wait3A_248 : memref<51200xf32, #tpu.memory_space<hbm>>) dst(%dma_wait3A_243 : memref<128xf32, #tpu.memory_space<vmem>>)
      %dma_start3A_249 = arith.constant 7 : i32
      %dma_start3A_250 = arith.constant 7 : i32
      %dma_start3A_251 = arith.constant 0 : i32
      %dma_start3A_252 = tpu.memref_slice %arg9[%dma_start3A_249, %dma_start3A_251] : memref<8x128xf32, #tpu.memory_space<vmem>> -> memref<1x128xf32, #tpu.memory_space<vmem>>
      %dma_start3A_253 = tpu.memref_squeeze %dma_start3A_252 : memref<1x128xf32, #tpu.memory_space<vmem>> -> memref<128xf32, #tpu.memory_space<vmem>>
      %dma_start3A_254 = arith.constant 0 : i32
      %dma_start3A_255 = tpu.memref_slice %arg8[%dma_start3A_250, %dma_start3A_254] : memref<8x128xi32, #tpu.memory_space<vmem>> -> memref<1x128xi32, #tpu.memory_space<vmem>>
      %dma_start3A_256 = tpu.memref_squeeze %dma_start3A_255 : memref<1x128xi32, #tpu.memory_space<vmem>> -> memref<128xi32, #tpu.memory_space<vmem>>
      %dma_start3A_257 = arith.constant 0 : i32
      %dma_start3A_258 = tpu.memref_slice %arg10[%dma_start3A_257] : memref<51200xf32, #tpu.memory_space<vmem_shared>> -> memref<51200xf32, #tpu.memory_space<vmem_shared>>
      tpu.enqueue_indirect_dma source(%dma_start3A_253 : memref<128xf32, #tpu.memory_space<vmem>>) target(%dma_start3A_258 : memref<51200xf32, #tpu.memory_space<vmem_shared>>) offsets(%dma_start3A_256 : memref<128xi32, #tpu.memory_space<vmem>>) semaphore(%arg12 : memref<!tpu.dma_semaphore, #tpu.memory_space<semaphore_mem>>) {add = true}
      %dma_wait3A_259 = arith.constant 0 : i32
      %dma_wait3A_260 = arith.constant 0 : i32
      %dma_wait3A_261 = arith.constant 0 : i32
      %dma_wait3A_262 = tpu.memref_slice %arg9[%dma_wait3A_259, %dma_wait3A_261] : memref<8x128xf32, #tpu.memory_space<vmem>> -> memref<1x128xf32, #tpu.memory_space<vmem>>
      %dma_wait3A_263 = tpu.memref_squeeze %dma_wait3A_262 : memref<1x128xf32, #tpu.memory_space<vmem>> -> memref<128xf32, #tpu.memory_space<vmem>>
      %dma_wait3A_264 = arith.constant 0 : i32
      %dma_wait3A_265 = tpu.memref_slice %arg8[%dma_wait3A_260, %dma_wait3A_264] : memref<8x128xi32, #tpu.memory_space<vmem>> -> memref<1x128xi32, #tpu.memory_space<vmem>>
      %dma_wait3A_266 = tpu.memref_squeeze %dma_wait3A_265 : memref<1x128xi32, #tpu.memory_space<vmem>> -> memref<128xi32, #tpu.memory_space<vmem>>
      %dma_wait3A_267 = arith.constant 0 : i32
      %dma_wait3A_268 = tpu.memref_slice %arg10[%dma_wait3A_267] : memref<51200xf32, #tpu.memory_space<vmem_shared>> -> memref<51200xf32, #tpu.memory_space<vmem_shared>>
      tpu.wait_indirect_dma semaphore(%arg12 : memref<!tpu.dma_semaphore, #tpu.memory_space<semaphore_mem>>) src(%dma_wait3A_263 : memref<128xf32, #tpu.memory_space<vmem>>) dst(%dma_wait3A_268 : memref<51200xf32, #tpu.memory_space<vmem_shared>>)
      %dma_wait3A_269 = arith.constant 1 : i32
      %dma_wait3A_270 = arith.constant 1 : i32
      %dma_wait3A_271 = arith.constant 0 : i32
      %dma_wait3A_272 = tpu.memref_slice %arg9[%dma_wait3A_269, %dma_wait3A_271] : memref<8x128xf32, #tpu.memory_space<vmem>> -> memref<1x128xf32, #tpu.memory_space<vmem>>
      %dma_wait3A_273 = tpu.memref_squeeze %dma_wait3A_272 : memref<1x128xf32, #tpu.memory_space<vmem>> -> memref<128xf32, #tpu.memory_space<vmem>>
      %dma_wait3A_274 = arith.constant 0 : i32
      %dma_wait3A_275 = tpu.memref_slice %arg8[%dma_wait3A_270, %dma_wait3A_274] : memref<8x128xi32, #tpu.memory_space<vmem>> -> memref<1x128xi32, #tpu.memory_space<vmem>>
      %dma_wait3A_276 = tpu.memref_squeeze %dma_wait3A_275 : memref<1x128xi32, #tpu.memory_space<vmem>> -> memref<128xi32, #tpu.memory_space<vmem>>
      %dma_wait3A_277 = arith.constant 0 : i32
      %dma_wait3A_278 = tpu.memref_slice %arg10[%dma_wait3A_277] : memref<51200xf32, #tpu.memory_space<vmem_shared>> -> memref<51200xf32, #tpu.memory_space<vmem_shared>>
      tpu.wait_indirect_dma semaphore(%arg12 : memref<!tpu.dma_semaphore, #tpu.memory_space<semaphore_mem>>) src(%dma_wait3A_273 : memref<128xf32, #tpu.memory_space<vmem>>) dst(%dma_wait3A_278 : memref<51200xf32, #tpu.memory_space<vmem_shared>>)
      %dma_wait3A_279 = arith.constant 2 : i32
      %dma_wait3A_280 = arith.constant 2 : i32
      %dma_wait3A_281 = arith.constant 0 : i32
      %dma_wait3A_282 = tpu.memref_slice %arg9[%dma_wait3A_279, %dma_wait3A_281] : memref<8x128xf32, #tpu.memory_space<vmem>> -> memref<1x128xf32, #tpu.memory_space<vmem>>
      %dma_wait3A_283 = tpu.memref_squeeze %dma_wait3A_282 : memref<1x128xf32, #tpu.memory_space<vmem>> -> memref<128xf32, #tpu.memory_space<vmem>>
      %dma_wait3A_284 = arith.constant 0 : i32
      %dma_wait3A_285 = tpu.memref_slice %arg8[%dma_wait3A_280, %dma_wait3A_284] : memref<8x128xi32, #tpu.memory_space<vmem>> -> memref<1x128xi32, #tpu.memory_space<vmem>>
      %dma_wait3A_286 = tpu.memref_squeeze %dma_wait3A_285 : memref<1x128xi32, #tpu.memory_space<vmem>> -> memref<128xi32, #tpu.memory_space<vmem>>
      %dma_wait3A_287 = arith.constant 0 : i32
      %dma_wait3A_288 = tpu.memref_slice %arg10[%dma_wait3A_287] : memref<51200xf32, #tpu.memory_space<vmem_shared>> -> memref<51200xf32, #tpu.memory_space<vmem_shared>>
      tpu.wait_indirect_dma semaphore(%arg12 : memref<!tpu.dma_semaphore, #tpu.memory_space<semaphore_mem>>) src(%dma_wait3A_283 : memref<128xf32, #tpu.memory_space<vmem>>) dst(%dma_wait3A_288 : memref<51200xf32, #tpu.memory_space<vmem_shared>>)
      %dma_wait3A_289 = arith.constant 3 : i32
      %dma_wait3A_290 = arith.constant 3 : i32
      %dma_wait3A_291 = arith.constant 0 : i32
      %dma_wait3A_292 = tpu.memref_slice %arg9[%dma_wait3A_289, %dma_wait3A_291] : memref<8x128xf32, #tpu.memory_space<vmem>> -> memref<1x128xf32, #tpu.memory_space<vmem>>
      %dma_wait3A_293 = tpu.memref_squeeze %dma_wait3A_292 : memref<1x128xf32, #tpu.memory_space<vmem>> -> memref<128xf32, #tpu.memory_space<vmem>>
      %dma_wait3A_294 = arith.constant 0 : i32
      %dma_wait3A_295 = tpu.memref_slice %arg8[%dma_wait3A_290, %dma_wait3A_294] : memref<8x128xi32, #tpu.memory_space<vmem>> -> memref<1x128xi32, #tpu.memory_space<vmem>>
      %dma_wait3A_296 = tpu.memref_squeeze %dma_wait3A_295 : memref<1x128xi32, #tpu.memory_space<vmem>> -> memref<128xi32, #tpu.memory_space<vmem>>
      %dma_wait3A_297 = arith.constant 0 : i32
      %dma_wait3A_298 = tpu.memref_slice %arg10[%dma_wait3A_297] : memref<51200xf32, #tpu.memory_space<vmem_shared>> -> memref<51200xf32, #tpu.memory_space<vmem_shared>>
      tpu.wait_indirect_dma semaphore(%arg12 : memref<!tpu.dma_semaphore, #tpu.memory_space<semaphore_mem>>) src(%dma_wait3A_293 : memref<128xf32, #tpu.memory_space<vmem>>) dst(%dma_wait3A_298 : memref<51200xf32, #tpu.memory_space<vmem_shared>>)
      %dma_wait3A_299 = arith.constant 4 : i32
      %dma_wait3A_300 = arith.constant 4 : i32
      %dma_wait3A_301 = arith.constant 0 : i32
      %dma_wait3A_302 = tpu.memref_slice %arg9[%dma_wait3A_299, %dma_wait3A_301] : memref<8x128xf32, #tpu.memory_space<vmem>> -> memref<1x128xf32, #tpu.memory_space<vmem>>
      %dma_wait3A_303 = tpu.memref_squeeze %dma_wait3A_302 : memref<1x128xf32, #tpu.memory_space<vmem>> -> memref<128xf32, #tpu.memory_space<vmem>>
      %dma_wait3A_304 = arith.constant 0 : i32
      %dma_wait3A_305 = tpu.memref_slice %arg8[%dma_wait3A_300, %dma_wait3A_304] : memref<8x128xi32, #tpu.memory_space<vmem>> -> memref<1x128xi32, #tpu.memory_space<vmem>>
      %dma_wait3A_306 = tpu.memref_squeeze %dma_wait3A_305 : memref<1x128xi32, #tpu.memory_space<vmem>> -> memref<128xi32, #tpu.memory_space<vmem>>
      %dma_wait3A_307 = arith.constant 0 : i32
      %dma_wait3A_308 = tpu.memref_slice %arg10[%dma_wait3A_307] : memref<51200xf32, #tpu.memory_space<vmem_shared>> -> memref<51200xf32, #tpu.memory_space<vmem_shared>>
      tpu.wait_indirect_dma semaphore(%arg12 : memref<!tpu.dma_semaphore, #tpu.memory_space<semaphore_mem>>) src(%dma_wait3A_303 : memref<128xf32, #tpu.memory_space<vmem>>) dst(%dma_wait3A_308 : memref<51200xf32, #tpu.memory_space<vmem_shared>>)
      %dma_wait3A_309 = arith.constant 5 : i32
      %dma_wait3A_310 = arith.constant 5 : i32
      %dma_wait3A_311 = arith.constant 0 : i32
      %dma_wait3A_312 = tpu.memref_slice %arg9[%dma_wait3A_309, %dma_wait3A_311] : memref<8x128xf32, #tpu.memory_space<vmem>> -> memref<1x128xf32, #tpu.memory_space<vmem>>
      %dma_wait3A_313 = tpu.memref_squeeze %dma_wait3A_312 : memref<1x128xf32, #tpu.memory_space<vmem>> -> memref<128xf32, #tpu.memory_space<vmem>>
      %dma_wait3A_314 = arith.constant 0 : i32
      %dma_wait3A_315 = tpu.memref_slice %arg8[%dma_wait3A_310, %dma_wait3A_314] : memref<8x128xi32, #tpu.memory_space<vmem>> -> memref<1x128xi32, #tpu.memory_space<vmem>>
      %dma_wait3A_316 = tpu.memref_squeeze %dma_wait3A_315 : memref<1x128xi32, #tpu.memory_space<vmem>> -> memref<128xi32, #tpu.memory_space<vmem>>
      %dma_wait3A_317 = arith.constant 0 : i32
      %dma_wait3A_318 = tpu.memref_slice %arg10[%dma_wait3A_317] : memref<51200xf32, #tpu.memory_space<vmem_shared>> -> memref<51200xf32, #tpu.memory_space<vmem_shared>>
      tpu.wait_indirect_dma semaphore(%arg12 : memref<!tpu.dma_semaphore, #tpu.memory_space<semaphore_mem>>) src(%dma_wait3A_313 : memref<128xf32, #tpu.memory_space<vmem>>) dst(%dma_wait3A_318 : memref<51200xf32, #tpu.memory_space<vmem_shared>>)
      %dma_wait3A_319 = arith.constant 6 : i32
      %dma_wait3A_320 = arith.constant 6 : i32
      %dma_wait3A_321 = arith.constant 0 : i32
      %dma_wait3A_322 = tpu.memref_slice %arg9[%dma_wait3A_319, %dma_wait3A_321] : memref<8x128xf32, #tpu.memory_space<vmem>> -> memref<1x128xf32, #tpu.memory_space<vmem>>
      %dma_wait3A_323 = tpu.memref_squeeze %dma_wait3A_322 : memref<1x128xf32, #tpu.memory_space<vmem>> -> memref<128xf32, #tpu.memory_space<vmem>>
      %dma_wait3A_324 = arith.constant 0 : i32
      %dma_wait3A_325 = tpu.memref_slice %arg8[%dma_wait3A_320, %dma_wait3A_324] : memref<8x128xi32, #tpu.memory_space<vmem>> -> memref<1x128xi32, #tpu.memory_space<vmem>>
      %dma_wait3A_326 = tpu.memref_squeeze %dma_wait3A_325 : memref<1x128xi32, #tpu.memory_space<vmem>> -> memref<128xi32, #tpu.memory_space<vmem>>
      %dma_wait3A_327 = arith.constant 0 : i32
      %dma_wait3A_328 = tpu.memref_slice %arg10[%dma_wait3A_327] : memref<51200xf32, #tpu.memory_space<vmem_shared>> -> memref<51200xf32, #tpu.memory_space<vmem_shared>>
      tpu.wait_indirect_dma semaphore(%arg12 : memref<!tpu.dma_semaphore, #tpu.memory_space<semaphore_mem>>) src(%dma_wait3A_323 : memref<128xf32, #tpu.memory_space<vmem>>) dst(%dma_wait3A_328 : memref<51200xf32, #tpu.memory_space<vmem_shared>>)
      %dma_wait3A_329 = arith.constant 7 : i32
      %dma_wait3A_330 = arith.constant 7 : i32
      %dma_wait3A_331 = arith.constant 0 : i32
      %dma_wait3A_332 = tpu.memref_slice %arg9[%dma_wait3A_329, %dma_wait3A_331] : memref<8x128xf32, #tpu.memory_space<vmem>> -> memref<1x128xf32, #tpu.memory_space<vmem>>
      %dma_wait3A_333 = tpu.memref_squeeze %dma_wait3A_332 : memref<1x128xf32, #tpu.memory_space<vmem>> -> memref<128xf32, #tpu.memory_space<vmem>>
      %dma_wait3A_334 = arith.constant 0 : i32
      %dma_wait3A_335 = tpu.memref_slice %arg8[%dma_wait3A_330, %dma_wait3A_334] : memref<8x128xi32, #tpu.memory_space<vmem>> -> memref<1x128xi32, #tpu.memory_space<vmem>>
      %dma_wait3A_336 = tpu.memref_squeeze %dma_wait3A_335 : memref<1x128xi32, #tpu.memory_space<vmem>> -> memref<128xi32, #tpu.memory_space<vmem>>
      %dma_wait3A_337 = arith.constant 0 : i32
      %dma_wait3A_338 = tpu.memref_slice %arg10[%dma_wait3A_337] : memref<51200xf32, #tpu.memory_space<vmem_shared>> -> memref<51200xf32, #tpu.memory_space<vmem_shared>>
      tpu.wait_indirect_dma semaphore(%arg12 : memref<!tpu.dma_semaphore, #tpu.memory_space<semaphore_mem>>) src(%dma_wait3A_333 : memref<128xf32, #tpu.memory_space<vmem>>) dst(%dma_wait3A_338 : memref<51200xf32, #tpu.memory_space<vmem_shared>>)
    }
    %scan3A_11 = arith.constant 49 : i32
    %barrier3A_12 = arith.constant 0 : index
    tpu.barrier barrier_id(%barrier3A_12)
    %mul3A_13 = arith.constant 3200 : i32
    %mul3A_14 = arith.muli %arg1, %mul3A_13 : i32
    %mul3A_15 = arith.constant 3200 : i32
    %mul3A_16 = arith.muli %arg1, %mul3A_15 : i32
    "tpu.region"() ({
      %run_scoped3A = tpu.sem_alloc : memref<!tpu.dma_semaphore, #tpu.memory_space<semaphore_mem>>
      %dma_start3A = tpu.memref_slice %arg6[%arg0, %mul3A_16] : memref<2x51200xf32, #tpu.memory_space<hbm>> -> memref<1x3200xf32, #tpu.memory_space<hbm>>
      %dma_start3A_17 = tpu.memref_squeeze %dma_start3A : memref<1x3200xf32, #tpu.memory_space<hbm>> -> memref<3200xf32, #tpu.memory_space<hbm>>
      %dma_start3A_18 = tpu.memref_slice %arg10[%mul3A_14] : memref<51200xf32, #tpu.memory_space<vmem_shared>> -> memref<3200xf32, #tpu.memory_space<vmem_shared>>
      tpu.enqueue_dma source(%dma_start3A_18 : memref<3200xf32, #tpu.memory_space<vmem_shared>>) target(%dma_start3A_17 : memref<3200xf32, #tpu.memory_space<hbm>>) target_semaphore(%run_scoped3A : memref<!tpu.dma_semaphore, #tpu.memory_space<semaphore_mem>>)
      %dma_wait3A = tpu.memref_slice %arg6[%arg0, %mul3A_16] : memref<2x51200xf32, #tpu.memory_space<hbm>> -> memref<1x3200xf32, #tpu.memory_space<hbm>>
      %dma_wait3A_19 = tpu.memref_squeeze %dma_wait3A : memref<1x3200xf32, #tpu.memory_space<hbm>> -> memref<3200xf32, #tpu.memory_space<hbm>>
      %dma_wait3A_20 = tpu.memref_slice %arg10[%mul3A_14] : memref<51200xf32, #tpu.memory_space<vmem_shared>> -> memref<3200xf32, #tpu.memory_space<vmem_shared>>
      tpu.wait_dma2 semaphore(%run_scoped3A : memref<!tpu.dma_semaphore, #tpu.memory_space<semaphore_mem>>) src(%dma_wait3A_20 : memref<3200xf32, #tpu.memory_space<vmem_shared>>) dst(%dma_wait3A_19 : memref<3200xf32, #tpu.memory_space<hbm>>)
      tpu.yield
    }) : () -> ()
    return
  }
}

#map = affine_map<(d0, d1) -> (0, 0)>
#map1 = affine_map<(d0, d1) -> (0, 0, 0)>
module attributes {stable_mosaic.version = 14 : i64} {
  func.func @prop(%arg0: i32, %arg1: i32, %arg2: memref<51200x16xf32, #tpu.memory_space<hbm>>, %arg3: memref<12544x128xi32, #tpu.memory_space<hbm>>, %arg4: memref<12544x128xi32, #tpu.memory_space<hbm>>, %arg5: memref<51200x16xf32, #tpu.memory_space<hbm>>, %arg6: memref<2x51200x16xf32, #tpu.memory_space<hbm>>, %arg7: memref<8x128xi32, #tpu.memory_space<vmem>>, %arg8: memref<8x128xi32, #tpu.memory_space<vmem>>, %arg9: memref<8x128x16xf32, #tpu.memory_space<vmem>>, %arg10: memref<51200x16xf32, #tpu.memory_space<vmem_shared>>, %arg11: memref<!tpu.dma_semaphore, #tpu.memory_space<semaphore_mem>>, %arg12: memref<!tpu.dma_semaphore, #tpu.memory_space<semaphore_mem>>) attributes {dimension_semantics = [#tpu.dimension_semantics<core_parallel>, #tpu.dimension_semantics<subcore_parallel>], iteration_bounds = array<i64: 2, 16>, scalar_prefetch = 0 : i64, scratch_operands = 6 : i64, tpu.core_type = #tpu.core_type<sc_vector_subcore>, window_params = [{transform_indices = #map}, {transform_indices = #map}, {transform_indices = #map}, {transform_indices = #map}, {transform_indices = #map1}]} {
    %mul3A = arith.constant 2 : i32
    %mul3A_0 = arith.muli %arg1, %mul3A : i32
    %add3A = arith.addi %mul3A_0, %arg0 : i32
    %mul3A_1 = arith.constant 3200 : i32
    %mul3A_2 = arith.muli %arg1, %mul3A_1 : i32
    %mul3A_3 = arith.constant 3200 : i32
    %mul3A_4 = arith.muli %arg1, %mul3A_3 : i32
    "tpu.region"() ({
      %run_scoped3A = tpu.sem_alloc : memref<!tpu.dma_semaphore, #tpu.memory_space<semaphore_mem>>
      %dma_start3A = arith.constant 0 : i32
      %dma_start3A_17 = tpu.memref_slice %arg10[%mul3A_4, %dma_start3A] : memref<51200x16xf32, #tpu.memory_space<vmem_shared>> -> memref<3200x16xf32, #tpu.memory_space<vmem_shared>>
      %dma_start3A_18 = arith.constant 0 : i32
      %dma_start3A_19 = tpu.memref_slice %arg5[%mul3A_2, %dma_start3A_18] : memref<51200x16xf32, #tpu.memory_space<hbm>> -> memref<3200x16xf32, #tpu.memory_space<hbm>>
      tpu.enqueue_dma source(%dma_start3A_19 : memref<3200x16xf32, #tpu.memory_space<hbm>>) target(%dma_start3A_17 : memref<3200x16xf32, #tpu.memory_space<vmem_shared>>) target_semaphore(%run_scoped3A : memref<!tpu.dma_semaphore, #tpu.memory_space<semaphore_mem>>)
      %dma_wait3A = arith.constant 0 : i32
      %dma_wait3A_20 = tpu.memref_slice %arg10[%mul3A_4, %dma_wait3A] : memref<51200x16xf32, #tpu.memory_space<vmem_shared>> -> memref<3200x16xf32, #tpu.memory_space<vmem_shared>>
      %dma_wait3A_21 = arith.constant 0 : i32
      %dma_wait3A_22 = tpu.memref_slice %arg5[%mul3A_2, %dma_wait3A_21] : memref<51200x16xf32, #tpu.memory_space<hbm>> -> memref<3200x16xf32, #tpu.memory_space<hbm>>
      tpu.wait_dma2 semaphore(%run_scoped3A : memref<!tpu.dma_semaphore, #tpu.memory_space<semaphore_mem>>) src(%dma_wait3A_22 : memref<3200x16xf32, #tpu.memory_space<hbm>>) dst(%dma_wait3A_20 : memref<3200x16xf32, #tpu.memory_space<vmem_shared>>)
      tpu.yield
    }) : () -> ()
    %barrier3A = arith.constant 0 : index
    tpu.barrier barrier_id(%barrier3A)
    %mul3A_5 = arith.constant 392 : i32
    %mul3A_6 = arith.muli %add3A, %mul3A_5 : i32
    %scan3A = arith.constant 0 : i32
    %scan3A_7 = arith.constant 0 : i32
    %scan3A_8 = arith.constant 49 : i32
    %scan3A_9 = arith.addi %scan3A_7, %scan3A_8 : i32
    %scan3A_10 = arith.constant 1 : i32
    scf.for %scan3A_17 = %scan3A_7 to %scan3A_9 step %scan3A_10  : i32 {
      %mul3A_18 = arith.constant 8 : i32
      %mul3A_19 = arith.muli %scan3A_17, %mul3A_18 : i32
      %add3A_20 = arith.addi %mul3A_6, %mul3A_19 : i32
      "tpu.region"() ({
        %run_scoped3A = tpu.sem_alloc : memref<!tpu.dma_semaphore, #tpu.memory_space<semaphore_mem>>
        %dma_start3A_403 = arith.constant 0 : i32
        %dma_start3A_404 = tpu.memref_slice %arg3[%add3A_20, %dma_start3A_403] : memref<12544x128xi32, #tpu.memory_space<hbm>> -> memref<8x128xi32, #tpu.memory_space<hbm>>
        %dma_start3A_405 = arith.constant 0 : i32
        %dma_start3A_406 = tpu.memref_slice %arg3[%add3A_20, %dma_start3A_405] : memref<12544x128xi32, #tpu.memory_space<hbm>> -> memref<8x128xi32, #tpu.memory_space<hbm>>
        tpu.enqueue_dma source(%dma_start3A_406 : memref<8x128xi32, #tpu.memory_space<hbm>>) target(%arg7 : memref<8x128xi32, #tpu.memory_space<vmem>>) target_semaphore(%run_scoped3A : memref<!tpu.dma_semaphore, #tpu.memory_space<semaphore_mem>>)
        %dma_wait3A_407 = arith.constant 0 : i32
        %dma_wait3A_408 = tpu.memref_slice %arg3[%add3A_20, %dma_wait3A_407] : memref<12544x128xi32, #tpu.memory_space<hbm>> -> memref<8x128xi32, #tpu.memory_space<hbm>>
        %dma_wait3A_409 = arith.constant 0 : i32
        %dma_wait3A_410 = tpu.memref_slice %arg3[%add3A_20, %dma_wait3A_409] : memref<12544x128xi32, #tpu.memory_space<hbm>> -> memref<8x128xi32, #tpu.memory_space<hbm>>
        tpu.wait_dma2 semaphore(%run_scoped3A : memref<!tpu.dma_semaphore, #tpu.memory_space<semaphore_mem>>) src(%dma_wait3A_410 : memref<8x128xi32, #tpu.memory_space<hbm>>) dst(%arg7 : memref<8x128xi32, #tpu.memory_space<vmem>>)
        tpu.yield
      }) : () -> ()
      "tpu.region"() ({
        %run_scoped3A = tpu.sem_alloc : memref<!tpu.dma_semaphore, #tpu.memory_space<semaphore_mem>>
        %dma_start3A_403 = arith.constant 0 : i32
        %dma_start3A_404 = tpu.memref_slice %arg4[%add3A_20, %dma_start3A_403] : memref<12544x128xi32, #tpu.memory_space<hbm>> -> memref<8x128xi32, #tpu.memory_space<hbm>>
        %dma_start3A_405 = arith.constant 0 : i32
        %dma_start3A_406 = tpu.memref_slice %arg4[%add3A_20, %dma_start3A_405] : memref<12544x128xi32, #tpu.memory_space<hbm>> -> memref<8x128xi32, #tpu.memory_space<hbm>>
        tpu.enqueue_dma source(%dma_start3A_406 : memref<8x128xi32, #tpu.memory_space<hbm>>) target(%arg8 : memref<8x128xi32, #tpu.memory_space<vmem>>) target_semaphore(%run_scoped3A : memref<!tpu.dma_semaphore, #tpu.memory_space<semaphore_mem>>)
        %dma_wait3A_407 = arith.constant 0 : i32
        %dma_wait3A_408 = tpu.memref_slice %arg4[%add3A_20, %dma_wait3A_407] : memref<12544x128xi32, #tpu.memory_space<hbm>> -> memref<8x128xi32, #tpu.memory_space<hbm>>
        %dma_wait3A_409 = arith.constant 0 : i32
        %dma_wait3A_410 = tpu.memref_slice %arg4[%add3A_20, %dma_wait3A_409] : memref<12544x128xi32, #tpu.memory_space<hbm>> -> memref<8x128xi32, #tpu.memory_space<hbm>>
        tpu.wait_dma2 semaphore(%run_scoped3A : memref<!tpu.dma_semaphore, #tpu.memory_space<semaphore_mem>>) src(%dma_wait3A_410 : memref<8x128xi32, #tpu.memory_space<hbm>>) dst(%arg8 : memref<8x128xi32, #tpu.memory_space<vmem>>)
        tpu.yield
      }) : () -> ()
      %dma_start3A = arith.constant 0 : i32
      %dma_start3A_21 = arith.constant 0 : i32
      %dma_start3A_22 = arith.constant 0 : i32
      %dma_start3A_23 = arith.constant 0 : i32
      %dma_start3A_24 = tpu.memref_slice %arg9[%dma_start3A_21, %dma_start3A_22, %dma_start3A_23] : memref<8x128x16xf32, #tpu.memory_space<vmem>> -> memref<1x128x16xf32, #tpu.memory_space<vmem>>
      %dma_start3A_25 = tpu.memref_squeeze %dma_start3A_24 : memref<1x128x16xf32, #tpu.memory_space<vmem>> -> memref<128x16xf32, #tpu.memory_space<vmem>>
      %dma_start3A_26 = arith.constant 0 : i32
      %dma_start3A_27 = tpu.memref_slice %arg7[%dma_start3A, %dma_start3A_26] : memref<8x128xi32, #tpu.memory_space<vmem>> -> memref<1x128xi32, #tpu.memory_space<vmem>>
      %dma_start3A_28 = tpu.memref_squeeze %dma_start3A_27 : memref<1x128xi32, #tpu.memory_space<vmem>> -> memref<128xi32, #tpu.memory_space<vmem>>
      %dma_start3A_29 = arith.constant 0 : i32
      %dma_start3A_30 = arith.constant 0 : i32
      %dma_start3A_31 = tpu.memref_slice %arg2[%dma_start3A_29, %dma_start3A_30] : memref<51200x16xf32, #tpu.memory_space<hbm>> -> memref<51200x16xf32, #tpu.memory_space<hbm>>
      tpu.enqueue_indirect_dma source(%dma_start3A_31 : memref<51200x16xf32, #tpu.memory_space<hbm>>) target(%dma_start3A_25 : memref<128x16xf32, #tpu.memory_space<vmem>>) offsets(%dma_start3A_28 : memref<128xi32, #tpu.memory_space<vmem>>) semaphore(%arg11 : memref<!tpu.dma_semaphore, #tpu.memory_space<semaphore_mem>>)
      %dma_start3A_32 = arith.constant 1 : i32
      %dma_start3A_33 = arith.constant 1 : i32
      %dma_start3A_34 = arith.constant 0 : i32
      %dma_start3A_35 = arith.constant 0 : i32
      %dma_start3A_36 = tpu.memref_slice %arg9[%dma_start3A_33, %dma_start3A_34, %dma_start3A_35] : memref<8x128x16xf32, #tpu.memory_space<vmem>> -> memref<1x128x16xf32, #tpu.memory_space<vmem>>
      %dma_start3A_37 = tpu.memref_squeeze %dma_start3A_36 : memref<1x128x16xf32, #tpu.memory_space<vmem>> -> memref<128x16xf32, #tpu.memory_space<vmem>>
      %dma_start3A_38 = arith.constant 0 : i32
      %dma_start3A_39 = tpu.memref_slice %arg7[%dma_start3A_32, %dma_start3A_38] : memref<8x128xi32, #tpu.memory_space<vmem>> -> memref<1x128xi32, #tpu.memory_space<vmem>>
      %dma_start3A_40 = tpu.memref_squeeze %dma_start3A_39 : memref<1x128xi32, #tpu.memory_space<vmem>> -> memref<128xi32, #tpu.memory_space<vmem>>
      %dma_start3A_41 = arith.constant 0 : i32
      %dma_start3A_42 = arith.constant 0 : i32
      %dma_start3A_43 = tpu.memref_slice %arg2[%dma_start3A_41, %dma_start3A_42] : memref<51200x16xf32, #tpu.memory_space<hbm>> -> memref<51200x16xf32, #tpu.memory_space<hbm>>
      tpu.enqueue_indirect_dma source(%dma_start3A_43 : memref<51200x16xf32, #tpu.memory_space<hbm>>) target(%dma_start3A_37 : memref<128x16xf32, #tpu.memory_space<vmem>>) offsets(%dma_start3A_40 : memref<128xi32, #tpu.memory_space<vmem>>) semaphore(%arg11 : memref<!tpu.dma_semaphore, #tpu.memory_space<semaphore_mem>>)
      %dma_start3A_44 = arith.constant 2 : i32
      %dma_start3A_45 = arith.constant 2 : i32
      %dma_start3A_46 = arith.constant 0 : i32
      %dma_start3A_47 = arith.constant 0 : i32
      %dma_start3A_48 = tpu.memref_slice %arg9[%dma_start3A_45, %dma_start3A_46, %dma_start3A_47] : memref<8x128x16xf32, #tpu.memory_space<vmem>> -> memref<1x128x16xf32, #tpu.memory_space<vmem>>
      %dma_start3A_49 = tpu.memref_squeeze %dma_start3A_48 : memref<1x128x16xf32, #tpu.memory_space<vmem>> -> memref<128x16xf32, #tpu.memory_space<vmem>>
      %dma_start3A_50 = arith.constant 0 : i32
      %dma_start3A_51 = tpu.memref_slice %arg7[%dma_start3A_44, %dma_start3A_50] : memref<8x128xi32, #tpu.memory_space<vmem>> -> memref<1x128xi32, #tpu.memory_space<vmem>>
      %dma_start3A_52 = tpu.memref_squeeze %dma_start3A_51 : memref<1x128xi32, #tpu.memory_space<vmem>> -> memref<128xi32, #tpu.memory_space<vmem>>
      %dma_start3A_53 = arith.constant 0 : i32
      %dma_start3A_54 = arith.constant 0 : i32
      %dma_start3A_55 = tpu.memref_slice %arg2[%dma_start3A_53, %dma_start3A_54] : memref<51200x16xf32, #tpu.memory_space<hbm>> -> memref<51200x16xf32, #tpu.memory_space<hbm>>
      tpu.enqueue_indirect_dma source(%dma_start3A_55 : memref<51200x16xf32, #tpu.memory_space<hbm>>) target(%dma_start3A_49 : memref<128x16xf32, #tpu.memory_space<vmem>>) offsets(%dma_start3A_52 : memref<128xi32, #tpu.memory_space<vmem>>) semaphore(%arg11 : memref<!tpu.dma_semaphore, #tpu.memory_space<semaphore_mem>>)
      %dma_start3A_56 = arith.constant 3 : i32
      %dma_start3A_57 = arith.constant 3 : i32
      %dma_start3A_58 = arith.constant 0 : i32
      %dma_start3A_59 = arith.constant 0 : i32
      %dma_start3A_60 = tpu.memref_slice %arg9[%dma_start3A_57, %dma_start3A_58, %dma_start3A_59] : memref<8x128x16xf32, #tpu.memory_space<vmem>> -> memref<1x128x16xf32, #tpu.memory_space<vmem>>
      %dma_start3A_61 = tpu.memref_squeeze %dma_start3A_60 : memref<1x128x16xf32, #tpu.memory_space<vmem>> -> memref<128x16xf32, #tpu.memory_space<vmem>>
      %dma_start3A_62 = arith.constant 0 : i32
      %dma_start3A_63 = tpu.memref_slice %arg7[%dma_start3A_56, %dma_start3A_62] : memref<8x128xi32, #tpu.memory_space<vmem>> -> memref<1x128xi32, #tpu.memory_space<vmem>>
      %dma_start3A_64 = tpu.memref_squeeze %dma_start3A_63 : memref<1x128xi32, #tpu.memory_space<vmem>> -> memref<128xi32, #tpu.memory_space<vmem>>
      %dma_start3A_65 = arith.constant 0 : i32
      %dma_start3A_66 = arith.constant 0 : i32
      %dma_start3A_67 = tpu.memref_slice %arg2[%dma_start3A_65, %dma_start3A_66] : memref<51200x16xf32, #tpu.memory_space<hbm>> -> memref<51200x16xf32, #tpu.memory_space<hbm>>
      tpu.enqueue_indirect_dma source(%dma_start3A_67 : memref<51200x16xf32, #tpu.memory_space<hbm>>) target(%dma_start3A_61 : memref<128x16xf32, #tpu.memory_space<vmem>>) offsets(%dma_start3A_64 : memref<128xi32, #tpu.memory_space<vmem>>) semaphore(%arg11 : memref<!tpu.dma_semaphore, #tpu.memory_space<semaphore_mem>>)
      %dma_start3A_68 = arith.constant 4 : i32
      %dma_start3A_69 = arith.constant 4 : i32
      %dma_start3A_70 = arith.constant 0 : i32
      %dma_start3A_71 = arith.constant 0 : i32
      %dma_start3A_72 = tpu.memref_slice %arg9[%dma_start3A_69, %dma_start3A_70, %dma_start3A_71] : memref<8x128x16xf32, #tpu.memory_space<vmem>> -> memref<1x128x16xf32, #tpu.memory_space<vmem>>
      %dma_start3A_73 = tpu.memref_squeeze %dma_start3A_72 : memref<1x128x16xf32, #tpu.memory_space<vmem>> -> memref<128x16xf32, #tpu.memory_space<vmem>>
      %dma_start3A_74 = arith.constant 0 : i32
      %dma_start3A_75 = tpu.memref_slice %arg7[%dma_start3A_68, %dma_start3A_74] : memref<8x128xi32, #tpu.memory_space<vmem>> -> memref<1x128xi32, #tpu.memory_space<vmem>>
      %dma_start3A_76 = tpu.memref_squeeze %dma_start3A_75 : memref<1x128xi32, #tpu.memory_space<vmem>> -> memref<128xi32, #tpu.memory_space<vmem>>
      %dma_start3A_77 = arith.constant 0 : i32
      %dma_start3A_78 = arith.constant 0 : i32
      %dma_start3A_79 = tpu.memref_slice %arg2[%dma_start3A_77, %dma_start3A_78] : memref<51200x16xf32, #tpu.memory_space<hbm>> -> memref<51200x16xf32, #tpu.memory_space<hbm>>
      tpu.enqueue_indirect_dma source(%dma_start3A_79 : memref<51200x16xf32, #tpu.memory_space<hbm>>) target(%dma_start3A_73 : memref<128x16xf32, #tpu.memory_space<vmem>>) offsets(%dma_start3A_76 : memref<128xi32, #tpu.memory_space<vmem>>) semaphore(%arg11 : memref<!tpu.dma_semaphore, #tpu.memory_space<semaphore_mem>>)
      %dma_start3A_80 = arith.constant 5 : i32
      %dma_start3A_81 = arith.constant 5 : i32
      %dma_start3A_82 = arith.constant 0 : i32
      %dma_start3A_83 = arith.constant 0 : i32
      %dma_start3A_84 = tpu.memref_slice %arg9[%dma_start3A_81, %dma_start3A_82, %dma_start3A_83] : memref<8x128x16xf32, #tpu.memory_space<vmem>> -> memref<1x128x16xf32, #tpu.memory_space<vmem>>
      %dma_start3A_85 = tpu.memref_squeeze %dma_start3A_84 : memref<1x128x16xf32, #tpu.memory_space<vmem>> -> memref<128x16xf32, #tpu.memory_space<vmem>>
      %dma_start3A_86 = arith.constant 0 : i32
      %dma_start3A_87 = tpu.memref_slice %arg7[%dma_start3A_80, %dma_start3A_86] : memref<8x128xi32, #tpu.memory_space<vmem>> -> memref<1x128xi32, #tpu.memory_space<vmem>>
      %dma_start3A_88 = tpu.memref_squeeze %dma_start3A_87 : memref<1x128xi32, #tpu.memory_space<vmem>> -> memref<128xi32, #tpu.memory_space<vmem>>
      %dma_start3A_89 = arith.constant 0 : i32
      %dma_start3A_90 = arith.constant 0 : i32
      %dma_start3A_91 = tpu.memref_slice %arg2[%dma_start3A_89, %dma_start3A_90] : memref<51200x16xf32, #tpu.memory_space<hbm>> -> memref<51200x16xf32, #tpu.memory_space<hbm>>
      tpu.enqueue_indirect_dma source(%dma_start3A_91 : memref<51200x16xf32, #tpu.memory_space<hbm>>) target(%dma_start3A_85 : memref<128x16xf32, #tpu.memory_space<vmem>>) offsets(%dma_start3A_88 : memref<128xi32, #tpu.memory_space<vmem>>) semaphore(%arg11 : memref<!tpu.dma_semaphore, #tpu.memory_space<semaphore_mem>>)
      %dma_start3A_92 = arith.constant 6 : i32
      %dma_start3A_93 = arith.constant 6 : i32
      %dma_start3A_94 = arith.constant 0 : i32
      %dma_start3A_95 = arith.constant 0 : i32
      %dma_start3A_96 = tpu.memref_slice %arg9[%dma_start3A_93, %dma_start3A_94, %dma_start3A_95] : memref<8x128x16xf32, #tpu.memory_space<vmem>> -> memref<1x128x16xf32, #tpu.memory_space<vmem>>
      %dma_start3A_97 = tpu.memref_squeeze %dma_start3A_96 : memref<1x128x16xf32, #tpu.memory_space<vmem>> -> memref<128x16xf32, #tpu.memory_space<vmem>>
      %dma_start3A_98 = arith.constant 0 : i32
      %dma_start3A_99 = tpu.memref_slice %arg7[%dma_start3A_92, %dma_start3A_98] : memref<8x128xi32, #tpu.memory_space<vmem>> -> memref<1x128xi32, #tpu.memory_space<vmem>>
      %dma_start3A_100 = tpu.memref_squeeze %dma_start3A_99 : memref<1x128xi32, #tpu.memory_space<vmem>> -> memref<128xi32, #tpu.memory_space<vmem>>
      %dma_start3A_101 = arith.constant 0 : i32
      %dma_start3A_102 = arith.constant 0 : i32
      %dma_start3A_103 = tpu.memref_slice %arg2[%dma_start3A_101, %dma_start3A_102] : memref<51200x16xf32, #tpu.memory_space<hbm>> -> memref<51200x16xf32, #tpu.memory_space<hbm>>
      tpu.enqueue_indirect_dma source(%dma_start3A_103 : memref<51200x16xf32, #tpu.memory_space<hbm>>) target(%dma_start3A_97 : memref<128x16xf32, #tpu.memory_space<vmem>>) offsets(%dma_start3A_100 : memref<128xi32, #tpu.memory_space<vmem>>) semaphore(%arg11 : memref<!tpu.dma_semaphore, #tpu.memory_space<semaphore_mem>>)
      %dma_start3A_104 = arith.constant 7 : i32
      %dma_start3A_105 = arith.constant 7 : i32
      %dma_start3A_106 = arith.constant 0 : i32
      %dma_start3A_107 = arith.constant 0 : i32
      %dma_start3A_108 = tpu.memref_slice %arg9[%dma_start3A_105, %dma_start3A_106, %dma_start3A_107] : memref<8x128x16xf32, #tpu.memory_space<vmem>> -> memref<1x128x16xf32, #tpu.memory_space<vmem>>
      %dma_start3A_109 = tpu.memref_squeeze %dma_start3A_108 : memref<1x128x16xf32, #tpu.memory_space<vmem>> -> memref<128x16xf32, #tpu.memory_space<vmem>>
      %dma_start3A_110 = arith.constant 0 : i32
      %dma_start3A_111 = tpu.memref_slice %arg7[%dma_start3A_104, %dma_start3A_110] : memref<8x128xi32, #tpu.memory_space<vmem>> -> memref<1x128xi32, #tpu.memory_space<vmem>>
      %dma_start3A_112 = tpu.memref_squeeze %dma_start3A_111 : memref<1x128xi32, #tpu.memory_space<vmem>> -> memref<128xi32, #tpu.memory_space<vmem>>
      %dma_start3A_113 = arith.constant 0 : i32
      %dma_start3A_114 = arith.constant 0 : i32
      %dma_start3A_115 = tpu.memref_slice %arg2[%dma_start3A_113, %dma_start3A_114] : memref<51200x16xf32, #tpu.memory_space<hbm>> -> memref<51200x16xf32, #tpu.memory_space<hbm>>
      tpu.enqueue_indirect_dma source(%dma_start3A_115 : memref<51200x16xf32, #tpu.memory_space<hbm>>) target(%dma_start3A_109 : memref<128x16xf32, #tpu.memory_space<vmem>>) offsets(%dma_start3A_112 : memref<128xi32, #tpu.memory_space<vmem>>) semaphore(%arg11 : memref<!tpu.dma_semaphore, #tpu.memory_space<semaphore_mem>>)
      %dma_wait3A = arith.constant 0 : i32
      %dma_wait3A_116 = arith.constant 0 : i32
      %dma_wait3A_117 = arith.constant 0 : i32
      %dma_wait3A_118 = arith.constant 0 : i32
      %dma_wait3A_119 = tpu.memref_slice %arg9[%dma_wait3A_116, %dma_wait3A_117, %dma_wait3A_118] : memref<8x128x16xf32, #tpu.memory_space<vmem>> -> memref<1x128x16xf32, #tpu.memory_space<vmem>>
      %dma_wait3A_120 = tpu.memref_squeeze %dma_wait3A_119 : memref<1x128x16xf32, #tpu.memory_space<vmem>> -> memref<128x16xf32, #tpu.memory_space<vmem>>
      %dma_wait3A_121 = arith.constant 0 : i32
      %dma_wait3A_122 = tpu.memref_slice %arg7[%dma_wait3A, %dma_wait3A_121] : memref<8x128xi32, #tpu.memory_space<vmem>> -> memref<1x128xi32, #tpu.memory_space<vmem>>
      %dma_wait3A_123 = tpu.memref_squeeze %dma_wait3A_122 : memref<1x128xi32, #tpu.memory_space<vmem>> -> memref<128xi32, #tpu.memory_space<vmem>>
      %dma_wait3A_124 = arith.constant 0 : i32
      %dma_wait3A_125 = arith.constant 0 : i32
      %dma_wait3A_126 = tpu.memref_slice %arg2[%dma_wait3A_124, %dma_wait3A_125] : memref<51200x16xf32, #tpu.memory_space<hbm>> -> memref<51200x16xf32, #tpu.memory_space<hbm>>
      tpu.wait_indirect_dma semaphore(%arg11 : memref<!tpu.dma_semaphore, #tpu.memory_space<semaphore_mem>>) src(%dma_wait3A_126 : memref<51200x16xf32, #tpu.memory_space<hbm>>) dst(%dma_wait3A_120 : memref<128x16xf32, #tpu.memory_space<vmem>>)
      %dma_start3A_127 = arith.constant 0 : i32
      %dma_start3A_128 = arith.constant 0 : i32
      %dma_start3A_129 = arith.constant 0 : i32
      %dma_start3A_130 = arith.constant 0 : i32
      %dma_start3A_131 = tpu.memref_slice %arg9[%dma_start3A_127, %dma_start3A_129, %dma_start3A_130] : memref<8x128x16xf32, #tpu.memory_space<vmem>> -> memref<1x128x16xf32, #tpu.memory_space<vmem>>
      %dma_start3A_132 = tpu.memref_squeeze %dma_start3A_131 : memref<1x128x16xf32, #tpu.memory_space<vmem>> -> memref<128x16xf32, #tpu.memory_space<vmem>>
      %dma_start3A_133 = arith.constant 0 : i32
      %dma_start3A_134 = tpu.memref_slice %arg8[%dma_start3A_128, %dma_start3A_133] : memref<8x128xi32, #tpu.memory_space<vmem>> -> memref<1x128xi32, #tpu.memory_space<vmem>>
      %dma_start3A_135 = tpu.memref_squeeze %dma_start3A_134 : memref<1x128xi32, #tpu.memory_space<vmem>> -> memref<128xi32, #tpu.memory_space<vmem>>
      %dma_start3A_136 = arith.constant 0 : i32
      %dma_start3A_137 = arith.constant 0 : i32
      %dma_start3A_138 = tpu.memref_slice %arg10[%dma_start3A_136, %dma_start3A_137] : memref<51200x16xf32, #tpu.memory_space<vmem_shared>> -> memref<51200x16xf32, #tpu.memory_space<vmem_shared>>
      tpu.enqueue_indirect_dma source(%dma_start3A_132 : memref<128x16xf32, #tpu.memory_space<vmem>>) target(%dma_start3A_138 : memref<51200x16xf32, #tpu.memory_space<vmem_shared>>) offsets(%dma_start3A_135 : memref<128xi32, #tpu.memory_space<vmem>>) semaphore(%arg12 : memref<!tpu.dma_semaphore, #tpu.memory_space<semaphore_mem>>) {add = true}
      %dma_wait3A_139 = arith.constant 1 : i32
      %dma_wait3A_140 = arith.constant 1 : i32
      %dma_wait3A_141 = arith.constant 0 : i32
      %dma_wait3A_142 = arith.constant 0 : i32
      %dma_wait3A_143 = tpu.memref_slice %arg9[%dma_wait3A_140, %dma_wait3A_141, %dma_wait3A_142] : memref<8x128x16xf32, #tpu.memory_space<vmem>> -> memref<1x128x16xf32, #tpu.memory_space<vmem>>
      %dma_wait3A_144 = tpu.memref_squeeze %dma_wait3A_143 : memref<1x128x16xf32, #tpu.memory_space<vmem>> -> memref<128x16xf32, #tpu.memory_space<vmem>>
      %dma_wait3A_145 = arith.constant 0 : i32
      %dma_wait3A_146 = tpu.memref_slice %arg7[%dma_wait3A_139, %dma_wait3A_145] : memref<8x128xi32, #tpu.memory_space<vmem>> -> memref<1x128xi32, #tpu.memory_space<vmem>>
      %dma_wait3A_147 = tpu.memref_squeeze %dma_wait3A_146 : memref<1x128xi32, #tpu.memory_space<vmem>> -> memref<128xi32, #tpu.memory_space<vmem>>
      %dma_wait3A_148 = arith.constant 0 : i32
      %dma_wait3A_149 = arith.constant 0 : i32
      %dma_wait3A_150 = tpu.memref_slice %arg2[%dma_wait3A_148, %dma_wait3A_149] : memref<51200x16xf32, #tpu.memory_space<hbm>> -> memref<51200x16xf32, #tpu.memory_space<hbm>>
      tpu.wait_indirect_dma semaphore(%arg11 : memref<!tpu.dma_semaphore, #tpu.memory_space<semaphore_mem>>) src(%dma_wait3A_150 : memref<51200x16xf32, #tpu.memory_space<hbm>>) dst(%dma_wait3A_144 : memref<128x16xf32, #tpu.memory_space<vmem>>)
      %dma_start3A_151 = arith.constant 1 : i32
      %dma_start3A_152 = arith.constant 1 : i32
      %dma_start3A_153 = arith.constant 0 : i32
      %dma_start3A_154 = arith.constant 0 : i32
      %dma_start3A_155 = tpu.memref_slice %arg9[%dma_start3A_151, %dma_start3A_153, %dma_start3A_154] : memref<8x128x16xf32, #tpu.memory_space<vmem>> -> memref<1x128x16xf32, #tpu.memory_space<vmem>>
      %dma_start3A_156 = tpu.memref_squeeze %dma_start3A_155 : memref<1x128x16xf32, #tpu.memory_space<vmem>> -> memref<128x16xf32, #tpu.memory_space<vmem>>
      %dma_start3A_157 = arith.constant 0 : i32
      %dma_start3A_158 = tpu.memref_slice %arg8[%dma_start3A_152, %dma_start3A_157] : memref<8x128xi32, #tpu.memory_space<vmem>> -> memref<1x128xi32, #tpu.memory_space<vmem>>
      %dma_start3A_159 = tpu.memref_squeeze %dma_start3A_158 : memref<1x128xi32, #tpu.memory_space<vmem>> -> memref<128xi32, #tpu.memory_space<vmem>>
      %dma_start3A_160 = arith.constant 0 : i32
      %dma_start3A_161 = arith.constant 0 : i32
      %dma_start3A_162 = tpu.memref_slice %arg10[%dma_start3A_160, %dma_start3A_161] : memref<51200x16xf32, #tpu.memory_space<vmem_shared>> -> memref<51200x16xf32, #tpu.memory_space<vmem_shared>>
      tpu.enqueue_indirect_dma source(%dma_start3A_156 : memref<128x16xf32, #tpu.memory_space<vmem>>) target(%dma_start3A_162 : memref<51200x16xf32, #tpu.memory_space<vmem_shared>>) offsets(%dma_start3A_159 : memref<128xi32, #tpu.memory_space<vmem>>) semaphore(%arg12 : memref<!tpu.dma_semaphore, #tpu.memory_space<semaphore_mem>>) {add = true}
      %dma_wait3A_163 = arith.constant 2 : i32
      %dma_wait3A_164 = arith.constant 2 : i32
      %dma_wait3A_165 = arith.constant 0 : i32
      %dma_wait3A_166 = arith.constant 0 : i32
      %dma_wait3A_167 = tpu.memref_slice %arg9[%dma_wait3A_164, %dma_wait3A_165, %dma_wait3A_166] : memref<8x128x16xf32, #tpu.memory_space<vmem>> -> memref<1x128x16xf32, #tpu.memory_space<vmem>>
      %dma_wait3A_168 = tpu.memref_squeeze %dma_wait3A_167 : memref<1x128x16xf32, #tpu.memory_space<vmem>> -> memref<128x16xf32, #tpu.memory_space<vmem>>
      %dma_wait3A_169 = arith.constant 0 : i32
      %dma_wait3A_170 = tpu.memref_slice %arg7[%dma_wait3A_163, %dma_wait3A_169] : memref<8x128xi32, #tpu.memory_space<vmem>> -> memref<1x128xi32, #tpu.memory_space<vmem>>
      %dma_wait3A_171 = tpu.memref_squeeze %dma_wait3A_170 : memref<1x128xi32, #tpu.memory_space<vmem>> -> memref<128xi32, #tpu.memory_space<vmem>>
      %dma_wait3A_172 = arith.constant 0 : i32
      %dma_wait3A_173 = arith.constant 0 : i32
      %dma_wait3A_174 = tpu.memref_slice %arg2[%dma_wait3A_172, %dma_wait3A_173] : memref<51200x16xf32, #tpu.memory_space<hbm>> -> memref<51200x16xf32, #tpu.memory_space<hbm>>
      tpu.wait_indirect_dma semaphore(%arg11 : memref<!tpu.dma_semaphore, #tpu.memory_space<semaphore_mem>>) src(%dma_wait3A_174 : memref<51200x16xf32, #tpu.memory_space<hbm>>) dst(%dma_wait3A_168 : memref<128x16xf32, #tpu.memory_space<vmem>>)
      %dma_start3A_175 = arith.constant 2 : i32
      %dma_start3A_176 = arith.constant 2 : i32
      %dma_start3A_177 = arith.constant 0 : i32
      %dma_start3A_178 = arith.constant 0 : i32
      %dma_start3A_179 = tpu.memref_slice %arg9[%dma_start3A_175, %dma_start3A_177, %dma_start3A_178] : memref<8x128x16xf32, #tpu.memory_space<vmem>> -> memref<1x128x16xf32, #tpu.memory_space<vmem>>
      %dma_start3A_180 = tpu.memref_squeeze %dma_start3A_179 : memref<1x128x16xf32, #tpu.memory_space<vmem>> -> memref<128x16xf32, #tpu.memory_space<vmem>>
      %dma_start3A_181 = arith.constant 0 : i32
      %dma_start3A_182 = tpu.memref_slice %arg8[%dma_start3A_176, %dma_start3A_181] : memref<8x128xi32, #tpu.memory_space<vmem>> -> memref<1x128xi32, #tpu.memory_space<vmem>>
      %dma_start3A_183 = tpu.memref_squeeze %dma_start3A_182 : memref<1x128xi32, #tpu.memory_space<vmem>> -> memref<128xi32, #tpu.memory_space<vmem>>
      %dma_start3A_184 = arith.constant 0 : i32
      %dma_start3A_185 = arith.constant 0 : i32
      %dma_start3A_186 = tpu.memref_slice %arg10[%dma_start3A_184, %dma_start3A_185] : memref<51200x16xf32, #tpu.memory_space<vmem_shared>> -> memref<51200x16xf32, #tpu.memory_space<vmem_shared>>
      tpu.enqueue_indirect_dma source(%dma_start3A_180 : memref<128x16xf32, #tpu.memory_space<vmem>>) target(%dma_start3A_186 : memref<51200x16xf32, #tpu.memory_space<vmem_shared>>) offsets(%dma_start3A_183 : memref<128xi32, #tpu.memory_space<vmem>>) semaphore(%arg12 : memref<!tpu.dma_semaphore, #tpu.memory_space<semaphore_mem>>) {add = true}
      %dma_wait3A_187 = arith.constant 3 : i32
      %dma_wait3A_188 = arith.constant 3 : i32
      %dma_wait3A_189 = arith.constant 0 : i32
      %dma_wait3A_190 = arith.constant 0 : i32
      %dma_wait3A_191 = tpu.memref_slice %arg9[%dma_wait3A_188, %dma_wait3A_189, %dma_wait3A_190] : memref<8x128x16xf32, #tpu.memory_space<vmem>> -> memref<1x128x16xf32, #tpu.memory_space<vmem>>
      %dma_wait3A_192 = tpu.memref_squeeze %dma_wait3A_191 : memref<1x128x16xf32, #tpu.memory_space<vmem>> -> memref<128x16xf32, #tpu.memory_space<vmem>>
      %dma_wait3A_193 = arith.constant 0 : i32
      %dma_wait3A_194 = tpu.memref_slice %arg7[%dma_wait3A_187, %dma_wait3A_193] : memref<8x128xi32, #tpu.memory_space<vmem>> -> memref<1x128xi32, #tpu.memory_space<vmem>>
      %dma_wait3A_195 = tpu.memref_squeeze %dma_wait3A_194 : memref<1x128xi32, #tpu.memory_space<vmem>> -> memref<128xi32, #tpu.memory_space<vmem>>
      %dma_wait3A_196 = arith.constant 0 : i32
      %dma_wait3A_197 = arith.constant 0 : i32
      %dma_wait3A_198 = tpu.memref_slice %arg2[%dma_wait3A_196, %dma_wait3A_197] : memref<51200x16xf32, #tpu.memory_space<hbm>> -> memref<51200x16xf32, #tpu.memory_space<hbm>>
      tpu.wait_indirect_dma semaphore(%arg11 : memref<!tpu.dma_semaphore, #tpu.memory_space<semaphore_mem>>) src(%dma_wait3A_198 : memref<51200x16xf32, #tpu.memory_space<hbm>>) dst(%dma_wait3A_192 : memref<128x16xf32, #tpu.memory_space<vmem>>)
      %dma_start3A_199 = arith.constant 3 : i32
      %dma_start3A_200 = arith.constant 3 : i32
      %dma_start3A_201 = arith.constant 0 : i32
      %dma_start3A_202 = arith.constant 0 : i32
      %dma_start3A_203 = tpu.memref_slice %arg9[%dma_start3A_199, %dma_start3A_201, %dma_start3A_202] : memref<8x128x16xf32, #tpu.memory_space<vmem>> -> memref<1x128x16xf32, #tpu.memory_space<vmem>>
      %dma_start3A_204 = tpu.memref_squeeze %dma_start3A_203 : memref<1x128x16xf32, #tpu.memory_space<vmem>> -> memref<128x16xf32, #tpu.memory_space<vmem>>
      %dma_start3A_205 = arith.constant 0 : i32
      %dma_start3A_206 = tpu.memref_slice %arg8[%dma_start3A_200, %dma_start3A_205] : memref<8x128xi32, #tpu.memory_space<vmem>> -> memref<1x128xi32, #tpu.memory_space<vmem>>
      %dma_start3A_207 = tpu.memref_squeeze %dma_start3A_206 : memref<1x128xi32, #tpu.memory_space<vmem>> -> memref<128xi32, #tpu.memory_space<vmem>>
      %dma_start3A_208 = arith.constant 0 : i32
      %dma_start3A_209 = arith.constant 0 : i32
      %dma_start3A_210 = tpu.memref_slice %arg10[%dma_start3A_208, %dma_start3A_209] : memref<51200x16xf32, #tpu.memory_space<vmem_shared>> -> memref<51200x16xf32, #tpu.memory_space<vmem_shared>>
      tpu.enqueue_indirect_dma source(%dma_start3A_204 : memref<128x16xf32, #tpu.memory_space<vmem>>) target(%dma_start3A_210 : memref<51200x16xf32, #tpu.memory_space<vmem_shared>>) offsets(%dma_start3A_207 : memref<128xi32, #tpu.memory_space<vmem>>) semaphore(%arg12 : memref<!tpu.dma_semaphore, #tpu.memory_space<semaphore_mem>>) {add = true}
      %dma_wait3A_211 = arith.constant 4 : i32
      %dma_wait3A_212 = arith.constant 4 : i32
      %dma_wait3A_213 = arith.constant 0 : i32
      %dma_wait3A_214 = arith.constant 0 : i32
      %dma_wait3A_215 = tpu.memref_slice %arg9[%dma_wait3A_212, %dma_wait3A_213, %dma_wait3A_214] : memref<8x128x16xf32, #tpu.memory_space<vmem>> -> memref<1x128x16xf32, #tpu.memory_space<vmem>>
      %dma_wait3A_216 = tpu.memref_squeeze %dma_wait3A_215 : memref<1x128x16xf32, #tpu.memory_space<vmem>> -> memref<128x16xf32, #tpu.memory_space<vmem>>
      %dma_wait3A_217 = arith.constant 0 : i32
      %dma_wait3A_218 = tpu.memref_slice %arg7[%dma_wait3A_211, %dma_wait3A_217] : memref<8x128xi32, #tpu.memory_space<vmem>> -> memref<1x128xi32, #tpu.memory_space<vmem>>
      %dma_wait3A_219 = tpu.memref_squeeze %dma_wait3A_218 : memref<1x128xi32, #tpu.memory_space<vmem>> -> memref<128xi32, #tpu.memory_space<vmem>>
      %dma_wait3A_220 = arith.constant 0 : i32
      %dma_wait3A_221 = arith.constant 0 : i32
      %dma_wait3A_222 = tpu.memref_slice %arg2[%dma_wait3A_220, %dma_wait3A_221] : memref<51200x16xf32, #tpu.memory_space<hbm>> -> memref<51200x16xf32, #tpu.memory_space<hbm>>
      tpu.wait_indirect_dma semaphore(%arg11 : memref<!tpu.dma_semaphore, #tpu.memory_space<semaphore_mem>>) src(%dma_wait3A_222 : memref<51200x16xf32, #tpu.memory_space<hbm>>) dst(%dma_wait3A_216 : memref<128x16xf32, #tpu.memory_space<vmem>>)
      %dma_start3A_223 = arith.constant 4 : i32
      %dma_start3A_224 = arith.constant 4 : i32
      %dma_start3A_225 = arith.constant 0 : i32
      %dma_start3A_226 = arith.constant 0 : i32
      %dma_start3A_227 = tpu.memref_slice %arg9[%dma_start3A_223, %dma_start3A_225, %dma_start3A_226] : memref<8x128x16xf32, #tpu.memory_space<vmem>> -> memref<1x128x16xf32, #tpu.memory_space<vmem>>
      %dma_start3A_228 = tpu.memref_squeeze %dma_start3A_227 : memref<1x128x16xf32, #tpu.memory_space<vmem>> -> memref<128x16xf32, #tpu.memory_space<vmem>>
      %dma_start3A_229 = arith.constant 0 : i32
      %dma_start3A_230 = tpu.memref_slice %arg8[%dma_start3A_224, %dma_start3A_229] : memref<8x128xi32, #tpu.memory_space<vmem>> -> memref<1x128xi32, #tpu.memory_space<vmem>>
      %dma_start3A_231 = tpu.memref_squeeze %dma_start3A_230 : memref<1x128xi32, #tpu.memory_space<vmem>> -> memref<128xi32, #tpu.memory_space<vmem>>
      %dma_start3A_232 = arith.constant 0 : i32
      %dma_start3A_233 = arith.constant 0 : i32
      %dma_start3A_234 = tpu.memref_slice %arg10[%dma_start3A_232, %dma_start3A_233] : memref<51200x16xf32, #tpu.memory_space<vmem_shared>> -> memref<51200x16xf32, #tpu.memory_space<vmem_shared>>
      tpu.enqueue_indirect_dma source(%dma_start3A_228 : memref<128x16xf32, #tpu.memory_space<vmem>>) target(%dma_start3A_234 : memref<51200x16xf32, #tpu.memory_space<vmem_shared>>) offsets(%dma_start3A_231 : memref<128xi32, #tpu.memory_space<vmem>>) semaphore(%arg12 : memref<!tpu.dma_semaphore, #tpu.memory_space<semaphore_mem>>) {add = true}
      %dma_wait3A_235 = arith.constant 5 : i32
      %dma_wait3A_236 = arith.constant 5 : i32
      %dma_wait3A_237 = arith.constant 0 : i32
      %dma_wait3A_238 = arith.constant 0 : i32
      %dma_wait3A_239 = tpu.memref_slice %arg9[%dma_wait3A_236, %dma_wait3A_237, %dma_wait3A_238] : memref<8x128x16xf32, #tpu.memory_space<vmem>> -> memref<1x128x16xf32, #tpu.memory_space<vmem>>
      %dma_wait3A_240 = tpu.memref_squeeze %dma_wait3A_239 : memref<1x128x16xf32, #tpu.memory_space<vmem>> -> memref<128x16xf32, #tpu.memory_space<vmem>>
      %dma_wait3A_241 = arith.constant 0 : i32
      %dma_wait3A_242 = tpu.memref_slice %arg7[%dma_wait3A_235, %dma_wait3A_241] : memref<8x128xi32, #tpu.memory_space<vmem>> -> memref<1x128xi32, #tpu.memory_space<vmem>>
      %dma_wait3A_243 = tpu.memref_squeeze %dma_wait3A_242 : memref<1x128xi32, #tpu.memory_space<vmem>> -> memref<128xi32, #tpu.memory_space<vmem>>
      %dma_wait3A_244 = arith.constant 0 : i32
      %dma_wait3A_245 = arith.constant 0 : i32
      %dma_wait3A_246 = tpu.memref_slice %arg2[%dma_wait3A_244, %dma_wait3A_245] : memref<51200x16xf32, #tpu.memory_space<hbm>> -> memref<51200x16xf32, #tpu.memory_space<hbm>>
      tpu.wait_indirect_dma semaphore(%arg11 : memref<!tpu.dma_semaphore, #tpu.memory_space<semaphore_mem>>) src(%dma_wait3A_246 : memref<51200x16xf32, #tpu.memory_space<hbm>>) dst(%dma_wait3A_240 : memref<128x16xf32, #tpu.memory_space<vmem>>)
      %dma_start3A_247 = arith.constant 5 : i32
      %dma_start3A_248 = arith.constant 5 : i32
      %dma_start3A_249 = arith.constant 0 : i32
      %dma_start3A_250 = arith.constant 0 : i32
      %dma_start3A_251 = tpu.memref_slice %arg9[%dma_start3A_247, %dma_start3A_249, %dma_start3A_250] : memref<8x128x16xf32, #tpu.memory_space<vmem>> -> memref<1x128x16xf32, #tpu.memory_space<vmem>>
      %dma_start3A_252 = tpu.memref_squeeze %dma_start3A_251 : memref<1x128x16xf32, #tpu.memory_space<vmem>> -> memref<128x16xf32, #tpu.memory_space<vmem>>
      %dma_start3A_253 = arith.constant 0 : i32
      %dma_start3A_254 = tpu.memref_slice %arg8[%dma_start3A_248, %dma_start3A_253] : memref<8x128xi32, #tpu.memory_space<vmem>> -> memref<1x128xi32, #tpu.memory_space<vmem>>
      %dma_start3A_255 = tpu.memref_squeeze %dma_start3A_254 : memref<1x128xi32, #tpu.memory_space<vmem>> -> memref<128xi32, #tpu.memory_space<vmem>>
      %dma_start3A_256 = arith.constant 0 : i32
      %dma_start3A_257 = arith.constant 0 : i32
      %dma_start3A_258 = tpu.memref_slice %arg10[%dma_start3A_256, %dma_start3A_257] : memref<51200x16xf32, #tpu.memory_space<vmem_shared>> -> memref<51200x16xf32, #tpu.memory_space<vmem_shared>>
      tpu.enqueue_indirect_dma source(%dma_start3A_252 : memref<128x16xf32, #tpu.memory_space<vmem>>) target(%dma_start3A_258 : memref<51200x16xf32, #tpu.memory_space<vmem_shared>>) offsets(%dma_start3A_255 : memref<128xi32, #tpu.memory_space<vmem>>) semaphore(%arg12 : memref<!tpu.dma_semaphore, #tpu.memory_space<semaphore_mem>>) {add = true}
      %dma_wait3A_259 = arith.constant 6 : i32
      %dma_wait3A_260 = arith.constant 6 : i32
      %dma_wait3A_261 = arith.constant 0 : i32
      %dma_wait3A_262 = arith.constant 0 : i32
      %dma_wait3A_263 = tpu.memref_slice %arg9[%dma_wait3A_260, %dma_wait3A_261, %dma_wait3A_262] : memref<8x128x16xf32, #tpu.memory_space<vmem>> -> memref<1x128x16xf32, #tpu.memory_space<vmem>>
      %dma_wait3A_264 = tpu.memref_squeeze %dma_wait3A_263 : memref<1x128x16xf32, #tpu.memory_space<vmem>> -> memref<128x16xf32, #tpu.memory_space<vmem>>
      %dma_wait3A_265 = arith.constant 0 : i32
      %dma_wait3A_266 = tpu.memref_slice %arg7[%dma_wait3A_259, %dma_wait3A_265] : memref<8x128xi32, #tpu.memory_space<vmem>> -> memref<1x128xi32, #tpu.memory_space<vmem>>
      %dma_wait3A_267 = tpu.memref_squeeze %dma_wait3A_266 : memref<1x128xi32, #tpu.memory_space<vmem>> -> memref<128xi32, #tpu.memory_space<vmem>>
      %dma_wait3A_268 = arith.constant 0 : i32
      %dma_wait3A_269 = arith.constant 0 : i32
      %dma_wait3A_270 = tpu.memref_slice %arg2[%dma_wait3A_268, %dma_wait3A_269] : memref<51200x16xf32, #tpu.memory_space<hbm>> -> memref<51200x16xf32, #tpu.memory_space<hbm>>
      tpu.wait_indirect_dma semaphore(%arg11 : memref<!tpu.dma_semaphore, #tpu.memory_space<semaphore_mem>>) src(%dma_wait3A_270 : memref<51200x16xf32, #tpu.memory_space<hbm>>) dst(%dma_wait3A_264 : memref<128x16xf32, #tpu.memory_space<vmem>>)
      %dma_start3A_271 = arith.constant 6 : i32
      %dma_start3A_272 = arith.constant 6 : i32
      %dma_start3A_273 = arith.constant 0 : i32
      %dma_start3A_274 = arith.constant 0 : i32
      %dma_start3A_275 = tpu.memref_slice %arg9[%dma_start3A_271, %dma_start3A_273, %dma_start3A_274] : memref<8x128x16xf32, #tpu.memory_space<vmem>> -> memref<1x128x16xf32, #tpu.memory_space<vmem>>
      %dma_start3A_276 = tpu.memref_squeeze %dma_start3A_275 : memref<1x128x16xf32, #tpu.memory_space<vmem>> -> memref<128x16xf32, #tpu.memory_space<vmem>>
      %dma_start3A_277 = arith.constant 0 : i32
      %dma_start3A_278 = tpu.memref_slice %arg8[%dma_start3A_272, %dma_start3A_277] : memref<8x128xi32, #tpu.memory_space<vmem>> -> memref<1x128xi32, #tpu.memory_space<vmem>>
      %dma_start3A_279 = tpu.memref_squeeze %dma_start3A_278 : memref<1x128xi32, #tpu.memory_space<vmem>> -> memref<128xi32, #tpu.memory_space<vmem>>
      %dma_start3A_280 = arith.constant 0 : i32
      %dma_start3A_281 = arith.constant 0 : i32
      %dma_start3A_282 = tpu.memref_slice %arg10[%dma_start3A_280, %dma_start3A_281] : memref<51200x16xf32, #tpu.memory_space<vmem_shared>> -> memref<51200x16xf32, #tpu.memory_space<vmem_shared>>
      tpu.enqueue_indirect_dma source(%dma_start3A_276 : memref<128x16xf32, #tpu.memory_space<vmem>>) target(%dma_start3A_282 : memref<51200x16xf32, #tpu.memory_space<vmem_shared>>) offsets(%dma_start3A_279 : memref<128xi32, #tpu.memory_space<vmem>>) semaphore(%arg12 : memref<!tpu.dma_semaphore, #tpu.memory_space<semaphore_mem>>) {add = true}
      %dma_wait3A_283 = arith.constant 7 : i32
      %dma_wait3A_284 = arith.constant 7 : i32
      %dma_wait3A_285 = arith.constant 0 : i32
      %dma_wait3A_286 = arith.constant 0 : i32
      %dma_wait3A_287 = tpu.memref_slice %arg9[%dma_wait3A_284, %dma_wait3A_285, %dma_wait3A_286] : memref<8x128x16xf32, #tpu.memory_space<vmem>> -> memref<1x128x16xf32, #tpu.memory_space<vmem>>
      %dma_wait3A_288 = tpu.memref_squeeze %dma_wait3A_287 : memref<1x128x16xf32, #tpu.memory_space<vmem>> -> memref<128x16xf32, #tpu.memory_space<vmem>>
      %dma_wait3A_289 = arith.constant 0 : i32
      %dma_wait3A_290 = tpu.memref_slice %arg7[%dma_wait3A_283, %dma_wait3A_289] : memref<8x128xi32, #tpu.memory_space<vmem>> -> memref<1x128xi32, #tpu.memory_space<vmem>>
      %dma_wait3A_291 = tpu.memref_squeeze %dma_wait3A_290 : memref<1x128xi32, #tpu.memory_space<vmem>> -> memref<128xi32, #tpu.memory_space<vmem>>
      %dma_wait3A_292 = arith.constant 0 : i32
      %dma_wait3A_293 = arith.constant 0 : i32
      %dma_wait3A_294 = tpu.memref_slice %arg2[%dma_wait3A_292, %dma_wait3A_293] : memref<51200x16xf32, #tpu.memory_space<hbm>> -> memref<51200x16xf32, #tpu.memory_space<hbm>>
      tpu.wait_indirect_dma semaphore(%arg11 : memref<!tpu.dma_semaphore, #tpu.memory_space<semaphore_mem>>) src(%dma_wait3A_294 : memref<51200x16xf32, #tpu.memory_space<hbm>>) dst(%dma_wait3A_288 : memref<128x16xf32, #tpu.memory_space<vmem>>)
      %dma_start3A_295 = arith.constant 7 : i32
      %dma_start3A_296 = arith.constant 7 : i32
      %dma_start3A_297 = arith.constant 0 : i32
      %dma_start3A_298 = arith.constant 0 : i32
      %dma_start3A_299 = tpu.memref_slice %arg9[%dma_start3A_295, %dma_start3A_297, %dma_start3A_298] : memref<8x128x16xf32, #tpu.memory_space<vmem>> -> memref<1x128x16xf32, #tpu.memory_space<vmem>>
      %dma_start3A_300 = tpu.memref_squeeze %dma_start3A_299 : memref<1x128x16xf32, #tpu.memory_space<vmem>> -> memref<128x16xf32, #tpu.memory_space<vmem>>
      %dma_start3A_301 = arith.constant 0 : i32
      %dma_start3A_302 = tpu.memref_slice %arg8[%dma_start3A_296, %dma_start3A_301] : memref<8x128xi32, #tpu.memory_space<vmem>> -> memref<1x128xi32, #tpu.memory_space<vmem>>
      %dma_start3A_303 = tpu.memref_squeeze %dma_start3A_302 : memref<1x128xi32, #tpu.memory_space<vmem>> -> memref<128xi32, #tpu.memory_space<vmem>>
      %dma_start3A_304 = arith.constant 0 : i32
      %dma_start3A_305 = arith.constant 0 : i32
      %dma_start3A_306 = tpu.memref_slice %arg10[%dma_start3A_304, %dma_start3A_305] : memref<51200x16xf32, #tpu.memory_space<vmem_shared>> -> memref<51200x16xf32, #tpu.memory_space<vmem_shared>>
      tpu.enqueue_indirect_dma source(%dma_start3A_300 : memref<128x16xf32, #tpu.memory_space<vmem>>) target(%dma_start3A_306 : memref<51200x16xf32, #tpu.memory_space<vmem_shared>>) offsets(%dma_start3A_303 : memref<128xi32, #tpu.memory_space<vmem>>) semaphore(%arg12 : memref<!tpu.dma_semaphore, #tpu.memory_space<semaphore_mem>>) {add = true}
      %dma_wait3A_307 = arith.constant 0 : i32
      %dma_wait3A_308 = arith.constant 0 : i32
      %dma_wait3A_309 = arith.constant 0 : i32
      %dma_wait3A_310 = arith.constant 0 : i32
      %dma_wait3A_311 = tpu.memref_slice %arg9[%dma_wait3A_307, %dma_wait3A_309, %dma_wait3A_310] : memref<8x128x16xf32, #tpu.memory_space<vmem>> -> memref<1x128x16xf32, #tpu.memory_space<vmem>>
      %dma_wait3A_312 = tpu.memref_squeeze %dma_wait3A_311 : memref<1x128x16xf32, #tpu.memory_space<vmem>> -> memref<128x16xf32, #tpu.memory_space<vmem>>
      %dma_wait3A_313 = arith.constant 0 : i32
      %dma_wait3A_314 = tpu.memref_slice %arg8[%dma_wait3A_308, %dma_wait3A_313] : memref<8x128xi32, #tpu.memory_space<vmem>> -> memref<1x128xi32, #tpu.memory_space<vmem>>
      %dma_wait3A_315 = tpu.memref_squeeze %dma_wait3A_314 : memref<1x128xi32, #tpu.memory_space<vmem>> -> memref<128xi32, #tpu.memory_space<vmem>>
      %dma_wait3A_316 = arith.constant 0 : i32
      %dma_wait3A_317 = arith.constant 0 : i32
      %dma_wait3A_318 = tpu.memref_slice %arg10[%dma_wait3A_316, %dma_wait3A_317] : memref<51200x16xf32, #tpu.memory_space<vmem_shared>> -> memref<51200x16xf32, #tpu.memory_space<vmem_shared>>
      tpu.wait_indirect_dma semaphore(%arg12 : memref<!tpu.dma_semaphore, #tpu.memory_space<semaphore_mem>>) src(%dma_wait3A_312 : memref<128x16xf32, #tpu.memory_space<vmem>>) dst(%dma_wait3A_318 : memref<51200x16xf32, #tpu.memory_space<vmem_shared>>)
      %dma_wait3A_319 = arith.constant 1 : i32
      %dma_wait3A_320 = arith.constant 1 : i32
      %dma_wait3A_321 = arith.constant 0 : i32
      %dma_wait3A_322 = arith.constant 0 : i32
      %dma_wait3A_323 = tpu.memref_slice %arg9[%dma_wait3A_319, %dma_wait3A_321, %dma_wait3A_322] : memref<8x128x16xf32, #tpu.memory_space<vmem>> -> memref<1x128x16xf32, #tpu.memory_space<vmem>>
      %dma_wait3A_324 = tpu.memref_squeeze %dma_wait3A_323 : memref<1x128x16xf32, #tpu.memory_space<vmem>> -> memref<128x16xf32, #tpu.memory_space<vmem>>
      %dma_wait3A_325 = arith.constant 0 : i32
      %dma_wait3A_326 = tpu.memref_slice %arg8[%dma_wait3A_320, %dma_wait3A_325] : memref<8x128xi32, #tpu.memory_space<vmem>> -> memref<1x128xi32, #tpu.memory_space<vmem>>
      %dma_wait3A_327 = tpu.memref_squeeze %dma_wait3A_326 : memref<1x128xi32, #tpu.memory_space<vmem>> -> memref<128xi32, #tpu.memory_space<vmem>>
      %dma_wait3A_328 = arith.constant 0 : i32
      %dma_wait3A_329 = arith.constant 0 : i32
      %dma_wait3A_330 = tpu.memref_slice %arg10[%dma_wait3A_328, %dma_wait3A_329] : memref<51200x16xf32, #tpu.memory_space<vmem_shared>> -> memref<51200x16xf32, #tpu.memory_space<vmem_shared>>
      tpu.wait_indirect_dma semaphore(%arg12 : memref<!tpu.dma_semaphore, #tpu.memory_space<semaphore_mem>>) src(%dma_wait3A_324 : memref<128x16xf32, #tpu.memory_space<vmem>>) dst(%dma_wait3A_330 : memref<51200x16xf32, #tpu.memory_space<vmem_shared>>)
      %dma_wait3A_331 = arith.constant 2 : i32
      %dma_wait3A_332 = arith.constant 2 : i32
      %dma_wait3A_333 = arith.constant 0 : i32
      %dma_wait3A_334 = arith.constant 0 : i32
      %dma_wait3A_335 = tpu.memref_slice %arg9[%dma_wait3A_331, %dma_wait3A_333, %dma_wait3A_334] : memref<8x128x16xf32, #tpu.memory_space<vmem>> -> memref<1x128x16xf32, #tpu.memory_space<vmem>>
      %dma_wait3A_336 = tpu.memref_squeeze %dma_wait3A_335 : memref<1x128x16xf32, #tpu.memory_space<vmem>> -> memref<128x16xf32, #tpu.memory_space<vmem>>
      %dma_wait3A_337 = arith.constant 0 : i32
      %dma_wait3A_338 = tpu.memref_slice %arg8[%dma_wait3A_332, %dma_wait3A_337] : memref<8x128xi32, #tpu.memory_space<vmem>> -> memref<1x128xi32, #tpu.memory_space<vmem>>
      %dma_wait3A_339 = tpu.memref_squeeze %dma_wait3A_338 : memref<1x128xi32, #tpu.memory_space<vmem>> -> memref<128xi32, #tpu.memory_space<vmem>>
      %dma_wait3A_340 = arith.constant 0 : i32
      %dma_wait3A_341 = arith.constant 0 : i32
      %dma_wait3A_342 = tpu.memref_slice %arg10[%dma_wait3A_340, %dma_wait3A_341] : memref<51200x16xf32, #tpu.memory_space<vmem_shared>> -> memref<51200x16xf32, #tpu.memory_space<vmem_shared>>
      tpu.wait_indirect_dma semaphore(%arg12 : memref<!tpu.dma_semaphore, #tpu.memory_space<semaphore_mem>>) src(%dma_wait3A_336 : memref<128x16xf32, #tpu.memory_space<vmem>>) dst(%dma_wait3A_342 : memref<51200x16xf32, #tpu.memory_space<vmem_shared>>)
      %dma_wait3A_343 = arith.constant 3 : i32
      %dma_wait3A_344 = arith.constant 3 : i32
      %dma_wait3A_345 = arith.constant 0 : i32
      %dma_wait3A_346 = arith.constant 0 : i32
      %dma_wait3A_347 = tpu.memref_slice %arg9[%dma_wait3A_343, %dma_wait3A_345, %dma_wait3A_346] : memref<8x128x16xf32, #tpu.memory_space<vmem>> -> memref<1x128x16xf32, #tpu.memory_space<vmem>>
      %dma_wait3A_348 = tpu.memref_squeeze %dma_wait3A_347 : memref<1x128x16xf32, #tpu.memory_space<vmem>> -> memref<128x16xf32, #tpu.memory_space<vmem>>
      %dma_wait3A_349 = arith.constant 0 : i32
      %dma_wait3A_350 = tpu.memref_slice %arg8[%dma_wait3A_344, %dma_wait3A_349] : memref<8x128xi32, #tpu.memory_space<vmem>> -> memref<1x128xi32, #tpu.memory_space<vmem>>
      %dma_wait3A_351 = tpu.memref_squeeze %dma_wait3A_350 : memref<1x128xi32, #tpu.memory_space<vmem>> -> memref<128xi32, #tpu.memory_space<vmem>>
      %dma_wait3A_352 = arith.constant 0 : i32
      %dma_wait3A_353 = arith.constant 0 : i32
      %dma_wait3A_354 = tpu.memref_slice %arg10[%dma_wait3A_352, %dma_wait3A_353] : memref<51200x16xf32, #tpu.memory_space<vmem_shared>> -> memref<51200x16xf32, #tpu.memory_space<vmem_shared>>
      tpu.wait_indirect_dma semaphore(%arg12 : memref<!tpu.dma_semaphore, #tpu.memory_space<semaphore_mem>>) src(%dma_wait3A_348 : memref<128x16xf32, #tpu.memory_space<vmem>>) dst(%dma_wait3A_354 : memref<51200x16xf32, #tpu.memory_space<vmem_shared>>)
      %dma_wait3A_355 = arith.constant 4 : i32
      %dma_wait3A_356 = arith.constant 4 : i32
      %dma_wait3A_357 = arith.constant 0 : i32
      %dma_wait3A_358 = arith.constant 0 : i32
      %dma_wait3A_359 = tpu.memref_slice %arg9[%dma_wait3A_355, %dma_wait3A_357, %dma_wait3A_358] : memref<8x128x16xf32, #tpu.memory_space<vmem>> -> memref<1x128x16xf32, #tpu.memory_space<vmem>>
      %dma_wait3A_360 = tpu.memref_squeeze %dma_wait3A_359 : memref<1x128x16xf32, #tpu.memory_space<vmem>> -> memref<128x16xf32, #tpu.memory_space<vmem>>
      %dma_wait3A_361 = arith.constant 0 : i32
      %dma_wait3A_362 = tpu.memref_slice %arg8[%dma_wait3A_356, %dma_wait3A_361] : memref<8x128xi32, #tpu.memory_space<vmem>> -> memref<1x128xi32, #tpu.memory_space<vmem>>
      %dma_wait3A_363 = tpu.memref_squeeze %dma_wait3A_362 : memref<1x128xi32, #tpu.memory_space<vmem>> -> memref<128xi32, #tpu.memory_space<vmem>>
      %dma_wait3A_364 = arith.constant 0 : i32
      %dma_wait3A_365 = arith.constant 0 : i32
      %dma_wait3A_366 = tpu.memref_slice %arg10[%dma_wait3A_364, %dma_wait3A_365] : memref<51200x16xf32, #tpu.memory_space<vmem_shared>> -> memref<51200x16xf32, #tpu.memory_space<vmem_shared>>
      tpu.wait_indirect_dma semaphore(%arg12 : memref<!tpu.dma_semaphore, #tpu.memory_space<semaphore_mem>>) src(%dma_wait3A_360 : memref<128x16xf32, #tpu.memory_space<vmem>>) dst(%dma_wait3A_366 : memref<51200x16xf32, #tpu.memory_space<vmem_shared>>)
      %dma_wait3A_367 = arith.constant 5 : i32
      %dma_wait3A_368 = arith.constant 5 : i32
      %dma_wait3A_369 = arith.constant 0 : i32
      %dma_wait3A_370 = arith.constant 0 : i32
      %dma_wait3A_371 = tpu.memref_slice %arg9[%dma_wait3A_367, %dma_wait3A_369, %dma_wait3A_370] : memref<8x128x16xf32, #tpu.memory_space<vmem>> -> memref<1x128x16xf32, #tpu.memory_space<vmem>>
      %dma_wait3A_372 = tpu.memref_squeeze %dma_wait3A_371 : memref<1x128x16xf32, #tpu.memory_space<vmem>> -> memref<128x16xf32, #tpu.memory_space<vmem>>
      %dma_wait3A_373 = arith.constant 0 : i32
      %dma_wait3A_374 = tpu.memref_slice %arg8[%dma_wait3A_368, %dma_wait3A_373] : memref<8x128xi32, #tpu.memory_space<vmem>> -> memref<1x128xi32, #tpu.memory_space<vmem>>
      %dma_wait3A_375 = tpu.memref_squeeze %dma_wait3A_374 : memref<1x128xi32, #tpu.memory_space<vmem>> -> memref<128xi32, #tpu.memory_space<vmem>>
      %dma_wait3A_376 = arith.constant 0 : i32
      %dma_wait3A_377 = arith.constant 0 : i32
      %dma_wait3A_378 = tpu.memref_slice %arg10[%dma_wait3A_376, %dma_wait3A_377] : memref<51200x16xf32, #tpu.memory_space<vmem_shared>> -> memref<51200x16xf32, #tpu.memory_space<vmem_shared>>
      tpu.wait_indirect_dma semaphore(%arg12 : memref<!tpu.dma_semaphore, #tpu.memory_space<semaphore_mem>>) src(%dma_wait3A_372 : memref<128x16xf32, #tpu.memory_space<vmem>>) dst(%dma_wait3A_378 : memref<51200x16xf32, #tpu.memory_space<vmem_shared>>)
      %dma_wait3A_379 = arith.constant 6 : i32
      %dma_wait3A_380 = arith.constant 6 : i32
      %dma_wait3A_381 = arith.constant 0 : i32
      %dma_wait3A_382 = arith.constant 0 : i32
      %dma_wait3A_383 = tpu.memref_slice %arg9[%dma_wait3A_379, %dma_wait3A_381, %dma_wait3A_382] : memref<8x128x16xf32, #tpu.memory_space<vmem>> -> memref<1x128x16xf32, #tpu.memory_space<vmem>>
      %dma_wait3A_384 = tpu.memref_squeeze %dma_wait3A_383 : memref<1x128x16xf32, #tpu.memory_space<vmem>> -> memref<128x16xf32, #tpu.memory_space<vmem>>
      %dma_wait3A_385 = arith.constant 0 : i32
      %dma_wait3A_386 = tpu.memref_slice %arg8[%dma_wait3A_380, %dma_wait3A_385] : memref<8x128xi32, #tpu.memory_space<vmem>> -> memref<1x128xi32, #tpu.memory_space<vmem>>
      %dma_wait3A_387 = tpu.memref_squeeze %dma_wait3A_386 : memref<1x128xi32, #tpu.memory_space<vmem>> -> memref<128xi32, #tpu.memory_space<vmem>>
      %dma_wait3A_388 = arith.constant 0 : i32
      %dma_wait3A_389 = arith.constant 0 : i32
      %dma_wait3A_390 = tpu.memref_slice %arg10[%dma_wait3A_388, %dma_wait3A_389] : memref<51200x16xf32, #tpu.memory_space<vmem_shared>> -> memref<51200x16xf32, #tpu.memory_space<vmem_shared>>
      tpu.wait_indirect_dma semaphore(%arg12 : memref<!tpu.dma_semaphore, #tpu.memory_space<semaphore_mem>>) src(%dma_wait3A_384 : memref<128x16xf32, #tpu.memory_space<vmem>>) dst(%dma_wait3A_390 : memref<51200x16xf32, #tpu.memory_space<vmem_shared>>)
      %dma_wait3A_391 = arith.constant 7 : i32
      %dma_wait3A_392 = arith.constant 7 : i32
      %dma_wait3A_393 = arith.constant 0 : i32
      %dma_wait3A_394 = arith.constant 0 : i32
      %dma_wait3A_395 = tpu.memref_slice %arg9[%dma_wait3A_391, %dma_wait3A_393, %dma_wait3A_394] : memref<8x128x16xf32, #tpu.memory_space<vmem>> -> memref<1x128x16xf32, #tpu.memory_space<vmem>>
      %dma_wait3A_396 = tpu.memref_squeeze %dma_wait3A_395 : memref<1x128x16xf32, #tpu.memory_space<vmem>> -> memref<128x16xf32, #tpu.memory_space<vmem>>
      %dma_wait3A_397 = arith.constant 0 : i32
      %dma_wait3A_398 = tpu.memref_slice %arg8[%dma_wait3A_392, %dma_wait3A_397] : memref<8x128xi32, #tpu.memory_space<vmem>> -> memref<1x128xi32, #tpu.memory_space<vmem>>
      %dma_wait3A_399 = tpu.memref_squeeze %dma_wait3A_398 : memref<1x128xi32, #tpu.memory_space<vmem>> -> memref<128xi32, #tpu.memory_space<vmem>>
      %dma_wait3A_400 = arith.constant 0 : i32
      %dma_wait3A_401 = arith.constant 0 : i32
      %dma_wait3A_402 = tpu.memref_slice %arg10[%dma_wait3A_400, %dma_wait3A_401] : memref<51200x16xf32, #tpu.memory_space<vmem_shared>> -> memref<51200x16xf32, #tpu.memory_space<vmem_shared>>
      tpu.wait_indirect_dma semaphore(%arg12 : memref<!tpu.dma_semaphore, #tpu.memory_space<semaphore_mem>>) src(%dma_wait3A_396 : memref<128x16xf32, #tpu.memory_space<vmem>>) dst(%dma_wait3A_402 : memref<51200x16xf32, #tpu.memory_space<vmem_shared>>)
    }
    %scan3A_11 = arith.constant 49 : i32
    %barrier3A_12 = arith.constant 0 : index
    tpu.barrier barrier_id(%barrier3A_12)
    %mul3A_13 = arith.constant 3200 : i32
    %mul3A_14 = arith.muli %arg1, %mul3A_13 : i32
    %mul3A_15 = arith.constant 3200 : i32
    %mul3A_16 = arith.muli %arg1, %mul3A_15 : i32
    "tpu.region"() ({
      %run_scoped3A = tpu.sem_alloc : memref<!tpu.dma_semaphore, #tpu.memory_space<semaphore_mem>>
      %dma_start3A = arith.constant 0 : i32
      %dma_start3A_17 = tpu.memref_slice %arg6[%arg0, %mul3A_16, %dma_start3A] : memref<2x51200x16xf32, #tpu.memory_space<hbm>> -> memref<1x3200x16xf32, #tpu.memory_space<hbm>>
      %dma_start3A_18 = tpu.memref_squeeze %dma_start3A_17 : memref<1x3200x16xf32, #tpu.memory_space<hbm>> -> memref<3200x16xf32, #tpu.memory_space<hbm>>
      %dma_start3A_19 = arith.constant 0 : i32
      %dma_start3A_20 = tpu.memref_slice %arg10[%mul3A_14, %dma_start3A_19] : memref<51200x16xf32, #tpu.memory_space<vmem_shared>> -> memref<3200x16xf32, #tpu.memory_space<vmem_shared>>
      tpu.enqueue_dma source(%dma_start3A_20 : memref<3200x16xf32, #tpu.memory_space<vmem_shared>>) target(%dma_start3A_18 : memref<3200x16xf32, #tpu.memory_space<hbm>>) target_semaphore(%run_scoped3A : memref<!tpu.dma_semaphore, #tpu.memory_space<semaphore_mem>>)
      %dma_wait3A = arith.constant 0 : i32
      %dma_wait3A_21 = tpu.memref_slice %arg6[%arg0, %mul3A_16, %dma_wait3A] : memref<2x51200x16xf32, #tpu.memory_space<hbm>> -> memref<1x3200x16xf32, #tpu.memory_space<hbm>>
      %dma_wait3A_22 = tpu.memref_squeeze %dma_wait3A_21 : memref<1x3200x16xf32, #tpu.memory_space<hbm>> -> memref<3200x16xf32, #tpu.memory_space<hbm>>
      %dma_wait3A_23 = arith.constant 0 : i32
      %dma_wait3A_24 = tpu.memref_slice %arg10[%mul3A_14, %dma_wait3A_23] : memref<51200x16xf32, #tpu.memory_space<vmem_shared>> -> memref<3200x16xf32, #tpu.memory_space<vmem_shared>>
      tpu.wait_dma2 semaphore(%run_scoped3A : memref<!tpu.dma_semaphore, #tpu.memory_space<semaphore_mem>>) src(%dma_wait3A_24 : memref<3200x16xf32, #tpu.memory_space<vmem_shared>>) dst(%dma_wait3A_22 : memref<3200x16xf32, #tpu.memory_space<hbm>>)
      tpu.yield
    }) : () -> ()
    return
  }
}

#map = affine_map<(d0, d1) -> (0, 0)>
#map1 = affine_map<(d0, d1) -> (0)>
module attributes {stable_mosaic.version = 14 : i64} {
  func.func @deg(%arg0: i32, %arg1: i32, %arg2: memref<12544x128xi32, #tpu.memory_space<hbm>>, %arg3: memref<128xf32, #tpu.memory_space<hbm>>, %arg4: memref<51200xf32, #tpu.memory_space<hbm>>, %arg5: memref<2x51200xf32, #tpu.memory_space<hbm>>, %arg6: memref<8x128xi32, #tpu.memory_space<vmem>>, %arg7: memref<128xf32, #tpu.memory_space<vmem>>, %arg8: memref<51200xf32, #tpu.memory_space<vmem_shared>>, %arg9: memref<!tpu.dma_semaphore, #tpu.memory_space<semaphore_mem>>) attributes {dimension_semantics = [#tpu.dimension_semantics<core_parallel>, #tpu.dimension_semantics<subcore_parallel>], iteration_bounds = array<i64: 2, 16>, scalar_prefetch = 0 : i64, scratch_operands = 4 : i64, tpu.core_type = #tpu.core_type<sc_vector_subcore>, window_params = [{transform_indices = #map}, {transform_indices = #map1}, {transform_indices = #map1}, {transform_indices = #map}]} {
    %mul3A = arith.constant 2 : i32
    %mul3A_0 = arith.muli %arg1, %mul3A : i32
    %add3A = arith.addi %mul3A_0, %arg0 : i32
    %mul3A_1 = arith.constant 3200 : i32
    %mul3A_2 = arith.muli %arg1, %mul3A_1 : i32
    %mul3A_3 = arith.constant 3200 : i32
    %mul3A_4 = arith.muli %arg1, %mul3A_3 : i32
    "tpu.region"() ({
      %run_scoped3A = tpu.sem_alloc : memref<!tpu.dma_semaphore, #tpu.memory_space<semaphore_mem>>
      %dma_start3A = tpu.memref_slice %arg8[%mul3A_4] : memref<51200xf32, #tpu.memory_space<vmem_shared>> -> memref<3200xf32, #tpu.memory_space<vmem_shared>>
      %dma_start3A_17 = tpu.memref_slice %arg4[%mul3A_2] : memref<51200xf32, #tpu.memory_space<hbm>> -> memref<3200xf32, #tpu.memory_space<hbm>>
      tpu.enqueue_dma source(%dma_start3A_17 : memref<3200xf32, #tpu.memory_space<hbm>>) target(%dma_start3A : memref<3200xf32, #tpu.memory_space<vmem_shared>>) target_semaphore(%run_scoped3A : memref<!tpu.dma_semaphore, #tpu.memory_space<semaphore_mem>>)
      %dma_wait3A = tpu.memref_slice %arg8[%mul3A_4] : memref<51200xf32, #tpu.memory_space<vmem_shared>> -> memref<3200xf32, #tpu.memory_space<vmem_shared>>
      %dma_wait3A_18 = tpu.memref_slice %arg4[%mul3A_2] : memref<51200xf32, #tpu.memory_space<hbm>> -> memref<3200xf32, #tpu.memory_space<hbm>>
      tpu.wait_dma2 semaphore(%run_scoped3A : memref<!tpu.dma_semaphore, #tpu.memory_space<semaphore_mem>>) src(%dma_wait3A_18 : memref<3200xf32, #tpu.memory_space<hbm>>) dst(%dma_wait3A : memref<3200xf32, #tpu.memory_space<vmem_shared>>)
      tpu.yield
    }) : () -> ()
    "tpu.region"() ({
      %run_scoped3A = tpu.sem_alloc : memref<!tpu.dma_semaphore, #tpu.memory_space<semaphore_mem>>
      tpu.enqueue_dma source(%arg3 : memref<128xf32, #tpu.memory_space<hbm>>) target(%arg7 : memref<128xf32, #tpu.memory_space<vmem>>) target_semaphore(%run_scoped3A : memref<!tpu.dma_semaphore, #tpu.memory_space<semaphore_mem>>)
      tpu.wait_dma2 semaphore(%run_scoped3A : memref<!tpu.dma_semaphore, #tpu.memory_space<semaphore_mem>>) src(%arg3 : memref<128xf32, #tpu.memory_space<hbm>>) dst(%arg7 : memref<128xf32, #tpu.memory_space<vmem>>)
      tpu.yield
    }) : () -> ()
    %barrier3A = arith.constant 0 : index
    tpu.barrier barrier_id(%barrier3A)
    %mul3A_5 = arith.constant 392 : i32
    %mul3A_6 = arith.muli %add3A, %mul3A_5 : i32
    %scan3A = arith.constant 0 : i32
    %scan3A_7 = arith.constant 0 : i32
    %scan3A_8 = arith.constant 49 : i32
    %scan3A_9 = arith.addi %scan3A_7, %scan3A_8 : i32
    %scan3A_10 = arith.constant 1 : i32
    scf.for %scan3A_17 = %scan3A_7 to %scan3A_9 step %scan3A_10  : i32 {
      %mul3A_18 = arith.constant 8 : i32
      %mul3A_19 = arith.muli %scan3A_17, %mul3A_18 : i32
      %add3A_20 = arith.addi %mul3A_6, %mul3A_19 : i32
      "tpu.region"() ({
        %run_scoped3A = tpu.sem_alloc : memref<!tpu.dma_semaphore, #tpu.memory_space<semaphore_mem>>
        %dma_start3A_115 = arith.constant 0 : i32
        %dma_start3A_116 = tpu.memref_slice %arg2[%add3A_20, %dma_start3A_115] : memref<12544x128xi32, #tpu.memory_space<hbm>> -> memref<8x128xi32, #tpu.memory_space<hbm>>
        %dma_start3A_117 = arith.constant 0 : i32
        %dma_start3A_118 = tpu.memref_slice %arg2[%add3A_20, %dma_start3A_117] : memref<12544x128xi32, #tpu.memory_space<hbm>> -> memref<8x128xi32, #tpu.memory_space<hbm>>
        tpu.enqueue_dma source(%dma_start3A_118 : memref<8x128xi32, #tpu.memory_space<hbm>>) target(%arg6 : memref<8x128xi32, #tpu.memory_space<vmem>>) target_semaphore(%run_scoped3A : memref<!tpu.dma_semaphore, #tpu.memory_space<semaphore_mem>>)
        %dma_wait3A_119 = arith.constant 0 : i32
        %dma_wait3A_120 = tpu.memref_slice %arg2[%add3A_20, %dma_wait3A_119] : memref<12544x128xi32, #tpu.memory_space<hbm>> -> memref<8x128xi32, #tpu.memory_space<hbm>>
        %dma_wait3A_121 = arith.constant 0 : i32
        %dma_wait3A_122 = tpu.memref_slice %arg2[%add3A_20, %dma_wait3A_121] : memref<12544x128xi32, #tpu.memory_space<hbm>> -> memref<8x128xi32, #tpu.memory_space<hbm>>
        tpu.wait_dma2 semaphore(%run_scoped3A : memref<!tpu.dma_semaphore, #tpu.memory_space<semaphore_mem>>) src(%dma_wait3A_122 : memref<8x128xi32, #tpu.memory_space<hbm>>) dst(%arg6 : memref<8x128xi32, #tpu.memory_space<vmem>>)
        tpu.yield
      }) : () -> ()
      %dma_start3A = arith.constant 0 : i32
      %dma_start3A_21 = arith.constant 0 : i32
      %dma_start3A_22 = tpu.memref_slice %arg6[%dma_start3A, %dma_start3A_21] : memref<8x128xi32, #tpu.memory_space<vmem>> -> memref<1x128xi32, #tpu.memory_space<vmem>>
      %dma_start3A_23 = tpu.memref_squeeze %dma_start3A_22 : memref<1x128xi32, #tpu.memory_space<vmem>> -> memref<128xi32, #tpu.memory_space<vmem>>
      %dma_start3A_24 = arith.constant 0 : i32
      %dma_start3A_25 = tpu.memref_slice %arg8[%dma_start3A_24] : memref<51200xf32, #tpu.memory_space<vmem_shared>> -> memref<51200xf32, #tpu.memory_space<vmem_shared>>
      tpu.enqueue_indirect_dma source(%arg7 : memref<128xf32, #tpu.memory_space<vmem>>) target(%dma_start3A_25 : memref<51200xf32, #tpu.memory_space<vmem_shared>>) offsets(%dma_start3A_23 : memref<128xi32, #tpu.memory_space<vmem>>) semaphore(%arg9 : memref<!tpu.dma_semaphore, #tpu.memory_space<semaphore_mem>>) {add = true}
      %dma_start3A_26 = arith.constant 1 : i32
      %dma_start3A_27 = arith.constant 0 : i32
      %dma_start3A_28 = tpu.memref_slice %arg6[%dma_start3A_26, %dma_start3A_27] : memref<8x128xi32, #tpu.memory_space<vmem>> -> memref<1x128xi32, #tpu.memory_space<vmem>>
      %dma_start3A_29 = tpu.memref_squeeze %dma_start3A_28 : memref<1x128xi32, #tpu.memory_space<vmem>> -> memref<128xi32, #tpu.memory_space<vmem>>
      %dma_start3A_30 = arith.constant 0 : i32
      %dma_start3A_31 = tpu.memref_slice %arg8[%dma_start3A_30] : memref<51200xf32, #tpu.memory_space<vmem_shared>> -> memref<51200xf32, #tpu.memory_space<vmem_shared>>
      tpu.enqueue_indirect_dma source(%arg7 : memref<128xf32, #tpu.memory_space<vmem>>) target(%dma_start3A_31 : memref<51200xf32, #tpu.memory_space<vmem_shared>>) offsets(%dma_start3A_29 : memref<128xi32, #tpu.memory_space<vmem>>) semaphore(%arg9 : memref<!tpu.dma_semaphore, #tpu.memory_space<semaphore_mem>>) {add = true}
      %dma_start3A_32 = arith.constant 2 : i32
      %dma_start3A_33 = arith.constant 0 : i32
      %dma_start3A_34 = tpu.memref_slice %arg6[%dma_start3A_32, %dma_start3A_33] : memref<8x128xi32, #tpu.memory_space<vmem>> -> memref<1x128xi32, #tpu.memory_space<vmem>>
      %dma_start3A_35 = tpu.memref_squeeze %dma_start3A_34 : memref<1x128xi32, #tpu.memory_space<vmem>> -> memref<128xi32, #tpu.memory_space<vmem>>
      %dma_start3A_36 = arith.constant 0 : i32
      %dma_start3A_37 = tpu.memref_slice %arg8[%dma_start3A_36] : memref<51200xf32, #tpu.memory_space<vmem_shared>> -> memref<51200xf32, #tpu.memory_space<vmem_shared>>
      tpu.enqueue_indirect_dma source(%arg7 : memref<128xf32, #tpu.memory_space<vmem>>) target(%dma_start3A_37 : memref<51200xf32, #tpu.memory_space<vmem_shared>>) offsets(%dma_start3A_35 : memref<128xi32, #tpu.memory_space<vmem>>) semaphore(%arg9 : memref<!tpu.dma_semaphore, #tpu.memory_space<semaphore_mem>>) {add = true}
      %dma_start3A_38 = arith.constant 3 : i32
      %dma_start3A_39 = arith.constant 0 : i32
      %dma_start3A_40 = tpu.memref_slice %arg6[%dma_start3A_38, %dma_start3A_39] : memref<8x128xi32, #tpu.memory_space<vmem>> -> memref<1x128xi32, #tpu.memory_space<vmem>>
      %dma_start3A_41 = tpu.memref_squeeze %dma_start3A_40 : memref<1x128xi32, #tpu.memory_space<vmem>> -> memref<128xi32, #tpu.memory_space<vmem>>
      %dma_start3A_42 = arith.constant 0 : i32
      %dma_start3A_43 = tpu.memref_slice %arg8[%dma_start3A_42] : memref<51200xf32, #tpu.memory_space<vmem_shared>> -> memref<51200xf32, #tpu.memory_space<vmem_shared>>
      tpu.enqueue_indirect_dma source(%arg7 : memref<128xf32, #tpu.memory_space<vmem>>) target(%dma_start3A_43 : memref<51200xf32, #tpu.memory_space<vmem_shared>>) offsets(%dma_start3A_41 : memref<128xi32, #tpu.memory_space<vmem>>) semaphore(%arg9 : memref<!tpu.dma_semaphore, #tpu.memory_space<semaphore_mem>>) {add = true}
      %dma_start3A_44 = arith.constant 4 : i32
      %dma_start3A_45 = arith.constant 0 : i32
      %dma_start3A_46 = tpu.memref_slice %arg6[%dma_start3A_44, %dma_start3A_45] : memref<8x128xi32, #tpu.memory_space<vmem>> -> memref<1x128xi32, #tpu.memory_space<vmem>>
      %dma_start3A_47 = tpu.memref_squeeze %dma_start3A_46 : memref<1x128xi32, #tpu.memory_space<vmem>> -> memref<128xi32, #tpu.memory_space<vmem>>
      %dma_start3A_48 = arith.constant 0 : i32
      %dma_start3A_49 = tpu.memref_slice %arg8[%dma_start3A_48] : memref<51200xf32, #tpu.memory_space<vmem_shared>> -> memref<51200xf32, #tpu.memory_space<vmem_shared>>
      tpu.enqueue_indirect_dma source(%arg7 : memref<128xf32, #tpu.memory_space<vmem>>) target(%dma_start3A_49 : memref<51200xf32, #tpu.memory_space<vmem_shared>>) offsets(%dma_start3A_47 : memref<128xi32, #tpu.memory_space<vmem>>) semaphore(%arg9 : memref<!tpu.dma_semaphore, #tpu.memory_space<semaphore_mem>>) {add = true}
      %dma_start3A_50 = arith.constant 5 : i32
      %dma_start3A_51 = arith.constant 0 : i32
      %dma_start3A_52 = tpu.memref_slice %arg6[%dma_start3A_50, %dma_start3A_51] : memref<8x128xi32, #tpu.memory_space<vmem>> -> memref<1x128xi32, #tpu.memory_space<vmem>>
      %dma_start3A_53 = tpu.memref_squeeze %dma_start3A_52 : memref<1x128xi32, #tpu.memory_space<vmem>> -> memref<128xi32, #tpu.memory_space<vmem>>
      %dma_start3A_54 = arith.constant 0 : i32
      %dma_start3A_55 = tpu.memref_slice %arg8[%dma_start3A_54] : memref<51200xf32, #tpu.memory_space<vmem_shared>> -> memref<51200xf32, #tpu.memory_space<vmem_shared>>
      tpu.enqueue_indirect_dma source(%arg7 : memref<128xf32, #tpu.memory_space<vmem>>) target(%dma_start3A_55 : memref<51200xf32, #tpu.memory_space<vmem_shared>>) offsets(%dma_start3A_53 : memref<128xi32, #tpu.memory_space<vmem>>) semaphore(%arg9 : memref<!tpu.dma_semaphore, #tpu.memory_space<semaphore_mem>>) {add = true}
      %dma_start3A_56 = arith.constant 6 : i32
      %dma_start3A_57 = arith.constant 0 : i32
      %dma_start3A_58 = tpu.memref_slice %arg6[%dma_start3A_56, %dma_start3A_57] : memref<8x128xi32, #tpu.memory_space<vmem>> -> memref<1x128xi32, #tpu.memory_space<vmem>>
      %dma_start3A_59 = tpu.memref_squeeze %dma_start3A_58 : memref<1x128xi32, #tpu.memory_space<vmem>> -> memref<128xi32, #tpu.memory_space<vmem>>
      %dma_start3A_60 = arith.constant 0 : i32
      %dma_start3A_61 = tpu.memref_slice %arg8[%dma_start3A_60] : memref<51200xf32, #tpu.memory_space<vmem_shared>> -> memref<51200xf32, #tpu.memory_space<vmem_shared>>
      tpu.enqueue_indirect_dma source(%arg7 : memref<128xf32, #tpu.memory_space<vmem>>) target(%dma_start3A_61 : memref<51200xf32, #tpu.memory_space<vmem_shared>>) offsets(%dma_start3A_59 : memref<128xi32, #tpu.memory_space<vmem>>) semaphore(%arg9 : memref<!tpu.dma_semaphore, #tpu.memory_space<semaphore_mem>>) {add = true}
      %dma_start3A_62 = arith.constant 7 : i32
      %dma_start3A_63 = arith.constant 0 : i32
      %dma_start3A_64 = tpu.memref_slice %arg6[%dma_start3A_62, %dma_start3A_63] : memref<8x128xi32, #tpu.memory_space<vmem>> -> memref<1x128xi32, #tpu.memory_space<vmem>>
      %dma_start3A_65 = tpu.memref_squeeze %dma_start3A_64 : memref<1x128xi32, #tpu.memory_space<vmem>> -> memref<128xi32, #tpu.memory_space<vmem>>
      %dma_start3A_66 = arith.constant 0 : i32
      %dma_start3A_67 = tpu.memref_slice %arg8[%dma_start3A_66] : memref<51200xf32, #tpu.memory_space<vmem_shared>> -> memref<51200xf32, #tpu.memory_space<vmem_shared>>
      tpu.enqueue_indirect_dma source(%arg7 : memref<128xf32, #tpu.memory_space<vmem>>) target(%dma_start3A_67 : memref<51200xf32, #tpu.memory_space<vmem_shared>>) offsets(%dma_start3A_65 : memref<128xi32, #tpu.memory_space<vmem>>) semaphore(%arg9 : memref<!tpu.dma_semaphore, #tpu.memory_space<semaphore_mem>>) {add = true}
      %dma_wait3A = arith.constant 0 : i32
      %dma_wait3A_68 = arith.constant 0 : i32
      %dma_wait3A_69 = tpu.memref_slice %arg6[%dma_wait3A, %dma_wait3A_68] : memref<8x128xi32, #tpu.memory_space<vmem>> -> memref<1x128xi32, #tpu.memory_space<vmem>>
      %dma_wait3A_70 = tpu.memref_squeeze %dma_wait3A_69 : memref<1x128xi32, #tpu.memory_space<vmem>> -> memref<128xi32, #tpu.memory_space<vmem>>
      %dma_wait3A_71 = arith.constant 0 : i32
      %dma_wait3A_72 = tpu.memref_slice %arg8[%dma_wait3A_71] : memref<51200xf32, #tpu.memory_space<vmem_shared>> -> memref<51200xf32, #tpu.memory_space<vmem_shared>>
      tpu.wait_indirect_dma semaphore(%arg9 : memref<!tpu.dma_semaphore, #tpu.memory_space<semaphore_mem>>) src(%arg7 : memref<128xf32, #tpu.memory_space<vmem>>) dst(%dma_wait3A_72 : memref<51200xf32, #tpu.memory_space<vmem_shared>>)
      %dma_wait3A_73 = arith.constant 1 : i32
      %dma_wait3A_74 = arith.constant 0 : i32
      %dma_wait3A_75 = tpu.memref_slice %arg6[%dma_wait3A_73, %dma_wait3A_74] : memref<8x128xi32, #tpu.memory_space<vmem>> -> memref<1x128xi32, #tpu.memory_space<vmem>>
      %dma_wait3A_76 = tpu.memref_squeeze %dma_wait3A_75 : memref<1x128xi32, #tpu.memory_space<vmem>> -> memref<128xi32, #tpu.memory_space<vmem>>
      %dma_wait3A_77 = arith.constant 0 : i32
      %dma_wait3A_78 = tpu.memref_slice %arg8[%dma_wait3A_77] : memref<51200xf32, #tpu.memory_space<vmem_shared>> -> memref<51200xf32, #tpu.memory_space<vmem_shared>>
      tpu.wait_indirect_dma semaphore(%arg9 : memref<!tpu.dma_semaphore, #tpu.memory_space<semaphore_mem>>) src(%arg7 : memref<128xf32, #tpu.memory_space<vmem>>) dst(%dma_wait3A_78 : memref<51200xf32, #tpu.memory_space<vmem_shared>>)
      %dma_wait3A_79 = arith.constant 2 : i32
      %dma_wait3A_80 = arith.constant 0 : i32
      %dma_wait3A_81 = tpu.memref_slice %arg6[%dma_wait3A_79, %dma_wait3A_80] : memref<8x128xi32, #tpu.memory_space<vmem>> -> memref<1x128xi32, #tpu.memory_space<vmem>>
      %dma_wait3A_82 = tpu.memref_squeeze %dma_wait3A_81 : memref<1x128xi32, #tpu.memory_space<vmem>> -> memref<128xi32, #tpu.memory_space<vmem>>
      %dma_wait3A_83 = arith.constant 0 : i32
      %dma_wait3A_84 = tpu.memref_slice %arg8[%dma_wait3A_83] : memref<51200xf32, #tpu.memory_space<vmem_shared>> -> memref<51200xf32, #tpu.memory_space<vmem_shared>>
      tpu.wait_indirect_dma semaphore(%arg9 : memref<!tpu.dma_semaphore, #tpu.memory_space<semaphore_mem>>) src(%arg7 : memref<128xf32, #tpu.memory_space<vmem>>) dst(%dma_wait3A_84 : memref<51200xf32, #tpu.memory_space<vmem_shared>>)
      %dma_wait3A_85 = arith.constant 3 : i32
      %dma_wait3A_86 = arith.constant 0 : i32
      %dma_wait3A_87 = tpu.memref_slice %arg6[%dma_wait3A_85, %dma_wait3A_86] : memref<8x128xi32, #tpu.memory_space<vmem>> -> memref<1x128xi32, #tpu.memory_space<vmem>>
      %dma_wait3A_88 = tpu.memref_squeeze %dma_wait3A_87 : memref<1x128xi32, #tpu.memory_space<vmem>> -> memref<128xi32, #tpu.memory_space<vmem>>
      %dma_wait3A_89 = arith.constant 0 : i32
      %dma_wait3A_90 = tpu.memref_slice %arg8[%dma_wait3A_89] : memref<51200xf32, #tpu.memory_space<vmem_shared>> -> memref<51200xf32, #tpu.memory_space<vmem_shared>>
      tpu.wait_indirect_dma semaphore(%arg9 : memref<!tpu.dma_semaphore, #tpu.memory_space<semaphore_mem>>) src(%arg7 : memref<128xf32, #tpu.memory_space<vmem>>) dst(%dma_wait3A_90 : memref<51200xf32, #tpu.memory_space<vmem_shared>>)
      %dma_wait3A_91 = arith.constant 4 : i32
      %dma_wait3A_92 = arith.constant 0 : i32
      %dma_wait3A_93 = tpu.memref_slice %arg6[%dma_wait3A_91, %dma_wait3A_92] : memref<8x128xi32, #tpu.memory_space<vmem>> -> memref<1x128xi32, #tpu.memory_space<vmem>>
      %dma_wait3A_94 = tpu.memref_squeeze %dma_wait3A_93 : memref<1x128xi32, #tpu.memory_space<vmem>> -> memref<128xi32, #tpu.memory_space<vmem>>
      %dma_wait3A_95 = arith.constant 0 : i32
      %dma_wait3A_96 = tpu.memref_slice %arg8[%dma_wait3A_95] : memref<51200xf32, #tpu.memory_space<vmem_shared>> -> memref<51200xf32, #tpu.memory_space<vmem_shared>>
      tpu.wait_indirect_dma semaphore(%arg9 : memref<!tpu.dma_semaphore, #tpu.memory_space<semaphore_mem>>) src(%arg7 : memref<128xf32, #tpu.memory_space<vmem>>) dst(%dma_wait3A_96 : memref<51200xf32, #tpu.memory_space<vmem_shared>>)
      %dma_wait3A_97 = arith.constant 5 : i32
      %dma_wait3A_98 = arith.constant 0 : i32
      %dma_wait3A_99 = tpu.memref_slice %arg6[%dma_wait3A_97, %dma_wait3A_98] : memref<8x128xi32, #tpu.memory_space<vmem>> -> memref<1x128xi32, #tpu.memory_space<vmem>>
      %dma_wait3A_100 = tpu.memref_squeeze %dma_wait3A_99 : memref<1x128xi32, #tpu.memory_space<vmem>> -> memref<128xi32, #tpu.memory_space<vmem>>
      %dma_wait3A_101 = arith.constant 0 : i32
      %dma_wait3A_102 = tpu.memref_slice %arg8[%dma_wait3A_101] : memref<51200xf32, #tpu.memory_space<vmem_shared>> -> memref<51200xf32, #tpu.memory_space<vmem_shared>>
      tpu.wait_indirect_dma semaphore(%arg9 : memref<!tpu.dma_semaphore, #tpu.memory_space<semaphore_mem>>) src(%arg7 : memref<128xf32, #tpu.memory_space<vmem>>) dst(%dma_wait3A_102 : memref<51200xf32, #tpu.memory_space<vmem_shared>>)
      %dma_wait3A_103 = arith.constant 6 : i32
      %dma_wait3A_104 = arith.constant 0 : i32
      %dma_wait3A_105 = tpu.memref_slice %arg6[%dma_wait3A_103, %dma_wait3A_104] : memref<8x128xi32, #tpu.memory_space<vmem>> -> memref<1x128xi32, #tpu.memory_space<vmem>>
      %dma_wait3A_106 = tpu.memref_squeeze %dma_wait3A_105 : memref<1x128xi32, #tpu.memory_space<vmem>> -> memref<128xi32, #tpu.memory_space<vmem>>
      %dma_wait3A_107 = arith.constant 0 : i32
      %dma_wait3A_108 = tpu.memref_slice %arg8[%dma_wait3A_107] : memref<51200xf32, #tpu.memory_space<vmem_shared>> -> memref<51200xf32, #tpu.memory_space<vmem_shared>>
      tpu.wait_indirect_dma semaphore(%arg9 : memref<!tpu.dma_semaphore, #tpu.memory_space<semaphore_mem>>) src(%arg7 : memref<128xf32, #tpu.memory_space<vmem>>) dst(%dma_wait3A_108 : memref<51200xf32, #tpu.memory_space<vmem_shared>>)
      %dma_wait3A_109 = arith.constant 7 : i32
      %dma_wait3A_110 = arith.constant 0 : i32
      %dma_wait3A_111 = tpu.memref_slice %arg6[%dma_wait3A_109, %dma_wait3A_110] : memref<8x128xi32, #tpu.memory_space<vmem>> -> memref<1x128xi32, #tpu.memory_space<vmem>>
      %dma_wait3A_112 = tpu.memref_squeeze %dma_wait3A_111 : memref<1x128xi32, #tpu.memory_space<vmem>> -> memref<128xi32, #tpu.memory_space<vmem>>
      %dma_wait3A_113 = arith.constant 0 : i32
      %dma_wait3A_114 = tpu.memref_slice %arg8[%dma_wait3A_113] : memref<51200xf32, #tpu.memory_space<vmem_shared>> -> memref<51200xf32, #tpu.memory_space<vmem_shared>>
      tpu.wait_indirect_dma semaphore(%arg9 : memref<!tpu.dma_semaphore, #tpu.memory_space<semaphore_mem>>) src(%arg7 : memref<128xf32, #tpu.memory_space<vmem>>) dst(%dma_wait3A_114 : memref<51200xf32, #tpu.memory_space<vmem_shared>>)
    }
    %scan3A_11 = arith.constant 49 : i32
    %barrier3A_12 = arith.constant 0 : index
    tpu.barrier barrier_id(%barrier3A_12)
    %mul3A_13 = arith.constant 3200 : i32
    %mul3A_14 = arith.muli %arg1, %mul3A_13 : i32
    %mul3A_15 = arith.constant 3200 : i32
    %mul3A_16 = arith.muli %arg1, %mul3A_15 : i32
    "tpu.region"() ({
      %run_scoped3A = tpu.sem_alloc : memref<!tpu.dma_semaphore, #tpu.memory_space<semaphore_mem>>
      %dma_start3A = tpu.memref_slice %arg5[%arg0, %mul3A_16] : memref<2x51200xf32, #tpu.memory_space<hbm>> -> memref<1x3200xf32, #tpu.memory_space<hbm>>
      %dma_start3A_17 = tpu.memref_squeeze %dma_start3A : memref<1x3200xf32, #tpu.memory_space<hbm>> -> memref<3200xf32, #tpu.memory_space<hbm>>
      %dma_start3A_18 = tpu.memref_slice %arg8[%mul3A_14] : memref<51200xf32, #tpu.memory_space<vmem_shared>> -> memref<3200xf32, #tpu.memory_space<vmem_shared>>
      tpu.enqueue_dma source(%dma_start3A_18 : memref<3200xf32, #tpu.memory_space<vmem_shared>>) target(%dma_start3A_17 : memref<3200xf32, #tpu.memory_space<hbm>>) target_semaphore(%run_scoped3A : memref<!tpu.dma_semaphore, #tpu.memory_space<semaphore_mem>>)
      %dma_wait3A = tpu.memref_slice %arg5[%arg0, %mul3A_16] : memref<2x51200xf32, #tpu.memory_space<hbm>> -> memref<1x3200xf32, #tpu.memory_space<hbm>>
      %dma_wait3A_19 = tpu.memref_squeeze %dma_wait3A : memref<1x3200xf32, #tpu.memory_space<hbm>> -> memref<3200xf32, #tpu.memory_space<hbm>>
      %dma_wait3A_20 = tpu.memref_slice %arg8[%mul3A_14] : memref<51200xf32, #tpu.memory_space<vmem_shared>> -> memref<3200xf32, #tpu.memory_space<vmem_shared>>
      tpu.wait_dma2 semaphore(%run_scoped3A : memref<!tpu.dma_semaphore, #tpu.memory_space<semaphore_mem>>) src(%dma_wait3A_20 : memref<3200xf32, #tpu.memory_space<vmem_shared>>) dst(%dma_wait3A_19 : memref<3200xf32, #tpu.memory_space<hbm>>)
      tpu.yield
    }) : () -> ()
    return
  }
}

#map = affine_map<(d0, d1) -> (0, 0)>
#map1 = affine_map<(d0, d1) -> (0, 0, 0)>
module attributes {stable_mosaic.version = 14 : i64} {
  func.func @prop(%arg0: i32, %arg1: i32, %arg2: memref<51200x16xf32, #tpu.memory_space<hbm>>, %arg3: memref<12544x128xi32, #tpu.memory_space<hbm>>, %arg4: memref<12544x128xi32, #tpu.memory_space<hbm>>, %arg5: memref<51200x16xf32, #tpu.memory_space<hbm>>, %arg6: memref<2x51200x16xf32, #tpu.memory_space<hbm>>, %arg7: memref<8x128xi32, #tpu.memory_space<vmem>>, %arg8: memref<8x128xi32, #tpu.memory_space<vmem>>, %arg9: memref<8x128x16xf32, #tpu.memory_space<vmem>>, %arg10: memref<51200x16xf32, #tpu.memory_space<vmem_shared>>, %arg11: memref<!tpu.dma_semaphore, #tpu.memory_space<semaphore_mem>>, %arg12: memref<!tpu.dma_semaphore, #tpu.memory_space<semaphore_mem>>) attributes {dimension_semantics = [#tpu.dimension_semantics<core_parallel>, #tpu.dimension_semantics<subcore_parallel>], iteration_bounds = array<i64: 2, 16>, scalar_prefetch = 0 : i64, scratch_operands = 6 : i64, tpu.core_type = #tpu.core_type<sc_vector_subcore>, window_params = [{transform_indices = #map}, {transform_indices = #map}, {transform_indices = #map}, {transform_indices = #map}, {transform_indices = #map1}]} {
    %mul3A = arith.constant 2 : i32
    %mul3A_0 = arith.muli %arg1, %mul3A : i32
    %add3A = arith.addi %mul3A_0, %arg0 : i32
    %mul3A_1 = arith.constant 3200 : i32
    %mul3A_2 = arith.muli %arg1, %mul3A_1 : i32
    %mul3A_3 = arith.constant 3200 : i32
    %mul3A_4 = arith.muli %arg1, %mul3A_3 : i32
    "tpu.region"() ({
      %run_scoped3A = tpu.sem_alloc : memref<!tpu.dma_semaphore, #tpu.memory_space<semaphore_mem>>
      %dma_start3A = arith.constant 0 : i32
      %dma_start3A_17 = tpu.memref_slice %arg10[%mul3A_4, %dma_start3A] : memref<51200x16xf32, #tpu.memory_space<vmem_shared>> -> memref<3200x16xf32, #tpu.memory_space<vmem_shared>>
      %dma_start3A_18 = arith.constant 0 : i32
      %dma_start3A_19 = tpu.memref_slice %arg5[%mul3A_2, %dma_start3A_18] : memref<51200x16xf32, #tpu.memory_space<hbm>> -> memref<3200x16xf32, #tpu.memory_space<hbm>>
      tpu.enqueue_dma source(%dma_start3A_19 : memref<3200x16xf32, #tpu.memory_space<hbm>>) target(%dma_start3A_17 : memref<3200x16xf32, #tpu.memory_space<vmem_shared>>) target_semaphore(%run_scoped3A : memref<!tpu.dma_semaphore, #tpu.memory_space<semaphore_mem>>)
      %dma_wait3A = arith.constant 0 : i32
      %dma_wait3A_20 = tpu.memref_slice %arg10[%mul3A_4, %dma_wait3A] : memref<51200x16xf32, #tpu.memory_space<vmem_shared>> -> memref<3200x16xf32, #tpu.memory_space<vmem_shared>>
      %dma_wait3A_21 = arith.constant 0 : i32
      %dma_wait3A_22 = tpu.memref_slice %arg5[%mul3A_2, %dma_wait3A_21] : memref<51200x16xf32, #tpu.memory_space<hbm>> -> memref<3200x16xf32, #tpu.memory_space<hbm>>
      tpu.wait_dma2 semaphore(%run_scoped3A : memref<!tpu.dma_semaphore, #tpu.memory_space<semaphore_mem>>) src(%dma_wait3A_22 : memref<3200x16xf32, #tpu.memory_space<hbm>>) dst(%dma_wait3A_20 : memref<3200x16xf32, #tpu.memory_space<vmem_shared>>)
      tpu.yield
    }) : () -> ()
    %barrier3A = arith.constant 0 : index
    tpu.barrier barrier_id(%barrier3A)
    %mul3A_5 = arith.constant 392 : i32
    %mul3A_6 = arith.muli %add3A, %mul3A_5 : i32
    %scan3A = arith.constant 0 : i32
    %scan3A_7 = arith.constant 0 : i32
    %scan3A_8 = arith.constant 49 : i32
    %scan3A_9 = arith.addi %scan3A_7, %scan3A_8 : i32
    %scan3A_10 = arith.constant 1 : i32
    scf.for %scan3A_17 = %scan3A_7 to %scan3A_9 step %scan3A_10  : i32 {
      %mul3A_18 = arith.constant 8 : i32
      %mul3A_19 = arith.muli %scan3A_17, %mul3A_18 : i32
      %add3A_20 = arith.addi %mul3A_6, %mul3A_19 : i32
      "tpu.region"() ({
        %run_scoped3A = tpu.sem_alloc : memref<!tpu.dma_semaphore, #tpu.memory_space<semaphore_mem>>
        %dma_start3A_403 = arith.constant 0 : i32
        %dma_start3A_404 = tpu.memref_slice %arg3[%add3A_20, %dma_start3A_403] : memref<12544x128xi32, #tpu.memory_space<hbm>> -> memref<8x128xi32, #tpu.memory_space<hbm>>
        %dma_start3A_405 = arith.constant 0 : i32
        %dma_start3A_406 = tpu.memref_slice %arg3[%add3A_20, %dma_start3A_405] : memref<12544x128xi32, #tpu.memory_space<hbm>> -> memref<8x128xi32, #tpu.memory_space<hbm>>
        tpu.enqueue_dma source(%dma_start3A_406 : memref<8x128xi32, #tpu.memory_space<hbm>>) target(%arg7 : memref<8x128xi32, #tpu.memory_space<vmem>>) target_semaphore(%run_scoped3A : memref<!tpu.dma_semaphore, #tpu.memory_space<semaphore_mem>>)
        %dma_wait3A_407 = arith.constant 0 : i32
        %dma_wait3A_408 = tpu.memref_slice %arg3[%add3A_20, %dma_wait3A_407] : memref<12544x128xi32, #tpu.memory_space<hbm>> -> memref<8x128xi32, #tpu.memory_space<hbm>>
        %dma_wait3A_409 = arith.constant 0 : i32
        %dma_wait3A_410 = tpu.memref_slice %arg3[%add3A_20, %dma_wait3A_409] : memref<12544x128xi32, #tpu.memory_space<hbm>> -> memref<8x128xi32, #tpu.memory_space<hbm>>
        tpu.wait_dma2 semaphore(%run_scoped3A : memref<!tpu.dma_semaphore, #tpu.memory_space<semaphore_mem>>) src(%dma_wait3A_410 : memref<8x128xi32, #tpu.memory_space<hbm>>) dst(%arg7 : memref<8x128xi32, #tpu.memory_space<vmem>>)
        tpu.yield
      }) : () -> ()
      "tpu.region"() ({
        %run_scoped3A = tpu.sem_alloc : memref<!tpu.dma_semaphore, #tpu.memory_space<semaphore_mem>>
        %dma_start3A_403 = arith.constant 0 : i32
        %dma_start3A_404 = tpu.memref_slice %arg4[%add3A_20, %dma_start3A_403] : memref<12544x128xi32, #tpu.memory_space<hbm>> -> memref<8x128xi32, #tpu.memory_space<hbm>>
        %dma_start3A_405 = arith.constant 0 : i32
        %dma_start3A_406 = tpu.memref_slice %arg4[%add3A_20, %dma_start3A_405] : memref<12544x128xi32, #tpu.memory_space<hbm>> -> memref<8x128xi32, #tpu.memory_space<hbm>>
        tpu.enqueue_dma source(%dma_start3A_406 : memref<8x128xi32, #tpu.memory_space<hbm>>) target(%arg8 : memref<8x128xi32, #tpu.memory_space<vmem>>) target_semaphore(%run_scoped3A : memref<!tpu.dma_semaphore, #tpu.memory_space<semaphore_mem>>)
        %dma_wait3A_407 = arith.constant 0 : i32
        %dma_wait3A_408 = tpu.memref_slice %arg4[%add3A_20, %dma_wait3A_407] : memref<12544x128xi32, #tpu.memory_space<hbm>> -> memref<8x128xi32, #tpu.memory_space<hbm>>
        %dma_wait3A_409 = arith.constant 0 : i32
        %dma_wait3A_410 = tpu.memref_slice %arg4[%add3A_20, %dma_wait3A_409] : memref<12544x128xi32, #tpu.memory_space<hbm>> -> memref<8x128xi32, #tpu.memory_space<hbm>>
        tpu.wait_dma2 semaphore(%run_scoped3A : memref<!tpu.dma_semaphore, #tpu.memory_space<semaphore_mem>>) src(%dma_wait3A_410 : memref<8x128xi32, #tpu.memory_space<hbm>>) dst(%arg8 : memref<8x128xi32, #tpu.memory_space<vmem>>)
        tpu.yield
      }) : () -> ()
      %dma_start3A = arith.constant 0 : i32
      %dma_start3A_21 = arith.constant 0 : i32
      %dma_start3A_22 = arith.constant 0 : i32
      %dma_start3A_23 = arith.constant 0 : i32
      %dma_start3A_24 = tpu.memref_slice %arg9[%dma_start3A_21, %dma_start3A_22, %dma_start3A_23] : memref<8x128x16xf32, #tpu.memory_space<vmem>> -> memref<1x128x16xf32, #tpu.memory_space<vmem>>
      %dma_start3A_25 = tpu.memref_squeeze %dma_start3A_24 : memref<1x128x16xf32, #tpu.memory_space<vmem>> -> memref<128x16xf32, #tpu.memory_space<vmem>>
      %dma_start3A_26 = arith.constant 0 : i32
      %dma_start3A_27 = tpu.memref_slice %arg7[%dma_start3A, %dma_start3A_26] : memref<8x128xi32, #tpu.memory_space<vmem>> -> memref<1x128xi32, #tpu.memory_space<vmem>>
      %dma_start3A_28 = tpu.memref_squeeze %dma_start3A_27 : memref<1x128xi32, #tpu.memory_space<vmem>> -> memref<128xi32, #tpu.memory_space<vmem>>
      %dma_start3A_29 = arith.constant 0 : i32
      %dma_start3A_30 = arith.constant 0 : i32
      %dma_start3A_31 = tpu.memref_slice %arg2[%dma_start3A_29, %dma_start3A_30] : memref<51200x16xf32, #tpu.memory_space<hbm>> -> memref<51200x16xf32, #tpu.memory_space<hbm>>
      tpu.enqueue_indirect_dma source(%dma_start3A_31 : memref<51200x16xf32, #tpu.memory_space<hbm>>) target(%dma_start3A_25 : memref<128x16xf32, #tpu.memory_space<vmem>>) offsets(%dma_start3A_28 : memref<128xi32, #tpu.memory_space<vmem>>) semaphore(%arg11 : memref<!tpu.dma_semaphore, #tpu.memory_space<semaphore_mem>>)
      %dma_start3A_32 = arith.constant 1 : i32
      %dma_start3A_33 = arith.constant 1 : i32
      %dma_start3A_34 = arith.constant 0 : i32
      %dma_start3A_35 = arith.constant 0 : i32
      %dma_start3A_36 = tpu.memref_slice %arg9[%dma_start3A_33, %dma_start3A_34, %dma_start3A_35] : memref<8x128x16xf32, #tpu.memory_space<vmem>> -> memref<1x128x16xf32, #tpu.memory_space<vmem>>
      %dma_start3A_37 = tpu.memref_squeeze %dma_start3A_36 : memref<1x128x16xf32, #tpu.memory_space<vmem>> -> memref<128x16xf32, #tpu.memory_space<vmem>>
      %dma_start3A_38 = arith.constant 0 : i32
      %dma_start3A_39 = tpu.memref_slice %arg7[%dma_start3A_32, %dma_start3A_38] : memref<8x128xi32, #tpu.memory_space<vmem>> -> memref<1x128xi32, #tpu.memory_space<vmem>>
      %dma_start3A_40 = tpu.memref_squeeze %dma_start3A_39 : memref<1x128xi32, #tpu.memory_space<vmem>> -> memref<128xi32, #tpu.memory_space<vmem>>
      %dma_start3A_41 = arith.constant 0 : i32
      %dma_start3A_42 = arith.constant 0 : i32
      %dma_start3A_43 = tpu.memref_slice %arg2[%dma_start3A_41, %dma_start3A_42] : memref<51200x16xf32, #tpu.memory_space<hbm>> -> memref<51200x16xf32, #tpu.memory_space<hbm>>
      tpu.enqueue_indirect_dma source(%dma_start3A_43 : memref<51200x16xf32, #tpu.memory_space<hbm>>) target(%dma_start3A_37 : memref<128x16xf32, #tpu.memory_space<vmem>>) offsets(%dma_start3A_40 : memref<128xi32, #tpu.memory_space<vmem>>) semaphore(%arg11 : memref<!tpu.dma_semaphore, #tpu.memory_space<semaphore_mem>>)
      %dma_start3A_44 = arith.constant 2 : i32
      %dma_start3A_45 = arith.constant 2 : i32
      %dma_start3A_46 = arith.constant 0 : i32
      %dma_start3A_47 = arith.constant 0 : i32
      %dma_start3A_48 = tpu.memref_slice %arg9[%dma_start3A_45, %dma_start3A_46, %dma_start3A_47] : memref<8x128x16xf32, #tpu.memory_space<vmem>> -> memref<1x128x16xf32, #tpu.memory_space<vmem>>
      %dma_start3A_49 = tpu.memref_squeeze %dma_start3A_48 : memref<1x128x16xf32, #tpu.memory_space<vmem>> -> memref<128x16xf32, #tpu.memory_space<vmem>>
      %dma_start3A_50 = arith.constant 0 : i32
      %dma_start3A_51 = tpu.memref_slice %arg7[%dma_start3A_44, %dma_start3A_50] : memref<8x128xi32, #tpu.memory_space<vmem>> -> memref<1x128xi32, #tpu.memory_space<vmem>>
      %dma_start3A_52 = tpu.memref_squeeze %dma_start3A_51 : memref<1x128xi32, #tpu.memory_space<vmem>> -> memref<128xi32, #tpu.memory_space<vmem>>
      %dma_start3A_53 = arith.constant 0 : i32
      %dma_start3A_54 = arith.constant 0 : i32
      %dma_start3A_55 = tpu.memref_slice %arg2[%dma_start3A_53, %dma_start3A_54] : memref<51200x16xf32, #tpu.memory_space<hbm>> -> memref<51200x16xf32, #tpu.memory_space<hbm>>
      tpu.enqueue_indirect_dma source(%dma_start3A_55 : memref<51200x16xf32, #tpu.memory_space<hbm>>) target(%dma_start3A_49 : memref<128x16xf32, #tpu.memory_space<vmem>>) offsets(%dma_start3A_52 : memref<128xi32, #tpu.memory_space<vmem>>) semaphore(%arg11 : memref<!tpu.dma_semaphore, #tpu.memory_space<semaphore_mem>>)
      %dma_start3A_56 = arith.constant 3 : i32
      %dma_start3A_57 = arith.constant 3 : i32
      %dma_start3A_58 = arith.constant 0 : i32
      %dma_start3A_59 = arith.constant 0 : i32
      %dma_start3A_60 = tpu.memref_slice %arg9[%dma_start3A_57, %dma_start3A_58, %dma_start3A_59] : memref<8x128x16xf32, #tpu.memory_space<vmem>> -> memref<1x128x16xf32, #tpu.memory_space<vmem>>
      %dma_start3A_61 = tpu.memref_squeeze %dma_start3A_60 : memref<1x128x16xf32, #tpu.memory_space<vmem>> -> memref<128x16xf32, #tpu.memory_space<vmem>>
      %dma_start3A_62 = arith.constant 0 : i32
      %dma_start3A_63 = tpu.memref_slice %arg7[%dma_start3A_56, %dma_start3A_62] : memref<8x128xi32, #tpu.memory_space<vmem>> -> memref<1x128xi32, #tpu.memory_space<vmem>>
      %dma_start3A_64 = tpu.memref_squeeze %dma_start3A_63 : memref<1x128xi32, #tpu.memory_space<vmem>> -> memref<128xi32, #tpu.memory_space<vmem>>
      %dma_start3A_65 = arith.constant 0 : i32
      %dma_start3A_66 = arith.constant 0 : i32
      %dma_start3A_67 = tpu.memref_slice %arg2[%dma_start3A_65, %dma_start3A_66] : memref<51200x16xf32, #tpu.memory_space<hbm>> -> memref<51200x16xf32, #tpu.memory_space<hbm>>
      tpu.enqueue_indirect_dma source(%dma_start3A_67 : memref<51200x16xf32, #tpu.memory_space<hbm>>) target(%dma_start3A_61 : memref<128x16xf32, #tpu.memory_space<vmem>>) offsets(%dma_start3A_64 : memref<128xi32, #tpu.memory_space<vmem>>) semaphore(%arg11 : memref<!tpu.dma_semaphore, #tpu.memory_space<semaphore_mem>>)
      %dma_start3A_68 = arith.constant 4 : i32
      %dma_start3A_69 = arith.constant 4 : i32
      %dma_start3A_70 = arith.constant 0 : i32
      %dma_start3A_71 = arith.constant 0 : i32
      %dma_start3A_72 = tpu.memref_slice %arg9[%dma_start3A_69, %dma_start3A_70, %dma_start3A_71] : memref<8x128x16xf32, #tpu.memory_space<vmem>> -> memref<1x128x16xf32, #tpu.memory_space<vmem>>
      %dma_start3A_73 = tpu.memref_squeeze %dma_start3A_72 : memref<1x128x16xf32, #tpu.memory_space<vmem>> -> memref<128x16xf32, #tpu.memory_space<vmem>>
      %dma_start3A_74 = arith.constant 0 : i32
      %dma_start3A_75 = tpu.memref_slice %arg7[%dma_start3A_68, %dma_start3A_74] : memref<8x128xi32, #tpu.memory_space<vmem>> -> memref<1x128xi32, #tpu.memory_space<vmem>>
      %dma_start3A_76 = tpu.memref_squeeze %dma_start3A_75 : memref<1x128xi32, #tpu.memory_space<vmem>> -> memref<128xi32, #tpu.memory_space<vmem>>
      %dma_start3A_77 = arith.constant 0 : i32
      %dma_start3A_78 = arith.constant 0 : i32
      %dma_start3A_79 = tpu.memref_slice %arg2[%dma_start3A_77, %dma_start3A_78] : memref<51200x16xf32, #tpu.memory_space<hbm>> -> memref<51200x16xf32, #tpu.memory_space<hbm>>
      tpu.enqueue_indirect_dma source(%dma_start3A_79 : memref<51200x16xf32, #tpu.memory_space<hbm>>) target(%dma_start3A_73 : memref<128x16xf32, #tpu.memory_space<vmem>>) offsets(%dma_start3A_76 : memref<128xi32, #tpu.memory_space<vmem>>) semaphore(%arg11 : memref<!tpu.dma_semaphore, #tpu.memory_space<semaphore_mem>>)
      %dma_start3A_80 = arith.constant 5 : i32
      %dma_start3A_81 = arith.constant 5 : i32
      %dma_start3A_82 = arith.constant 0 : i32
      %dma_start3A_83 = arith.constant 0 : i32
      %dma_start3A_84 = tpu.memref_slice %arg9[%dma_start3A_81, %dma_start3A_82, %dma_start3A_83] : memref<8x128x16xf32, #tpu.memory_space<vmem>> -> memref<1x128x16xf32, #tpu.memory_space<vmem>>
      %dma_start3A_85 = tpu.memref_squeeze %dma_start3A_84 : memref<1x128x16xf32, #tpu.memory_space<vmem>> -> memref<128x16xf32, #tpu.memory_space<vmem>>
      %dma_start3A_86 = arith.constant 0 : i32
      %dma_start3A_87 = tpu.memref_slice %arg7[%dma_start3A_80, %dma_start3A_86] : memref<8x128xi32, #tpu.memory_space<vmem>> -> memref<1x128xi32, #tpu.memory_space<vmem>>
      %dma_start3A_88 = tpu.memref_squeeze %dma_start3A_87 : memref<1x128xi32, #tpu.memory_space<vmem>> -> memref<128xi32, #tpu.memory_space<vmem>>
      %dma_start3A_89 = arith.constant 0 : i32
      %dma_start3A_90 = arith.constant 0 : i32
      %dma_start3A_91 = tpu.memref_slice %arg2[%dma_start3A_89, %dma_start3A_90] : memref<51200x16xf32, #tpu.memory_space<hbm>> -> memref<51200x16xf32, #tpu.memory_space<hbm>>
      tpu.enqueue_indirect_dma source(%dma_start3A_91 : memref<51200x16xf32, #tpu.memory_space<hbm>>) target(%dma_start3A_85 : memref<128x16xf32, #tpu.memory_space<vmem>>) offsets(%dma_start3A_88 : memref<128xi32, #tpu.memory_space<vmem>>) semaphore(%arg11 : memref<!tpu.dma_semaphore, #tpu.memory_space<semaphore_mem>>)
      %dma_start3A_92 = arith.constant 6 : i32
      %dma_start3A_93 = arith.constant 6 : i32
      %dma_start3A_94 = arith.constant 0 : i32
      %dma_start3A_95 = arith.constant 0 : i32
      %dma_start3A_96 = tpu.memref_slice %arg9[%dma_start3A_93, %dma_start3A_94, %dma_start3A_95] : memref<8x128x16xf32, #tpu.memory_space<vmem>> -> memref<1x128x16xf32, #tpu.memory_space<vmem>>
      %dma_start3A_97 = tpu.memref_squeeze %dma_start3A_96 : memref<1x128x16xf32, #tpu.memory_space<vmem>> -> memref<128x16xf32, #tpu.memory_space<vmem>>
      %dma_start3A_98 = arith.constant 0 : i32
      %dma_start3A_99 = tpu.memref_slice %arg7[%dma_start3A_92, %dma_start3A_98] : memref<8x128xi32, #tpu.memory_space<vmem>> -> memref<1x128xi32, #tpu.memory_space<vmem>>
      %dma_start3A_100 = tpu.memref_squeeze %dma_start3A_99 : memref<1x128xi32, #tpu.memory_space<vmem>> -> memref<128xi32, #tpu.memory_space<vmem>>
      %dma_start3A_101 = arith.constant 0 : i32
      %dma_start3A_102 = arith.constant 0 : i32
      %dma_start3A_103 = tpu.memref_slice %arg2[%dma_start3A_101, %dma_start3A_102] : memref<51200x16xf32, #tpu.memory_space<hbm>> -> memref<51200x16xf32, #tpu.memory_space<hbm>>
      tpu.enqueue_indirect_dma source(%dma_start3A_103 : memref<51200x16xf32, #tpu.memory_space<hbm>>) target(%dma_start3A_97 : memref<128x16xf32, #tpu.memory_space<vmem>>) offsets(%dma_start3A_100 : memref<128xi32, #tpu.memory_space<vmem>>) semaphore(%arg11 : memref<!tpu.dma_semaphore, #tpu.memory_space<semaphore_mem>>)
      %dma_start3A_104 = arith.constant 7 : i32
      %dma_start3A_105 = arith.constant 7 : i32
      %dma_start3A_106 = arith.constant 0 : i32
      %dma_start3A_107 = arith.constant 0 : i32
      %dma_start3A_108 = tpu.memref_slice %arg9[%dma_start3A_105, %dma_start3A_106, %dma_start3A_107] : memref<8x128x16xf32, #tpu.memory_space<vmem>> -> memref<1x128x16xf32, #tpu.memory_space<vmem>>
      %dma_start3A_109 = tpu.memref_squeeze %dma_start3A_108 : memref<1x128x16xf32, #tpu.memory_space<vmem>> -> memref<128x16xf32, #tpu.memory_space<vmem>>
      %dma_start3A_110 = arith.constant 0 : i32
      %dma_start3A_111 = tpu.memref_slice %arg7[%dma_start3A_104, %dma_start3A_110] : memref<8x128xi32, #tpu.memory_space<vmem>> -> memref<1x128xi32, #tpu.memory_space<vmem>>
      %dma_start3A_112 = tpu.memref_squeeze %dma_start3A_111 : memref<1x128xi32, #tpu.memory_space<vmem>> -> memref<128xi32, #tpu.memory_space<vmem>>
      %dma_start3A_113 = arith.constant 0 : i32
      %dma_start3A_114 = arith.constant 0 : i32
      %dma_start3A_115 = tpu.memref_slice %arg2[%dma_start3A_113, %dma_start3A_114] : memref<51200x16xf32, #tpu.memory_space<hbm>> -> memref<51200x16xf32, #tpu.memory_space<hbm>>
      tpu.enqueue_indirect_dma source(%dma_start3A_115 : memref<51200x16xf32, #tpu.memory_space<hbm>>) target(%dma_start3A_109 : memref<128x16xf32, #tpu.memory_space<vmem>>) offsets(%dma_start3A_112 : memref<128xi32, #tpu.memory_space<vmem>>) semaphore(%arg11 : memref<!tpu.dma_semaphore, #tpu.memory_space<semaphore_mem>>)
      %dma_wait3A = arith.constant 0 : i32
      %dma_wait3A_116 = arith.constant 0 : i32
      %dma_wait3A_117 = arith.constant 0 : i32
      %dma_wait3A_118 = arith.constant 0 : i32
      %dma_wait3A_119 = tpu.memref_slice %arg9[%dma_wait3A_116, %dma_wait3A_117, %dma_wait3A_118] : memref<8x128x16xf32, #tpu.memory_space<vmem>> -> memref<1x128x16xf32, #tpu.memory_space<vmem>>
      %dma_wait3A_120 = tpu.memref_squeeze %dma_wait3A_119 : memref<1x128x16xf32, #tpu.memory_space<vmem>> -> memref<128x16xf32, #tpu.memory_space<vmem>>
      %dma_wait3A_121 = arith.constant 0 : i32
      %dma_wait3A_122 = tpu.memref_slice %arg7[%dma_wait3A, %dma_wait3A_121] : memref<8x128xi32, #tpu.memory_space<vmem>> -> memref<1x128xi32, #tpu.memory_space<vmem>>
      %dma_wait3A_123 = tpu.memref_squeeze %dma_wait3A_122 : memref<1x128xi32, #tpu.memory_space<vmem>> -> memref<128xi32, #tpu.memory_space<vmem>>
      %dma_wait3A_124 = arith.constant 0 : i32
      %dma_wait3A_125 = arith.constant 0 : i32
      %dma_wait3A_126 = tpu.memref_slice %arg2[%dma_wait3A_124, %dma_wait3A_125] : memref<51200x16xf32, #tpu.memory_space<hbm>> -> memref<51200x16xf32, #tpu.memory_space<hbm>>
      tpu.wait_indirect_dma semaphore(%arg11 : memref<!tpu.dma_semaphore, #tpu.memory_space<semaphore_mem>>) src(%dma_wait3A_126 : memref<51200x16xf32, #tpu.memory_space<hbm>>) dst(%dma_wait3A_120 : memref<128x16xf32, #tpu.memory_space<vmem>>)
      %dma_start3A_127 = arith.constant 0 : i32
      %dma_start3A_128 = arith.constant 0 : i32
      %dma_start3A_129 = arith.constant 0 : i32
      %dma_start3A_130 = arith.constant 0 : i32
      %dma_start3A_131 = tpu.memref_slice %arg9[%dma_start3A_127, %dma_start3A_129, %dma_start3A_130] : memref<8x128x16xf32, #tpu.memory_space<vmem>> -> memref<1x128x16xf32, #tpu.memory_space<vmem>>
      %dma_start3A_132 = tpu.memref_squeeze %dma_start3A_131 : memref<1x128x16xf32, #tpu.memory_space<vmem>> -> memref<128x16xf32, #tpu.memory_space<vmem>>
      %dma_start3A_133 = arith.constant 0 : i32
      %dma_start3A_134 = tpu.memref_slice %arg8[%dma_start3A_128, %dma_start3A_133] : memref<8x128xi32, #tpu.memory_space<vmem>> -> memref<1x128xi32, #tpu.memory_space<vmem>>
      %dma_start3A_135 = tpu.memref_squeeze %dma_start3A_134 : memref<1x128xi32, #tpu.memory_space<vmem>> -> memref<128xi32, #tpu.memory_space<vmem>>
      %dma_start3A_136 = arith.constant 0 : i32
      %dma_start3A_137 = arith.constant 0 : i32
      %dma_start3A_138 = tpu.memref_slice %arg10[%dma_start3A_136, %dma_start3A_137] : memref<51200x16xf32, #tpu.memory_space<vmem_shared>> -> memref<51200x16xf32, #tpu.memory_space<vmem_shared>>
      tpu.enqueue_indirect_dma source(%dma_start3A_132 : memref<128x16xf32, #tpu.memory_space<vmem>>) target(%dma_start3A_138 : memref<51200x16xf32, #tpu.memory_space<vmem_shared>>) offsets(%dma_start3A_135 : memref<128xi32, #tpu.memory_space<vmem>>) semaphore(%arg12 : memref<!tpu.dma_semaphore, #tpu.memory_space<semaphore_mem>>) {add = true}
      %dma_wait3A_139 = arith.constant 1 : i32
      %dma_wait3A_140 = arith.constant 1 : i32
      %dma_wait3A_141 = arith.constant 0 : i32
      %dma_wait3A_142 = arith.constant 0 : i32
      %dma_wait3A_143 = tpu.memref_slice %arg9[%dma_wait3A_140, %dma_wait3A_141, %dma_wait3A_142] : memref<8x128x16xf32, #tpu.memory_space<vmem>> -> memref<1x128x16xf32, #tpu.memory_space<vmem>>
      %dma_wait3A_144 = tpu.memref_squeeze %dma_wait3A_143 : memref<1x128x16xf32, #tpu.memory_space<vmem>> -> memref<128x16xf32, #tpu.memory_space<vmem>>
      %dma_wait3A_145 = arith.constant 0 : i32
      %dma_wait3A_146 = tpu.memref_slice %arg7[%dma_wait3A_139, %dma_wait3A_145] : memref<8x128xi32, #tpu.memory_space<vmem>> -> memref<1x128xi32, #tpu.memory_space<vmem>>
      %dma_wait3A_147 = tpu.memref_squeeze %dma_wait3A_146 : memref<1x128xi32, #tpu.memory_space<vmem>> -> memref<128xi32, #tpu.memory_space<vmem>>
      %dma_wait3A_148 = arith.constant 0 : i32
      %dma_wait3A_149 = arith.constant 0 : i32
      %dma_wait3A_150 = tpu.memref_slice %arg2[%dma_wait3A_148, %dma_wait3A_149] : memref<51200x16xf32, #tpu.memory_space<hbm>> -> memref<51200x16xf32, #tpu.memory_space<hbm>>
      tpu.wait_indirect_dma semaphore(%arg11 : memref<!tpu.dma_semaphore, #tpu.memory_space<semaphore_mem>>) src(%dma_wait3A_150 : memref<51200x16xf32, #tpu.memory_space<hbm>>) dst(%dma_wait3A_144 : memref<128x16xf32, #tpu.memory_space<vmem>>)
      %dma_start3A_151 = arith.constant 1 : i32
      %dma_start3A_152 = arith.constant 1 : i32
      %dma_start3A_153 = arith.constant 0 : i32
      %dma_start3A_154 = arith.constant 0 : i32
      %dma_start3A_155 = tpu.memref_slice %arg9[%dma_start3A_151, %dma_start3A_153, %dma_start3A_154] : memref<8x128x16xf32, #tpu.memory_space<vmem>> -> memref<1x128x16xf32, #tpu.memory_space<vmem>>
      %dma_start3A_156 = tpu.memref_squeeze %dma_start3A_155 : memref<1x128x16xf32, #tpu.memory_space<vmem>> -> memref<128x16xf32, #tpu.memory_space<vmem>>
      %dma_start3A_157 = arith.constant 0 : i32
      %dma_start3A_158 = tpu.memref_slice %arg8[%dma_start3A_152, %dma_start3A_157] : memref<8x128xi32, #tpu.memory_space<vmem>> -> memref<1x128xi32, #tpu.memory_space<vmem>>
      %dma_start3A_159 = tpu.memref_squeeze %dma_start3A_158 : memref<1x128xi32, #tpu.memory_space<vmem>> -> memref<128xi32, #tpu.memory_space<vmem>>
      %dma_start3A_160 = arith.constant 0 : i32
      %dma_start3A_161 = arith.constant 0 : i32
      %dma_start3A_162 = tpu.memref_slice %arg10[%dma_start3A_160, %dma_start3A_161] : memref<51200x16xf32, #tpu.memory_space<vmem_shared>> -> memref<51200x16xf32, #tpu.memory_space<vmem_shared>>
      tpu.enqueue_indirect_dma source(%dma_start3A_156 : memref<128x16xf32, #tpu.memory_space<vmem>>) target(%dma_start3A_162 : memref<51200x16xf32, #tpu.memory_space<vmem_shared>>) offsets(%dma_start3A_159 : memref<128xi32, #tpu.memory_space<vmem>>) semaphore(%arg12 : memref<!tpu.dma_semaphore, #tpu.memory_space<semaphore_mem>>) {add = true}
      %dma_wait3A_163 = arith.constant 2 : i32
      %dma_wait3A_164 = arith.constant 2 : i32
      %dma_wait3A_165 = arith.constant 0 : i32
      %dma_wait3A_166 = arith.constant 0 : i32
      %dma_wait3A_167 = tpu.memref_slice %arg9[%dma_wait3A_164, %dma_wait3A_165, %dma_wait3A_166] : memref<8x128x16xf32, #tpu.memory_space<vmem>> -> memref<1x128x16xf32, #tpu.memory_space<vmem>>
      %dma_wait3A_168 = tpu.memref_squeeze %dma_wait3A_167 : memref<1x128x16xf32, #tpu.memory_space<vmem>> -> memref<128x16xf32, #tpu.memory_space<vmem>>
      %dma_wait3A_169 = arith.constant 0 : i32
      %dma_wait3A_170 = tpu.memref_slice %arg7[%dma_wait3A_163, %dma_wait3A_169] : memref<8x128xi32, #tpu.memory_space<vmem>> -> memref<1x128xi32, #tpu.memory_space<vmem>>
      %dma_wait3A_171 = tpu.memref_squeeze %dma_wait3A_170 : memref<1x128xi32, #tpu.memory_space<vmem>> -> memref<128xi32, #tpu.memory_space<vmem>>
      %dma_wait3A_172 = arith.constant 0 : i32
      %dma_wait3A_173 = arith.constant 0 : i32
      %dma_wait3A_174 = tpu.memref_slice %arg2[%dma_wait3A_172, %dma_wait3A_173] : memref<51200x16xf32, #tpu.memory_space<hbm>> -> memref<51200x16xf32, #tpu.memory_space<hbm>>
      tpu.wait_indirect_dma semaphore(%arg11 : memref<!tpu.dma_semaphore, #tpu.memory_space<semaphore_mem>>) src(%dma_wait3A_174 : memref<51200x16xf32, #tpu.memory_space<hbm>>) dst(%dma_wait3A_168 : memref<128x16xf32, #tpu.memory_space<vmem>>)
      %dma_start3A_175 = arith.constant 2 : i32
      %dma_start3A_176 = arith.constant 2 : i32
      %dma_start3A_177 = arith.constant 0 : i32
      %dma_start3A_178 = arith.constant 0 : i32
      %dma_start3A_179 = tpu.memref_slice %arg9[%dma_start3A_175, %dma_start3A_177, %dma_start3A_178] : memref<8x128x16xf32, #tpu.memory_space<vmem>> -> memref<1x128x16xf32, #tpu.memory_space<vmem>>
      %dma_start3A_180 = tpu.memref_squeeze %dma_start3A_179 : memref<1x128x16xf32, #tpu.memory_space<vmem>> -> memref<128x16xf32, #tpu.memory_space<vmem>>
      %dma_start3A_181 = arith.constant 0 : i32
      %dma_start3A_182 = tpu.memref_slice %arg8[%dma_start3A_176, %dma_start3A_181] : memref<8x128xi32, #tpu.memory_space<vmem>> -> memref<1x128xi32, #tpu.memory_space<vmem>>
      %dma_start3A_183 = tpu.memref_squeeze %dma_start3A_182 : memref<1x128xi32, #tpu.memory_space<vmem>> -> memref<128xi32, #tpu.memory_space<vmem>>
      %dma_start3A_184 = arith.constant 0 : i32
      %dma_start3A_185 = arith.constant 0 : i32
      %dma_start3A_186 = tpu.memref_slice %arg10[%dma_start3A_184, %dma_start3A_185] : memref<51200x16xf32, #tpu.memory_space<vmem_shared>> -> memref<51200x16xf32, #tpu.memory_space<vmem_shared>>
      tpu.enqueue_indirect_dma source(%dma_start3A_180 : memref<128x16xf32, #tpu.memory_space<vmem>>) target(%dma_start3A_186 : memref<51200x16xf32, #tpu.memory_space<vmem_shared>>) offsets(%dma_start3A_183 : memref<128xi32, #tpu.memory_space<vmem>>) semaphore(%arg12 : memref<!tpu.dma_semaphore, #tpu.memory_space<semaphore_mem>>) {add = true}
      %dma_wait3A_187 = arith.constant 3 : i32
      %dma_wait3A_188 = arith.constant 3 : i32
      %dma_wait3A_189 = arith.constant 0 : i32
      %dma_wait3A_190 = arith.constant 0 : i32
      %dma_wait3A_191 = tpu.memref_slice %arg9[%dma_wait3A_188, %dma_wait3A_189, %dma_wait3A_190] : memref<8x128x16xf32, #tpu.memory_space<vmem>> -> memref<1x128x16xf32, #tpu.memory_space<vmem>>
      %dma_wait3A_192 = tpu.memref_squeeze %dma_wait3A_191 : memref<1x128x16xf32, #tpu.memory_space<vmem>> -> memref<128x16xf32, #tpu.memory_space<vmem>>
      %dma_wait3A_193 = arith.constant 0 : i32
      %dma_wait3A_194 = tpu.memref_slice %arg7[%dma_wait3A_187, %dma_wait3A_193] : memref<8x128xi32, #tpu.memory_space<vmem>> -> memref<1x128xi32, #tpu.memory_space<vmem>>
      %dma_wait3A_195 = tpu.memref_squeeze %dma_wait3A_194 : memref<1x128xi32, #tpu.memory_space<vmem>> -> memref<128xi32, #tpu.memory_space<vmem>>
      %dma_wait3A_196 = arith.constant 0 : i32
      %dma_wait3A_197 = arith.constant 0 : i32
      %dma_wait3A_198 = tpu.memref_slice %arg2[%dma_wait3A_196, %dma_wait3A_197] : memref<51200x16xf32, #tpu.memory_space<hbm>> -> memref<51200x16xf32, #tpu.memory_space<hbm>>
      tpu.wait_indirect_dma semaphore(%arg11 : memref<!tpu.dma_semaphore, #tpu.memory_space<semaphore_mem>>) src(%dma_wait3A_198 : memref<51200x16xf32, #tpu.memory_space<hbm>>) dst(%dma_wait3A_192 : memref<128x16xf32, #tpu.memory_space<vmem>>)
      %dma_start3A_199 = arith.constant 3 : i32
      %dma_start3A_200 = arith.constant 3 : i32
      %dma_start3A_201 = arith.constant 0 : i32
      %dma_start3A_202 = arith.constant 0 : i32
      %dma_start3A_203 = tpu.memref_slice %arg9[%dma_start3A_199, %dma_start3A_201, %dma_start3A_202] : memref<8x128x16xf32, #tpu.memory_space<vmem>> -> memref<1x128x16xf32, #tpu.memory_space<vmem>>
      %dma_start3A_204 = tpu.memref_squeeze %dma_start3A_203 : memref<1x128x16xf32, #tpu.memory_space<vmem>> -> memref<128x16xf32, #tpu.memory_space<vmem>>
      %dma_start3A_205 = arith.constant 0 : i32
      %dma_start3A_206 = tpu.memref_slice %arg8[%dma_start3A_200, %dma_start3A_205] : memref<8x128xi32, #tpu.memory_space<vmem>> -> memref<1x128xi32, #tpu.memory_space<vmem>>
      %dma_start3A_207 = tpu.memref_squeeze %dma_start3A_206 : memref<1x128xi32, #tpu.memory_space<vmem>> -> memref<128xi32, #tpu.memory_space<vmem>>
      %dma_start3A_208 = arith.constant 0 : i32
      %dma_start3A_209 = arith.constant 0 : i32
      %dma_start3A_210 = tpu.memref_slice %arg10[%dma_start3A_208, %dma_start3A_209] : memref<51200x16xf32, #tpu.memory_space<vmem_shared>> -> memref<51200x16xf32, #tpu.memory_space<vmem_shared>>
      tpu.enqueue_indirect_dma source(%dma_start3A_204 : memref<128x16xf32, #tpu.memory_space<vmem>>) target(%dma_start3A_210 : memref<51200x16xf32, #tpu.memory_space<vmem_shared>>) offsets(%dma_start3A_207 : memref<128xi32, #tpu.memory_space<vmem>>) semaphore(%arg12 : memref<!tpu.dma_semaphore, #tpu.memory_space<semaphore_mem>>) {add = true}
      %dma_wait3A_211 = arith.constant 4 : i32
      %dma_wait3A_212 = arith.constant 4 : i32
      %dma_wait3A_213 = arith.constant 0 : i32
      %dma_wait3A_214 = arith.constant 0 : i32
      %dma_wait3A_215 = tpu.memref_slice %arg9[%dma_wait3A_212, %dma_wait3A_213, %dma_wait3A_214] : memref<8x128x16xf32, #tpu.memory_space<vmem>> -> memref<1x128x16xf32, #tpu.memory_space<vmem>>
      %dma_wait3A_216 = tpu.memref_squeeze %dma_wait3A_215 : memref<1x128x16xf32, #tpu.memory_space<vmem>> -> memref<128x16xf32, #tpu.memory_space<vmem>>
      %dma_wait3A_217 = arith.constant 0 : i32
      %dma_wait3A_218 = tpu.memref_slice %arg7[%dma_wait3A_211, %dma_wait3A_217] : memref<8x128xi32, #tpu.memory_space<vmem>> -> memref<1x128xi32, #tpu.memory_space<vmem>>
      %dma_wait3A_219 = tpu.memref_squeeze %dma_wait3A_218 : memref<1x128xi32, #tpu.memory_space<vmem>> -> memref<128xi32, #tpu.memory_space<vmem>>
      %dma_wait3A_220 = arith.constant 0 : i32
      %dma_wait3A_221 = arith.constant 0 : i32
      %dma_wait3A_222 = tpu.memref_slice %arg2[%dma_wait3A_220, %dma_wait3A_221] : memref<51200x16xf32, #tpu.memory_space<hbm>> -> memref<51200x16xf32, #tpu.memory_space<hbm>>
      tpu.wait_indirect_dma semaphore(%arg11 : memref<!tpu.dma_semaphore, #tpu.memory_space<semaphore_mem>>) src(%dma_wait3A_222 : memref<51200x16xf32, #tpu.memory_space<hbm>>) dst(%dma_wait3A_216 : memref<128x16xf32, #tpu.memory_space<vmem>>)
      %dma_start3A_223 = arith.constant 4 : i32
      %dma_start3A_224 = arith.constant 4 : i32
      %dma_start3A_225 = arith.constant 0 : i32
      %dma_start3A_226 = arith.constant 0 : i32
      %dma_start3A_227 = tpu.memref_slice %arg9[%dma_start3A_223, %dma_start3A_225, %dma_start3A_226] : memref<8x128x16xf32, #tpu.memory_space<vmem>> -> memref<1x128x16xf32, #tpu.memory_space<vmem>>
      %dma_start3A_228 = tpu.memref_squeeze %dma_start3A_227 : memref<1x128x16xf32, #tpu.memory_space<vmem>> -> memref<128x16xf32, #tpu.memory_space<vmem>>
      %dma_start3A_229 = arith.constant 0 : i32
      %dma_start3A_230 = tpu.memref_slice %arg8[%dma_start3A_224, %dma_start3A_229] : memref<8x128xi32, #tpu.memory_space<vmem>> -> memref<1x128xi32, #tpu.memory_space<vmem>>
      %dma_start3A_231 = tpu.memref_squeeze %dma_start3A_230 : memref<1x128xi32, #tpu.memory_space<vmem>> -> memref<128xi32, #tpu.memory_space<vmem>>
      %dma_start3A_232 = arith.constant 0 : i32
      %dma_start3A_233 = arith.constant 0 : i32
      %dma_start3A_234 = tpu.memref_slice %arg10[%dma_start3A_232, %dma_start3A_233] : memref<51200x16xf32, #tpu.memory_space<vmem_shared>> -> memref<51200x16xf32, #tpu.memory_space<vmem_shared>>
      tpu.enqueue_indirect_dma source(%dma_start3A_228 : memref<128x16xf32, #tpu.memory_space<vmem>>) target(%dma_start3A_234 : memref<51200x16xf32, #tpu.memory_space<vmem_shared>>) offsets(%dma_start3A_231 : memref<128xi32, #tpu.memory_space<vmem>>) semaphore(%arg12 : memref<!tpu.dma_semaphore, #tpu.memory_space<semaphore_mem>>) {add = true}
      %dma_wait3A_235 = arith.constant 5 : i32
      %dma_wait3A_236 = arith.constant 5 : i32
      %dma_wait3A_237 = arith.constant 0 : i32
      %dma_wait3A_238 = arith.constant 0 : i32
      %dma_wait3A_239 = tpu.memref_slice %arg9[%dma_wait3A_236, %dma_wait3A_237, %dma_wait3A_238] : memref<8x128x16xf32, #tpu.memory_space<vmem>> -> memref<1x128x16xf32, #tpu.memory_space<vmem>>
      %dma_wait3A_240 = tpu.memref_squeeze %dma_wait3A_239 : memref<1x128x16xf32, #tpu.memory_space<vmem>> -> memref<128x16xf32, #tpu.memory_space<vmem>>
      %dma_wait3A_241 = arith.constant 0 : i32
      %dma_wait3A_242 = tpu.memref_slice %arg7[%dma_wait3A_235, %dma_wait3A_241] : memref<8x128xi32, #tpu.memory_space<vmem>> -> memref<1x128xi32, #tpu.memory_space<vmem>>
      %dma_wait3A_243 = tpu.memref_squeeze %dma_wait3A_242 : memref<1x128xi32, #tpu.memory_space<vmem>> -> memref<128xi32, #tpu.memory_space<vmem>>
      %dma_wait3A_244 = arith.constant 0 : i32
      %dma_wait3A_245 = arith.constant 0 : i32
      %dma_wait3A_246 = tpu.memref_slice %arg2[%dma_wait3A_244, %dma_wait3A_245] : memref<51200x16xf32, #tpu.memory_space<hbm>> -> memref<51200x16xf32, #tpu.memory_space<hbm>>
      tpu.wait_indirect_dma semaphore(%arg11 : memref<!tpu.dma_semaphore, #tpu.memory_space<semaphore_mem>>) src(%dma_wait3A_246 : memref<51200x16xf32, #tpu.memory_space<hbm>>) dst(%dma_wait3A_240 : memref<128x16xf32, #tpu.memory_space<vmem>>)
      %dma_start3A_247 = arith.constant 5 : i32
      %dma_start3A_248 = arith.constant 5 : i32
      %dma_start3A_249 = arith.constant 0 : i32
      %dma_start3A_250 = arith.constant 0 : i32
      %dma_start3A_251 = tpu.memref_slice %arg9[%dma_start3A_247, %dma_start3A_249, %dma_start3A_250] : memref<8x128x16xf32, #tpu.memory_space<vmem>> -> memref<1x128x16xf32, #tpu.memory_space<vmem>>
      %dma_start3A_252 = tpu.memref_squeeze %dma_start3A_251 : memref<1x128x16xf32, #tpu.memory_space<vmem>> -> memref<128x16xf32, #tpu.memory_space<vmem>>
      %dma_start3A_253 = arith.constant 0 : i32
      %dma_start3A_254 = tpu.memref_slice %arg8[%dma_start3A_248, %dma_start3A_253] : memref<8x128xi32, #tpu.memory_space<vmem>> -> memref<1x128xi32, #tpu.memory_space<vmem>>
      %dma_start3A_255 = tpu.memref_squeeze %dma_start3A_254 : memref<1x128xi32, #tpu.memory_space<vmem>> -> memref<128xi32, #tpu.memory_space<vmem>>
      %dma_start3A_256 = arith.constant 0 : i32
      %dma_start3A_257 = arith.constant 0 : i32
      %dma_start3A_258 = tpu.memref_slice %arg10[%dma_start3A_256, %dma_start3A_257] : memref<51200x16xf32, #tpu.memory_space<vmem_shared>> -> memref<51200x16xf32, #tpu.memory_space<vmem_shared>>
      tpu.enqueue_indirect_dma source(%dma_start3A_252 : memref<128x16xf32, #tpu.memory_space<vmem>>) target(%dma_start3A_258 : memref<51200x16xf32, #tpu.memory_space<vmem_shared>>) offsets(%dma_start3A_255 : memref<128xi32, #tpu.memory_space<vmem>>) semaphore(%arg12 : memref<!tpu.dma_semaphore, #tpu.memory_space<semaphore_mem>>) {add = true}
      %dma_wait3A_259 = arith.constant 6 : i32
      %dma_wait3A_260 = arith.constant 6 : i32
      %dma_wait3A_261 = arith.constant 0 : i32
      %dma_wait3A_262 = arith.constant 0 : i32
      %dma_wait3A_263 = tpu.memref_slice %arg9[%dma_wait3A_260, %dma_wait3A_261, %dma_wait3A_262] : memref<8x128x16xf32, #tpu.memory_space<vmem>> -> memref<1x128x16xf32, #tpu.memory_space<vmem>>
      %dma_wait3A_264 = tpu.memref_squeeze %dma_wait3A_263 : memref<1x128x16xf32, #tpu.memory_space<vmem>> -> memref<128x16xf32, #tpu.memory_space<vmem>>
      %dma_wait3A_265 = arith.constant 0 : i32
      %dma_wait3A_266 = tpu.memref_slice %arg7[%dma_wait3A_259, %dma_wait3A_265] : memref<8x128xi32, #tpu.memory_space<vmem>> -> memref<1x128xi32, #tpu.memory_space<vmem>>
      %dma_wait3A_267 = tpu.memref_squeeze %dma_wait3A_266 : memref<1x128xi32, #tpu.memory_space<vmem>> -> memref<128xi32, #tpu.memory_space<vmem>>
      %dma_wait3A_268 = arith.constant 0 : i32
      %dma_wait3A_269 = arith.constant 0 : i32
      %dma_wait3A_270 = tpu.memref_slice %arg2[%dma_wait3A_268, %dma_wait3A_269] : memref<51200x16xf32, #tpu.memory_space<hbm>> -> memref<51200x16xf32, #tpu.memory_space<hbm>>
      tpu.wait_indirect_dma semaphore(%arg11 : memref<!tpu.dma_semaphore, #tpu.memory_space<semaphore_mem>>) src(%dma_wait3A_270 : memref<51200x16xf32, #tpu.memory_space<hbm>>) dst(%dma_wait3A_264 : memref<128x16xf32, #tpu.memory_space<vmem>>)
      %dma_start3A_271 = arith.constant 6 : i32
      %dma_start3A_272 = arith.constant 6 : i32
      %dma_start3A_273 = arith.constant 0 : i32
      %dma_start3A_274 = arith.constant 0 : i32
      %dma_start3A_275 = tpu.memref_slice %arg9[%dma_start3A_271, %dma_start3A_273, %dma_start3A_274] : memref<8x128x16xf32, #tpu.memory_space<vmem>> -> memref<1x128x16xf32, #tpu.memory_space<vmem>>
      %dma_start3A_276 = tpu.memref_squeeze %dma_start3A_275 : memref<1x128x16xf32, #tpu.memory_space<vmem>> -> memref<128x16xf32, #tpu.memory_space<vmem>>
      %dma_start3A_277 = arith.constant 0 : i32
      %dma_start3A_278 = tpu.memref_slice %arg8[%dma_start3A_272, %dma_start3A_277] : memref<8x128xi32, #tpu.memory_space<vmem>> -> memref<1x128xi32, #tpu.memory_space<vmem>>
      %dma_start3A_279 = tpu.memref_squeeze %dma_start3A_278 : memref<1x128xi32, #tpu.memory_space<vmem>> -> memref<128xi32, #tpu.memory_space<vmem>>
      %dma_start3A_280 = arith.constant 0 : i32
      %dma_start3A_281 = arith.constant 0 : i32
      %dma_start3A_282 = tpu.memref_slice %arg10[%dma_start3A_280, %dma_start3A_281] : memref<51200x16xf32, #tpu.memory_space<vmem_shared>> -> memref<51200x16xf32, #tpu.memory_space<vmem_shared>>
      tpu.enqueue_indirect_dma source(%dma_start3A_276 : memref<128x16xf32, #tpu.memory_space<vmem>>) target(%dma_start3A_282 : memref<51200x16xf32, #tpu.memory_space<vmem_shared>>) offsets(%dma_start3A_279 : memref<128xi32, #tpu.memory_space<vmem>>) semaphore(%arg12 : memref<!tpu.dma_semaphore, #tpu.memory_space<semaphore_mem>>) {add = true}
      %dma_wait3A_283 = arith.constant 7 : i32
      %dma_wait3A_284 = arith.constant 7 : i32
      %dma_wait3A_285 = arith.constant 0 : i32
      %dma_wait3A_286 = arith.constant 0 : i32
      %dma_wait3A_287 = tpu.memref_slice %arg9[%dma_wait3A_284, %dma_wait3A_285, %dma_wait3A_286] : memref<8x128x16xf32, #tpu.memory_space<vmem>> -> memref<1x128x16xf32, #tpu.memory_space<vmem>>
      %dma_wait3A_288 = tpu.memref_squeeze %dma_wait3A_287 : memref<1x128x16xf32, #tpu.memory_space<vmem>> -> memref<128x16xf32, #tpu.memory_space<vmem>>
      %dma_wait3A_289 = arith.constant 0 : i32
      %dma_wait3A_290 = tpu.memref_slice %arg7[%dma_wait3A_283, %dma_wait3A_289] : memref<8x128xi32, #tpu.memory_space<vmem>> -> memref<1x128xi32, #tpu.memory_space<vmem>>
      %dma_wait3A_291 = tpu.memref_squeeze %dma_wait3A_290 : memref<1x128xi32, #tpu.memory_space<vmem>> -> memref<128xi32, #tpu.memory_space<vmem>>
      %dma_wait3A_292 = arith.constant 0 : i32
      %dma_wait3A_293 = arith.constant 0 : i32
      %dma_wait3A_294 = tpu.memref_slice %arg2[%dma_wait3A_292, %dma_wait3A_293] : memref<51200x16xf32, #tpu.memory_space<hbm>> -> memref<51200x16xf32, #tpu.memory_space<hbm>>
      tpu.wait_indirect_dma semaphore(%arg11 : memref<!tpu.dma_semaphore, #tpu.memory_space<semaphore_mem>>) src(%dma_wait3A_294 : memref<51200x16xf32, #tpu.memory_space<hbm>>) dst(%dma_wait3A_288 : memref<128x16xf32, #tpu.memory_space<vmem>>)
      %dma_start3A_295 = arith.constant 7 : i32
      %dma_start3A_296 = arith.constant 7 : i32
      %dma_start3A_297 = arith.constant 0 : i32
      %dma_start3A_298 = arith.constant 0 : i32
      %dma_start3A_299 = tpu.memref_slice %arg9[%dma_start3A_295, %dma_start3A_297, %dma_start3A_298] : memref<8x128x16xf32, #tpu.memory_space<vmem>> -> memref<1x128x16xf32, #tpu.memory_space<vmem>>
      %dma_start3A_300 = tpu.memref_squeeze %dma_start3A_299 : memref<1x128x16xf32, #tpu.memory_space<vmem>> -> memref<128x16xf32, #tpu.memory_space<vmem>>
      %dma_start3A_301 = arith.constant 0 : i32
      %dma_start3A_302 = tpu.memref_slice %arg8[%dma_start3A_296, %dma_start3A_301] : memref<8x128xi32, #tpu.memory_space<vmem>> -> memref<1x128xi32, #tpu.memory_space<vmem>>
      %dma_start3A_303 = tpu.memref_squeeze %dma_start3A_302 : memref<1x128xi32, #tpu.memory_space<vmem>> -> memref<128xi32, #tpu.memory_space<vmem>>
      %dma_start3A_304 = arith.constant 0 : i32
      %dma_start3A_305 = arith.constant 0 : i32
      %dma_start3A_306 = tpu.memref_slice %arg10[%dma_start3A_304, %dma_start3A_305] : memref<51200x16xf32, #tpu.memory_space<vmem_shared>> -> memref<51200x16xf32, #tpu.memory_space<vmem_shared>>
      tpu.enqueue_indirect_dma source(%dma_start3A_300 : memref<128x16xf32, #tpu.memory_space<vmem>>) target(%dma_start3A_306 : memref<51200x16xf32, #tpu.memory_space<vmem_shared>>) offsets(%dma_start3A_303 : memref<128xi32, #tpu.memory_space<vmem>>) semaphore(%arg12 : memref<!tpu.dma_semaphore, #tpu.memory_space<semaphore_mem>>) {add = true}
      %dma_wait3A_307 = arith.constant 0 : i32
      %dma_wait3A_308 = arith.constant 0 : i32
      %dma_wait3A_309 = arith.constant 0 : i32
      %dma_wait3A_310 = arith.constant 0 : i32
      %dma_wait3A_311 = tpu.memref_slice %arg9[%dma_wait3A_307, %dma_wait3A_309, %dma_wait3A_310] : memref<8x128x16xf32, #tpu.memory_space<vmem>> -> memref<1x128x16xf32, #tpu.memory_space<vmem>>
      %dma_wait3A_312 = tpu.memref_squeeze %dma_wait3A_311 : memref<1x128x16xf32, #tpu.memory_space<vmem>> -> memref<128x16xf32, #tpu.memory_space<vmem>>
      %dma_wait3A_313 = arith.constant 0 : i32
      %dma_wait3A_314 = tpu.memref_slice %arg8[%dma_wait3A_308, %dma_wait3A_313] : memref<8x128xi32, #tpu.memory_space<vmem>> -> memref<1x128xi32, #tpu.memory_space<vmem>>
      %dma_wait3A_315 = tpu.memref_squeeze %dma_wait3A_314 : memref<1x128xi32, #tpu.memory_space<vmem>> -> memref<128xi32, #tpu.memory_space<vmem>>
      %dma_wait3A_316 = arith.constant 0 : i32
      %dma_wait3A_317 = arith.constant 0 : i32
      %dma_wait3A_318 = tpu.memref_slice %arg10[%dma_wait3A_316, %dma_wait3A_317] : memref<51200x16xf32, #tpu.memory_space<vmem_shared>> -> memref<51200x16xf32, #tpu.memory_space<vmem_shared>>
      tpu.wait_indirect_dma semaphore(%arg12 : memref<!tpu.dma_semaphore, #tpu.memory_space<semaphore_mem>>) src(%dma_wait3A_312 : memref<128x16xf32, #tpu.memory_space<vmem>>) dst(%dma_wait3A_318 : memref<51200x16xf32, #tpu.memory_space<vmem_shared>>)
      %dma_wait3A_319 = arith.constant 1 : i32
      %dma_wait3A_320 = arith.constant 1 : i32
      %dma_wait3A_321 = arith.constant 0 : i32
      %dma_wait3A_322 = arith.constant 0 : i32
      %dma_wait3A_323 = tpu.memref_slice %arg9[%dma_wait3A_319, %dma_wait3A_321, %dma_wait3A_322] : memref<8x128x16xf32, #tpu.memory_space<vmem>> -> memref<1x128x16xf32, #tpu.memory_space<vmem>>
      %dma_wait3A_324 = tpu.memref_squeeze %dma_wait3A_323 : memref<1x128x16xf32, #tpu.memory_space<vmem>> -> memref<128x16xf32, #tpu.memory_space<vmem>>
      %dma_wait3A_325 = arith.constant 0 : i32
      %dma_wait3A_326 = tpu.memref_slice %arg8[%dma_wait3A_320, %dma_wait3A_325] : memref<8x128xi32, #tpu.memory_space<vmem>> -> memref<1x128xi32, #tpu.memory_space<vmem>>
      %dma_wait3A_327 = tpu.memref_squeeze %dma_wait3A_326 : memref<1x128xi32, #tpu.memory_space<vmem>> -> memref<128xi32, #tpu.memory_space<vmem>>
      %dma_wait3A_328 = arith.constant 0 : i32
      %dma_wait3A_329 = arith.constant 0 : i32
      %dma_wait3A_330 = tpu.memref_slice %arg10[%dma_wait3A_328, %dma_wait3A_329] : memref<51200x16xf32, #tpu.memory_space<vmem_shared>> -> memref<51200x16xf32, #tpu.memory_space<vmem_shared>>
      tpu.wait_indirect_dma semaphore(%arg12 : memref<!tpu.dma_semaphore, #tpu.memory_space<semaphore_mem>>) src(%dma_wait3A_324 : memref<128x16xf32, #tpu.memory_space<vmem>>) dst(%dma_wait3A_330 : memref<51200x16xf32, #tpu.memory_space<vmem_shared>>)
      %dma_wait3A_331 = arith.constant 2 : i32
      %dma_wait3A_332 = arith.constant 2 : i32
      %dma_wait3A_333 = arith.constant 0 : i32
      %dma_wait3A_334 = arith.constant 0 : i32
      %dma_wait3A_335 = tpu.memref_slice %arg9[%dma_wait3A_331, %dma_wait3A_333, %dma_wait3A_334] : memref<8x128x16xf32, #tpu.memory_space<vmem>> -> memref<1x128x16xf32, #tpu.memory_space<vmem>>
      %dma_wait3A_336 = tpu.memref_squeeze %dma_wait3A_335 : memref<1x128x16xf32, #tpu.memory_space<vmem>> -> memref<128x16xf32, #tpu.memory_space<vmem>>
      %dma_wait3A_337 = arith.constant 0 : i32
      %dma_wait3A_338 = tpu.memref_slice %arg8[%dma_wait3A_332, %dma_wait3A_337] : memref<8x128xi32, #tpu.memory_space<vmem>> -> memref<1x128xi32, #tpu.memory_space<vmem>>
      %dma_wait3A_339 = tpu.memref_squeeze %dma_wait3A_338 : memref<1x128xi32, #tpu.memory_space<vmem>> -> memref<128xi32, #tpu.memory_space<vmem>>
      %dma_wait3A_340 = arith.constant 0 : i32
      %dma_wait3A_341 = arith.constant 0 : i32
      %dma_wait3A_342 = tpu.memref_slice %arg10[%dma_wait3A_340, %dma_wait3A_341] : memref<51200x16xf32, #tpu.memory_space<vmem_shared>> -> memref<51200x16xf32, #tpu.memory_space<vmem_shared>>
      tpu.wait_indirect_dma semaphore(%arg12 : memref<!tpu.dma_semaphore, #tpu.memory_space<semaphore_mem>>) src(%dma_wait3A_336 : memref<128x16xf32, #tpu.memory_space<vmem>>) dst(%dma_wait3A_342 : memref<51200x16xf32, #tpu.memory_space<vmem_shared>>)
      %dma_wait3A_343 = arith.constant 3 : i32
      %dma_wait3A_344 = arith.constant 3 : i32
      %dma_wait3A_345 = arith.constant 0 : i32
      %dma_wait3A_346 = arith.constant 0 : i32
      %dma_wait3A_347 = tpu.memref_slice %arg9[%dma_wait3A_343, %dma_wait3A_345, %dma_wait3A_346] : memref<8x128x16xf32, #tpu.memory_space<vmem>> -> memref<1x128x16xf32, #tpu.memory_space<vmem>>
      %dma_wait3A_348 = tpu.memref_squeeze %dma_wait3A_347 : memref<1x128x16xf32, #tpu.memory_space<vmem>> -> memref<128x16xf32, #tpu.memory_space<vmem>>
      %dma_wait3A_349 = arith.constant 0 : i32
      %dma_wait3A_350 = tpu.memref_slice %arg8[%dma_wait3A_344, %dma_wait3A_349] : memref<8x128xi32, #tpu.memory_space<vmem>> -> memref<1x128xi32, #tpu.memory_space<vmem>>
      %dma_wait3A_351 = tpu.memref_squeeze %dma_wait3A_350 : memref<1x128xi32, #tpu.memory_space<vmem>> -> memref<128xi32, #tpu.memory_space<vmem>>
      %dma_wait3A_352 = arith.constant 0 : i32
      %dma_wait3A_353 = arith.constant 0 : i32
      %dma_wait3A_354 = tpu.memref_slice %arg10[%dma_wait3A_352, %dma_wait3A_353] : memref<51200x16xf32, #tpu.memory_space<vmem_shared>> -> memref<51200x16xf32, #tpu.memory_space<vmem_shared>>
      tpu.wait_indirect_dma semaphore(%arg12 : memref<!tpu.dma_semaphore, #tpu.memory_space<semaphore_mem>>) src(%dma_wait3A_348 : memref<128x16xf32, #tpu.memory_space<vmem>>) dst(%dma_wait3A_354 : memref<51200x16xf32, #tpu.memory_space<vmem_shared>>)
      %dma_wait3A_355 = arith.constant 4 : i32
      %dma_wait3A_356 = arith.constant 4 : i32
      %dma_wait3A_357 = arith.constant 0 : i32
      %dma_wait3A_358 = arith.constant 0 : i32
      %dma_wait3A_359 = tpu.memref_slice %arg9[%dma_wait3A_355, %dma_wait3A_357, %dma_wait3A_358] : memref<8x128x16xf32, #tpu.memory_space<vmem>> -> memref<1x128x16xf32, #tpu.memory_space<vmem>>
      %dma_wait3A_360 = tpu.memref_squeeze %dma_wait3A_359 : memref<1x128x16xf32, #tpu.memory_space<vmem>> -> memref<128x16xf32, #tpu.memory_space<vmem>>
      %dma_wait3A_361 = arith.constant 0 : i32
      %dma_wait3A_362 = tpu.memref_slice %arg8[%dma_wait3A_356, %dma_wait3A_361] : memref<8x128xi32, #tpu.memory_space<vmem>> -> memref<1x128xi32, #tpu.memory_space<vmem>>
      %dma_wait3A_363 = tpu.memref_squeeze %dma_wait3A_362 : memref<1x128xi32, #tpu.memory_space<vmem>> -> memref<128xi32, #tpu.memory_space<vmem>>
      %dma_wait3A_364 = arith.constant 0 : i32
      %dma_wait3A_365 = arith.constant 0 : i32
      %dma_wait3A_366 = tpu.memref_slice %arg10[%dma_wait3A_364, %dma_wait3A_365] : memref<51200x16xf32, #tpu.memory_space<vmem_shared>> -> memref<51200x16xf32, #tpu.memory_space<vmem_shared>>
      tpu.wait_indirect_dma semaphore(%arg12 : memref<!tpu.dma_semaphore, #tpu.memory_space<semaphore_mem>>) src(%dma_wait3A_360 : memref<128x16xf32, #tpu.memory_space<vmem>>) dst(%dma_wait3A_366 : memref<51200x16xf32, #tpu.memory_space<vmem_shared>>)
      %dma_wait3A_367 = arith.constant 5 : i32
      %dma_wait3A_368 = arith.constant 5 : i32
      %dma_wait3A_369 = arith.constant 0 : i32
      %dma_wait3A_370 = arith.constant 0 : i32
      %dma_wait3A_371 = tpu.memref_slice %arg9[%dma_wait3A_367, %dma_wait3A_369, %dma_wait3A_370] : memref<8x128x16xf32, #tpu.memory_space<vmem>> -> memref<1x128x16xf32, #tpu.memory_space<vmem>>
      %dma_wait3A_372 = tpu.memref_squeeze %dma_wait3A_371 : memref<1x128x16xf32, #tpu.memory_space<vmem>> -> memref<128x16xf32, #tpu.memory_space<vmem>>
      %dma_wait3A_373 = arith.constant 0 : i32
      %dma_wait3A_374 = tpu.memref_slice %arg8[%dma_wait3A_368, %dma_wait3A_373] : memref<8x128xi32, #tpu.memory_space<vmem>> -> memref<1x128xi32, #tpu.memory_space<vmem>>
      %dma_wait3A_375 = tpu.memref_squeeze %dma_wait3A_374 : memref<1x128xi32, #tpu.memory_space<vmem>> -> memref<128xi32, #tpu.memory_space<vmem>>
      %dma_wait3A_376 = arith.constant 0 : i32
      %dma_wait3A_377 = arith.constant 0 : i32
      %dma_wait3A_378 = tpu.memref_slice %arg10[%dma_wait3A_376, %dma_wait3A_377] : memref<51200x16xf32, #tpu.memory_space<vmem_shared>> -> memref<51200x16xf32, #tpu.memory_space<vmem_shared>>
      tpu.wait_indirect_dma semaphore(%arg12 : memref<!tpu.dma_semaphore, #tpu.memory_space<semaphore_mem>>) src(%dma_wait3A_372 : memref<128x16xf32, #tpu.memory_space<vmem>>) dst(%dma_wait3A_378 : memref<51200x16xf32, #tpu.memory_space<vmem_shared>>)
      %dma_wait3A_379 = arith.constant 6 : i32
      %dma_wait3A_380 = arith.constant 6 : i32
      %dma_wait3A_381 = arith.constant 0 : i32
      %dma_wait3A_382 = arith.constant 0 : i32
      %dma_wait3A_383 = tpu.memref_slice %arg9[%dma_wait3A_379, %dma_wait3A_381, %dma_wait3A_382] : memref<8x128x16xf32, #tpu.memory_space<vmem>> -> memref<1x128x16xf32, #tpu.memory_space<vmem>>
      %dma_wait3A_384 = tpu.memref_squeeze %dma_wait3A_383 : memref<1x128x16xf32, #tpu.memory_space<vmem>> -> memref<128x16xf32, #tpu.memory_space<vmem>>
      %dma_wait3A_385 = arith.constant 0 : i32
      %dma_wait3A_386 = tpu.memref_slice %arg8[%dma_wait3A_380, %dma_wait3A_385] : memref<8x128xi32, #tpu.memory_space<vmem>> -> memref<1x128xi32, #tpu.memory_space<vmem>>
      %dma_wait3A_387 = tpu.memref_squeeze %dma_wait3A_386 : memref<1x128xi32, #tpu.memory_space<vmem>> -> memref<128xi32, #tpu.memory_space<vmem>>
      %dma_wait3A_388 = arith.constant 0 : i32
      %dma_wait3A_389 = arith.constant 0 : i32
      %dma_wait3A_390 = tpu.memref_slice %arg10[%dma_wait3A_388, %dma_wait3A_389] : memref<51200x16xf32, #tpu.memory_space<vmem_shared>> -> memref<51200x16xf32, #tpu.memory_space<vmem_shared>>
      tpu.wait_indirect_dma semaphore(%arg12 : memref<!tpu.dma_semaphore, #tpu.memory_space<semaphore_mem>>) src(%dma_wait3A_384 : memref<128x16xf32, #tpu.memory_space<vmem>>) dst(%dma_wait3A_390 : memref<51200x16xf32, #tpu.memory_space<vmem_shared>>)
      %dma_wait3A_391 = arith.constant 7 : i32
      %dma_wait3A_392 = arith.constant 7 : i32
      %dma_wait3A_393 = arith.constant 0 : i32
      %dma_wait3A_394 = arith.constant 0 : i32
      %dma_wait3A_395 = tpu.memref_slice %arg9[%dma_wait3A_391, %dma_wait3A_393, %dma_wait3A_394] : memref<8x128x16xf32, #tpu.memory_space<vmem>> -> memref<1x128x16xf32, #tpu.memory_space<vmem>>
      %dma_wait3A_396 = tpu.memref_squeeze %dma_wait3A_395 : memref<1x128x16xf32, #tpu.memory_space<vmem>> -> memref<128x16xf32, #tpu.memory_space<vmem>>
      %dma_wait3A_397 = arith.constant 0 : i32
      %dma_wait3A_398 = tpu.memref_slice %arg8[%dma_wait3A_392, %dma_wait3A_397] : memref<8x128xi32, #tpu.memory_space<vmem>> -> memref<1x128xi32, #tpu.memory_space<vmem>>
      %dma_wait3A_399 = tpu.memref_squeeze %dma_wait3A_398 : memref<1x128xi32, #tpu.memory_space<vmem>> -> memref<128xi32, #tpu.memory_space<vmem>>
      %dma_wait3A_400 = arith.constant 0 : i32
      %dma_wait3A_401 = arith.constant 0 : i32
      %dma_wait3A_402 = tpu.memref_slice %arg10[%dma_wait3A_400, %dma_wait3A_401] : memref<51200x16xf32, #tpu.memory_space<vmem_shared>> -> memref<51200x16xf32, #tpu.memory_space<vmem_shared>>
      tpu.wait_indirect_dma semaphore(%arg12 : memref<!tpu.dma_semaphore, #tpu.memory_space<semaphore_mem>>) src(%dma_wait3A_396 : memref<128x16xf32, #tpu.memory_space<vmem>>) dst(%dma_wait3A_402 : memref<51200x16xf32, #tpu.memory_space<vmem_shared>>)
    }
    %scan3A_11 = arith.constant 49 : i32
    %barrier3A_12 = arith.constant 0 : index
    tpu.barrier barrier_id(%barrier3A_12)
    %mul3A_13 = arith.constant 3200 : i32
    %mul3A_14 = arith.muli %arg1, %mul3A_13 : i32
    %mul3A_15 = arith.constant 3200 : i32
    %mul3A_16 = arith.muli %arg1, %mul3A_15 : i32
    "tpu.region"() ({
      %run_scoped3A = tpu.sem_alloc : memref<!tpu.dma_semaphore, #tpu.memory_space<semaphore_mem>>
      %dma_start3A = arith.constant 0 : i32
      %dma_start3A_17 = tpu.memref_slice %arg6[%arg0, %mul3A_16, %dma_start3A] : memref<2x51200x16xf32, #tpu.memory_space<hbm>> -> memref<1x3200x16xf32, #tpu.memory_space<hbm>>
      %dma_start3A_18 = tpu.memref_squeeze %dma_start3A_17 : memref<1x3200x16xf32, #tpu.memory_space<hbm>> -> memref<3200x16xf32, #tpu.memory_space<hbm>>
      %dma_start3A_19 = arith.constant 0 : i32
      %dma_start3A_20 = tpu.memref_slice %arg10[%mul3A_14, %dma_start3A_19] : memref<51200x16xf32, #tpu.memory_space<vmem_shared>> -> memref<3200x16xf32, #tpu.memory_space<vmem_shared>>
      tpu.enqueue_dma source(%dma_start3A_20 : memref<3200x16xf32, #tpu.memory_space<vmem_shared>>) target(%dma_start3A_18 : memref<3200x16xf32, #tpu.memory_space<hbm>>) target_semaphore(%run_scoped3A : memref<!tpu.dma_semaphore, #tpu.memory_space<semaphore_mem>>)
      %dma_wait3A = arith.constant 0 : i32
      %dma_wait3A_21 = tpu.memref_slice %arg6[%arg0, %mul3A_16, %dma_wait3A] : memref<2x51200x16xf32, #tpu.memory_space<hbm>> -> memref<1x3200x16xf32, #tpu.memory_space<hbm>>
      %dma_wait3A_22 = tpu.memref_squeeze %dma_wait3A_21 : memref<1x3200x16xf32, #tpu.memory_space<hbm>> -> memref<3200x16xf32, #tpu.memory_space<hbm>>
      %dma_wait3A_23 = arith.constant 0 : i32
      %dma_wait3A_24 = tpu.memref_slice %arg10[%mul3A_14, %dma_wait3A_23] : memref<51200x16xf32, #tpu.memory_space<vmem_shared>> -> memref<3200x16xf32, #tpu.memory_space<vmem_shared>>
      tpu.wait_dma2 semaphore(%run_scoped3A : memref<!tpu.dma_semaphore, #tpu.memory_space<semaphore_mem>>) src(%dma_wait3A_24 : memref<3200x16xf32, #tpu.memory_space<vmem_shared>>) dst(%dma_wait3A_22 : memref<3200x16xf32, #tpu.memory_space<hbm>>)
      tpu.yield
    }) : () -> ()
    return
  }
}

#map = affine_map<(d0, d1) -> (0, 0)>
#map1 = affine_map<(d0, d1) -> (0, 0, 0)>
module attributes {stable_mosaic.version = 14 : i64} {
  func.func @prop(%arg0: i32, %arg1: i32, %arg2: memref<51200x16xf32, #tpu.memory_space<hbm>>, %arg3: memref<12544x128xi32, #tpu.memory_space<hbm>>, %arg4: memref<12544x128xi32, #tpu.memory_space<hbm>>, %arg5: memref<51200x16xf32, #tpu.memory_space<hbm>>, %arg6: memref<2x51200x16xf32, #tpu.memory_space<hbm>>, %arg7: memref<8x128xi32, #tpu.memory_space<vmem>>, %arg8: memref<8x128xi32, #tpu.memory_space<vmem>>, %arg9: memref<8x128x16xf32, #tpu.memory_space<vmem>>, %arg10: memref<51200x16xf32, #tpu.memory_space<vmem_shared>>, %arg11: memref<!tpu.dma_semaphore, #tpu.memory_space<semaphore_mem>>, %arg12: memref<!tpu.dma_semaphore, #tpu.memory_space<semaphore_mem>>) attributes {dimension_semantics = [#tpu.dimension_semantics<core_parallel>, #tpu.dimension_semantics<subcore_parallel>], iteration_bounds = array<i64: 2, 16>, scalar_prefetch = 0 : i64, scratch_operands = 6 : i64, tpu.core_type = #tpu.core_type<sc_vector_subcore>, window_params = [{transform_indices = #map}, {transform_indices = #map}, {transform_indices = #map}, {transform_indices = #map}, {transform_indices = #map1}]} {
    %mul3A = arith.constant 2 : i32
    %mul3A_0 = arith.muli %arg1, %mul3A : i32
    %add3A = arith.addi %mul3A_0, %arg0 : i32
    %mul3A_1 = arith.constant 3200 : i32
    %mul3A_2 = arith.muli %arg1, %mul3A_1 : i32
    %mul3A_3 = arith.constant 3200 : i32
    %mul3A_4 = arith.muli %arg1, %mul3A_3 : i32
    "tpu.region"() ({
      %run_scoped3A = tpu.sem_alloc : memref<!tpu.dma_semaphore, #tpu.memory_space<semaphore_mem>>
      %dma_start3A = arith.constant 0 : i32
      %dma_start3A_17 = tpu.memref_slice %arg10[%mul3A_4, %dma_start3A] : memref<51200x16xf32, #tpu.memory_space<vmem_shared>> -> memref<3200x16xf32, #tpu.memory_space<vmem_shared>>
      %dma_start3A_18 = arith.constant 0 : i32
      %dma_start3A_19 = tpu.memref_slice %arg5[%mul3A_2, %dma_start3A_18] : memref<51200x16xf32, #tpu.memory_space<hbm>> -> memref<3200x16xf32, #tpu.memory_space<hbm>>
      tpu.enqueue_dma source(%dma_start3A_19 : memref<3200x16xf32, #tpu.memory_space<hbm>>) target(%dma_start3A_17 : memref<3200x16xf32, #tpu.memory_space<vmem_shared>>) target_semaphore(%run_scoped3A : memref<!tpu.dma_semaphore, #tpu.memory_space<semaphore_mem>>)
      %dma_wait3A = arith.constant 0 : i32
      %dma_wait3A_20 = tpu.memref_slice %arg10[%mul3A_4, %dma_wait3A] : memref<51200x16xf32, #tpu.memory_space<vmem_shared>> -> memref<3200x16xf32, #tpu.memory_space<vmem_shared>>
      %dma_wait3A_21 = arith.constant 0 : i32
      %dma_wait3A_22 = tpu.memref_slice %arg5[%mul3A_2, %dma_wait3A_21] : memref<51200x16xf32, #tpu.memory_space<hbm>> -> memref<3200x16xf32, #tpu.memory_space<hbm>>
      tpu.wait_dma2 semaphore(%run_scoped3A : memref<!tpu.dma_semaphore, #tpu.memory_space<semaphore_mem>>) src(%dma_wait3A_22 : memref<3200x16xf32, #tpu.memory_space<hbm>>) dst(%dma_wait3A_20 : memref<3200x16xf32, #tpu.memory_space<vmem_shared>>)
      tpu.yield
    }) : () -> ()
    %barrier3A = arith.constant 0 : index
    tpu.barrier barrier_id(%barrier3A)
    %mul3A_5 = arith.constant 392 : i32
    %mul3A_6 = arith.muli %add3A, %mul3A_5 : i32
    %scan3A = arith.constant 0 : i32
    %scan3A_7 = arith.constant 0 : i32
    %scan3A_8 = arith.constant 49 : i32
    %scan3A_9 = arith.addi %scan3A_7, %scan3A_8 : i32
    %scan3A_10 = arith.constant 1 : i32
    scf.for %scan3A_17 = %scan3A_7 to %scan3A_9 step %scan3A_10  : i32 {
      %mul3A_18 = arith.constant 8 : i32
      %mul3A_19 = arith.muli %scan3A_17, %mul3A_18 : i32
      %add3A_20 = arith.addi %mul3A_6, %mul3A_19 : i32
      "tpu.region"() ({
        %run_scoped3A = tpu.sem_alloc : memref<!tpu.dma_semaphore, #tpu.memory_space<semaphore_mem>>
        %dma_start3A_403 = arith.constant 0 : i32
        %dma_start3A_404 = tpu.memref_slice %arg3[%add3A_20, %dma_start3A_403] : memref<12544x128xi32, #tpu.memory_space<hbm>> -> memref<8x128xi32, #tpu.memory_space<hbm>>
        %dma_start3A_405 = arith.constant 0 : i32
        %dma_start3A_406 = tpu.memref_slice %arg3[%add3A_20, %dma_start3A_405] : memref<12544x128xi32, #tpu.memory_space<hbm>> -> memref<8x128xi32, #tpu.memory_space<hbm>>
        tpu.enqueue_dma source(%dma_start3A_406 : memref<8x128xi32, #tpu.memory_space<hbm>>) target(%arg7 : memref<8x128xi32, #tpu.memory_space<vmem>>) target_semaphore(%run_scoped3A : memref<!tpu.dma_semaphore, #tpu.memory_space<semaphore_mem>>)
        %dma_wait3A_407 = arith.constant 0 : i32
        %dma_wait3A_408 = tpu.memref_slice %arg3[%add3A_20, %dma_wait3A_407] : memref<12544x128xi32, #tpu.memory_space<hbm>> -> memref<8x128xi32, #tpu.memory_space<hbm>>
        %dma_wait3A_409 = arith.constant 0 : i32
        %dma_wait3A_410 = tpu.memref_slice %arg3[%add3A_20, %dma_wait3A_409] : memref<12544x128xi32, #tpu.memory_space<hbm>> -> memref<8x128xi32, #tpu.memory_space<hbm>>
        tpu.wait_dma2 semaphore(%run_scoped3A : memref<!tpu.dma_semaphore, #tpu.memory_space<semaphore_mem>>) src(%dma_wait3A_410 : memref<8x128xi32, #tpu.memory_space<hbm>>) dst(%arg7 : memref<8x128xi32, #tpu.memory_space<vmem>>)
        tpu.yield
      }) : () -> ()
      "tpu.region"() ({
        %run_scoped3A = tpu.sem_alloc : memref<!tpu.dma_semaphore, #tpu.memory_space<semaphore_mem>>
        %dma_start3A_403 = arith.constant 0 : i32
        %dma_start3A_404 = tpu.memref_slice %arg4[%add3A_20, %dma_start3A_403] : memref<12544x128xi32, #tpu.memory_space<hbm>> -> memref<8x128xi32, #tpu.memory_space<hbm>>
        %dma_start3A_405 = arith.constant 0 : i32
        %dma_start3A_406 = tpu.memref_slice %arg4[%add3A_20, %dma_start3A_405] : memref<12544x128xi32, #tpu.memory_space<hbm>> -> memref<8x128xi32, #tpu.memory_space<hbm>>
        tpu.enqueue_dma source(%dma_start3A_406 : memref<8x128xi32, #tpu.memory_space<hbm>>) target(%arg8 : memref<8x128xi32, #tpu.memory_space<vmem>>) target_semaphore(%run_scoped3A : memref<!tpu.dma_semaphore, #tpu.memory_space<semaphore_mem>>)
        %dma_wait3A_407 = arith.constant 0 : i32
        %dma_wait3A_408 = tpu.memref_slice %arg4[%add3A_20, %dma_wait3A_407] : memref<12544x128xi32, #tpu.memory_space<hbm>> -> memref<8x128xi32, #tpu.memory_space<hbm>>
        %dma_wait3A_409 = arith.constant 0 : i32
        %dma_wait3A_410 = tpu.memref_slice %arg4[%add3A_20, %dma_wait3A_409] : memref<12544x128xi32, #tpu.memory_space<hbm>> -> memref<8x128xi32, #tpu.memory_space<hbm>>
        tpu.wait_dma2 semaphore(%run_scoped3A : memref<!tpu.dma_semaphore, #tpu.memory_space<semaphore_mem>>) src(%dma_wait3A_410 : memref<8x128xi32, #tpu.memory_space<hbm>>) dst(%arg8 : memref<8x128xi32, #tpu.memory_space<vmem>>)
        tpu.yield
      }) : () -> ()
      %dma_start3A = arith.constant 0 : i32
      %dma_start3A_21 = arith.constant 0 : i32
      %dma_start3A_22 = arith.constant 0 : i32
      %dma_start3A_23 = arith.constant 0 : i32
      %dma_start3A_24 = tpu.memref_slice %arg9[%dma_start3A_21, %dma_start3A_22, %dma_start3A_23] : memref<8x128x16xf32, #tpu.memory_space<vmem>> -> memref<1x128x16xf32, #tpu.memory_space<vmem>>
      %dma_start3A_25 = tpu.memref_squeeze %dma_start3A_24 : memref<1x128x16xf32, #tpu.memory_space<vmem>> -> memref<128x16xf32, #tpu.memory_space<vmem>>
      %dma_start3A_26 = arith.constant 0 : i32
      %dma_start3A_27 = tpu.memref_slice %arg7[%dma_start3A, %dma_start3A_26] : memref<8x128xi32, #tpu.memory_space<vmem>> -> memref<1x128xi32, #tpu.memory_space<vmem>>
      %dma_start3A_28 = tpu.memref_squeeze %dma_start3A_27 : memref<1x128xi32, #tpu.memory_space<vmem>> -> memref<128xi32, #tpu.memory_space<vmem>>
      %dma_start3A_29 = arith.constant 0 : i32
      %dma_start3A_30 = arith.constant 0 : i32
      %dma_start3A_31 = tpu.memref_slice %arg2[%dma_start3A_29, %dma_start3A_30] : memref<51200x16xf32, #tpu.memory_space<hbm>> -> memref<51200x16xf32, #tpu.memory_space<hbm>>
      tpu.enqueue_indirect_dma source(%dma_start3A_31 : memref<51200x16xf32, #tpu.memory_space<hbm>>) target(%dma_start3A_25 : memref<128x16xf32, #tpu.memory_space<vmem>>) offsets(%dma_start3A_28 : memref<128xi32, #tpu.memory_space<vmem>>) semaphore(%arg11 : memref<!tpu.dma_semaphore, #tpu.memory_space<semaphore_mem>>)
      %dma_start3A_32 = arith.constant 1 : i32
      %dma_start3A_33 = arith.constant 1 : i32
      %dma_start3A_34 = arith.constant 0 : i32
      %dma_start3A_35 = arith.constant 0 : i32
      %dma_start3A_36 = tpu.memref_slice %arg9[%dma_start3A_33, %dma_start3A_34, %dma_start3A_35] : memref<8x128x16xf32, #tpu.memory_space<vmem>> -> memref<1x128x16xf32, #tpu.memory_space<vmem>>
      %dma_start3A_37 = tpu.memref_squeeze %dma_start3A_36 : memref<1x128x16xf32, #tpu.memory_space<vmem>> -> memref<128x16xf32, #tpu.memory_space<vmem>>
      %dma_start3A_38 = arith.constant 0 : i32
      %dma_start3A_39 = tpu.memref_slice %arg7[%dma_start3A_32, %dma_start3A_38] : memref<8x128xi32, #tpu.memory_space<vmem>> -> memref<1x128xi32, #tpu.memory_space<vmem>>
      %dma_start3A_40 = tpu.memref_squeeze %dma_start3A_39 : memref<1x128xi32, #tpu.memory_space<vmem>> -> memref<128xi32, #tpu.memory_space<vmem>>
      %dma_start3A_41 = arith.constant 0 : i32
      %dma_start3A_42 = arith.constant 0 : i32
      %dma_start3A_43 = tpu.memref_slice %arg2[%dma_start3A_41, %dma_start3A_42] : memref<51200x16xf32, #tpu.memory_space<hbm>> -> memref<51200x16xf32, #tpu.memory_space<hbm>>
      tpu.enqueue_indirect_dma source(%dma_start3A_43 : memref<51200x16xf32, #tpu.memory_space<hbm>>) target(%dma_start3A_37 : memref<128x16xf32, #tpu.memory_space<vmem>>) offsets(%dma_start3A_40 : memref<128xi32, #tpu.memory_space<vmem>>) semaphore(%arg11 : memref<!tpu.dma_semaphore, #tpu.memory_space<semaphore_mem>>)
      %dma_start3A_44 = arith.constant 2 : i32
      %dma_start3A_45 = arith.constant 2 : i32
      %dma_start3A_46 = arith.constant 0 : i32
      %dma_start3A_47 = arith.constant 0 : i32
      %dma_start3A_48 = tpu.memref_slice %arg9[%dma_start3A_45, %dma_start3A_46, %dma_start3A_47] : memref<8x128x16xf32, #tpu.memory_space<vmem>> -> memref<1x128x16xf32, #tpu.memory_space<vmem>>
      %dma_start3A_49 = tpu.memref_squeeze %dma_start3A_48 : memref<1x128x16xf32, #tpu.memory_space<vmem>> -> memref<128x16xf32, #tpu.memory_space<vmem>>
      %dma_start3A_50 = arith.constant 0 : i32
      %dma_start3A_51 = tpu.memref_slice %arg7[%dma_start3A_44, %dma_start3A_50] : memref<8x128xi32, #tpu.memory_space<vmem>> -> memref<1x128xi32, #tpu.memory_space<vmem>>
      %dma_start3A_52 = tpu.memref_squeeze %dma_start3A_51 : memref<1x128xi32, #tpu.memory_space<vmem>> -> memref<128xi32, #tpu.memory_space<vmem>>
      %dma_start3A_53 = arith.constant 0 : i32
      %dma_start3A_54 = arith.constant 0 : i32
      %dma_start3A_55 = tpu.memref_slice %arg2[%dma_start3A_53, %dma_start3A_54] : memref<51200x16xf32, #tpu.memory_space<hbm>> -> memref<51200x16xf32, #tpu.memory_space<hbm>>
      tpu.enqueue_indirect_dma source(%dma_start3A_55 : memref<51200x16xf32, #tpu.memory_space<hbm>>) target(%dma_start3A_49 : memref<128x16xf32, #tpu.memory_space<vmem>>) offsets(%dma_start3A_52 : memref<128xi32, #tpu.memory_space<vmem>>) semaphore(%arg11 : memref<!tpu.dma_semaphore, #tpu.memory_space<semaphore_mem>>)
      %dma_start3A_56 = arith.constant 3 : i32
      %dma_start3A_57 = arith.constant 3 : i32
      %dma_start3A_58 = arith.constant 0 : i32
      %dma_start3A_59 = arith.constant 0 : i32
      %dma_start3A_60 = tpu.memref_slice %arg9[%dma_start3A_57, %dma_start3A_58, %dma_start3A_59] : memref<8x128x16xf32, #tpu.memory_space<vmem>> -> memref<1x128x16xf32, #tpu.memory_space<vmem>>
      %dma_start3A_61 = tpu.memref_squeeze %dma_start3A_60 : memref<1x128x16xf32, #tpu.memory_space<vmem>> -> memref<128x16xf32, #tpu.memory_space<vmem>>
      %dma_start3A_62 = arith.constant 0 : i32
      %dma_start3A_63 = tpu.memref_slice %arg7[%dma_start3A_56, %dma_start3A_62] : memref<8x128xi32, #tpu.memory_space<vmem>> -> memref<1x128xi32, #tpu.memory_space<vmem>>
      %dma_start3A_64 = tpu.memref_squeeze %dma_start3A_63 : memref<1x128xi32, #tpu.memory_space<vmem>> -> memref<128xi32, #tpu.memory_space<vmem>>
      %dma_start3A_65 = arith.constant 0 : i32
      %dma_start3A_66 = arith.constant 0 : i32
      %dma_start3A_67 = tpu.memref_slice %arg2[%dma_start3A_65, %dma_start3A_66] : memref<51200x16xf32, #tpu.memory_space<hbm>> -> memref<51200x16xf32, #tpu.memory_space<hbm>>
      tpu.enqueue_indirect_dma source(%dma_start3A_67 : memref<51200x16xf32, #tpu.memory_space<hbm>>) target(%dma_start3A_61 : memref<128x16xf32, #tpu.memory_space<vmem>>) offsets(%dma_start3A_64 : memref<128xi32, #tpu.memory_space<vmem>>) semaphore(%arg11 : memref<!tpu.dma_semaphore, #tpu.memory_space<semaphore_mem>>)
      %dma_start3A_68 = arith.constant 4 : i32
      %dma_start3A_69 = arith.constant 4 : i32
      %dma_start3A_70 = arith.constant 0 : i32
      %dma_start3A_71 = arith.constant 0 : i32
      %dma_start3A_72 = tpu.memref_slice %arg9[%dma_start3A_69, %dma_start3A_70, %dma_start3A_71] : memref<8x128x16xf32, #tpu.memory_space<vmem>> -> memref<1x128x16xf32, #tpu.memory_space<vmem>>
      %dma_start3A_73 = tpu.memref_squeeze %dma_start3A_72 : memref<1x128x16xf32, #tpu.memory_space<vmem>> -> memref<128x16xf32, #tpu.memory_space<vmem>>
      %dma_start3A_74 = arith.constant 0 : i32
      %dma_start3A_75 = tpu.memref_slice %arg7[%dma_start3A_68, %dma_start3A_74] : memref<8x128xi32, #tpu.memory_space<vmem>> -> memref<1x128xi32, #tpu.memory_space<vmem>>
      %dma_start3A_76 = tpu.memref_squeeze %dma_start3A_75 : memref<1x128xi32, #tpu.memory_space<vmem>> -> memref<128xi32, #tpu.memory_space<vmem>>
      %dma_start3A_77 = arith.constant 0 : i32
      %dma_start3A_78 = arith.constant 0 : i32
      %dma_start3A_79 = tpu.memref_slice %arg2[%dma_start3A_77, %dma_start3A_78] : memref<51200x16xf32, #tpu.memory_space<hbm>> -> memref<51200x16xf32, #tpu.memory_space<hbm>>
      tpu.enqueue_indirect_dma source(%dma_start3A_79 : memref<51200x16xf32, #tpu.memory_space<hbm>>) target(%dma_start3A_73 : memref<128x16xf32, #tpu.memory_space<vmem>>) offsets(%dma_start3A_76 : memref<128xi32, #tpu.memory_space<vmem>>) semaphore(%arg11 : memref<!tpu.dma_semaphore, #tpu.memory_space<semaphore_mem>>)
      %dma_start3A_80 = arith.constant 5 : i32
      %dma_start3A_81 = arith.constant 5 : i32
      %dma_start3A_82 = arith.constant 0 : i32
      %dma_start3A_83 = arith.constant 0 : i32
      %dma_start3A_84 = tpu.memref_slice %arg9[%dma_start3A_81, %dma_start3A_82, %dma_start3A_83] : memref<8x128x16xf32, #tpu.memory_space<vmem>> -> memref<1x128x16xf32, #tpu.memory_space<vmem>>
      %dma_start3A_85 = tpu.memref_squeeze %dma_start3A_84 : memref<1x128x16xf32, #tpu.memory_space<vmem>> -> memref<128x16xf32, #tpu.memory_space<vmem>>
      %dma_start3A_86 = arith.constant 0 : i32
      %dma_start3A_87 = tpu.memref_slice %arg7[%dma_start3A_80, %dma_start3A_86] : memref<8x128xi32, #tpu.memory_space<vmem>> -> memref<1x128xi32, #tpu.memory_space<vmem>>
      %dma_start3A_88 = tpu.memref_squeeze %dma_start3A_87 : memref<1x128xi32, #tpu.memory_space<vmem>> -> memref<128xi32, #tpu.memory_space<vmem>>
      %dma_start3A_89 = arith.constant 0 : i32
      %dma_start3A_90 = arith.constant 0 : i32
      %dma_start3A_91 = tpu.memref_slice %arg2[%dma_start3A_89, %dma_start3A_90] : memref<51200x16xf32, #tpu.memory_space<hbm>> -> memref<51200x16xf32, #tpu.memory_space<hbm>>
      tpu.enqueue_indirect_dma source(%dma_start3A_91 : memref<51200x16xf32, #tpu.memory_space<hbm>>) target(%dma_start3A_85 : memref<128x16xf32, #tpu.memory_space<vmem>>) offsets(%dma_start3A_88 : memref<128xi32, #tpu.memory_space<vmem>>) semaphore(%arg11 : memref<!tpu.dma_semaphore, #tpu.memory_space<semaphore_mem>>)
      %dma_start3A_92 = arith.constant 6 : i32
      %dma_start3A_93 = arith.constant 6 : i32
      %dma_start3A_94 = arith.constant 0 : i32
      %dma_start3A_95 = arith.constant 0 : i32
      %dma_start3A_96 = tpu.memref_slice %arg9[%dma_start3A_93, %dma_start3A_94, %dma_start3A_95] : memref<8x128x16xf32, #tpu.memory_space<vmem>> -> memref<1x128x16xf32, #tpu.memory_space<vmem>>
      %dma_start3A_97 = tpu.memref_squeeze %dma_start3A_96 : memref<1x128x16xf32, #tpu.memory_space<vmem>> -> memref<128x16xf32, #tpu.memory_space<vmem>>
      %dma_start3A_98 = arith.constant 0 : i32
      %dma_start3A_99 = tpu.memref_slice %arg7[%dma_start3A_92, %dma_start3A_98] : memref<8x128xi32, #tpu.memory_space<vmem>> -> memref<1x128xi32, #tpu.memory_space<vmem>>
      %dma_start3A_100 = tpu.memref_squeeze %dma_start3A_99 : memref<1x128xi32, #tpu.memory_space<vmem>> -> memref<128xi32, #tpu.memory_space<vmem>>
      %dma_start3A_101 = arith.constant 0 : i32
      %dma_start3A_102 = arith.constant 0 : i32
      %dma_start3A_103 = tpu.memref_slice %arg2[%dma_start3A_101, %dma_start3A_102] : memref<51200x16xf32, #tpu.memory_space<hbm>> -> memref<51200x16xf32, #tpu.memory_space<hbm>>
      tpu.enqueue_indirect_dma source(%dma_start3A_103 : memref<51200x16xf32, #tpu.memory_space<hbm>>) target(%dma_start3A_97 : memref<128x16xf32, #tpu.memory_space<vmem>>) offsets(%dma_start3A_100 : memref<128xi32, #tpu.memory_space<vmem>>) semaphore(%arg11 : memref<!tpu.dma_semaphore, #tpu.memory_space<semaphore_mem>>)
      %dma_start3A_104 = arith.constant 7 : i32
      %dma_start3A_105 = arith.constant 7 : i32
      %dma_start3A_106 = arith.constant 0 : i32
      %dma_start3A_107 = arith.constant 0 : i32
      %dma_start3A_108 = tpu.memref_slice %arg9[%dma_start3A_105, %dma_start3A_106, %dma_start3A_107] : memref<8x128x16xf32, #tpu.memory_space<vmem>> -> memref<1x128x16xf32, #tpu.memory_space<vmem>>
      %dma_start3A_109 = tpu.memref_squeeze %dma_start3A_108 : memref<1x128x16xf32, #tpu.memory_space<vmem>> -> memref<128x16xf32, #tpu.memory_space<vmem>>
      %dma_start3A_110 = arith.constant 0 : i32
      %dma_start3A_111 = tpu.memref_slice %arg7[%dma_start3A_104, %dma_start3A_110] : memref<8x128xi32, #tpu.memory_space<vmem>> -> memref<1x128xi32, #tpu.memory_space<vmem>>
      %dma_start3A_112 = tpu.memref_squeeze %dma_start3A_111 : memref<1x128xi32, #tpu.memory_space<vmem>> -> memref<128xi32, #tpu.memory_space<vmem>>
      %dma_start3A_113 = arith.constant 0 : i32
      %dma_start3A_114 = arith.constant 0 : i32
      %dma_start3A_115 = tpu.memref_slice %arg2[%dma_start3A_113, %dma_start3A_114] : memref<51200x16xf32, #tpu.memory_space<hbm>> -> memref<51200x16xf32, #tpu.memory_space<hbm>>
      tpu.enqueue_indirect_dma source(%dma_start3A_115 : memref<51200x16xf32, #tpu.memory_space<hbm>>) target(%dma_start3A_109 : memref<128x16xf32, #tpu.memory_space<vmem>>) offsets(%dma_start3A_112 : memref<128xi32, #tpu.memory_space<vmem>>) semaphore(%arg11 : memref<!tpu.dma_semaphore, #tpu.memory_space<semaphore_mem>>)
      %dma_wait3A = arith.constant 0 : i32
      %dma_wait3A_116 = arith.constant 0 : i32
      %dma_wait3A_117 = arith.constant 0 : i32
      %dma_wait3A_118 = arith.constant 0 : i32
      %dma_wait3A_119 = tpu.memref_slice %arg9[%dma_wait3A_116, %dma_wait3A_117, %dma_wait3A_118] : memref<8x128x16xf32, #tpu.memory_space<vmem>> -> memref<1x128x16xf32, #tpu.memory_space<vmem>>
      %dma_wait3A_120 = tpu.memref_squeeze %dma_wait3A_119 : memref<1x128x16xf32, #tpu.memory_space<vmem>> -> memref<128x16xf32, #tpu.memory_space<vmem>>
      %dma_wait3A_121 = arith.constant 0 : i32
      %dma_wait3A_122 = tpu.memref_slice %arg7[%dma_wait3A, %dma_wait3A_121] : memref<8x128xi32, #tpu.memory_space<vmem>> -> memref<1x128xi32, #tpu.memory_space<vmem>>
      %dma_wait3A_123 = tpu.memref_squeeze %dma_wait3A_122 : memref<1x128xi32, #tpu.memory_space<vmem>> -> memref<128xi32, #tpu.memory_space<vmem>>
      %dma_wait3A_124 = arith.constant 0 : i32
      %dma_wait3A_125 = arith.constant 0 : i32
      %dma_wait3A_126 = tpu.memref_slice %arg2[%dma_wait3A_124, %dma_wait3A_125] : memref<51200x16xf32, #tpu.memory_space<hbm>> -> memref<51200x16xf32, #tpu.memory_space<hbm>>
      tpu.wait_indirect_dma semaphore(%arg11 : memref<!tpu.dma_semaphore, #tpu.memory_space<semaphore_mem>>) src(%dma_wait3A_126 : memref<51200x16xf32, #tpu.memory_space<hbm>>) dst(%dma_wait3A_120 : memref<128x16xf32, #tpu.memory_space<vmem>>)
      %dma_start3A_127 = arith.constant 0 : i32
      %dma_start3A_128 = arith.constant 0 : i32
      %dma_start3A_129 = arith.constant 0 : i32
      %dma_start3A_130 = arith.constant 0 : i32
      %dma_start3A_131 = tpu.memref_slice %arg9[%dma_start3A_127, %dma_start3A_129, %dma_start3A_130] : memref<8x128x16xf32, #tpu.memory_space<vmem>> -> memref<1x128x16xf32, #tpu.memory_space<vmem>>
      %dma_start3A_132 = tpu.memref_squeeze %dma_start3A_131 : memref<1x128x16xf32, #tpu.memory_space<vmem>> -> memref<128x16xf32, #tpu.memory_space<vmem>>
      %dma_start3A_133 = arith.constant 0 : i32
      %dma_start3A_134 = tpu.memref_slice %arg8[%dma_start3A_128, %dma_start3A_133] : memref<8x128xi32, #tpu.memory_space<vmem>> -> memref<1x128xi32, #tpu.memory_space<vmem>>
      %dma_start3A_135 = tpu.memref_squeeze %dma_start3A_134 : memref<1x128xi32, #tpu.memory_space<vmem>> -> memref<128xi32, #tpu.memory_space<vmem>>
      %dma_start3A_136 = arith.constant 0 : i32
      %dma_start3A_137 = arith.constant 0 : i32
      %dma_start3A_138 = tpu.memref_slice %arg10[%dma_start3A_136, %dma_start3A_137] : memref<51200x16xf32, #tpu.memory_space<vmem_shared>> -> memref<51200x16xf32, #tpu.memory_space<vmem_shared>>
      tpu.enqueue_indirect_dma source(%dma_start3A_132 : memref<128x16xf32, #tpu.memory_space<vmem>>) target(%dma_start3A_138 : memref<51200x16xf32, #tpu.memory_space<vmem_shared>>) offsets(%dma_start3A_135 : memref<128xi32, #tpu.memory_space<vmem>>) semaphore(%arg12 : memref<!tpu.dma_semaphore, #tpu.memory_space<semaphore_mem>>) {add = true}
      %dma_wait3A_139 = arith.constant 1 : i32
      %dma_wait3A_140 = arith.constant 1 : i32
      %dma_wait3A_141 = arith.constant 0 : i32
      %dma_wait3A_142 = arith.constant 0 : i32
      %dma_wait3A_143 = tpu.memref_slice %arg9[%dma_wait3A_140, %dma_wait3A_141, %dma_wait3A_142] : memref<8x128x16xf32, #tpu.memory_space<vmem>> -> memref<1x128x16xf32, #tpu.memory_space<vmem>>
      %dma_wait3A_144 = tpu.memref_squeeze %dma_wait3A_143 : memref<1x128x16xf32, #tpu.memory_space<vmem>> -> memref<128x16xf32, #tpu.memory_space<vmem>>
      %dma_wait3A_145 = arith.constant 0 : i32
      %dma_wait3A_146 = tpu.memref_slice %arg7[%dma_wait3A_139, %dma_wait3A_145] : memref<8x128xi32, #tpu.memory_space<vmem>> -> memref<1x128xi32, #tpu.memory_space<vmem>>
      %dma_wait3A_147 = tpu.memref_squeeze %dma_wait3A_146 : memref<1x128xi32, #tpu.memory_space<vmem>> -> memref<128xi32, #tpu.memory_space<vmem>>
      %dma_wait3A_148 = arith.constant 0 : i32
      %dma_wait3A_149 = arith.constant 0 : i32
      %dma_wait3A_150 = tpu.memref_slice %arg2[%dma_wait3A_148, %dma_wait3A_149] : memref<51200x16xf32, #tpu.memory_space<hbm>> -> memref<51200x16xf32, #tpu.memory_space<hbm>>
      tpu.wait_indirect_dma semaphore(%arg11 : memref<!tpu.dma_semaphore, #tpu.memory_space<semaphore_mem>>) src(%dma_wait3A_150 : memref<51200x16xf32, #tpu.memory_space<hbm>>) dst(%dma_wait3A_144 : memref<128x16xf32, #tpu.memory_space<vmem>>)
      %dma_start3A_151 = arith.constant 1 : i32
      %dma_start3A_152 = arith.constant 1 : i32
      %dma_start3A_153 = arith.constant 0 : i32
      %dma_start3A_154 = arith.constant 0 : i32
      %dma_start3A_155 = tpu.memref_slice %arg9[%dma_start3A_151, %dma_start3A_153, %dma_start3A_154] : memref<8x128x16xf32, #tpu.memory_space<vmem>> -> memref<1x128x16xf32, #tpu.memory_space<vmem>>
      %dma_start3A_156 = tpu.memref_squeeze %dma_start3A_155 : memref<1x128x16xf32, #tpu.memory_space<vmem>> -> memref<128x16xf32, #tpu.memory_space<vmem>>
      %dma_start3A_157 = arith.constant 0 : i32
      %dma_start3A_158 = tpu.memref_slice %arg8[%dma_start3A_152, %dma_start3A_157] : memref<8x128xi32, #tpu.memory_space<vmem>> -> memref<1x128xi32, #tpu.memory_space<vmem>>
      %dma_start3A_159 = tpu.memref_squeeze %dma_start3A_158 : memref<1x128xi32, #tpu.memory_space<vmem>> -> memref<128xi32, #tpu.memory_space<vmem>>
      %dma_start3A_160 = arith.constant 0 : i32
      %dma_start3A_161 = arith.constant 0 : i32
      %dma_start3A_162 = tpu.memref_slice %arg10[%dma_start3A_160, %dma_start3A_161] : memref<51200x16xf32, #tpu.memory_space<vmem_shared>> -> memref<51200x16xf32, #tpu.memory_space<vmem_shared>>
      tpu.enqueue_indirect_dma source(%dma_start3A_156 : memref<128x16xf32, #tpu.memory_space<vmem>>) target(%dma_start3A_162 : memref<51200x16xf32, #tpu.memory_space<vmem_shared>>) offsets(%dma_start3A_159 : memref<128xi32, #tpu.memory_space<vmem>>) semaphore(%arg12 : memref<!tpu.dma_semaphore, #tpu.memory_space<semaphore_mem>>) {add = true}
      %dma_wait3A_163 = arith.constant 2 : i32
      %dma_wait3A_164 = arith.constant 2 : i32
      %dma_wait3A_165 = arith.constant 0 : i32
      %dma_wait3A_166 = arith.constant 0 : i32
      %dma_wait3A_167 = tpu.memref_slice %arg9[%dma_wait3A_164, %dma_wait3A_165, %dma_wait3A_166] : memref<8x128x16xf32, #tpu.memory_space<vmem>> -> memref<1x128x16xf32, #tpu.memory_space<vmem>>
      %dma_wait3A_168 = tpu.memref_squeeze %dma_wait3A_167 : memref<1x128x16xf32, #tpu.memory_space<vmem>> -> memref<128x16xf32, #tpu.memory_space<vmem>>
      %dma_wait3A_169 = arith.constant 0 : i32
      %dma_wait3A_170 = tpu.memref_slice %arg7[%dma_wait3A_163, %dma_wait3A_169] : memref<8x128xi32, #tpu.memory_space<vmem>> -> memref<1x128xi32, #tpu.memory_space<vmem>>
      %dma_wait3A_171 = tpu.memref_squeeze %dma_wait3A_170 : memref<1x128xi32, #tpu.memory_space<vmem>> -> memref<128xi32, #tpu.memory_space<vmem>>
      %dma_wait3A_172 = arith.constant 0 : i32
      %dma_wait3A_173 = arith.constant 0 : i32
      %dma_wait3A_174 = tpu.memref_slice %arg2[%dma_wait3A_172, %dma_wait3A_173] : memref<51200x16xf32, #tpu.memory_space<hbm>> -> memref<51200x16xf32, #tpu.memory_space<hbm>>
      tpu.wait_indirect_dma semaphore(%arg11 : memref<!tpu.dma_semaphore, #tpu.memory_space<semaphore_mem>>) src(%dma_wait3A_174 : memref<51200x16xf32, #tpu.memory_space<hbm>>) dst(%dma_wait3A_168 : memref<128x16xf32, #tpu.memory_space<vmem>>)
      %dma_start3A_175 = arith.constant 2 : i32
      %dma_start3A_176 = arith.constant 2 : i32
      %dma_start3A_177 = arith.constant 0 : i32
      %dma_start3A_178 = arith.constant 0 : i32
      %dma_start3A_179 = tpu.memref_slice %arg9[%dma_start3A_175, %dma_start3A_177, %dma_start3A_178] : memref<8x128x16xf32, #tpu.memory_space<vmem>> -> memref<1x128x16xf32, #tpu.memory_space<vmem>>
      %dma_start3A_180 = tpu.memref_squeeze %dma_start3A_179 : memref<1x128x16xf32, #tpu.memory_space<vmem>> -> memref<128x16xf32, #tpu.memory_space<vmem>>
      %dma_start3A_181 = arith.constant 0 : i32
      %dma_start3A_182 = tpu.memref_slice %arg8[%dma_start3A_176, %dma_start3A_181] : memref<8x128xi32, #tpu.memory_space<vmem>> -> memref<1x128xi32, #tpu.memory_space<vmem>>
      %dma_start3A_183 = tpu.memref_squeeze %dma_start3A_182 : memref<1x128xi32, #tpu.memory_space<vmem>> -> memref<128xi32, #tpu.memory_space<vmem>>
      %dma_start3A_184 = arith.constant 0 : i32
      %dma_start3A_185 = arith.constant 0 : i32
      %dma_start3A_186 = tpu.memref_slice %arg10[%dma_start3A_184, %dma_start3A_185] : memref<51200x16xf32, #tpu.memory_space<vmem_shared>> -> memref<51200x16xf32, #tpu.memory_space<vmem_shared>>
      tpu.enqueue_indirect_dma source(%dma_start3A_180 : memref<128x16xf32, #tpu.memory_space<vmem>>) target(%dma_start3A_186 : memref<51200x16xf32, #tpu.memory_space<vmem_shared>>) offsets(%dma_start3A_183 : memref<128xi32, #tpu.memory_space<vmem>>) semaphore(%arg12 : memref<!tpu.dma_semaphore, #tpu.memory_space<semaphore_mem>>) {add = true}
      %dma_wait3A_187 = arith.constant 3 : i32
      %dma_wait3A_188 = arith.constant 3 : i32
      %dma_wait3A_189 = arith.constant 0 : i32
      %dma_wait3A_190 = arith.constant 0 : i32
      %dma_wait3A_191 = tpu.memref_slice %arg9[%dma_wait3A_188, %dma_wait3A_189, %dma_wait3A_190] : memref<8x128x16xf32, #tpu.memory_space<vmem>> -> memref<1x128x16xf32, #tpu.memory_space<vmem>>
      %dma_wait3A_192 = tpu.memref_squeeze %dma_wait3A_191 : memref<1x128x16xf32, #tpu.memory_space<vmem>> -> memref<128x16xf32, #tpu.memory_space<vmem>>
      %dma_wait3A_193 = arith.constant 0 : i32
      %dma_wait3A_194 = tpu.memref_slice %arg7[%dma_wait3A_187, %dma_wait3A_193] : memref<8x128xi32, #tpu.memory_space<vmem>> -> memref<1x128xi32, #tpu.memory_space<vmem>>
      %dma_wait3A_195 = tpu.memref_squeeze %dma_wait3A_194 : memref<1x128xi32, #tpu.memory_space<vmem>> -> memref<128xi32, #tpu.memory_space<vmem>>
      %dma_wait3A_196 = arith.constant 0 : i32
      %dma_wait3A_197 = arith.constant 0 : i32
      %dma_wait3A_198 = tpu.memref_slice %arg2[%dma_wait3A_196, %dma_wait3A_197] : memref<51200x16xf32, #tpu.memory_space<hbm>> -> memref<51200x16xf32, #tpu.memory_space<hbm>>
      tpu.wait_indirect_dma semaphore(%arg11 : memref<!tpu.dma_semaphore, #tpu.memory_space<semaphore_mem>>) src(%dma_wait3A_198 : memref<51200x16xf32, #tpu.memory_space<hbm>>) dst(%dma_wait3A_192 : memref<128x16xf32, #tpu.memory_space<vmem>>)
      %dma_start3A_199 = arith.constant 3 : i32
      %dma_start3A_200 = arith.constant 3 : i32
      %dma_start3A_201 = arith.constant 0 : i32
      %dma_start3A_202 = arith.constant 0 : i32
      %dma_start3A_203 = tpu.memref_slice %arg9[%dma_start3A_199, %dma_start3A_201, %dma_start3A_202] : memref<8x128x16xf32, #tpu.memory_space<vmem>> -> memref<1x128x16xf32, #tpu.memory_space<vmem>>
      %dma_start3A_204 = tpu.memref_squeeze %dma_start3A_203 : memref<1x128x16xf32, #tpu.memory_space<vmem>> -> memref<128x16xf32, #tpu.memory_space<vmem>>
      %dma_start3A_205 = arith.constant 0 : i32
      %dma_start3A_206 = tpu.memref_slice %arg8[%dma_start3A_200, %dma_start3A_205] : memref<8x128xi32, #tpu.memory_space<vmem>> -> memref<1x128xi32, #tpu.memory_space<vmem>>
      %dma_start3A_207 = tpu.memref_squeeze %dma_start3A_206 : memref<1x128xi32, #tpu.memory_space<vmem>> -> memref<128xi32, #tpu.memory_space<vmem>>
      %dma_start3A_208 = arith.constant 0 : i32
      %dma_start3A_209 = arith.constant 0 : i32
      %dma_start3A_210 = tpu.memref_slice %arg10[%dma_start3A_208, %dma_start3A_209] : memref<51200x16xf32, #tpu.memory_space<vmem_shared>> -> memref<51200x16xf32, #tpu.memory_space<vmem_shared>>
      tpu.enqueue_indirect_dma source(%dma_start3A_204 : memref<128x16xf32, #tpu.memory_space<vmem>>) target(%dma_start3A_210 : memref<51200x16xf32, #tpu.memory_space<vmem_shared>>) offsets(%dma_start3A_207 : memref<128xi32, #tpu.memory_space<vmem>>) semaphore(%arg12 : memref<!tpu.dma_semaphore, #tpu.memory_space<semaphore_mem>>) {add = true}
      %dma_wait3A_211 = arith.constant 4 : i32
      %dma_wait3A_212 = arith.constant 4 : i32
      %dma_wait3A_213 = arith.constant 0 : i32
      %dma_wait3A_214 = arith.constant 0 : i32
      %dma_wait3A_215 = tpu.memref_slice %arg9[%dma_wait3A_212, %dma_wait3A_213, %dma_wait3A_214] : memref<8x128x16xf32, #tpu.memory_space<vmem>> -> memref<1x128x16xf32, #tpu.memory_space<vmem>>
      %dma_wait3A_216 = tpu.memref_squeeze %dma_wait3A_215 : memref<1x128x16xf32, #tpu.memory_space<vmem>> -> memref<128x16xf32, #tpu.memory_space<vmem>>
      %dma_wait3A_217 = arith.constant 0 : i32
      %dma_wait3A_218 = tpu.memref_slice %arg7[%dma_wait3A_211, %dma_wait3A_217] : memref<8x128xi32, #tpu.memory_space<vmem>> -> memref<1x128xi32, #tpu.memory_space<vmem>>
      %dma_wait3A_219 = tpu.memref_squeeze %dma_wait3A_218 : memref<1x128xi32, #tpu.memory_space<vmem>> -> memref<128xi32, #tpu.memory_space<vmem>>
      %dma_wait3A_220 = arith.constant 0 : i32
      %dma_wait3A_221 = arith.constant 0 : i32
      %dma_wait3A_222 = tpu.memref_slice %arg2[%dma_wait3A_220, %dma_wait3A_221] : memref<51200x16xf32, #tpu.memory_space<hbm>> -> memref<51200x16xf32, #tpu.memory_space<hbm>>
      tpu.wait_indirect_dma semaphore(%arg11 : memref<!tpu.dma_semaphore, #tpu.memory_space<semaphore_mem>>) src(%dma_wait3A_222 : memref<51200x16xf32, #tpu.memory_space<hbm>>) dst(%dma_wait3A_216 : memref<128x16xf32, #tpu.memory_space<vmem>>)
      %dma_start3A_223 = arith.constant 4 : i32
      %dma_start3A_224 = arith.constant 4 : i32
      %dma_start3A_225 = arith.constant 0 : i32
      %dma_start3A_226 = arith.constant 0 : i32
      %dma_start3A_227 = tpu.memref_slice %arg9[%dma_start3A_223, %dma_start3A_225, %dma_start3A_226] : memref<8x128x16xf32, #tpu.memory_space<vmem>> -> memref<1x128x16xf32, #tpu.memory_space<vmem>>
      %dma_start3A_228 = tpu.memref_squeeze %dma_start3A_227 : memref<1x128x16xf32, #tpu.memory_space<vmem>> -> memref<128x16xf32, #tpu.memory_space<vmem>>
      %dma_start3A_229 = arith.constant 0 : i32
      %dma_start3A_230 = tpu.memref_slice %arg8[%dma_start3A_224, %dma_start3A_229] : memref<8x128xi32, #tpu.memory_space<vmem>> -> memref<1x128xi32, #tpu.memory_space<vmem>>
      %dma_start3A_231 = tpu.memref_squeeze %dma_start3A_230 : memref<1x128xi32, #tpu.memory_space<vmem>> -> memref<128xi32, #tpu.memory_space<vmem>>
      %dma_start3A_232 = arith.constant 0 : i32
      %dma_start3A_233 = arith.constant 0 : i32
      %dma_start3A_234 = tpu.memref_slice %arg10[%dma_start3A_232, %dma_start3A_233] : memref<51200x16xf32, #tpu.memory_space<vmem_shared>> -> memref<51200x16xf32, #tpu.memory_space<vmem_shared>>
      tpu.enqueue_indirect_dma source(%dma_start3A_228 : memref<128x16xf32, #tpu.memory_space<vmem>>) target(%dma_start3A_234 : memref<51200x16xf32, #tpu.memory_space<vmem_shared>>) offsets(%dma_start3A_231 : memref<128xi32, #tpu.memory_space<vmem>>) semaphore(%arg12 : memref<!tpu.dma_semaphore, #tpu.memory_space<semaphore_mem>>) {add = true}
      %dma_wait3A_235 = arith.constant 5 : i32
      %dma_wait3A_236 = arith.constant 5 : i32
      %dma_wait3A_237 = arith.constant 0 : i32
      %dma_wait3A_238 = arith.constant 0 : i32
      %dma_wait3A_239 = tpu.memref_slice %arg9[%dma_wait3A_236, %dma_wait3A_237, %dma_wait3A_238] : memref<8x128x16xf32, #tpu.memory_space<vmem>> -> memref<1x128x16xf32, #tpu.memory_space<vmem>>
      %dma_wait3A_240 = tpu.memref_squeeze %dma_wait3A_239 : memref<1x128x16xf32, #tpu.memory_space<vmem>> -> memref<128x16xf32, #tpu.memory_space<vmem>>
      %dma_wait3A_241 = arith.constant 0 : i32
      %dma_wait3A_242 = tpu.memref_slice %arg7[%dma_wait3A_235, %dma_wait3A_241] : memref<8x128xi32, #tpu.memory_space<vmem>> -> memref<1x128xi32, #tpu.memory_space<vmem>>
      %dma_wait3A_243 = tpu.memref_squeeze %dma_wait3A_242 : memref<1x128xi32, #tpu.memory_space<vmem>> -> memref<128xi32, #tpu.memory_space<vmem>>
      %dma_wait3A_244 = arith.constant 0 : i32
      %dma_wait3A_245 = arith.constant 0 : i32
      %dma_wait3A_246 = tpu.memref_slice %arg2[%dma_wait3A_244, %dma_wait3A_245] : memref<51200x16xf32, #tpu.memory_space<hbm>> -> memref<51200x16xf32, #tpu.memory_space<hbm>>
      tpu.wait_indirect_dma semaphore(%arg11 : memref<!tpu.dma_semaphore, #tpu.memory_space<semaphore_mem>>) src(%dma_wait3A_246 : memref<51200x16xf32, #tpu.memory_space<hbm>>) dst(%dma_wait3A_240 : memref<128x16xf32, #tpu.memory_space<vmem>>)
      %dma_start3A_247 = arith.constant 5 : i32
      %dma_start3A_248 = arith.constant 5 : i32
      %dma_start3A_249 = arith.constant 0 : i32
      %dma_start3A_250 = arith.constant 0 : i32
      %dma_start3A_251 = tpu.memref_slice %arg9[%dma_start3A_247, %dma_start3A_249, %dma_start3A_250] : memref<8x128x16xf32, #tpu.memory_space<vmem>> -> memref<1x128x16xf32, #tpu.memory_space<vmem>>
      %dma_start3A_252 = tpu.memref_squeeze %dma_start3A_251 : memref<1x128x16xf32, #tpu.memory_space<vmem>> -> memref<128x16xf32, #tpu.memory_space<vmem>>
      %dma_start3A_253 = arith.constant 0 : i32
      %dma_start3A_254 = tpu.memref_slice %arg8[%dma_start3A_248, %dma_start3A_253] : memref<8x128xi32, #tpu.memory_space<vmem>> -> memref<1x128xi32, #tpu.memory_space<vmem>>
      %dma_start3A_255 = tpu.memref_squeeze %dma_start3A_254 : memref<1x128xi32, #tpu.memory_space<vmem>> -> memref<128xi32, #tpu.memory_space<vmem>>
      %dma_start3A_256 = arith.constant 0 : i32
      %dma_start3A_257 = arith.constant 0 : i32
      %dma_start3A_258 = tpu.memref_slice %arg10[%dma_start3A_256, %dma_start3A_257] : memref<51200x16xf32, #tpu.memory_space<vmem_shared>> -> memref<51200x16xf32, #tpu.memory_space<vmem_shared>>
      tpu.enqueue_indirect_dma source(%dma_start3A_252 : memref<128x16xf32, #tpu.memory_space<vmem>>) target(%dma_start3A_258 : memref<51200x16xf32, #tpu.memory_space<vmem_shared>>) offsets(%dma_start3A_255 : memref<128xi32, #tpu.memory_space<vmem>>) semaphore(%arg12 : memref<!tpu.dma_semaphore, #tpu.memory_space<semaphore_mem>>) {add = true}
      %dma_wait3A_259 = arith.constant 6 : i32
      %dma_wait3A_260 = arith.constant 6 : i32
      %dma_wait3A_261 = arith.constant 0 : i32
      %dma_wait3A_262 = arith.constant 0 : i32
      %dma_wait3A_263 = tpu.memref_slice %arg9[%dma_wait3A_260, %dma_wait3A_261, %dma_wait3A_262] : memref<8x128x16xf32, #tpu.memory_space<vmem>> -> memref<1x128x16xf32, #tpu.memory_space<vmem>>
      %dma_wait3A_264 = tpu.memref_squeeze %dma_wait3A_263 : memref<1x128x16xf32, #tpu.memory_space<vmem>> -> memref<128x16xf32, #tpu.memory_space<vmem>>
      %dma_wait3A_265 = arith.constant 0 : i32
      %dma_wait3A_266 = tpu.memref_slice %arg7[%dma_wait3A_259, %dma_wait3A_265] : memref<8x128xi32, #tpu.memory_space<vmem>> -> memref<1x128xi32, #tpu.memory_space<vmem>>
      %dma_wait3A_267 = tpu.memref_squeeze %dma_wait3A_266 : memref<1x128xi32, #tpu.memory_space<vmem>> -> memref<128xi32, #tpu.memory_space<vmem>>
      %dma_wait3A_268 = arith.constant 0 : i32
      %dma_wait3A_269 = arith.constant 0 : i32
      %dma_wait3A_270 = tpu.memref_slice %arg2[%dma_wait3A_268, %dma_wait3A_269] : memref<51200x16xf32, #tpu.memory_space<hbm>> -> memref<51200x16xf32, #tpu.memory_space<hbm>>
      tpu.wait_indirect_dma semaphore(%arg11 : memref<!tpu.dma_semaphore, #tpu.memory_space<semaphore_mem>>) src(%dma_wait3A_270 : memref<51200x16xf32, #tpu.memory_space<hbm>>) dst(%dma_wait3A_264 : memref<128x16xf32, #tpu.memory_space<vmem>>)
      %dma_start3A_271 = arith.constant 6 : i32
      %dma_start3A_272 = arith.constant 6 : i32
      %dma_start3A_273 = arith.constant 0 : i32
      %dma_start3A_274 = arith.constant 0 : i32
      %dma_start3A_275 = tpu.memref_slice %arg9[%dma_start3A_271, %dma_start3A_273, %dma_start3A_274] : memref<8x128x16xf32, #tpu.memory_space<vmem>> -> memref<1x128x16xf32, #tpu.memory_space<vmem>>
      %dma_start3A_276 = tpu.memref_squeeze %dma_start3A_275 : memref<1x128x16xf32, #tpu.memory_space<vmem>> -> memref<128x16xf32, #tpu.memory_space<vmem>>
      %dma_start3A_277 = arith.constant 0 : i32
      %dma_start3A_278 = tpu.memref_slice %arg8[%dma_start3A_272, %dma_start3A_277] : memref<8x128xi32, #tpu.memory_space<vmem>> -> memref<1x128xi32, #tpu.memory_space<vmem>>
      %dma_start3A_279 = tpu.memref_squeeze %dma_start3A_278 : memref<1x128xi32, #tpu.memory_space<vmem>> -> memref<128xi32, #tpu.memory_space<vmem>>
      %dma_start3A_280 = arith.constant 0 : i32
      %dma_start3A_281 = arith.constant 0 : i32
      %dma_start3A_282 = tpu.memref_slice %arg10[%dma_start3A_280, %dma_start3A_281] : memref<51200x16xf32, #tpu.memory_space<vmem_shared>> -> memref<51200x16xf32, #tpu.memory_space<vmem_shared>>
      tpu.enqueue_indirect_dma source(%dma_start3A_276 : memref<128x16xf32, #tpu.memory_space<vmem>>) target(%dma_start3A_282 : memref<51200x16xf32, #tpu.memory_space<vmem_shared>>) offsets(%dma_start3A_279 : memref<128xi32, #tpu.memory_space<vmem>>) semaphore(%arg12 : memref<!tpu.dma_semaphore, #tpu.memory_space<semaphore_mem>>) {add = true}
      %dma_wait3A_283 = arith.constant 7 : i32
      %dma_wait3A_284 = arith.constant 7 : i32
      %dma_wait3A_285 = arith.constant 0 : i32
      %dma_wait3A_286 = arith.constant 0 : i32
      %dma_wait3A_287 = tpu.memref_slice %arg9[%dma_wait3A_284, %dma_wait3A_285, %dma_wait3A_286] : memref<8x128x16xf32, #tpu.memory_space<vmem>> -> memref<1x128x16xf32, #tpu.memory_space<vmem>>
      %dma_wait3A_288 = tpu.memref_squeeze %dma_wait3A_287 : memref<1x128x16xf32, #tpu.memory_space<vmem>> -> memref<128x16xf32, #tpu.memory_space<vmem>>
      %dma_wait3A_289 = arith.constant 0 : i32
      %dma_wait3A_290 = tpu.memref_slice %arg7[%dma_wait3A_283, %dma_wait3A_289] : memref<8x128xi32, #tpu.memory_space<vmem>> -> memref<1x128xi32, #tpu.memory_space<vmem>>
      %dma_wait3A_291 = tpu.memref_squeeze %dma_wait3A_290 : memref<1x128xi32, #tpu.memory_space<vmem>> -> memref<128xi32, #tpu.memory_space<vmem>>
      %dma_wait3A_292 = arith.constant 0 : i32
      %dma_wait3A_293 = arith.constant 0 : i32
      %dma_wait3A_294 = tpu.memref_slice %arg2[%dma_wait3A_292, %dma_wait3A_293] : memref<51200x16xf32, #tpu.memory_space<hbm>> -> memref<51200x16xf32, #tpu.memory_space<hbm>>
      tpu.wait_indirect_dma semaphore(%arg11 : memref<!tpu.dma_semaphore, #tpu.memory_space<semaphore_mem>>) src(%dma_wait3A_294 : memref<51200x16xf32, #tpu.memory_space<hbm>>) dst(%dma_wait3A_288 : memref<128x16xf32, #tpu.memory_space<vmem>>)
      %dma_start3A_295 = arith.constant 7 : i32
      %dma_start3A_296 = arith.constant 7 : i32
      %dma_start3A_297 = arith.constant 0 : i32
      %dma_start3A_298 = arith.constant 0 : i32
      %dma_start3A_299 = tpu.memref_slice %arg9[%dma_start3A_295, %dma_start3A_297, %dma_start3A_298] : memref<8x128x16xf32, #tpu.memory_space<vmem>> -> memref<1x128x16xf32, #tpu.memory_space<vmem>>
      %dma_start3A_300 = tpu.memref_squeeze %dma_start3A_299 : memref<1x128x16xf32, #tpu.memory_space<vmem>> -> memref<128x16xf32, #tpu.memory_space<vmem>>
      %dma_start3A_301 = arith.constant 0 : i32
      %dma_start3A_302 = tpu.memref_slice %arg8[%dma_start3A_296, %dma_start3A_301] : memref<8x128xi32, #tpu.memory_space<vmem>> -> memref<1x128xi32, #tpu.memory_space<vmem>>
      %dma_start3A_303 = tpu.memref_squeeze %dma_start3A_302 : memref<1x128xi32, #tpu.memory_space<vmem>> -> memref<128xi32, #tpu.memory_space<vmem>>
      %dma_start3A_304 = arith.constant 0 : i32
      %dma_start3A_305 = arith.constant 0 : i32
      %dma_start3A_306 = tpu.memref_slice %arg10[%dma_start3A_304, %dma_start3A_305] : memref<51200x16xf32, #tpu.memory_space<vmem_shared>> -> memref<51200x16xf32, #tpu.memory_space<vmem_shared>>
      tpu.enqueue_indirect_dma source(%dma_start3A_300 : memref<128x16xf32, #tpu.memory_space<vmem>>) target(%dma_start3A_306 : memref<51200x16xf32, #tpu.memory_space<vmem_shared>>) offsets(%dma_start3A_303 : memref<128xi32, #tpu.memory_space<vmem>>) semaphore(%arg12 : memref<!tpu.dma_semaphore, #tpu.memory_space<semaphore_mem>>) {add = true}
      %dma_wait3A_307 = arith.constant 0 : i32
      %dma_wait3A_308 = arith.constant 0 : i32
      %dma_wait3A_309 = arith.constant 0 : i32
      %dma_wait3A_310 = arith.constant 0 : i32
      %dma_wait3A_311 = tpu.memref_slice %arg9[%dma_wait3A_307, %dma_wait3A_309, %dma_wait3A_310] : memref<8x128x16xf32, #tpu.memory_space<vmem>> -> memref<1x128x16xf32, #tpu.memory_space<vmem>>
      %dma_wait3A_312 = tpu.memref_squeeze %dma_wait3A_311 : memref<1x128x16xf32, #tpu.memory_space<vmem>> -> memref<128x16xf32, #tpu.memory_space<vmem>>
      %dma_wait3A_313 = arith.constant 0 : i32
      %dma_wait3A_314 = tpu.memref_slice %arg8[%dma_wait3A_308, %dma_wait3A_313] : memref<8x128xi32, #tpu.memory_space<vmem>> -> memref<1x128xi32, #tpu.memory_space<vmem>>
      %dma_wait3A_315 = tpu.memref_squeeze %dma_wait3A_314 : memref<1x128xi32, #tpu.memory_space<vmem>> -> memref<128xi32, #tpu.memory_space<vmem>>
      %dma_wait3A_316 = arith.constant 0 : i32
      %dma_wait3A_317 = arith.constant 0 : i32
      %dma_wait3A_318 = tpu.memref_slice %arg10[%dma_wait3A_316, %dma_wait3A_317] : memref<51200x16xf32, #tpu.memory_space<vmem_shared>> -> memref<51200x16xf32, #tpu.memory_space<vmem_shared>>
      tpu.wait_indirect_dma semaphore(%arg12 : memref<!tpu.dma_semaphore, #tpu.memory_space<semaphore_mem>>) src(%dma_wait3A_312 : memref<128x16xf32, #tpu.memory_space<vmem>>) dst(%dma_wait3A_318 : memref<51200x16xf32, #tpu.memory_space<vmem_shared>>)
      %dma_wait3A_319 = arith.constant 1 : i32
      %dma_wait3A_320 = arith.constant 1 : i32
      %dma_wait3A_321 = arith.constant 0 : i32
      %dma_wait3A_322 = arith.constant 0 : i32
      %dma_wait3A_323 = tpu.memref_slice %arg9[%dma_wait3A_319, %dma_wait3A_321, %dma_wait3A_322] : memref<8x128x16xf32, #tpu.memory_space<vmem>> -> memref<1x128x16xf32, #tpu.memory_space<vmem>>
      %dma_wait3A_324 = tpu.memref_squeeze %dma_wait3A_323 : memref<1x128x16xf32, #tpu.memory_space<vmem>> -> memref<128x16xf32, #tpu.memory_space<vmem>>
      %dma_wait3A_325 = arith.constant 0 : i32
      %dma_wait3A_326 = tpu.memref_slice %arg8[%dma_wait3A_320, %dma_wait3A_325] : memref<8x128xi32, #tpu.memory_space<vmem>> -> memref<1x128xi32, #tpu.memory_space<vmem>>
      %dma_wait3A_327 = tpu.memref_squeeze %dma_wait3A_326 : memref<1x128xi32, #tpu.memory_space<vmem>> -> memref<128xi32, #tpu.memory_space<vmem>>
      %dma_wait3A_328 = arith.constant 0 : i32
      %dma_wait3A_329 = arith.constant 0 : i32
      %dma_wait3A_330 = tpu.memref_slice %arg10[%dma_wait3A_328, %dma_wait3A_329] : memref<51200x16xf32, #tpu.memory_space<vmem_shared>> -> memref<51200x16xf32, #tpu.memory_space<vmem_shared>>
      tpu.wait_indirect_dma semaphore(%arg12 : memref<!tpu.dma_semaphore, #tpu.memory_space<semaphore_mem>>) src(%dma_wait3A_324 : memref<128x16xf32, #tpu.memory_space<vmem>>) dst(%dma_wait3A_330 : memref<51200x16xf32, #tpu.memory_space<vmem_shared>>)
      %dma_wait3A_331 = arith.constant 2 : i32
      %dma_wait3A_332 = arith.constant 2 : i32
      %dma_wait3A_333 = arith.constant 0 : i32
      %dma_wait3A_334 = arith.constant 0 : i32
      %dma_wait3A_335 = tpu.memref_slice %arg9[%dma_wait3A_331, %dma_wait3A_333, %dma_wait3A_334] : memref<8x128x16xf32, #tpu.memory_space<vmem>> -> memref<1x128x16xf32, #tpu.memory_space<vmem>>
      %dma_wait3A_336 = tpu.memref_squeeze %dma_wait3A_335 : memref<1x128x16xf32, #tpu.memory_space<vmem>> -> memref<128x16xf32, #tpu.memory_space<vmem>>
      %dma_wait3A_337 = arith.constant 0 : i32
      %dma_wait3A_338 = tpu.memref_slice %arg8[%dma_wait3A_332, %dma_wait3A_337] : memref<8x128xi32, #tpu.memory_space<vmem>> -> memref<1x128xi32, #tpu.memory_space<vmem>>
      %dma_wait3A_339 = tpu.memref_squeeze %dma_wait3A_338 : memref<1x128xi32, #tpu.memory_space<vmem>> -> memref<128xi32, #tpu.memory_space<vmem>>
      %dma_wait3A_340 = arith.constant 0 : i32
      %dma_wait3A_341 = arith.constant 0 : i32
      %dma_wait3A_342 = tpu.memref_slice %arg10[%dma_wait3A_340, %dma_wait3A_341] : memref<51200x16xf32, #tpu.memory_space<vmem_shared>> -> memref<51200x16xf32, #tpu.memory_space<vmem_shared>>
      tpu.wait_indirect_dma semaphore(%arg12 : memref<!tpu.dma_semaphore, #tpu.memory_space<semaphore_mem>>) src(%dma_wait3A_336 : memref<128x16xf32, #tpu.memory_space<vmem>>) dst(%dma_wait3A_342 : memref<51200x16xf32, #tpu.memory_space<vmem_shared>>)
      %dma_wait3A_343 = arith.constant 3 : i32
      %dma_wait3A_344 = arith.constant 3 : i32
      %dma_wait3A_345 = arith.constant 0 : i32
      %dma_wait3A_346 = arith.constant 0 : i32
      %dma_wait3A_347 = tpu.memref_slice %arg9[%dma_wait3A_343, %dma_wait3A_345, %dma_wait3A_346] : memref<8x128x16xf32, #tpu.memory_space<vmem>> -> memref<1x128x16xf32, #tpu.memory_space<vmem>>
      %dma_wait3A_348 = tpu.memref_squeeze %dma_wait3A_347 : memref<1x128x16xf32, #tpu.memory_space<vmem>> -> memref<128x16xf32, #tpu.memory_space<vmem>>
      %dma_wait3A_349 = arith.constant 0 : i32
      %dma_wait3A_350 = tpu.memref_slice %arg8[%dma_wait3A_344, %dma_wait3A_349] : memref<8x128xi32, #tpu.memory_space<vmem>> -> memref<1x128xi32, #tpu.memory_space<vmem>>
      %dma_wait3A_351 = tpu.memref_squeeze %dma_wait3A_350 : memref<1x128xi32, #tpu.memory_space<vmem>> -> memref<128xi32, #tpu.memory_space<vmem>>
      %dma_wait3A_352 = arith.constant 0 : i32
      %dma_wait3A_353 = arith.constant 0 : i32
      %dma_wait3A_354 = tpu.memref_slice %arg10[%dma_wait3A_352, %dma_wait3A_353] : memref<51200x16xf32, #tpu.memory_space<vmem_shared>> -> memref<51200x16xf32, #tpu.memory_space<vmem_shared>>
      tpu.wait_indirect_dma semaphore(%arg12 : memref<!tpu.dma_semaphore, #tpu.memory_space<semaphore_mem>>) src(%dma_wait3A_348 : memref<128x16xf32, #tpu.memory_space<vmem>>) dst(%dma_wait3A_354 : memref<51200x16xf32, #tpu.memory_space<vmem_shared>>)
      %dma_wait3A_355 = arith.constant 4 : i32
      %dma_wait3A_356 = arith.constant 4 : i32
      %dma_wait3A_357 = arith.constant 0 : i32
      %dma_wait3A_358 = arith.constant 0 : i32
      %dma_wait3A_359 = tpu.memref_slice %arg9[%dma_wait3A_355, %dma_wait3A_357, %dma_wait3A_358] : memref<8x128x16xf32, #tpu.memory_space<vmem>> -> memref<1x128x16xf32, #tpu.memory_space<vmem>>
      %dma_wait3A_360 = tpu.memref_squeeze %dma_wait3A_359 : memref<1x128x16xf32, #tpu.memory_space<vmem>> -> memref<128x16xf32, #tpu.memory_space<vmem>>
      %dma_wait3A_361 = arith.constant 0 : i32
      %dma_wait3A_362 = tpu.memref_slice %arg8[%dma_wait3A_356, %dma_wait3A_361] : memref<8x128xi32, #tpu.memory_space<vmem>> -> memref<1x128xi32, #tpu.memory_space<vmem>>
      %dma_wait3A_363 = tpu.memref_squeeze %dma_wait3A_362 : memref<1x128xi32, #tpu.memory_space<vmem>> -> memref<128xi32, #tpu.memory_space<vmem>>
      %dma_wait3A_364 = arith.constant 0 : i32
      %dma_wait3A_365 = arith.constant 0 : i32
      %dma_wait3A_366 = tpu.memref_slice %arg10[%dma_wait3A_364, %dma_wait3A_365] : memref<51200x16xf32, #tpu.memory_space<vmem_shared>> -> memref<51200x16xf32, #tpu.memory_space<vmem_shared>>
      tpu.wait_indirect_dma semaphore(%arg12 : memref<!tpu.dma_semaphore, #tpu.memory_space<semaphore_mem>>) src(%dma_wait3A_360 : memref<128x16xf32, #tpu.memory_space<vmem>>) dst(%dma_wait3A_366 : memref<51200x16xf32, #tpu.memory_space<vmem_shared>>)
      %dma_wait3A_367 = arith.constant 5 : i32
      %dma_wait3A_368 = arith.constant 5 : i32
      %dma_wait3A_369 = arith.constant 0 : i32
      %dma_wait3A_370 = arith.constant 0 : i32
      %dma_wait3A_371 = tpu.memref_slice %arg9[%dma_wait3A_367, %dma_wait3A_369, %dma_wait3A_370] : memref<8x128x16xf32, #tpu.memory_space<vmem>> -> memref<1x128x16xf32, #tpu.memory_space<vmem>>
      %dma_wait3A_372 = tpu.memref_squeeze %dma_wait3A_371 : memref<1x128x16xf32, #tpu.memory_space<vmem>> -> memref<128x16xf32, #tpu.memory_space<vmem>>
      %dma_wait3A_373 = arith.constant 0 : i32
      %dma_wait3A_374 = tpu.memref_slice %arg8[%dma_wait3A_368, %dma_wait3A_373] : memref<8x128xi32, #tpu.memory_space<vmem>> -> memref<1x128xi32, #tpu.memory_space<vmem>>
      %dma_wait3A_375 = tpu.memref_squeeze %dma_wait3A_374 : memref<1x128xi32, #tpu.memory_space<vmem>> -> memref<128xi32, #tpu.memory_space<vmem>>
      %dma_wait3A_376 = arith.constant 0 : i32
      %dma_wait3A_377 = arith.constant 0 : i32
      %dma_wait3A_378 = tpu.memref_slice %arg10[%dma_wait3A_376, %dma_wait3A_377] : memref<51200x16xf32, #tpu.memory_space<vmem_shared>> -> memref<51200x16xf32, #tpu.memory_space<vmem_shared>>
      tpu.wait_indirect_dma semaphore(%arg12 : memref<!tpu.dma_semaphore, #tpu.memory_space<semaphore_mem>>) src(%dma_wait3A_372 : memref<128x16xf32, #tpu.memory_space<vmem>>) dst(%dma_wait3A_378 : memref<51200x16xf32, #tpu.memory_space<vmem_shared>>)
      %dma_wait3A_379 = arith.constant 6 : i32
      %dma_wait3A_380 = arith.constant 6 : i32
      %dma_wait3A_381 = arith.constant 0 : i32
      %dma_wait3A_382 = arith.constant 0 : i32
      %dma_wait3A_383 = tpu.memref_slice %arg9[%dma_wait3A_379, %dma_wait3A_381, %dma_wait3A_382] : memref<8x128x16xf32, #tpu.memory_space<vmem>> -> memref<1x128x16xf32, #tpu.memory_space<vmem>>
      %dma_wait3A_384 = tpu.memref_squeeze %dma_wait3A_383 : memref<1x128x16xf32, #tpu.memory_space<vmem>> -> memref<128x16xf32, #tpu.memory_space<vmem>>
      %dma_wait3A_385 = arith.constant 0 : i32
      %dma_wait3A_386 = tpu.memref_slice %arg8[%dma_wait3A_380, %dma_wait3A_385] : memref<8x128xi32, #tpu.memory_space<vmem>> -> memref<1x128xi32, #tpu.memory_space<vmem>>
      %dma_wait3A_387 = tpu.memref_squeeze %dma_wait3A_386 : memref<1x128xi32, #tpu.memory_space<vmem>> -> memref<128xi32, #tpu.memory_space<vmem>>
      %dma_wait3A_388 = arith.constant 0 : i32
      %dma_wait3A_389 = arith.constant 0 : i32
      %dma_wait3A_390 = tpu.memref_slice %arg10[%dma_wait3A_388, %dma_wait3A_389] : memref<51200x16xf32, #tpu.memory_space<vmem_shared>> -> memref<51200x16xf32, #tpu.memory_space<vmem_shared>>
      tpu.wait_indirect_dma semaphore(%arg12 : memref<!tpu.dma_semaphore, #tpu.memory_space<semaphore_mem>>) src(%dma_wait3A_384 : memref<128x16xf32, #tpu.memory_space<vmem>>) dst(%dma_wait3A_390 : memref<51200x16xf32, #tpu.memory_space<vmem_shared>>)
      %dma_wait3A_391 = arith.constant 7 : i32
      %dma_wait3A_392 = arith.constant 7 : i32
      %dma_wait3A_393 = arith.constant 0 : i32
      %dma_wait3A_394 = arith.constant 0 : i32
      %dma_wait3A_395 = tpu.memref_slice %arg9[%dma_wait3A_391, %dma_wait3A_393, %dma_wait3A_394] : memref<8x128x16xf32, #tpu.memory_space<vmem>> -> memref<1x128x16xf32, #tpu.memory_space<vmem>>
      %dma_wait3A_396 = tpu.memref_squeeze %dma_wait3A_395 : memref<1x128x16xf32, #tpu.memory_space<vmem>> -> memref<128x16xf32, #tpu.memory_space<vmem>>
      %dma_wait3A_397 = arith.constant 0 : i32
      %dma_wait3A_398 = tpu.memref_slice %arg8[%dma_wait3A_392, %dma_wait3A_397] : memref<8x128xi32, #tpu.memory_space<vmem>> -> memref<1x128xi32, #tpu.memory_space<vmem>>
      %dma_wait3A_399 = tpu.memref_squeeze %dma_wait3A_398 : memref<1x128xi32, #tpu.memory_space<vmem>> -> memref<128xi32, #tpu.memory_space<vmem>>
      %dma_wait3A_400 = arith.constant 0 : i32
      %dma_wait3A_401 = arith.constant 0 : i32
      %dma_wait3A_402 = tpu.memref_slice %arg10[%dma_wait3A_400, %dma_wait3A_401] : memref<51200x16xf32, #tpu.memory_space<vmem_shared>> -> memref<51200x16xf32, #tpu.memory_space<vmem_shared>>
      tpu.wait_indirect_dma semaphore(%arg12 : memref<!tpu.dma_semaphore, #tpu.memory_space<semaphore_mem>>) src(%dma_wait3A_396 : memref<128x16xf32, #tpu.memory_space<vmem>>) dst(%dma_wait3A_402 : memref<51200x16xf32, #tpu.memory_space<vmem_shared>>)
    }
    %scan3A_11 = arith.constant 49 : i32
    %barrier3A_12 = arith.constant 0 : index
    tpu.barrier barrier_id(%barrier3A_12)
    %mul3A_13 = arith.constant 3200 : i32
    %mul3A_14 = arith.muli %arg1, %mul3A_13 : i32
    %mul3A_15 = arith.constant 3200 : i32
    %mul3A_16 = arith.muli %arg1, %mul3A_15 : i32
    "tpu.region"() ({
      %run_scoped3A = tpu.sem_alloc : memref<!tpu.dma_semaphore, #tpu.memory_space<semaphore_mem>>
      %dma_start3A = arith.constant 0 : i32
      %dma_start3A_17 = tpu.memref_slice %arg6[%arg0, %mul3A_16, %dma_start3A] : memref<2x51200x16xf32, #tpu.memory_space<hbm>> -> memref<1x3200x16xf32, #tpu.memory_space<hbm>>
      %dma_start3A_18 = tpu.memref_squeeze %dma_start3A_17 : memref<1x3200x16xf32, #tpu.memory_space<hbm>> -> memref<3200x16xf32, #tpu.memory_space<hbm>>
      %dma_start3A_19 = arith.constant 0 : i32
      %dma_start3A_20 = tpu.memref_slice %arg10[%mul3A_14, %dma_start3A_19] : memref<51200x16xf32, #tpu.memory_space<vmem_shared>> -> memref<3200x16xf32, #tpu.memory_space<vmem_shared>>
      tpu.enqueue_dma source(%dma_start3A_20 : memref<3200x16xf32, #tpu.memory_space<vmem_shared>>) target(%dma_start3A_18 : memref<3200x16xf32, #tpu.memory_space<hbm>>) target_semaphore(%run_scoped3A : memref<!tpu.dma_semaphore, #tpu.memory_space<semaphore_mem>>)
      %dma_wait3A = arith.constant 0 : i32
      %dma_wait3A_21 = tpu.memref_slice %arg6[%arg0, %mul3A_16, %dma_wait3A] : memref<2x51200x16xf32, #tpu.memory_space<hbm>> -> memref<1x3200x16xf32, #tpu.memory_space<hbm>>
      %dma_wait3A_22 = tpu.memref_squeeze %dma_wait3A_21 : memref<1x3200x16xf32, #tpu.memory_space<hbm>> -> memref<3200x16xf32, #tpu.memory_space<hbm>>
      %dma_wait3A_23 = arith.constant 0 : i32
      %dma_wait3A_24 = tpu.memref_slice %arg10[%mul3A_14, %dma_wait3A_23] : memref<51200x16xf32, #tpu.memory_space<vmem_shared>> -> memref<3200x16xf32, #tpu.memory_space<vmem_shared>>
      tpu.wait_dma2 semaphore(%run_scoped3A : memref<!tpu.dma_semaphore, #tpu.memory_space<semaphore_mem>>) src(%dma_wait3A_24 : memref<3200x16xf32, #tpu.memory_space<vmem_shared>>) dst(%dma_wait3A_22 : memref<3200x16xf32, #tpu.memory_space<hbm>>)
      tpu.yield
    }) : () -> ()
    return
  }
}

#map = affine_map<(d0, d1) -> (0)>
#map1 = affine_map<(d0, d1) -> (0, 0)>
module attributes {stable_mosaic.version = 14 : i64} {
  func.func @prop(%arg0: i32, %arg1: i32, %arg2: memref<51200xf32, #tpu.memory_space<hbm>>, %arg3: memref<12544x128xi32, #tpu.memory_space<hbm>>, %arg4: memref<12544x128xi32, #tpu.memory_space<hbm>>, %arg5: memref<51200xf32, #tpu.memory_space<hbm>>, %arg6: memref<2x51200xf32, #tpu.memory_space<hbm>>, %arg7: memref<8x128xi32, #tpu.memory_space<vmem>>, %arg8: memref<8x128xi32, #tpu.memory_space<vmem>>, %arg9: memref<8x128xf32, #tpu.memory_space<vmem>>, %arg10: memref<51200xf32, #tpu.memory_space<vmem_shared>>, %arg11: memref<!tpu.dma_semaphore, #tpu.memory_space<semaphore_mem>>, %arg12: memref<!tpu.dma_semaphore, #tpu.memory_space<semaphore_mem>>) attributes {dimension_semantics = [#tpu.dimension_semantics<core_parallel>, #tpu.dimension_semantics<subcore_parallel>], iteration_bounds = array<i64: 2, 16>, scalar_prefetch = 0 : i64, scratch_operands = 6 : i64, tpu.core_type = #tpu.core_type<sc_vector_subcore>, window_params = [{transform_indices = #map}, {transform_indices = #map1}, {transform_indices = #map1}, {transform_indices = #map}, {transform_indices = #map1}]} {
    %mul3A = arith.constant 2 : i32
    %mul3A_0 = arith.muli %arg1, %mul3A : i32
    %add3A = arith.addi %mul3A_0, %arg0 : i32
    %mul3A_1 = arith.constant 3200 : i32
    %mul3A_2 = arith.muli %arg1, %mul3A_1 : i32
    %mul3A_3 = arith.constant 3200 : i32
    %mul3A_4 = arith.muli %arg1, %mul3A_3 : i32
    "tpu.region"() ({
      %run_scoped3A = tpu.sem_alloc : memref<!tpu.dma_semaphore, #tpu.memory_space<semaphore_mem>>
      %dma_start3A = tpu.memref_slice %arg10[%mul3A_4] : memref<51200xf32, #tpu.memory_space<vmem_shared>> -> memref<3200xf32, #tpu.memory_space<vmem_shared>>
      %dma_start3A_17 = tpu.memref_slice %arg5[%mul3A_2] : memref<51200xf32, #tpu.memory_space<hbm>> -> memref<3200xf32, #tpu.memory_space<hbm>>
      tpu.enqueue_dma source(%dma_start3A_17 : memref<3200xf32, #tpu.memory_space<hbm>>) target(%dma_start3A : memref<3200xf32, #tpu.memory_space<vmem_shared>>) target_semaphore(%run_scoped3A : memref<!tpu.dma_semaphore, #tpu.memory_space<semaphore_mem>>)
      %dma_wait3A = tpu.memref_slice %arg10[%mul3A_4] : memref<51200xf32, #tpu.memory_space<vmem_shared>> -> memref<3200xf32, #tpu.memory_space<vmem_shared>>
      %dma_wait3A_18 = tpu.memref_slice %arg5[%mul3A_2] : memref<51200xf32, #tpu.memory_space<hbm>> -> memref<3200xf32, #tpu.memory_space<hbm>>
      tpu.wait_dma2 semaphore(%run_scoped3A : memref<!tpu.dma_semaphore, #tpu.memory_space<semaphore_mem>>) src(%dma_wait3A_18 : memref<3200xf32, #tpu.memory_space<hbm>>) dst(%dma_wait3A : memref<3200xf32, #tpu.memory_space<vmem_shared>>)
      tpu.yield
    }) : () -> ()
    %barrier3A = arith.constant 0 : index
    tpu.barrier barrier_id(%barrier3A)
    %mul3A_5 = arith.constant 392 : i32
    %mul3A_6 = arith.muli %add3A, %mul3A_5 : i32
    %scan3A = arith.constant 0 : i32
    %scan3A_7 = arith.constant 0 : i32
    %scan3A_8 = arith.constant 49 : i32
    %scan3A_9 = arith.addi %scan3A_7, %scan3A_8 : i32
    %scan3A_10 = arith.constant 1 : i32
    scf.for %scan3A_17 = %scan3A_7 to %scan3A_9 step %scan3A_10  : i32 {
      %mul3A_18 = arith.constant 8 : i32
      %mul3A_19 = arith.muli %scan3A_17, %mul3A_18 : i32
      %add3A_20 = arith.addi %mul3A_6, %mul3A_19 : i32
      "tpu.region"() ({
        %run_scoped3A = tpu.sem_alloc : memref<!tpu.dma_semaphore, #tpu.memory_space<semaphore_mem>>
        %dma_start3A_339 = arith.constant 0 : i32
        %dma_start3A_340 = tpu.memref_slice %arg3[%add3A_20, %dma_start3A_339] : memref<12544x128xi32, #tpu.memory_space<hbm>> -> memref<8x128xi32, #tpu.memory_space<hbm>>
        %dma_start3A_341 = arith.constant 0 : i32
        %dma_start3A_342 = tpu.memref_slice %arg3[%add3A_20, %dma_start3A_341] : memref<12544x128xi32, #tpu.memory_space<hbm>> -> memref<8x128xi32, #tpu.memory_space<hbm>>
        tpu.enqueue_dma source(%dma_start3A_342 : memref<8x128xi32, #tpu.memory_space<hbm>>) target(%arg7 : memref<8x128xi32, #tpu.memory_space<vmem>>) target_semaphore(%run_scoped3A : memref<!tpu.dma_semaphore, #tpu.memory_space<semaphore_mem>>)
        %dma_wait3A_343 = arith.constant 0 : i32
        %dma_wait3A_344 = tpu.memref_slice %arg3[%add3A_20, %dma_wait3A_343] : memref<12544x128xi32, #tpu.memory_space<hbm>> -> memref<8x128xi32, #tpu.memory_space<hbm>>
        %dma_wait3A_345 = arith.constant 0 : i32
        %dma_wait3A_346 = tpu.memref_slice %arg3[%add3A_20, %dma_wait3A_345] : memref<12544x128xi32, #tpu.memory_space<hbm>> -> memref<8x128xi32, #tpu.memory_space<hbm>>
        tpu.wait_dma2 semaphore(%run_scoped3A : memref<!tpu.dma_semaphore, #tpu.memory_space<semaphore_mem>>) src(%dma_wait3A_346 : memref<8x128xi32, #tpu.memory_space<hbm>>) dst(%arg7 : memref<8x128xi32, #tpu.memory_space<vmem>>)
        tpu.yield
      }) : () -> ()
      "tpu.region"() ({
        %run_scoped3A = tpu.sem_alloc : memref<!tpu.dma_semaphore, #tpu.memory_space<semaphore_mem>>
        %dma_start3A_339 = arith.constant 0 : i32
        %dma_start3A_340 = tpu.memref_slice %arg4[%add3A_20, %dma_start3A_339] : memref<12544x128xi32, #tpu.memory_space<hbm>> -> memref<8x128xi32, #tpu.memory_space<hbm>>
        %dma_start3A_341 = arith.constant 0 : i32
        %dma_start3A_342 = tpu.memref_slice %arg4[%add3A_20, %dma_start3A_341] : memref<12544x128xi32, #tpu.memory_space<hbm>> -> memref<8x128xi32, #tpu.memory_space<hbm>>
        tpu.enqueue_dma source(%dma_start3A_342 : memref<8x128xi32, #tpu.memory_space<hbm>>) target(%arg8 : memref<8x128xi32, #tpu.memory_space<vmem>>) target_semaphore(%run_scoped3A : memref<!tpu.dma_semaphore, #tpu.memory_space<semaphore_mem>>)
        %dma_wait3A_343 = arith.constant 0 : i32
        %dma_wait3A_344 = tpu.memref_slice %arg4[%add3A_20, %dma_wait3A_343] : memref<12544x128xi32, #tpu.memory_space<hbm>> -> memref<8x128xi32, #tpu.memory_space<hbm>>
        %dma_wait3A_345 = arith.constant 0 : i32
        %dma_wait3A_346 = tpu.memref_slice %arg4[%add3A_20, %dma_wait3A_345] : memref<12544x128xi32, #tpu.memory_space<hbm>> -> memref<8x128xi32, #tpu.memory_space<hbm>>
        tpu.wait_dma2 semaphore(%run_scoped3A : memref<!tpu.dma_semaphore, #tpu.memory_space<semaphore_mem>>) src(%dma_wait3A_346 : memref<8x128xi32, #tpu.memory_space<hbm>>) dst(%arg8 : memref<8x128xi32, #tpu.memory_space<vmem>>)
        tpu.yield
      }) : () -> ()
      %dma_start3A = arith.constant 0 : i32
      %dma_start3A_21 = arith.constant 0 : i32
      %dma_start3A_22 = arith.constant 0 : i32
      %dma_start3A_23 = tpu.memref_slice %arg9[%dma_start3A_21, %dma_start3A_22] : memref<8x128xf32, #tpu.memory_space<vmem>> -> memref<1x128xf32, #tpu.memory_space<vmem>>
      %dma_start3A_24 = tpu.memref_squeeze %dma_start3A_23 : memref<1x128xf32, #tpu.memory_space<vmem>> -> memref<128xf32, #tpu.memory_space<vmem>>
      %dma_start3A_25 = arith.constant 0 : i32
      %dma_start3A_26 = tpu.memref_slice %arg7[%dma_start3A, %dma_start3A_25] : memref<8x128xi32, #tpu.memory_space<vmem>> -> memref<1x128xi32, #tpu.memory_space<vmem>>
      %dma_start3A_27 = tpu.memref_squeeze %dma_start3A_26 : memref<1x128xi32, #tpu.memory_space<vmem>> -> memref<128xi32, #tpu.memory_space<vmem>>
      %dma_start3A_28 = arith.constant 0 : i32
      %dma_start3A_29 = tpu.memref_slice %arg2[%dma_start3A_28] : memref<51200xf32, #tpu.memory_space<hbm>> -> memref<51200xf32, #tpu.memory_space<hbm>>
      tpu.enqueue_indirect_dma source(%dma_start3A_29 : memref<51200xf32, #tpu.memory_space<hbm>>) target(%dma_start3A_24 : memref<128xf32, #tpu.memory_space<vmem>>) offsets(%dma_start3A_27 : memref<128xi32, #tpu.memory_space<vmem>>) semaphore(%arg11 : memref<!tpu.dma_semaphore, #tpu.memory_space<semaphore_mem>>)
      %dma_start3A_30 = arith.constant 1 : i32
      %dma_start3A_31 = arith.constant 1 : i32
      %dma_start3A_32 = arith.constant 0 : i32
      %dma_start3A_33 = tpu.memref_slice %arg9[%dma_start3A_31, %dma_start3A_32] : memref<8x128xf32, #tpu.memory_space<vmem>> -> memref<1x128xf32, #tpu.memory_space<vmem>>
      %dma_start3A_34 = tpu.memref_squeeze %dma_start3A_33 : memref<1x128xf32, #tpu.memory_space<vmem>> -> memref<128xf32, #tpu.memory_space<vmem>>
      %dma_start3A_35 = arith.constant 0 : i32
      %dma_start3A_36 = tpu.memref_slice %arg7[%dma_start3A_30, %dma_start3A_35] : memref<8x128xi32, #tpu.memory_space<vmem>> -> memref<1x128xi32, #tpu.memory_space<vmem>>
      %dma_start3A_37 = tpu.memref_squeeze %dma_start3A_36 : memref<1x128xi32, #tpu.memory_space<vmem>> -> memref<128xi32, #tpu.memory_space<vmem>>
      %dma_start3A_38 = arith.constant 0 : i32
      %dma_start3A_39 = tpu.memref_slice %arg2[%dma_start3A_38] : memref<51200xf32, #tpu.memory_space<hbm>> -> memref<51200xf32, #tpu.memory_space<hbm>>
      tpu.enqueue_indirect_dma source(%dma_start3A_39 : memref<51200xf32, #tpu.memory_space<hbm>>) target(%dma_start3A_34 : memref<128xf32, #tpu.memory_space<vmem>>) offsets(%dma_start3A_37 : memref<128xi32, #tpu.memory_space<vmem>>) semaphore(%arg11 : memref<!tpu.dma_semaphore, #tpu.memory_space<semaphore_mem>>)
      %dma_start3A_40 = arith.constant 2 : i32
      %dma_start3A_41 = arith.constant 2 : i32
      %dma_start3A_42 = arith.constant 0 : i32
      %dma_start3A_43 = tpu.memref_slice %arg9[%dma_start3A_41, %dma_start3A_42] : memref<8x128xf32, #tpu.memory_space<vmem>> -> memref<1x128xf32, #tpu.memory_space<vmem>>
      %dma_start3A_44 = tpu.memref_squeeze %dma_start3A_43 : memref<1x128xf32, #tpu.memory_space<vmem>> -> memref<128xf32, #tpu.memory_space<vmem>>
      %dma_start3A_45 = arith.constant 0 : i32
      %dma_start3A_46 = tpu.memref_slice %arg7[%dma_start3A_40, %dma_start3A_45] : memref<8x128xi32, #tpu.memory_space<vmem>> -> memref<1x128xi32, #tpu.memory_space<vmem>>
      %dma_start3A_47 = tpu.memref_squeeze %dma_start3A_46 : memref<1x128xi32, #tpu.memory_space<vmem>> -> memref<128xi32, #tpu.memory_space<vmem>>
      %dma_start3A_48 = arith.constant 0 : i32
      %dma_start3A_49 = tpu.memref_slice %arg2[%dma_start3A_48] : memref<51200xf32, #tpu.memory_space<hbm>> -> memref<51200xf32, #tpu.memory_space<hbm>>
      tpu.enqueue_indirect_dma source(%dma_start3A_49 : memref<51200xf32, #tpu.memory_space<hbm>>) target(%dma_start3A_44 : memref<128xf32, #tpu.memory_space<vmem>>) offsets(%dma_start3A_47 : memref<128xi32, #tpu.memory_space<vmem>>) semaphore(%arg11 : memref<!tpu.dma_semaphore, #tpu.memory_space<semaphore_mem>>)
      %dma_start3A_50 = arith.constant 3 : i32
      %dma_start3A_51 = arith.constant 3 : i32
      %dma_start3A_52 = arith.constant 0 : i32
      %dma_start3A_53 = tpu.memref_slice %arg9[%dma_start3A_51, %dma_start3A_52] : memref<8x128xf32, #tpu.memory_space<vmem>> -> memref<1x128xf32, #tpu.memory_space<vmem>>
      %dma_start3A_54 = tpu.memref_squeeze %dma_start3A_53 : memref<1x128xf32, #tpu.memory_space<vmem>> -> memref<128xf32, #tpu.memory_space<vmem>>
      %dma_start3A_55 = arith.constant 0 : i32
      %dma_start3A_56 = tpu.memref_slice %arg7[%dma_start3A_50, %dma_start3A_55] : memref<8x128xi32, #tpu.memory_space<vmem>> -> memref<1x128xi32, #tpu.memory_space<vmem>>
      %dma_start3A_57 = tpu.memref_squeeze %dma_start3A_56 : memref<1x128xi32, #tpu.memory_space<vmem>> -> memref<128xi32, #tpu.memory_space<vmem>>
      %dma_start3A_58 = arith.constant 0 : i32
      %dma_start3A_59 = tpu.memref_slice %arg2[%dma_start3A_58] : memref<51200xf32, #tpu.memory_space<hbm>> -> memref<51200xf32, #tpu.memory_space<hbm>>
      tpu.enqueue_indirect_dma source(%dma_start3A_59 : memref<51200xf32, #tpu.memory_space<hbm>>) target(%dma_start3A_54 : memref<128xf32, #tpu.memory_space<vmem>>) offsets(%dma_start3A_57 : memref<128xi32, #tpu.memory_space<vmem>>) semaphore(%arg11 : memref<!tpu.dma_semaphore, #tpu.memory_space<semaphore_mem>>)
      %dma_start3A_60 = arith.constant 4 : i32
      %dma_start3A_61 = arith.constant 4 : i32
      %dma_start3A_62 = arith.constant 0 : i32
      %dma_start3A_63 = tpu.memref_slice %arg9[%dma_start3A_61, %dma_start3A_62] : memref<8x128xf32, #tpu.memory_space<vmem>> -> memref<1x128xf32, #tpu.memory_space<vmem>>
      %dma_start3A_64 = tpu.memref_squeeze %dma_start3A_63 : memref<1x128xf32, #tpu.memory_space<vmem>> -> memref<128xf32, #tpu.memory_space<vmem>>
      %dma_start3A_65 = arith.constant 0 : i32
      %dma_start3A_66 = tpu.memref_slice %arg7[%dma_start3A_60, %dma_start3A_65] : memref<8x128xi32, #tpu.memory_space<vmem>> -> memref<1x128xi32, #tpu.memory_space<vmem>>
      %dma_start3A_67 = tpu.memref_squeeze %dma_start3A_66 : memref<1x128xi32, #tpu.memory_space<vmem>> -> memref<128xi32, #tpu.memory_space<vmem>>
      %dma_start3A_68 = arith.constant 0 : i32
      %dma_start3A_69 = tpu.memref_slice %arg2[%dma_start3A_68] : memref<51200xf32, #tpu.memory_space<hbm>> -> memref<51200xf32, #tpu.memory_space<hbm>>
      tpu.enqueue_indirect_dma source(%dma_start3A_69 : memref<51200xf32, #tpu.memory_space<hbm>>) target(%dma_start3A_64 : memref<128xf32, #tpu.memory_space<vmem>>) offsets(%dma_start3A_67 : memref<128xi32, #tpu.memory_space<vmem>>) semaphore(%arg11 : memref<!tpu.dma_semaphore, #tpu.memory_space<semaphore_mem>>)
      %dma_start3A_70 = arith.constant 5 : i32
      %dma_start3A_71 = arith.constant 5 : i32
      %dma_start3A_72 = arith.constant 0 : i32
      %dma_start3A_73 = tpu.memref_slice %arg9[%dma_start3A_71, %dma_start3A_72] : memref<8x128xf32, #tpu.memory_space<vmem>> -> memref<1x128xf32, #tpu.memory_space<vmem>>
      %dma_start3A_74 = tpu.memref_squeeze %dma_start3A_73 : memref<1x128xf32, #tpu.memory_space<vmem>> -> memref<128xf32, #tpu.memory_space<vmem>>
      %dma_start3A_75 = arith.constant 0 : i32
      %dma_start3A_76 = tpu.memref_slice %arg7[%dma_start3A_70, %dma_start3A_75] : memref<8x128xi32, #tpu.memory_space<vmem>> -> memref<1x128xi32, #tpu.memory_space<vmem>>
      %dma_start3A_77 = tpu.memref_squeeze %dma_start3A_76 : memref<1x128xi32, #tpu.memory_space<vmem>> -> memref<128xi32, #tpu.memory_space<vmem>>
      %dma_start3A_78 = arith.constant 0 : i32
      %dma_start3A_79 = tpu.memref_slice %arg2[%dma_start3A_78] : memref<51200xf32, #tpu.memory_space<hbm>> -> memref<51200xf32, #tpu.memory_space<hbm>>
      tpu.enqueue_indirect_dma source(%dma_start3A_79 : memref<51200xf32, #tpu.memory_space<hbm>>) target(%dma_start3A_74 : memref<128xf32, #tpu.memory_space<vmem>>) offsets(%dma_start3A_77 : memref<128xi32, #tpu.memory_space<vmem>>) semaphore(%arg11 : memref<!tpu.dma_semaphore, #tpu.memory_space<semaphore_mem>>)
      %dma_start3A_80 = arith.constant 6 : i32
      %dma_start3A_81 = arith.constant 6 : i32
      %dma_start3A_82 = arith.constant 0 : i32
      %dma_start3A_83 = tpu.memref_slice %arg9[%dma_start3A_81, %dma_start3A_82] : memref<8x128xf32, #tpu.memory_space<vmem>> -> memref<1x128xf32, #tpu.memory_space<vmem>>
      %dma_start3A_84 = tpu.memref_squeeze %dma_start3A_83 : memref<1x128xf32, #tpu.memory_space<vmem>> -> memref<128xf32, #tpu.memory_space<vmem>>
      %dma_start3A_85 = arith.constant 0 : i32
      %dma_start3A_86 = tpu.memref_slice %arg7[%dma_start3A_80, %dma_start3A_85] : memref<8x128xi32, #tpu.memory_space<vmem>> -> memref<1x128xi32, #tpu.memory_space<vmem>>
      %dma_start3A_87 = tpu.memref_squeeze %dma_start3A_86 : memref<1x128xi32, #tpu.memory_space<vmem>> -> memref<128xi32, #tpu.memory_space<vmem>>
      %dma_start3A_88 = arith.constant 0 : i32
      %dma_start3A_89 = tpu.memref_slice %arg2[%dma_start3A_88] : memref<51200xf32, #tpu.memory_space<hbm>> -> memref<51200xf32, #tpu.memory_space<hbm>>
      tpu.enqueue_indirect_dma source(%dma_start3A_89 : memref<51200xf32, #tpu.memory_space<hbm>>) target(%dma_start3A_84 : memref<128xf32, #tpu.memory_space<vmem>>) offsets(%dma_start3A_87 : memref<128xi32, #tpu.memory_space<vmem>>) semaphore(%arg11 : memref<!tpu.dma_semaphore, #tpu.memory_space<semaphore_mem>>)
      %dma_start3A_90 = arith.constant 7 : i32
      %dma_start3A_91 = arith.constant 7 : i32
      %dma_start3A_92 = arith.constant 0 : i32
      %dma_start3A_93 = tpu.memref_slice %arg9[%dma_start3A_91, %dma_start3A_92] : memref<8x128xf32, #tpu.memory_space<vmem>> -> memref<1x128xf32, #tpu.memory_space<vmem>>
      %dma_start3A_94 = tpu.memref_squeeze %dma_start3A_93 : memref<1x128xf32, #tpu.memory_space<vmem>> -> memref<128xf32, #tpu.memory_space<vmem>>
      %dma_start3A_95 = arith.constant 0 : i32
      %dma_start3A_96 = tpu.memref_slice %arg7[%dma_start3A_90, %dma_start3A_95] : memref<8x128xi32, #tpu.memory_space<vmem>> -> memref<1x128xi32, #tpu.memory_space<vmem>>
      %dma_start3A_97 = tpu.memref_squeeze %dma_start3A_96 : memref<1x128xi32, #tpu.memory_space<vmem>> -> memref<128xi32, #tpu.memory_space<vmem>>
      %dma_start3A_98 = arith.constant 0 : i32
      %dma_start3A_99 = tpu.memref_slice %arg2[%dma_start3A_98] : memref<51200xf32, #tpu.memory_space<hbm>> -> memref<51200xf32, #tpu.memory_space<hbm>>
      tpu.enqueue_indirect_dma source(%dma_start3A_99 : memref<51200xf32, #tpu.memory_space<hbm>>) target(%dma_start3A_94 : memref<128xf32, #tpu.memory_space<vmem>>) offsets(%dma_start3A_97 : memref<128xi32, #tpu.memory_space<vmem>>) semaphore(%arg11 : memref<!tpu.dma_semaphore, #tpu.memory_space<semaphore_mem>>)
      %dma_wait3A = arith.constant 0 : i32
      %dma_wait3A_100 = arith.constant 0 : i32
      %dma_wait3A_101 = arith.constant 0 : i32
      %dma_wait3A_102 = tpu.memref_slice %arg9[%dma_wait3A_100, %dma_wait3A_101] : memref<8x128xf32, #tpu.memory_space<vmem>> -> memref<1x128xf32, #tpu.memory_space<vmem>>
      %dma_wait3A_103 = tpu.memref_squeeze %dma_wait3A_102 : memref<1x128xf32, #tpu.memory_space<vmem>> -> memref<128xf32, #tpu.memory_space<vmem>>
      %dma_wait3A_104 = arith.constant 0 : i32
      %dma_wait3A_105 = tpu.memref_slice %arg7[%dma_wait3A, %dma_wait3A_104] : memref<8x128xi32, #tpu.memory_space<vmem>> -> memref<1x128xi32, #tpu.memory_space<vmem>>
      %dma_wait3A_106 = tpu.memref_squeeze %dma_wait3A_105 : memref<1x128xi32, #tpu.memory_space<vmem>> -> memref<128xi32, #tpu.memory_space<vmem>>
      %dma_wait3A_107 = arith.constant 0 : i32
      %dma_wait3A_108 = tpu.memref_slice %arg2[%dma_wait3A_107] : memref<51200xf32, #tpu.memory_space<hbm>> -> memref<51200xf32, #tpu.memory_space<hbm>>
      tpu.wait_indirect_dma semaphore(%arg11 : memref<!tpu.dma_semaphore, #tpu.memory_space<semaphore_mem>>) src(%dma_wait3A_108 : memref<51200xf32, #tpu.memory_space<hbm>>) dst(%dma_wait3A_103 : memref<128xf32, #tpu.memory_space<vmem>>)
      %dma_start3A_109 = arith.constant 0 : i32
      %dma_start3A_110 = arith.constant 0 : i32
      %dma_start3A_111 = arith.constant 0 : i32
      %dma_start3A_112 = tpu.memref_slice %arg9[%dma_start3A_109, %dma_start3A_111] : memref<8x128xf32, #tpu.memory_space<vmem>> -> memref<1x128xf32, #tpu.memory_space<vmem>>
      %dma_start3A_113 = tpu.memref_squeeze %dma_start3A_112 : memref<1x128xf32, #tpu.memory_space<vmem>> -> memref<128xf32, #tpu.memory_space<vmem>>
      %dma_start3A_114 = arith.constant 0 : i32
      %dma_start3A_115 = tpu.memref_slice %arg8[%dma_start3A_110, %dma_start3A_114] : memref<8x128xi32, #tpu.memory_space<vmem>> -> memref<1x128xi32, #tpu.memory_space<vmem>>
      %dma_start3A_116 = tpu.memref_squeeze %dma_start3A_115 : memref<1x128xi32, #tpu.memory_space<vmem>> -> memref<128xi32, #tpu.memory_space<vmem>>
      %dma_start3A_117 = arith.constant 0 : i32
      %dma_start3A_118 = tpu.memref_slice %arg10[%dma_start3A_117] : memref<51200xf32, #tpu.memory_space<vmem_shared>> -> memref<51200xf32, #tpu.memory_space<vmem_shared>>
      tpu.enqueue_indirect_dma source(%dma_start3A_113 : memref<128xf32, #tpu.memory_space<vmem>>) target(%dma_start3A_118 : memref<51200xf32, #tpu.memory_space<vmem_shared>>) offsets(%dma_start3A_116 : memref<128xi32, #tpu.memory_space<vmem>>) semaphore(%arg12 : memref<!tpu.dma_semaphore, #tpu.memory_space<semaphore_mem>>) {add = true}
      %dma_wait3A_119 = arith.constant 1 : i32
      %dma_wait3A_120 = arith.constant 1 : i32
      %dma_wait3A_121 = arith.constant 0 : i32
      %dma_wait3A_122 = tpu.memref_slice %arg9[%dma_wait3A_120, %dma_wait3A_121] : memref<8x128xf32, #tpu.memory_space<vmem>> -> memref<1x128xf32, #tpu.memory_space<vmem>>
      %dma_wait3A_123 = tpu.memref_squeeze %dma_wait3A_122 : memref<1x128xf32, #tpu.memory_space<vmem>> -> memref<128xf32, #tpu.memory_space<vmem>>
      %dma_wait3A_124 = arith.constant 0 : i32
      %dma_wait3A_125 = tpu.memref_slice %arg7[%dma_wait3A_119, %dma_wait3A_124] : memref<8x128xi32, #tpu.memory_space<vmem>> -> memref<1x128xi32, #tpu.memory_space<vmem>>
      %dma_wait3A_126 = tpu.memref_squeeze %dma_wait3A_125 : memref<1x128xi32, #tpu.memory_space<vmem>> -> memref<128xi32, #tpu.memory_space<vmem>>
      %dma_wait3A_127 = arith.constant 0 : i32
      %dma_wait3A_128 = tpu.memref_slice %arg2[%dma_wait3A_127] : memref<51200xf32, #tpu.memory_space<hbm>> -> memref<51200xf32, #tpu.memory_space<hbm>>
      tpu.wait_indirect_dma semaphore(%arg11 : memref<!tpu.dma_semaphore, #tpu.memory_space<semaphore_mem>>) src(%dma_wait3A_128 : memref<51200xf32, #tpu.memory_space<hbm>>) dst(%dma_wait3A_123 : memref<128xf32, #tpu.memory_space<vmem>>)
      %dma_start3A_129 = arith.constant 1 : i32
      %dma_start3A_130 = arith.constant 1 : i32
      %dma_start3A_131 = arith.constant 0 : i32
      %dma_start3A_132 = tpu.memref_slice %arg9[%dma_start3A_129, %dma_start3A_131] : memref<8x128xf32, #tpu.memory_space<vmem>> -> memref<1x128xf32, #tpu.memory_space<vmem>>
      %dma_start3A_133 = tpu.memref_squeeze %dma_start3A_132 : memref<1x128xf32, #tpu.memory_space<vmem>> -> memref<128xf32, #tpu.memory_space<vmem>>
      %dma_start3A_134 = arith.constant 0 : i32
      %dma_start3A_135 = tpu.memref_slice %arg8[%dma_start3A_130, %dma_start3A_134] : memref<8x128xi32, #tpu.memory_space<vmem>> -> memref<1x128xi32, #tpu.memory_space<vmem>>
      %dma_start3A_136 = tpu.memref_squeeze %dma_start3A_135 : memref<1x128xi32, #tpu.memory_space<vmem>> -> memref<128xi32, #tpu.memory_space<vmem>>
      %dma_start3A_137 = arith.constant 0 : i32
      %dma_start3A_138 = tpu.memref_slice %arg10[%dma_start3A_137] : memref<51200xf32, #tpu.memory_space<vmem_shared>> -> memref<51200xf32, #tpu.memory_space<vmem_shared>>
      tpu.enqueue_indirect_dma source(%dma_start3A_133 : memref<128xf32, #tpu.memory_space<vmem>>) target(%dma_start3A_138 : memref<51200xf32, #tpu.memory_space<vmem_shared>>) offsets(%dma_start3A_136 : memref<128xi32, #tpu.memory_space<vmem>>) semaphore(%arg12 : memref<!tpu.dma_semaphore, #tpu.memory_space<semaphore_mem>>) {add = true}
      %dma_wait3A_139 = arith.constant 2 : i32
      %dma_wait3A_140 = arith.constant 2 : i32
      %dma_wait3A_141 = arith.constant 0 : i32
      %dma_wait3A_142 = tpu.memref_slice %arg9[%dma_wait3A_140, %dma_wait3A_141] : memref<8x128xf32, #tpu.memory_space<vmem>> -> memref<1x128xf32, #tpu.memory_space<vmem>>
      %dma_wait3A_143 = tpu.memref_squeeze %dma_wait3A_142 : memref<1x128xf32, #tpu.memory_space<vmem>> -> memref<128xf32, #tpu.memory_space<vmem>>
      %dma_wait3A_144 = arith.constant 0 : i32
      %dma_wait3A_145 = tpu.memref_slice %arg7[%dma_wait3A_139, %dma_wait3A_144] : memref<8x128xi32, #tpu.memory_space<vmem>> -> memref<1x128xi32, #tpu.memory_space<vmem>>
      %dma_wait3A_146 = tpu.memref_squeeze %dma_wait3A_145 : memref<1x128xi32, #tpu.memory_space<vmem>> -> memref<128xi32, #tpu.memory_space<vmem>>
      %dma_wait3A_147 = arith.constant 0 : i32
      %dma_wait3A_148 = tpu.memref_slice %arg2[%dma_wait3A_147] : memref<51200xf32, #tpu.memory_space<hbm>> -> memref<51200xf32, #tpu.memory_space<hbm>>
      tpu.wait_indirect_dma semaphore(%arg11 : memref<!tpu.dma_semaphore, #tpu.memory_space<semaphore_mem>>) src(%dma_wait3A_148 : memref<51200xf32, #tpu.memory_space<hbm>>) dst(%dma_wait3A_143 : memref<128xf32, #tpu.memory_space<vmem>>)
      %dma_start3A_149 = arith.constant 2 : i32
      %dma_start3A_150 = arith.constant 2 : i32
      %dma_start3A_151 = arith.constant 0 : i32
      %dma_start3A_152 = tpu.memref_slice %arg9[%dma_start3A_149, %dma_start3A_151] : memref<8x128xf32, #tpu.memory_space<vmem>> -> memref<1x128xf32, #tpu.memory_space<vmem>>
      %dma_start3A_153 = tpu.memref_squeeze %dma_start3A_152 : memref<1x128xf32, #tpu.memory_space<vmem>> -> memref<128xf32, #tpu.memory_space<vmem>>
      %dma_start3A_154 = arith.constant 0 : i32
      %dma_start3A_155 = tpu.memref_slice %arg8[%dma_start3A_150, %dma_start3A_154] : memref<8x128xi32, #tpu.memory_space<vmem>> -> memref<1x128xi32, #tpu.memory_space<vmem>>
      %dma_start3A_156 = tpu.memref_squeeze %dma_start3A_155 : memref<1x128xi32, #tpu.memory_space<vmem>> -> memref<128xi32, #tpu.memory_space<vmem>>
      %dma_start3A_157 = arith.constant 0 : i32
      %dma_start3A_158 = tpu.memref_slice %arg10[%dma_start3A_157] : memref<51200xf32, #tpu.memory_space<vmem_shared>> -> memref<51200xf32, #tpu.memory_space<vmem_shared>>
      tpu.enqueue_indirect_dma source(%dma_start3A_153 : memref<128xf32, #tpu.memory_space<vmem>>) target(%dma_start3A_158 : memref<51200xf32, #tpu.memory_space<vmem_shared>>) offsets(%dma_start3A_156 : memref<128xi32, #tpu.memory_space<vmem>>) semaphore(%arg12 : memref<!tpu.dma_semaphore, #tpu.memory_space<semaphore_mem>>) {add = true}
      %dma_wait3A_159 = arith.constant 3 : i32
      %dma_wait3A_160 = arith.constant 3 : i32
      %dma_wait3A_161 = arith.constant 0 : i32
      %dma_wait3A_162 = tpu.memref_slice %arg9[%dma_wait3A_160, %dma_wait3A_161] : memref<8x128xf32, #tpu.memory_space<vmem>> -> memref<1x128xf32, #tpu.memory_space<vmem>>
      %dma_wait3A_163 = tpu.memref_squeeze %dma_wait3A_162 : memref<1x128xf32, #tpu.memory_space<vmem>> -> memref<128xf32, #tpu.memory_space<vmem>>
      %dma_wait3A_164 = arith.constant 0 : i32
      %dma_wait3A_165 = tpu.memref_slice %arg7[%dma_wait3A_159, %dma_wait3A_164] : memref<8x128xi32, #tpu.memory_space<vmem>> -> memref<1x128xi32, #tpu.memory_space<vmem>>
      %dma_wait3A_166 = tpu.memref_squeeze %dma_wait3A_165 : memref<1x128xi32, #tpu.memory_space<vmem>> -> memref<128xi32, #tpu.memory_space<vmem>>
      %dma_wait3A_167 = arith.constant 0 : i32
      %dma_wait3A_168 = tpu.memref_slice %arg2[%dma_wait3A_167] : memref<51200xf32, #tpu.memory_space<hbm>> -> memref<51200xf32, #tpu.memory_space<hbm>>
      tpu.wait_indirect_dma semaphore(%arg11 : memref<!tpu.dma_semaphore, #tpu.memory_space<semaphore_mem>>) src(%dma_wait3A_168 : memref<51200xf32, #tpu.memory_space<hbm>>) dst(%dma_wait3A_163 : memref<128xf32, #tpu.memory_space<vmem>>)
      %dma_start3A_169 = arith.constant 3 : i32
      %dma_start3A_170 = arith.constant 3 : i32
      %dma_start3A_171 = arith.constant 0 : i32
      %dma_start3A_172 = tpu.memref_slice %arg9[%dma_start3A_169, %dma_start3A_171] : memref<8x128xf32, #tpu.memory_space<vmem>> -> memref<1x128xf32, #tpu.memory_space<vmem>>
      %dma_start3A_173 = tpu.memref_squeeze %dma_start3A_172 : memref<1x128xf32, #tpu.memory_space<vmem>> -> memref<128xf32, #tpu.memory_space<vmem>>
      %dma_start3A_174 = arith.constant 0 : i32
      %dma_start3A_175 = tpu.memref_slice %arg8[%dma_start3A_170, %dma_start3A_174] : memref<8x128xi32, #tpu.memory_space<vmem>> -> memref<1x128xi32, #tpu.memory_space<vmem>>
      %dma_start3A_176 = tpu.memref_squeeze %dma_start3A_175 : memref<1x128xi32, #tpu.memory_space<vmem>> -> memref<128xi32, #tpu.memory_space<vmem>>
      %dma_start3A_177 = arith.constant 0 : i32
      %dma_start3A_178 = tpu.memref_slice %arg10[%dma_start3A_177] : memref<51200xf32, #tpu.memory_space<vmem_shared>> -> memref<51200xf32, #tpu.memory_space<vmem_shared>>
      tpu.enqueue_indirect_dma source(%dma_start3A_173 : memref<128xf32, #tpu.memory_space<vmem>>) target(%dma_start3A_178 : memref<51200xf32, #tpu.memory_space<vmem_shared>>) offsets(%dma_start3A_176 : memref<128xi32, #tpu.memory_space<vmem>>) semaphore(%arg12 : memref<!tpu.dma_semaphore, #tpu.memory_space<semaphore_mem>>) {add = true}
      %dma_wait3A_179 = arith.constant 4 : i32
      %dma_wait3A_180 = arith.constant 4 : i32
      %dma_wait3A_181 = arith.constant 0 : i32
      %dma_wait3A_182 = tpu.memref_slice %arg9[%dma_wait3A_180, %dma_wait3A_181] : memref<8x128xf32, #tpu.memory_space<vmem>> -> memref<1x128xf32, #tpu.memory_space<vmem>>
      %dma_wait3A_183 = tpu.memref_squeeze %dma_wait3A_182 : memref<1x128xf32, #tpu.memory_space<vmem>> -> memref<128xf32, #tpu.memory_space<vmem>>
      %dma_wait3A_184 = arith.constant 0 : i32
      %dma_wait3A_185 = tpu.memref_slice %arg7[%dma_wait3A_179, %dma_wait3A_184] : memref<8x128xi32, #tpu.memory_space<vmem>> -> memref<1x128xi32, #tpu.memory_space<vmem>>
      %dma_wait3A_186 = tpu.memref_squeeze %dma_wait3A_185 : memref<1x128xi32, #tpu.memory_space<vmem>> -> memref<128xi32, #tpu.memory_space<vmem>>
      %dma_wait3A_187 = arith.constant 0 : i32
      %dma_wait3A_188 = tpu.memref_slice %arg2[%dma_wait3A_187] : memref<51200xf32, #tpu.memory_space<hbm>> -> memref<51200xf32, #tpu.memory_space<hbm>>
      tpu.wait_indirect_dma semaphore(%arg11 : memref<!tpu.dma_semaphore, #tpu.memory_space<semaphore_mem>>) src(%dma_wait3A_188 : memref<51200xf32, #tpu.memory_space<hbm>>) dst(%dma_wait3A_183 : memref<128xf32, #tpu.memory_space<vmem>>)
      %dma_start3A_189 = arith.constant 4 : i32
      %dma_start3A_190 = arith.constant 4 : i32
      %dma_start3A_191 = arith.constant 0 : i32
      %dma_start3A_192 = tpu.memref_slice %arg9[%dma_start3A_189, %dma_start3A_191] : memref<8x128xf32, #tpu.memory_space<vmem>> -> memref<1x128xf32, #tpu.memory_space<vmem>>
      %dma_start3A_193 = tpu.memref_squeeze %dma_start3A_192 : memref<1x128xf32, #tpu.memory_space<vmem>> -> memref<128xf32, #tpu.memory_space<vmem>>
      %dma_start3A_194 = arith.constant 0 : i32
      %dma_start3A_195 = tpu.memref_slice %arg8[%dma_start3A_190, %dma_start3A_194] : memref<8x128xi32, #tpu.memory_space<vmem>> -> memref<1x128xi32, #tpu.memory_space<vmem>>
      %dma_start3A_196 = tpu.memref_squeeze %dma_start3A_195 : memref<1x128xi32, #tpu.memory_space<vmem>> -> memref<128xi32, #tpu.memory_space<vmem>>
      %dma_start3A_197 = arith.constant 0 : i32
      %dma_start3A_198 = tpu.memref_slice %arg10[%dma_start3A_197] : memref<51200xf32, #tpu.memory_space<vmem_shared>> -> memref<51200xf32, #tpu.memory_space<vmem_shared>>
      tpu.enqueue_indirect_dma source(%dma_start3A_193 : memref<128xf32, #tpu.memory_space<vmem>>) target(%dma_start3A_198 : memref<51200xf32, #tpu.memory_space<vmem_shared>>) offsets(%dma_start3A_196 : memref<128xi32, #tpu.memory_space<vmem>>) semaphore(%arg12 : memref<!tpu.dma_semaphore, #tpu.memory_space<semaphore_mem>>) {add = true}
      %dma_wait3A_199 = arith.constant 5 : i32
      %dma_wait3A_200 = arith.constant 5 : i32
      %dma_wait3A_201 = arith.constant 0 : i32
      %dma_wait3A_202 = tpu.memref_slice %arg9[%dma_wait3A_200, %dma_wait3A_201] : memref<8x128xf32, #tpu.memory_space<vmem>> -> memref<1x128xf32, #tpu.memory_space<vmem>>
      %dma_wait3A_203 = tpu.memref_squeeze %dma_wait3A_202 : memref<1x128xf32, #tpu.memory_space<vmem>> -> memref<128xf32, #tpu.memory_space<vmem>>
      %dma_wait3A_204 = arith.constant 0 : i32
      %dma_wait3A_205 = tpu.memref_slice %arg7[%dma_wait3A_199, %dma_wait3A_204] : memref<8x128xi32, #tpu.memory_space<vmem>> -> memref<1x128xi32, #tpu.memory_space<vmem>>
      %dma_wait3A_206 = tpu.memref_squeeze %dma_wait3A_205 : memref<1x128xi32, #tpu.memory_space<vmem>> -> memref<128xi32, #tpu.memory_space<vmem>>
      %dma_wait3A_207 = arith.constant 0 : i32
      %dma_wait3A_208 = tpu.memref_slice %arg2[%dma_wait3A_207] : memref<51200xf32, #tpu.memory_space<hbm>> -> memref<51200xf32, #tpu.memory_space<hbm>>
      tpu.wait_indirect_dma semaphore(%arg11 : memref<!tpu.dma_semaphore, #tpu.memory_space<semaphore_mem>>) src(%dma_wait3A_208 : memref<51200xf32, #tpu.memory_space<hbm>>) dst(%dma_wait3A_203 : memref<128xf32, #tpu.memory_space<vmem>>)
      %dma_start3A_209 = arith.constant 5 : i32
      %dma_start3A_210 = arith.constant 5 : i32
      %dma_start3A_211 = arith.constant 0 : i32
      %dma_start3A_212 = tpu.memref_slice %arg9[%dma_start3A_209, %dma_start3A_211] : memref<8x128xf32, #tpu.memory_space<vmem>> -> memref<1x128xf32, #tpu.memory_space<vmem>>
      %dma_start3A_213 = tpu.memref_squeeze %dma_start3A_212 : memref<1x128xf32, #tpu.memory_space<vmem>> -> memref<128xf32, #tpu.memory_space<vmem>>
      %dma_start3A_214 = arith.constant 0 : i32
      %dma_start3A_215 = tpu.memref_slice %arg8[%dma_start3A_210, %dma_start3A_214] : memref<8x128xi32, #tpu.memory_space<vmem>> -> memref<1x128xi32, #tpu.memory_space<vmem>>
      %dma_start3A_216 = tpu.memref_squeeze %dma_start3A_215 : memref<1x128xi32, #tpu.memory_space<vmem>> -> memref<128xi32, #tpu.memory_space<vmem>>
      %dma_start3A_217 = arith.constant 0 : i32
      %dma_start3A_218 = tpu.memref_slice %arg10[%dma_start3A_217] : memref<51200xf32, #tpu.memory_space<vmem_shared>> -> memref<51200xf32, #tpu.memory_space<vmem_shared>>
      tpu.enqueue_indirect_dma source(%dma_start3A_213 : memref<128xf32, #tpu.memory_space<vmem>>) target(%dma_start3A_218 : memref<51200xf32, #tpu.memory_space<vmem_shared>>) offsets(%dma_start3A_216 : memref<128xi32, #tpu.memory_space<vmem>>) semaphore(%arg12 : memref<!tpu.dma_semaphore, #tpu.memory_space<semaphore_mem>>) {add = true}
      %dma_wait3A_219 = arith.constant 6 : i32
      %dma_wait3A_220 = arith.constant 6 : i32
      %dma_wait3A_221 = arith.constant 0 : i32
      %dma_wait3A_222 = tpu.memref_slice %arg9[%dma_wait3A_220, %dma_wait3A_221] : memref<8x128xf32, #tpu.memory_space<vmem>> -> memref<1x128xf32, #tpu.memory_space<vmem>>
      %dma_wait3A_223 = tpu.memref_squeeze %dma_wait3A_222 : memref<1x128xf32, #tpu.memory_space<vmem>> -> memref<128xf32, #tpu.memory_space<vmem>>
      %dma_wait3A_224 = arith.constant 0 : i32
      %dma_wait3A_225 = tpu.memref_slice %arg7[%dma_wait3A_219, %dma_wait3A_224] : memref<8x128xi32, #tpu.memory_space<vmem>> -> memref<1x128xi32, #tpu.memory_space<vmem>>
      %dma_wait3A_226 = tpu.memref_squeeze %dma_wait3A_225 : memref<1x128xi32, #tpu.memory_space<vmem>> -> memref<128xi32, #tpu.memory_space<vmem>>
      %dma_wait3A_227 = arith.constant 0 : i32
      %dma_wait3A_228 = tpu.memref_slice %arg2[%dma_wait3A_227] : memref<51200xf32, #tpu.memory_space<hbm>> -> memref<51200xf32, #tpu.memory_space<hbm>>
      tpu.wait_indirect_dma semaphore(%arg11 : memref<!tpu.dma_semaphore, #tpu.memory_space<semaphore_mem>>) src(%dma_wait3A_228 : memref<51200xf32, #tpu.memory_space<hbm>>) dst(%dma_wait3A_223 : memref<128xf32, #tpu.memory_space<vmem>>)
      %dma_start3A_229 = arith.constant 6 : i32
      %dma_start3A_230 = arith.constant 6 : i32
      %dma_start3A_231 = arith.constant 0 : i32
      %dma_start3A_232 = tpu.memref_slice %arg9[%dma_start3A_229, %dma_start3A_231] : memref<8x128xf32, #tpu.memory_space<vmem>> -> memref<1x128xf32, #tpu.memory_space<vmem>>
      %dma_start3A_233 = tpu.memref_squeeze %dma_start3A_232 : memref<1x128xf32, #tpu.memory_space<vmem>> -> memref<128xf32, #tpu.memory_space<vmem>>
      %dma_start3A_234 = arith.constant 0 : i32
      %dma_start3A_235 = tpu.memref_slice %arg8[%dma_start3A_230, %dma_start3A_234] : memref<8x128xi32, #tpu.memory_space<vmem>> -> memref<1x128xi32, #tpu.memory_space<vmem>>
      %dma_start3A_236 = tpu.memref_squeeze %dma_start3A_235 : memref<1x128xi32, #tpu.memory_space<vmem>> -> memref<128xi32, #tpu.memory_space<vmem>>
      %dma_start3A_237 = arith.constant 0 : i32
      %dma_start3A_238 = tpu.memref_slice %arg10[%dma_start3A_237] : memref<51200xf32, #tpu.memory_space<vmem_shared>> -> memref<51200xf32, #tpu.memory_space<vmem_shared>>
      tpu.enqueue_indirect_dma source(%dma_start3A_233 : memref<128xf32, #tpu.memory_space<vmem>>) target(%dma_start3A_238 : memref<51200xf32, #tpu.memory_space<vmem_shared>>) offsets(%dma_start3A_236 : memref<128xi32, #tpu.memory_space<vmem>>) semaphore(%arg12 : memref<!tpu.dma_semaphore, #tpu.memory_space<semaphore_mem>>) {add = true}
      %dma_wait3A_239 = arith.constant 7 : i32
      %dma_wait3A_240 = arith.constant 7 : i32
      %dma_wait3A_241 = arith.constant 0 : i32
      %dma_wait3A_242 = tpu.memref_slice %arg9[%dma_wait3A_240, %dma_wait3A_241] : memref<8x128xf32, #tpu.memory_space<vmem>> -> memref<1x128xf32, #tpu.memory_space<vmem>>
      %dma_wait3A_243 = tpu.memref_squeeze %dma_wait3A_242 : memref<1x128xf32, #tpu.memory_space<vmem>> -> memref<128xf32, #tpu.memory_space<vmem>>
      %dma_wait3A_244 = arith.constant 0 : i32
      %dma_wait3A_245 = tpu.memref_slice %arg7[%dma_wait3A_239, %dma_wait3A_244] : memref<8x128xi32, #tpu.memory_space<vmem>> -> memref<1x128xi32, #tpu.memory_space<vmem>>
      %dma_wait3A_246 = tpu.memref_squeeze %dma_wait3A_245 : memref<1x128xi32, #tpu.memory_space<vmem>> -> memref<128xi32, #tpu.memory_space<vmem>>
      %dma_wait3A_247 = arith.constant 0 : i32
      %dma_wait3A_248 = tpu.memref_slice %arg2[%dma_wait3A_247] : memref<51200xf32, #tpu.memory_space<hbm>> -> memref<51200xf32, #tpu.memory_space<hbm>>
      tpu.wait_indirect_dma semaphore(%arg11 : memref<!tpu.dma_semaphore, #tpu.memory_space<semaphore_mem>>) src(%dma_wait3A_248 : memref<51200xf32, #tpu.memory_space<hbm>>) dst(%dma_wait3A_243 : memref<128xf32, #tpu.memory_space<vmem>>)
      %dma_start3A_249 = arith.constant 7 : i32
      %dma_start3A_250 = arith.constant 7 : i32
      %dma_start3A_251 = arith.constant 0 : i32
      %dma_start3A_252 = tpu.memref_slice %arg9[%dma_start3A_249, %dma_start3A_251] : memref<8x128xf32, #tpu.memory_space<vmem>> -> memref<1x128xf32, #tpu.memory_space<vmem>>
      %dma_start3A_253 = tpu.memref_squeeze %dma_start3A_252 : memref<1x128xf32, #tpu.memory_space<vmem>> -> memref<128xf32, #tpu.memory_space<vmem>>
      %dma_start3A_254 = arith.constant 0 : i32
      %dma_start3A_255 = tpu.memref_slice %arg8[%dma_start3A_250, %dma_start3A_254] : memref<8x128xi32, #tpu.memory_space<vmem>> -> memref<1x128xi32, #tpu.memory_space<vmem>>
      %dma_start3A_256 = tpu.memref_squeeze %dma_start3A_255 : memref<1x128xi32, #tpu.memory_space<vmem>> -> memref<128xi32, #tpu.memory_space<vmem>>
      %dma_start3A_257 = arith.constant 0 : i32
      %dma_start3A_258 = tpu.memref_slice %arg10[%dma_start3A_257] : memref<51200xf32, #tpu.memory_space<vmem_shared>> -> memref<51200xf32, #tpu.memory_space<vmem_shared>>
      tpu.enqueue_indirect_dma source(%dma_start3A_253 : memref<128xf32, #tpu.memory_space<vmem>>) target(%dma_start3A_258 : memref<51200xf32, #tpu.memory_space<vmem_shared>>) offsets(%dma_start3A_256 : memref<128xi32, #tpu.memory_space<vmem>>) semaphore(%arg12 : memref<!tpu.dma_semaphore, #tpu.memory_space<semaphore_mem>>) {add = true}
      %dma_wait3A_259 = arith.constant 0 : i32
      %dma_wait3A_260 = arith.constant 0 : i32
      %dma_wait3A_261 = arith.constant 0 : i32
      %dma_wait3A_262 = tpu.memref_slice %arg9[%dma_wait3A_259, %dma_wait3A_261] : memref<8x128xf32, #tpu.memory_space<vmem>> -> memref<1x128xf32, #tpu.memory_space<vmem>>
      %dma_wait3A_263 = tpu.memref_squeeze %dma_wait3A_262 : memref<1x128xf32, #tpu.memory_space<vmem>> -> memref<128xf32, #tpu.memory_space<vmem>>
      %dma_wait3A_264 = arith.constant 0 : i32
      %dma_wait3A_265 = tpu.memref_slice %arg8[%dma_wait3A_260, %dma_wait3A_264] : memref<8x128xi32, #tpu.memory_space<vmem>> -> memref<1x128xi32, #tpu.memory_space<vmem>>
      %dma_wait3A_266 = tpu.memref_squeeze %dma_wait3A_265 : memref<1x128xi32, #tpu.memory_space<vmem>> -> memref<128xi32, #tpu.memory_space<vmem>>
      %dma_wait3A_267 = arith.constant 0 : i32
      %dma_wait3A_268 = tpu.memref_slice %arg10[%dma_wait3A_267] : memref<51200xf32, #tpu.memory_space<vmem_shared>> -> memref<51200xf32, #tpu.memory_space<vmem_shared>>
      tpu.wait_indirect_dma semaphore(%arg12 : memref<!tpu.dma_semaphore, #tpu.memory_space<semaphore_mem>>) src(%dma_wait3A_263 : memref<128xf32, #tpu.memory_space<vmem>>) dst(%dma_wait3A_268 : memref<51200xf32, #tpu.memory_space<vmem_shared>>)
      %dma_wait3A_269 = arith.constant 1 : i32
      %dma_wait3A_270 = arith.constant 1 : i32
      %dma_wait3A_271 = arith.constant 0 : i32
      %dma_wait3A_272 = tpu.memref_slice %arg9[%dma_wait3A_269, %dma_wait3A_271] : memref<8x128xf32, #tpu.memory_space<vmem>> -> memref<1x128xf32, #tpu.memory_space<vmem>>
      %dma_wait3A_273 = tpu.memref_squeeze %dma_wait3A_272 : memref<1x128xf32, #tpu.memory_space<vmem>> -> memref<128xf32, #tpu.memory_space<vmem>>
      %dma_wait3A_274 = arith.constant 0 : i32
      %dma_wait3A_275 = tpu.memref_slice %arg8[%dma_wait3A_270, %dma_wait3A_274] : memref<8x128xi32, #tpu.memory_space<vmem>> -> memref<1x128xi32, #tpu.memory_space<vmem>>
      %dma_wait3A_276 = tpu.memref_squeeze %dma_wait3A_275 : memref<1x128xi32, #tpu.memory_space<vmem>> -> memref<128xi32, #tpu.memory_space<vmem>>
      %dma_wait3A_277 = arith.constant 0 : i32
      %dma_wait3A_278 = tpu.memref_slice %arg10[%dma_wait3A_277] : memref<51200xf32, #tpu.memory_space<vmem_shared>> -> memref<51200xf32, #tpu.memory_space<vmem_shared>>
      tpu.wait_indirect_dma semaphore(%arg12 : memref<!tpu.dma_semaphore, #tpu.memory_space<semaphore_mem>>) src(%dma_wait3A_273 : memref<128xf32, #tpu.memory_space<vmem>>) dst(%dma_wait3A_278 : memref<51200xf32, #tpu.memory_space<vmem_shared>>)
      %dma_wait3A_279 = arith.constant 2 : i32
      %dma_wait3A_280 = arith.constant 2 : i32
      %dma_wait3A_281 = arith.constant 0 : i32
      %dma_wait3A_282 = tpu.memref_slice %arg9[%dma_wait3A_279, %dma_wait3A_281] : memref<8x128xf32, #tpu.memory_space<vmem>> -> memref<1x128xf32, #tpu.memory_space<vmem>>
      %dma_wait3A_283 = tpu.memref_squeeze %dma_wait3A_282 : memref<1x128xf32, #tpu.memory_space<vmem>> -> memref<128xf32, #tpu.memory_space<vmem>>
      %dma_wait3A_284 = arith.constant 0 : i32
      %dma_wait3A_285 = tpu.memref_slice %arg8[%dma_wait3A_280, %dma_wait3A_284] : memref<8x128xi32, #tpu.memory_space<vmem>> -> memref<1x128xi32, #tpu.memory_space<vmem>>
      %dma_wait3A_286 = tpu.memref_squeeze %dma_wait3A_285 : memref<1x128xi32, #tpu.memory_space<vmem>> -> memref<128xi32, #tpu.memory_space<vmem>>
      %dma_wait3A_287 = arith.constant 0 : i32
      %dma_wait3A_288 = tpu.memref_slice %arg10[%dma_wait3A_287] : memref<51200xf32, #tpu.memory_space<vmem_shared>> -> memref<51200xf32, #tpu.memory_space<vmem_shared>>
      tpu.wait_indirect_dma semaphore(%arg12 : memref<!tpu.dma_semaphore, #tpu.memory_space<semaphore_mem>>) src(%dma_wait3A_283 : memref<128xf32, #tpu.memory_space<vmem>>) dst(%dma_wait3A_288 : memref<51200xf32, #tpu.memory_space<vmem_shared>>)
      %dma_wait3A_289 = arith.constant 3 : i32
      %dma_wait3A_290 = arith.constant 3 : i32
      %dma_wait3A_291 = arith.constant 0 : i32
      %dma_wait3A_292 = tpu.memref_slice %arg9[%dma_wait3A_289, %dma_wait3A_291] : memref<8x128xf32, #tpu.memory_space<vmem>> -> memref<1x128xf32, #tpu.memory_space<vmem>>
      %dma_wait3A_293 = tpu.memref_squeeze %dma_wait3A_292 : memref<1x128xf32, #tpu.memory_space<vmem>> -> memref<128xf32, #tpu.memory_space<vmem>>
      %dma_wait3A_294 = arith.constant 0 : i32
      %dma_wait3A_295 = tpu.memref_slice %arg8[%dma_wait3A_290, %dma_wait3A_294] : memref<8x128xi32, #tpu.memory_space<vmem>> -> memref<1x128xi32, #tpu.memory_space<vmem>>
      %dma_wait3A_296 = tpu.memref_squeeze %dma_wait3A_295 : memref<1x128xi32, #tpu.memory_space<vmem>> -> memref<128xi32, #tpu.memory_space<vmem>>
      %dma_wait3A_297 = arith.constant 0 : i32
      %dma_wait3A_298 = tpu.memref_slice %arg10[%dma_wait3A_297] : memref<51200xf32, #tpu.memory_space<vmem_shared>> -> memref<51200xf32, #tpu.memory_space<vmem_shared>>
      tpu.wait_indirect_dma semaphore(%arg12 : memref<!tpu.dma_semaphore, #tpu.memory_space<semaphore_mem>>) src(%dma_wait3A_293 : memref<128xf32, #tpu.memory_space<vmem>>) dst(%dma_wait3A_298 : memref<51200xf32, #tpu.memory_space<vmem_shared>>)
      %dma_wait3A_299 = arith.constant 4 : i32
      %dma_wait3A_300 = arith.constant 4 : i32
      %dma_wait3A_301 = arith.constant 0 : i32
      %dma_wait3A_302 = tpu.memref_slice %arg9[%dma_wait3A_299, %dma_wait3A_301] : memref<8x128xf32, #tpu.memory_space<vmem>> -> memref<1x128xf32, #tpu.memory_space<vmem>>
      %dma_wait3A_303 = tpu.memref_squeeze %dma_wait3A_302 : memref<1x128xf32, #tpu.memory_space<vmem>> -> memref<128xf32, #tpu.memory_space<vmem>>
      %dma_wait3A_304 = arith.constant 0 : i32
      %dma_wait3A_305 = tpu.memref_slice %arg8[%dma_wait3A_300, %dma_wait3A_304] : memref<8x128xi32, #tpu.memory_space<vmem>> -> memref<1x128xi32, #tpu.memory_space<vmem>>
      %dma_wait3A_306 = tpu.memref_squeeze %dma_wait3A_305 : memref<1x128xi32, #tpu.memory_space<vmem>> -> memref<128xi32, #tpu.memory_space<vmem>>
      %dma_wait3A_307 = arith.constant 0 : i32
      %dma_wait3A_308 = tpu.memref_slice %arg10[%dma_wait3A_307] : memref<51200xf32, #tpu.memory_space<vmem_shared>> -> memref<51200xf32, #tpu.memory_space<vmem_shared>>
      tpu.wait_indirect_dma semaphore(%arg12 : memref<!tpu.dma_semaphore, #tpu.memory_space<semaphore_mem>>) src(%dma_wait3A_303 : memref<128xf32, #tpu.memory_space<vmem>>) dst(%dma_wait3A_308 : memref<51200xf32, #tpu.memory_space<vmem_shared>>)
      %dma_wait3A_309 = arith.constant 5 : i32
      %dma_wait3A_310 = arith.constant 5 : i32
      %dma_wait3A_311 = arith.constant 0 : i32
      %dma_wait3A_312 = tpu.memref_slice %arg9[%dma_wait3A_309, %dma_wait3A_311] : memref<8x128xf32, #tpu.memory_space<vmem>> -> memref<1x128xf32, #tpu.memory_space<vmem>>
      %dma_wait3A_313 = tpu.memref_squeeze %dma_wait3A_312 : memref<1x128xf32, #tpu.memory_space<vmem>> -> memref<128xf32, #tpu.memory_space<vmem>>
      %dma_wait3A_314 = arith.constant 0 : i32
      %dma_wait3A_315 = tpu.memref_slice %arg8[%dma_wait3A_310, %dma_wait3A_314] : memref<8x128xi32, #tpu.memory_space<vmem>> -> memref<1x128xi32, #tpu.memory_space<vmem>>
      %dma_wait3A_316 = tpu.memref_squeeze %dma_wait3A_315 : memref<1x128xi32, #tpu.memory_space<vmem>> -> memref<128xi32, #tpu.memory_space<vmem>>
      %dma_wait3A_317 = arith.constant 0 : i32
      %dma_wait3A_318 = tpu.memref_slice %arg10[%dma_wait3A_317] : memref<51200xf32, #tpu.memory_space<vmem_shared>> -> memref<51200xf32, #tpu.memory_space<vmem_shared>>
      tpu.wait_indirect_dma semaphore(%arg12 : memref<!tpu.dma_semaphore, #tpu.memory_space<semaphore_mem>>) src(%dma_wait3A_313 : memref<128xf32, #tpu.memory_space<vmem>>) dst(%dma_wait3A_318 : memref<51200xf32, #tpu.memory_space<vmem_shared>>)
      %dma_wait3A_319 = arith.constant 6 : i32
      %dma_wait3A_320 = arith.constant 6 : i32
      %dma_wait3A_321 = arith.constant 0 : i32
      %dma_wait3A_322 = tpu.memref_slice %arg9[%dma_wait3A_319, %dma_wait3A_321] : memref<8x128xf32, #tpu.memory_space<vmem>> -> memref<1x128xf32, #tpu.memory_space<vmem>>
      %dma_wait3A_323 = tpu.memref_squeeze %dma_wait3A_322 : memref<1x128xf32, #tpu.memory_space<vmem>> -> memref<128xf32, #tpu.memory_space<vmem>>
      %dma_wait3A_324 = arith.constant 0 : i32
      %dma_wait3A_325 = tpu.memref_slice %arg8[%dma_wait3A_320, %dma_wait3A_324] : memref<8x128xi32, #tpu.memory_space<vmem>> -> memref<1x128xi32, #tpu.memory_space<vmem>>
      %dma_wait3A_326 = tpu.memref_squeeze %dma_wait3A_325 : memref<1x128xi32, #tpu.memory_space<vmem>> -> memref<128xi32, #tpu.memory_space<vmem>>
      %dma_wait3A_327 = arith.constant 0 : i32
      %dma_wait3A_328 = tpu.memref_slice %arg10[%dma_wait3A_327] : memref<51200xf32, #tpu.memory_space<vmem_shared>> -> memref<51200xf32, #tpu.memory_space<vmem_shared>>
      tpu.wait_indirect_dma semaphore(%arg12 : memref<!tpu.dma_semaphore, #tpu.memory_space<semaphore_mem>>) src(%dma_wait3A_323 : memref<128xf32, #tpu.memory_space<vmem>>) dst(%dma_wait3A_328 : memref<51200xf32, #tpu.memory_space<vmem_shared>>)
      %dma_wait3A_329 = arith.constant 7 : i32
      %dma_wait3A_330 = arith.constant 7 : i32
      %dma_wait3A_331 = arith.constant 0 : i32
      %dma_wait3A_332 = tpu.memref_slice %arg9[%dma_wait3A_329, %dma_wait3A_331] : memref<8x128xf32, #tpu.memory_space<vmem>> -> memref<1x128xf32, #tpu.memory_space<vmem>>
      %dma_wait3A_333 = tpu.memref_squeeze %dma_wait3A_332 : memref<1x128xf32, #tpu.memory_space<vmem>> -> memref<128xf32, #tpu.memory_space<vmem>>
      %dma_wait3A_334 = arith.constant 0 : i32
      %dma_wait3A_335 = tpu.memref_slice %arg8[%dma_wait3A_330, %dma_wait3A_334] : memref<8x128xi32, #tpu.memory_space<vmem>> -> memref<1x128xi32, #tpu.memory_space<vmem>>
      %dma_wait3A_336 = tpu.memref_squeeze %dma_wait3A_335 : memref<1x128xi32, #tpu.memory_space<vmem>> -> memref<128xi32, #tpu.memory_space<vmem>>
      %dma_wait3A_337 = arith.constant 0 : i32
      %dma_wait3A_338 = tpu.memref_slice %arg10[%dma_wait3A_337] : memref<51200xf32, #tpu.memory_space<vmem_shared>> -> memref<51200xf32, #tpu.memory_space<vmem_shared>>
      tpu.wait_indirect_dma semaphore(%arg12 : memref<!tpu.dma_semaphore, #tpu.memory_space<semaphore_mem>>) src(%dma_wait3A_333 : memref<128xf32, #tpu.memory_space<vmem>>) dst(%dma_wait3A_338 : memref<51200xf32, #tpu.memory_space<vmem_shared>>)
    }
    %scan3A_11 = arith.constant 49 : i32
    %barrier3A_12 = arith.constant 0 : index
    tpu.barrier barrier_id(%barrier3A_12)
    %mul3A_13 = arith.constant 3200 : i32
    %mul3A_14 = arith.muli %arg1, %mul3A_13 : i32
    %mul3A_15 = arith.constant 3200 : i32
    %mul3A_16 = arith.muli %arg1, %mul3A_15 : i32
    "tpu.region"() ({
      %run_scoped3A = tpu.sem_alloc : memref<!tpu.dma_semaphore, #tpu.memory_space<semaphore_mem>>
      %dma_start3A = tpu.memref_slice %arg6[%arg0, %mul3A_16] : memref<2x51200xf32, #tpu.memory_space<hbm>> -> memref<1x3200xf32, #tpu.memory_space<hbm>>
      %dma_start3A_17 = tpu.memref_squeeze %dma_start3A : memref<1x3200xf32, #tpu.memory_space<hbm>> -> memref<3200xf32, #tpu.memory_space<hbm>>
      %dma_start3A_18 = tpu.memref_slice %arg10[%mul3A_14] : memref<51200xf32, #tpu.memory_space<vmem_shared>> -> memref<3200xf32, #tpu.memory_space<vmem_shared>>
      tpu.enqueue_dma source(%dma_start3A_18 : memref<3200xf32, #tpu.memory_space<vmem_shared>>) target(%dma_start3A_17 : memref<3200xf32, #tpu.memory_space<hbm>>) target_semaphore(%run_scoped3A : memref<!tpu.dma_semaphore, #tpu.memory_space<semaphore_mem>>)
      %dma_wait3A = tpu.memref_slice %arg6[%arg0, %mul3A_16] : memref<2x51200xf32, #tpu.memory_space<hbm>> -> memref<1x3200xf32, #tpu.memory_space<hbm>>
      %dma_wait3A_19 = tpu.memref_squeeze %dma_wait3A : memref<1x3200xf32, #tpu.memory_space<hbm>> -> memref<3200xf32, #tpu.memory_space<hbm>>
      %dma_wait3A_20 = tpu.memref_slice %arg10[%mul3A_14] : memref<51200xf32, #tpu.memory_space<vmem_shared>> -> memref<3200xf32, #tpu.memory_space<vmem_shared>>
      tpu.wait_dma2 semaphore(%run_scoped3A : memref<!tpu.dma_semaphore, #tpu.memory_space<semaphore_mem>>) src(%dma_wait3A_20 : memref<3200xf32, #tpu.memory_space<vmem_shared>>) dst(%dma_wait3A_19 : memref<3200xf32, #tpu.memory_space<hbm>>)
      tpu.yield
    }) : () -> ()
    return
  }
}

module attributes {stable_mosaic.version = 14 : i64} {
  func.func @body(%arg0: i32, %arg1: memref<2x2048x1xf32, #tpu.memory_space<vmem>>, %arg2: memref<2048x1xf32, #tpu.memory_space<vmem>>, %arg3: memref<2048x1xf32, #tpu.memory_space<vmem>>, %arg4: memref<2048x1xf32, #tpu.memory_space<vmem>>) attributes {dimension_semantics = [#tpu.dimension_semantics<arbitrary>], iteration_bounds = array<i64: 25>, scalar_prefetch = 0 : i64, scratch_operands = 0 : i64, tpu.core_type = #tpu.core_type<tc>, window_params = [{transform_indices = @transform_0, window_bounds = array<i64: 2, 2048, 1>}, {transform_indices = @transform_1, window_bounds = array<i64: 2048, 1>}, {transform_indices = @transform_2, window_bounds = array<i64: 2048, 1>}, {transform_indices = @transform_3, window_bounds = array<i64: 2048, 1>}]} {
    %get3A = arith.constant 0 : index
    %get3A_0 = arith.constant 0 : index
    %get3A_1 = arith.constant 0 : index
    %get3A_2 = vector.load %arg1[%get3A, %get3A_0, %get3A_1] : memref<2x2048x1xf32, #tpu.memory_space<vmem>>, vector<1x2048x1xf32>
    %get3A_3 = vector.shape_cast %get3A_2 : vector<1x2048x1xf32> to vector<2048x1xf32>
    %get3A_4 = arith.constant 1 : index
    %get3A_5 = arith.constant 0 : index
    %get3A_6 = arith.constant 0 : index
    %get3A_7 = vector.load %arg1[%get3A_4, %get3A_5, %get3A_6] : memref<2x2048x1xf32, #tpu.memory_space<vmem>>, vector<1x2048x1xf32>
    %get3A_8 = vector.shape_cast %get3A_7 : vector<1x2048x1xf32> to vector<2048x1xf32>
    %add3A = arith.addf %get3A_3, %get3A_8 : vector<2048x1xf32>
    %add3A_9 = arith.constant 1.000000e+00 : f32
    %add3A_10 = vector.broadcast %add3A_9 : f32 to vector<2048x1xf32>
    %add3A_11 = arith.addf %add3A, %add3A_10 : vector<2048x1xf32>
    %rsqrt3A = math.rsqrt %add3A_11 : vector<2048x1xf32>
    %swap3A = arith.constant 0 : index
    %swap3A_12 = arith.constant 0 : index
    %swap3A_13 = vector.load %arg3[%swap3A, %swap3A_12] : memref<2048x1xf32, #tpu.memory_space<vmem>>, vector<2048x1xf32>
    tpu.vector_store %arg3[%swap3A, %swap3A_12], %rsqrt3A {strides = array<i32>} : memref<2048x1xf32, #tpu.memory_space<vmem>>, vector<2048x1xf32>,
    %get3A_14 = arith.constant 0 : index
    %get3A_15 = arith.constant 0 : index
    %get3A_16 = vector.load %arg2[%get3A_14, %get3A_15] : memref<2048x1xf32, #tpu.memory_space<vmem>>, vector<2048x1xf32>
    %mul3A = arith.mulf %rsqrt3A, %get3A_16 : vector<2048x1xf32>
    %swap3A_17 = arith.constant 0 : index
    %swap3A_18 = arith.constant 0 : index
    %swap3A_19 = vector.load %arg4[%swap3A_17, %swap3A_18] : memref<2048x1xf32, #tpu.memory_space<vmem>>, vector<2048x1xf32>
    tpu.vector_store %arg4[%swap3A_17, %swap3A_18], %mul3A {strides = array<i32>} : memref<2048x1xf32, #tpu.memory_space<vmem>>, vector<2048x1xf32>,
    return
  }
  func.func @transform_0(%arg0: i32) -> (i32, i32, i32) {
    %c0_i32 = arith.constant 0 : i32
    %c0_i32_0 = arith.constant 0 : i32
    %c0_i32_1 = arith.constant 0 : i32
    return %c0_i32, %arg0, %c0_i32_0 : i32, i32, i32
  }
  func.func @transform_1(%arg0: i32) -> (i32, i32) {
    %c0_i32 = arith.constant 0 : i32
    %c0_i32_0 = arith.constant 0 : i32
    return %arg0, %c0_i32 : i32, i32
  }
  func.func @transform_2(%arg0: i32) -> (i32, i32) {
    %c0_i32 = arith.constant 0 : i32
    %c0_i32_0 = arith.constant 0 : i32
    return %arg0, %c0_i32 : i32, i32
  }
  func.func @transform_3(%arg0: i32) -> (i32, i32) {
    %c0_i32 = arith.constant 0 : i32
    %c0_i32_0 = arith.constant 0 : i32
    return %arg0, %c0_i32 : i32, i32
  }
}

module attributes {stable_mosaic.version = 14 : i64} {
  func.func @body(%arg0: i32, %arg1: memref<2x2048x1xf32, #tpu.memory_space<vmem>>, %arg2: memref<2048x1xf32, #tpu.memory_space<vmem>>, %arg3: memref<2048x1xf32, #tpu.memory_space<vmem>>, %arg4: memref<1x64xf32, #tpu.memory_space<vmem>>, %arg5: memref<1x64xf32, #tpu.memory_space<vmem>>, %arg6: memref<64x32xf32, #tpu.memory_space<vmem>>, %arg7: memref<2048x16xf32, #tpu.memory_space<vmem>>, %arg8: memref<2048x16xf32, #tpu.memory_space<vmem>>) attributes {dimension_semantics = [#tpu.dimension_semantics<arbitrary>], iteration_bounds = array<i64: 25>, scalar_prefetch = 0 : i64, scratch_operands = 0 : i64, tpu.core_type = #tpu.core_type<tc>, window_params = [{transform_indices = @transform_0, window_bounds = array<i64: 2, 2048, 1>}, {transform_indices = @transform_1, window_bounds = array<i64: 2048, 1>}, {transform_indices = @transform_2, window_bounds = array<i64: 2048, 1>}, {pipeline_mode = #tpu.pipeline_mode<synchronous>, transform_indices = @transform_3, window_bounds = array<i64: 1, 64>}, {pipeline_mode = #tpu.pipeline_mode<synchronous>, transform_indices = @transform_4, window_bounds = array<i64: 1, 64>}, {pipeline_mode = #tpu.pipeline_mode<synchronous>, transform_indices = @transform_5, window_bounds = array<i64: 64, 32>}, {transform_indices = @transform_6, window_bounds = array<i64: 2048, 16>}, {transform_indices = @transform_7, window_bounds = array<i64: 2048, 16>}]} {
    %get3A = arith.constant 0 : index
    %get3A_0 = arith.constant 0 : index
    %get3A_1 = vector.load %arg3[%get3A, %get3A_0] : memref<2048x1xf32, #tpu.memory_space<vmem>>, vector<2048x1xf32>
    %get3A_2 = arith.constant 0 : index
    %get3A_3 = arith.constant 0 : index
    %get3A_4 = arith.constant 0 : index
    %get3A_5 = vector.load %arg1[%get3A_2, %get3A_3, %get3A_4] : memref<2x2048x1xf32, #tpu.memory_space<vmem>>, vector<1x2048x1xf32>
    %get3A_6 = vector.shape_cast %get3A_5 : vector<1x2048x1xf32> to vector<2048x1xf32>
    %get3A_7 = arith.constant 1 : index
    %get3A_8 = arith.constant 0 : index
    %get3A_9 = arith.constant 0 : index
    %get3A_10 = vector.load %arg1[%get3A_7, %get3A_8, %get3A_9] : memref<2x2048x1xf32, #tpu.memory_space<vmem>>, vector<1x2048x1xf32>
    %get3A_11 = vector.shape_cast %get3A_10 : vector<1x2048x1xf32> to vector<2048x1xf32>
    %add3A = arith.addf %get3A_6, %get3A_11 : vector<2048x1xf32>
    %get3A_12 = arith.constant 0 : index
    %get3A_13 = arith.constant 0 : index
    %get3A_14 = vector.load %arg2[%get3A_12, %get3A_13] : memref<2048x1xf32, #tpu.memory_space<vmem>>, vector<2048x1xf32>
    %add3A_15 = arith.addf %add3A, %get3A_14 : vector<2048x1xf32>
    %mul3A = arith.mulf %get3A_1, %add3A_15 : vector<2048x1xf32>
    %get3A_16 = arith.constant 0 : index
    %get3A_17 = arith.constant 0 : index
    %get3A_18 = vector.load %arg4[%get3A_16, %get3A_17] : memref<1x64xf32, #tpu.memory_space<vmem>>, vector<1x64xf32>
    %mul3A_19 = vector.broadcast %mul3A : vector<2048x1xf32> to vector<2048x64xf32>
    %mul3A_20 = vector.broadcast %get3A_18 : vector<1x64xf32> to vector<2048x64xf32>
    %mul3A_21 = arith.mulf %mul3A_19, %mul3A_20 : vector<2048x64xf32>
    %get3A_22 = arith.constant 0 : index
    %get3A_23 = arith.constant 0 : index
    %get3A_24 = vector.load %arg5[%get3A_22, %get3A_23] : memref<1x64xf32, #tpu.memory_space<vmem>>, vector<1x64xf32>
    %add3A_25 = vector.broadcast %get3A_24 : vector<1x64xf32> to vector<2048x64xf32>
    %add3A_26 = arith.addf %mul3A_21, %add3A_25 : vector<2048x64xf32>
    %max3A = arith.constant 0.000000e+00 : f32
    %max3A_27 = vector.broadcast %max3A : f32 to vector<2048x64xf32>
    %max3A_28 = arith.maximumf %add3A_26, %max3A_27 : vector<2048x64xf32>
    %get3A_29 = arith.constant 0 : index
    %get3A_30 = arith.constant 0 : index
    %get3A_31 = vector.load %arg6[%get3A_29, %get3A_30] : memref<64x32xf32, #tpu.memory_space<vmem>>, vector<64x32xf32>
    %dot_general3A = arith.constant dense<0.000000e+00> : vector<2048x32xf32>
    %dot_general3A_32 = tpu.matmul %max3A_28, %get3A_31, %dot_general3A {dimension_numbers = #tpu.dot_dimension_numbers<[1], [0], [0], [1], [0, 0, 1, 1], [], []>, transpose_lhs_hint = false} : vector<2048x64xf32>, vector<64x32xf32>, vector<2048x32xf32> -> vector<2048x32xf32>
    %mul3A_33 = vector.broadcast %get3A_1 : vector<2048x1xf32> to vector<2048x32xf32>
    %mul3A_34 = arith.mulf %mul3A_33, %dot_general3A_32 : vector<2048x32xf32>
    %slice3A = vector.extract_strided_slice %mul3A_34 {offsets = [0, 0], sizes = [2048, 16], strides = [1, 1]} : vector<2048x32xf32> to vector<2048x16xf32>
    %swap3A = arith.constant 0 : index
    %swap3A_35 = arith.constant 0 : index
    %swap3A_36 = vector.load %arg7[%swap3A, %swap3A_35] : memref<2048x16xf32, #tpu.memory_space<vmem>>, vector<2048x16xf32>
    tpu.vector_store %arg7[%swap3A, %swap3A_35], %slice3A {strides = array<i32>} : memref<2048x16xf32, #tpu.memory_space<vmem>>, vector<2048x16xf32>,
    %slice3A_37 = vector.extract_strided_slice %mul3A_34 {offsets = [0, 16], sizes = [2048, 16], strides = [1, 1]} : vector<2048x32xf32> to vector<2048x16xf32>
    %swap3A_38 = arith.constant 0 : index
    %swap3A_39 = arith.constant 0 : index
    %swap3A_40 = vector.load %arg8[%swap3A_38, %swap3A_39] : memref<2048x16xf32, #tpu.memory_space<vmem>>, vector<2048x16xf32>
    tpu.vector_store %arg8[%swap3A_38, %swap3A_39], %slice3A_37 {strides = array<i32>} : memref<2048x16xf32, #tpu.memory_space<vmem>>, vector<2048x16xf32>,
    return
  }
  func.func @transform_0(%arg0: i32) -> (i32, i32, i32) {
    %c0_i32 = arith.constant 0 : i32
    %c0_i32_0 = arith.constant 0 : i32
    %c0_i32_1 = arith.constant 0 : i32
    return %c0_i32, %arg0, %c0_i32_0 : i32, i32, i32
  }
  func.func @transform_1(%arg0: i32) -> (i32, i32) {
    %c0_i32 = arith.constant 0 : i32
    %c0_i32_0 = arith.constant 0 : i32
    return %arg0, %c0_i32 : i32, i32
  }
  func.func @transform_2(%arg0: i32) -> (i32, i32) {
    %c0_i32 = arith.constant 0 : i32
    %c0_i32_0 = arith.constant 0 : i32
    return %arg0, %c0_i32 : i32, i32
  }
  func.func @transform_3(%arg0: i32) -> (i32, i32) {
    %c0_i32 = arith.constant 0 : i32
    %c0_i32_0 = arith.constant 0 : i32
    %c0_i32_1 = arith.constant 0 : i32
    return %c0_i32, %c0_i32_0 : i32, i32
  }
  func.func @transform_4(%arg0: i32) -> (i32, i32) {
    %c0_i32 = arith.constant 0 : i32
    %c0_i32_0 = arith.constant 0 : i32
    %c0_i32_1 = arith.constant 0 : i32
    return %c0_i32, %c0_i32_0 : i32, i32
  }
  func.func @transform_5(%arg0: i32) -> (i32, i32) {
    %c0_i32 = arith.constant 0 : i32
    %c0_i32_0 = arith.constant 0 : i32
    %c0_i32_1 = arith.constant 0 : i32
    return %c0_i32, %c0_i32_0 : i32, i32
  }
  func.func @transform_6(%arg0: i32) -> (i32, i32) {
    %c0_i32 = arith.constant 0 : i32
    %c0_i32_0 = arith.constant 0 : i32
    return %arg0, %c0_i32 : i32, i32
  }
  func.func @transform_7(%arg0: i32) -> (i32, i32) {
    %c0_i32 = arith.constant 0 : i32
    %c0_i32_0 = arith.constant 0 : i32
    return %arg0, %c0_i32 : i32, i32
  }
}

module attributes {stable_mosaic.version = 14 : i64} {
  func.func @body(%arg0: i32, %arg1: memref<2x2048x16xf32, #tpu.memory_space<vmem>>, %arg2: memref<2x2048x16xf32, #tpu.memory_space<vmem>>, %arg3: memref<2048x16xf32, #tpu.memory_space<vmem>>, %arg4: memref<2048x16xf32, #tpu.memory_space<vmem>>, %arg5: memref<2048x1xf32, #tpu.memory_space<vmem>>, %arg6: memref<1x32xf32, #tpu.memory_space<vmem>>, %arg7: memref<32x16xf32, #tpu.memory_space<vmem>>, %arg8: memref<2048x16xf32, #tpu.memory_space<vmem>>) attributes {dimension_semantics = [#tpu.dimension_semantics<arbitrary>], iteration_bounds = array<i64: 25>, scalar_prefetch = 0 : i64, scratch_operands = 0 : i64, tpu.core_type = #tpu.core_type<tc>, window_params = [{transform_indices = @transform_0, window_bounds = array<i64: 2, 2048, 16>}, {transform_indices = @transform_1, window_bounds = array<i64: 2, 2048, 16>}, {transform_indices = @transform_2, window_bounds = array<i64: 2048, 16>}, {transform_indices = @transform_3, window_bounds = array<i64: 2048, 16>}, {transform_indices = @transform_4, window_bounds = array<i64: 2048, 1>}, {pipeline_mode = #tpu.pipeline_mode<synchronous>, transform_indices = @transform_5, window_bounds = array<i64: 1, 32>}, {pipeline_mode = #tpu.pipeline_mode<synchronous>, transform_indices = @transform_6, window_bounds = array<i64: 32, 16>}, {transform_indices = @transform_7, window_bounds = array<i64: 2048, 16>}]} {
    %get3A = arith.constant 0 : index
    %get3A_0 = arith.constant 0 : index
    %get3A_1 = vector.load %arg5[%get3A, %get3A_0] : memref<2048x1xf32, #tpu.memory_space<vmem>>, vector<2048x1xf32>
    %get3A_2 = arith.constant 0 : index
    %get3A_3 = arith.constant 0 : index
    %get3A_4 = arith.constant 0 : index
    %get3A_5 = vector.load %arg1[%get3A_2, %get3A_3, %get3A_4] : memref<2x2048x16xf32, #tpu.memory_space<vmem>>, vector<1x2048x16xf32>
    %get3A_6 = vector.shape_cast %get3A_5 : vector<1x2048x16xf32> to vector<2048x16xf32>
    %get3A_7 = arith.constant 1 : index
    %get3A_8 = arith.constant 0 : index
    %get3A_9 = arith.constant 0 : index
    %get3A_10 = vector.load %arg1[%get3A_7, %get3A_8, %get3A_9] : memref<2x2048x16xf32, #tpu.memory_space<vmem>>, vector<1x2048x16xf32>
    %get3A_11 = vector.shape_cast %get3A_10 : vector<1x2048x16xf32> to vector<2048x16xf32>
    %add3A = arith.addf %get3A_6, %get3A_11 : vector<2048x16xf32>
    %get3A_12 = arith.constant 0 : index
    %get3A_13 = arith.constant 0 : index
    %get3A_14 = vector.load %arg3[%get3A_12, %get3A_13] : memref<2048x16xf32, #tpu.memory_space<vmem>>, vector<2048x16xf32>
    %add3A_15 = arith.addf %add3A, %get3A_14 : vector<2048x16xf32>
    %mul3A = vector.broadcast %get3A_1 : vector<2048x1xf32> to vector<2048x16xf32>
    %mul3A_16 = arith.mulf %mul3A, %add3A_15 : vector<2048x16xf32>
    %get3A_17 = arith.constant 0 : index
    %get3A_18 = arith.constant 0 : index
    %get3A_19 = arith.constant 0 : index
    %get3A_20 = vector.load %arg2[%get3A_17, %get3A_18, %get3A_19] : memref<2x2048x16xf32, #tpu.memory_space<vmem>>, vector<1x2048x16xf32>
    %get3A_21 = vector.shape_cast %get3A_20 : vector<1x2048x16xf32> to vector<2048x16xf32>
    %get3A_22 = arith.constant 1 : index
    %get3A_23 = arith.constant 0 : index
    %get3A_24 = arith.constant 0 : index
    %get3A_25 = vector.load %arg2[%get3A_22, %get3A_23, %get3A_24] : memref<2x2048x16xf32, #tpu.memory_space<vmem>>, vector<1x2048x16xf32>
    %get3A_26 = vector.shape_cast %get3A_25 : vector<1x2048x16xf32> to vector<2048x16xf32>
    %add3A_27 = arith.addf %get3A_21, %get3A_26 : vector<2048x16xf32>
    %get3A_28 = arith.constant 0 : index
    %get3A_29 = arith.constant 0 : index
    %get3A_30 = vector.load %arg4[%get3A_28, %get3A_29] : memref<2048x16xf32, #tpu.memory_space<vmem>>, vector<2048x16xf32>
    %add3A_31 = arith.addf %add3A_27, %get3A_30 : vector<2048x16xf32>
    %mul3A_32 = vector.broadcast %get3A_1 : vector<2048x1xf32> to vector<2048x16xf32>
    %mul3A_33 = arith.mulf %mul3A_32, %add3A_31 : vector<2048x16xf32>
    %concatenate3A = tpu.concatenate %mul3A_16, %mul3A_33 in 1 : vector<2048x16xf32>, vector<2048x16xf32> -> vector<2048x32xf32>
    %get3A_34 = arith.constant 0 : index
    %get3A_35 = arith.constant 0 : index
    %get3A_36 = vector.load %arg6[%get3A_34, %get3A_35] : memref<1x32xf32, #tpu.memory_space<vmem>>, vector<1x32xf32>
    %add3A_37 = vector.broadcast %get3A_36 : vector<1x32xf32> to vector<2048x32xf32>
    %add3A_38 = arith.addf %concatenate3A, %add3A_37 : vector<2048x32xf32>
    %max3A = arith.constant 0.000000e+00 : f32
    %max3A_39 = vector.broadcast %max3A : f32 to vector<2048x32xf32>
    %max3A_40 = arith.maximumf %add3A_38, %max3A_39 : vector<2048x32xf32>
    %get3A_41 = arith.constant 0 : index
    %get3A_42 = arith.constant 0 : index
    %get3A_43 = vector.load %arg7[%get3A_41, %get3A_42] : memref<32x16xf32, #tpu.memory_space<vmem>>, vector<32x16xf32>
    %dot_general3A = arith.constant dense<0.000000e+00> : vector<2048x16xf32>
    %dot_general3A_44 = tpu.matmul %max3A_40, %get3A_43, %dot_general3A {dimension_numbers = #tpu.dot_dimension_numbers<[1], [0], [0], [1], [0, 0, 1, 1], [], []>, transpose_lhs_hint = false} : vector<2048x32xf32>, vector<32x16xf32>, vector<2048x16xf32> -> vector<2048x16xf32>
    %mul3A_45 = vector.broadcast %get3A_1 : vector<2048x1xf32> to vector<2048x16xf32>
    %mul3A_46 = arith.mulf %mul3A_45, %dot_general3A_44 : vector<2048x16xf32>
    %swap3A = arith.constant 0 : index
    %swap3A_47 = arith.constant 0 : index
    %swap3A_48 = vector.load %arg8[%swap3A, %swap3A_47] : memref<2048x16xf32, #tpu.memory_space<vmem>>, vector<2048x16xf32>
    tpu.vector_store %arg8[%swap3A, %swap3A_47], %mul3A_46 {strides = array<i32>} : memref<2048x16xf32, #tpu.memory_space<vmem>>, vector<2048x16xf32>,
    return
  }
  func.func @transform_0(%arg0: i32) -> (i32, i32, i32) {
    %c0_i32 = arith.constant 0 : i32
    %c0_i32_0 = arith.constant 0 : i32
    %c0_i32_1 = arith.constant 0 : i32
    return %c0_i32, %arg0, %c0_i32_0 : i32, i32, i32
  }
  func.func @transform_1(%arg0: i32) -> (i32, i32, i32) {
    %c0_i32 = arith.constant 0 : i32
    %c0_i32_0 = arith.constant 0 : i32
    %c0_i32_1 = arith.constant 0 : i32
    return %c0_i32, %arg0, %c0_i32_0 : i32, i32, i32
  }
  func.func @transform_2(%arg0: i32) -> (i32, i32) {
    %c0_i32 = arith.constant 0 : i32
    %c0_i32_0 = arith.constant 0 : i32
    return %arg0, %c0_i32 : i32, i32
  }
  func.func @transform_3(%arg0: i32) -> (i32, i32) {
    %c0_i32 = arith.constant 0 : i32
    %c0_i32_0 = arith.constant 0 : i32
    return %arg0, %c0_i32 : i32, i32
  }
  func.func @transform_4(%arg0: i32) -> (i32, i32) {
    %c0_i32 = arith.constant 0 : i32
    %c0_i32_0 = arith.constant 0 : i32
    return %arg0, %c0_i32 : i32, i32
  }
  func.func @transform_5(%arg0: i32) -> (i32, i32) {
    %c0_i32 = arith.constant 0 : i32
    %c0_i32_0 = arith.constant 0 : i32
    %c0_i32_1 = arith.constant 0 : i32
    return %c0_i32, %c0_i32_0 : i32, i32
  }
  func.func @transform_6(%arg0: i32) -> (i32, i32) {
    %c0_i32 = arith.constant 0 : i32
    %c0_i32_0 = arith.constant 0 : i32
    %c0_i32_1 = arith.constant 0 : i32
    return %c0_i32, %c0_i32_0 : i32, i32
  }
  func.func @transform_7(%arg0: i32) -> (i32, i32) {
    %c0_i32 = arith.constant 0 : i32
    %c0_i32_0 = arith.constant 0 : i32
    return %arg0, %c0_i32 : i32, i32
  }
}

module attributes {stable_mosaic.version = 14 : i64} {
  func.func @body(%arg0: i32, %arg1: memref<2x2048x16xf32, #tpu.memory_space<vmem>>, %arg2: memref<2048x16xf32, #tpu.memory_space<vmem>>, %arg3: memref<2048x1xf32, #tpu.memory_space<vmem>>, %arg4: memref<1x16xf32, #tpu.memory_space<vmem>>, %arg5: memref<16x1xf32, #tpu.memory_space<vmem>>, %arg6: memref<2048x1xf32, #tpu.memory_space<vmem>>, %arg7: memref<1x16xf32, #tpu.memory_space<vmem>>) attributes {dimension_semantics = [#tpu.dimension_semantics<arbitrary>], iteration_bounds = array<i64: 25>, scalar_prefetch = 0 : i64, scratch_operands = 0 : i64, tpu.core_type = #tpu.core_type<tc>, window_params = [{transform_indices = @transform_0, window_bounds = array<i64: 2, 2048, 16>}, {transform_indices = @transform_1, window_bounds = array<i64: 2048, 16>}, {transform_indices = @transform_2, window_bounds = array<i64: 2048, 1>}, {pipeline_mode = #tpu.pipeline_mode<synchronous>, transform_indices = @transform_3, window_bounds = array<i64: 1, 16>}, {pipeline_mode = #tpu.pipeline_mode<synchronous>, transform_indices = @transform_4, window_bounds = array<i64: 16, 1>}, {transform_indices = @transform_5, window_bounds = array<i64: 2048, 1>}, {pipeline_mode = #tpu.pipeline_mode<synchronous>, transform_indices = @transform_6, window_bounds = array<i64: 1, 16>}]} {
    %get3A = arith.constant 0 : index
    %get3A_0 = arith.constant 0 : index
    %get3A_1 = vector.load %arg3[%get3A, %get3A_0] : memref<2048x1xf32, #tpu.memory_space<vmem>>, vector<2048x1xf32>
    %get3A_2 = arith.constant 0 : index
    %get3A_3 = arith.constant 0 : index
    %get3A_4 = arith.constant 0 : index
    %get3A_5 = vector.load %arg1[%get3A_2, %get3A_3, %get3A_4] : memref<2x2048x16xf32, #tpu.memory_space<vmem>>, vector<1x2048x16xf32>
    %get3A_6 = vector.shape_cast %get3A_5 : vector<1x2048x16xf32> to vector<2048x16xf32>
    %get3A_7 = arith.constant 1 : index
    %get3A_8 = arith.constant 0 : index
    %get3A_9 = arith.constant 0 : index
    %get3A_10 = vector.load %arg1[%get3A_7, %get3A_8, %get3A_9] : memref<2x2048x16xf32, #tpu.memory_space<vmem>>, vector<1x2048x16xf32>
    %get3A_11 = vector.shape_cast %get3A_10 : vector<1x2048x16xf32> to vector<2048x16xf32>
    %add3A = arith.addf %get3A_6, %get3A_11 : vector<2048x16xf32>
    %get3A_12 = arith.constant 0 : index
    %get3A_13 = arith.constant 0 : index
    %get3A_14 = vector.load %arg2[%get3A_12, %get3A_13] : memref<2048x16xf32, #tpu.memory_space<vmem>>, vector<2048x16xf32>
    %add3A_15 = arith.addf %add3A, %get3A_14 : vector<2048x16xf32>
    %mul3A = vector.broadcast %get3A_1 : vector<2048x1xf32> to vector<2048x16xf32>
    %mul3A_16 = arith.mulf %mul3A, %add3A_15 : vector<2048x16xf32>
    %get3A_17 = arith.constant 0 : index
    %get3A_18 = arith.constant 0 : index
    %get3A_19 = vector.load %arg4[%get3A_17, %get3A_18] : memref<1x16xf32, #tpu.memory_space<vmem>>, vector<1x16xf32>
    %add3A_20 = vector.broadcast %get3A_19 : vector<1x16xf32> to vector<2048x16xf32>
    %add3A_21 = arith.addf %mul3A_16, %add3A_20 : vector<2048x16xf32>
    %max3A = arith.constant 0.000000e+00 : f32
    %max3A_22 = vector.broadcast %max3A : f32 to vector<2048x16xf32>
    %max3A_23 = arith.maximumf %add3A_21, %max3A_22 : vector<2048x16xf32>
    %get3A_24 = arith.constant 0 : index
    %get3A_25 = arith.constant 0 : index
    %get3A_26 = vector.load %arg5[%get3A_24, %get3A_25] : memref<16x1xf32, #tpu.memory_space<vmem>>, vector<16x1xf32>
    %dot_general3A = arith.constant dense<0.000000e+00> : vector<2048x1xf32>
    %dot_general3A_27 = tpu.matmul %max3A_23, %get3A_26, %dot_general3A {dimension_numbers = #tpu.dot_dimension_numbers<[1], [0], [0], [1], [0, 0, 1, 1], [], []>, transpose_lhs_hint = false} : vector<2048x16xf32>, vector<16x1xf32>, vector<2048x1xf32> -> vector<2048x1xf32>
    %mul3A_28 = arith.mulf %get3A_1, %dot_general3A_27 : vector<2048x1xf32>
    %swap3A = arith.constant 0 : index
    %swap3A_29 = arith.constant 0 : index
    %swap3A_30 = vector.load %arg6[%swap3A, %swap3A_29] : memref<2048x1xf32, #tpu.memory_space<vmem>>, vector<2048x1xf32>
    tpu.vector_store %arg6[%swap3A, %swap3A_29], %mul3A_28 {strides = array<i32>} : memref<2048x1xf32, #tpu.memory_space<vmem>>, vector<2048x1xf32>,
    %mul3A_31 = arith.constant 2048 : i32
    %mul3A_32 = arith.muli %arg0, %mul3A_31 : i32
    %iota3A = tpu.iota {dimensions = array<i32: 0>} : vector<2048x1xi32>
    %add3A_33 = vector.broadcast %mul3A_32 : i32 to vector<2048x1xi32>
    %add3A_34 = arith.addi %add3A_33, %iota3A : vector<2048x1xi32>
    %lt3A = arith.constant 50000 : i32
    %lt3A_35 = vector.broadcast %lt3A : i32 to vector<2048x1xi32>
    %lt3A_36 = arith.cmpi slt, %add3A_34, %lt3A_35 : vector<2048x1xi32>
    %jit3A = arith.constant 0.000000e+00 : f32
    %broadcast_in_dim3A = vector.shape_cast %lt3A_36 : vector<2048x1xi1> to vector<2048x1xi1>
    %broadcast_in_dim3A_37 = vector.broadcast %broadcast_in_dim3A : vector<2048x1xi1> to vector<2048x16xi1>
    %broadcast_in_dim3A_38 = vector.broadcast %jit3A : f32 to vector<2048x16xf32>
    %select_n3A = arith.select %broadcast_in_dim3A_37, %max3A_23, %broadcast_in_dim3A_38 : vector<2048x16xi1>, vector<2048x16xf32>
    %reduce_sum3A = arith.constant dense<0.000000e+00> : vector<16xf32>
    %reduce_sum3A_39 = vector.multi_reduction <add>, %select_n3A, %reduce_sum3A [0] : vector<2048x16xf32> to vector<16xf32>
    %broadcast_in_dim3A_40 = vector.shape_cast %reduce_sum3A_39 : vector<16xf32> to vector<1x16xf32>
    %eq3A = arith.constant 0 : i32
    %eq3A_41 = arith.cmpi eq, %arg0, %eq3A : i32
    %convert_element_type3A = arith.extui %eq3A_41 : i1 to i32
    %cond3A = arith.constant 0 : i32
    %cond3A_42 = arith.cmpi ne, %convert_element_type3A, %cond3A : i32
    scf.if %cond3A_42 {
      %broadcast_in_dim3A_50 = arith.constant 0.000000e+00 : f32
      %broadcast_in_dim3A_51 = vector.broadcast %broadcast_in_dim3A_50 : f32 to vector<1x16xf32>
      %swap3A_52 = arith.constant 0 : index
      %swap3A_53 = arith.constant 0 : index
      %swap3A_54 = vector.load %arg7[%swap3A_52, %swap3A_53] : memref<1x16xf32, #tpu.memory_space<vmem>>, vector<1x16xf32>
      tpu.vector_store %arg7[%swap3A_52, %swap3A_53], %broadcast_in_dim3A_51 {strides = array<i32>} : memref<1x16xf32, #tpu.memory_space<vmem>>, vector<1x16xf32>,
    } else {
    }
    %get3A_43 = arith.constant 0 : index
    %get3A_44 = arith.constant 0 : index
    %get3A_45 = vector.load %arg7[%get3A_43, %get3A_44] : memref<1x16xf32, #tpu.memory_space<vmem>>, vector<1x16xf32>
    %add3A_46 = arith.addf %get3A_45, %broadcast_in_dim3A_40 : vector<1x16xf32>
    %swap3A_47 = arith.constant 0 : index
    %swap3A_48 = arith.constant 0 : index
    %swap3A_49 = vector.load %arg7[%swap3A_47, %swap3A_48] : memref<1x16xf32, #tpu.memory_space<vmem>>, vector<1x16xf32>
    tpu.vector_store %arg7[%swap3A_47, %swap3A_48], %add3A_46 {strides = array<i32>} : memref<1x16xf32, #tpu.memory_space<vmem>>, vector<1x16xf32>,
    return
  }
  func.func @transform_0(%arg0: i32) -> (i32, i32, i32) {
    %c0_i32 = arith.constant 0 : i32
    %c0_i32_0 = arith.constant 0 : i32
    %c0_i32_1 = arith.constant 0 : i32
    return %c0_i32, %arg0, %c0_i32_0 : i32, i32, i32
  }
  func.func @transform_1(%arg0: i32) -> (i32, i32) {
    %c0_i32 = arith.constant 0 : i32
    %c0_i32_0 = arith.constant 0 : i32
    return %arg0, %c0_i32 : i32, i32
  }
  func.func @transform_2(%arg0: i32) -> (i32, i32) {
    %c0_i32 = arith.constant 0 : i32
    %c0_i32_0 = arith.constant 0 : i32
    return %arg0, %c0_i32 : i32, i32
  }
  func.func @transform_3(%arg0: i32) -> (i32, i32) {
    %c0_i32 = arith.constant 0 : i32
    %c0_i32_0 = arith.constant 0 : i32
    %c0_i32_1 = arith.constant 0 : i32
    return %c0_i32, %c0_i32_0 : i32, i32
  }
  func.func @transform_4(%arg0: i32) -> (i32, i32) {
    %c0_i32 = arith.constant 0 : i32
    %c0_i32_0 = arith.constant 0 : i32
    %c0_i32_1 = arith.constant 0 : i32
    return %c0_i32, %c0_i32_0 : i32, i32
  }
  func.func @transform_5(%arg0: i32) -> (i32, i32) {
    %c0_i32 = arith.constant 0 : i32
    %c0_i32_0 = arith.constant 0 : i32
    return %arg0, %c0_i32 : i32, i32
  }
  func.func @transform_6(%arg0: i32) -> (i32, i32) {
    %c0_i32 = arith.constant 0 : i32
    %c0_i32_0 = arith.constant 0 : i32
    %c0_i32_1 = arith.constant 0 : i32
    return %c0_i32, %c0_i32_0 : i32, i32
  }
}

module attributes {stable_mosaic.version = 14 : i64} {
  func.func @body(%arg0: i32, %arg1: memref<2x2048x1xf32, #tpu.memory_space<vmem>>, %arg2: memref<2048x1xf32, #tpu.memory_space<vmem>>, %arg3: memref<2048x1xf32, #tpu.memory_space<vmem>>, %arg4: memref<1x1xf32, #tpu.memory_space<vmem>>, %arg5: memref<1x16xf32, #tpu.memory_space<vmem>>, %arg6: memref<16x1xf32, #tpu.memory_space<vmem>>, %arg7: memref<1x1xf32, #tpu.memory_space<vmem>>, %arg8: memref<2048x1xf32, #tpu.memory_space<vmem>>, %arg9: memref<1x1xf32, #tpu.memory_space<vmem>>) attributes {dimension_semantics = [#tpu.dimension_semantics<arbitrary>], iteration_bounds = array<i64: 25>, scalar_prefetch = 0 : i64, scratch_operands = 0 : i64, tpu.core_type = #tpu.core_type<tc>, window_params = [{transform_indices = @transform_0, window_bounds = array<i64: 2, 2048, 1>}, {transform_indices = @transform_1, window_bounds = array<i64: 2048, 1>}, {transform_indices = @transform_2, window_bounds = array<i64: 2048, 1>}, {pipeline_mode = #tpu.pipeline_mode<synchronous>, transform_indices = @transform_3, window_bounds = array<i64: 1, 1>}, {pipeline_mode = #tpu.pipeline_mode<synchronous>, transform_indices = @transform_4, window_bounds = array<i64: 1, 16>}, {pipeline_mode = #tpu.pipeline_mode<synchronous>, transform_indices = @transform_5, window_bounds = array<i64: 16, 1>}, {pipeline_mode = #tpu.pipeline_mode<synchronous>, transform_indices = @transform_6, window_bounds = array<i64: 1, 1>}, {transform_indices = @transform_7, window_bounds = array<i64: 2048, 1>}, {pipeline_mode = #tpu.pipeline_mode<synchronous>, transform_indices = @transform_8, window_bounds = array<i64: 1, 1>}]} {
    %get3A = arith.constant 0 : index
    %get3A_0 = arith.constant 0 : index
    %get3A_1 = vector.load %arg3[%get3A, %get3A_0] : memref<2048x1xf32, #tpu.memory_space<vmem>>, vector<2048x1xf32>
    %get3A_2 = arith.constant 0 : index
    %get3A_3 = arith.constant 0 : index
    %get3A_4 = arith.constant 0 : index
    %get3A_5 = vector.load %arg1[%get3A_2, %get3A_3, %get3A_4] : memref<2x2048x1xf32, #tpu.memory_space<vmem>>, vector<1x2048x1xf32>
    %get3A_6 = vector.shape_cast %get3A_5 : vector<1x2048x1xf32> to vector<2048x1xf32>
    %get3A_7 = arith.constant 1 : index
    %get3A_8 = arith.constant 0 : index
    %get3A_9 = arith.constant 0 : index
    %get3A_10 = vector.load %arg1[%get3A_7, %get3A_8, %get3A_9] : memref<2x2048x1xf32, #tpu.memory_space<vmem>>, vector<1x2048x1xf32>
    %get3A_11 = vector.shape_cast %get3A_10 : vector<1x2048x1xf32> to vector<2048x1xf32>
    %add3A = arith.addf %get3A_6, %get3A_11 : vector<2048x1xf32>
    %get3A_12 = arith.constant 0 : index
    %get3A_13 = arith.constant 0 : index
    %get3A_14 = vector.load %arg2[%get3A_12, %get3A_13] : memref<2048x1xf32, #tpu.memory_space<vmem>>, vector<2048x1xf32>
    %add3A_15 = arith.addf %add3A, %get3A_14 : vector<2048x1xf32>
    %mul3A = arith.mulf %get3A_1, %add3A_15 : vector<2048x1xf32>
    %get3A_16 = arith.constant 0 : index
    %get3A_17 = arith.constant 0 : index
    %get3A_18 = vector.load %arg4[%get3A_16, %get3A_17] : memref<1x1xf32, #tpu.memory_space<vmem>>, vector<1x1xf32>
    %get3A_19 = vector.extract %get3A_18[0, 0] : f32 from vector<1x1xf32>
    %add3A_20 = vector.broadcast %get3A_19 : f32 to vector<2048x1xf32>
    %add3A_21 = arith.addf %mul3A, %add3A_20 : vector<2048x1xf32>
    %swap3A = arith.constant 0 : index
    %swap3A_22 = arith.constant 0 : index
    %swap3A_23 = vector.load %arg8[%swap3A, %swap3A_22] : memref<2048x1xf32, #tpu.memory_space<vmem>>, vector<2048x1xf32>
    tpu.vector_store %arg8[%swap3A, %swap3A_22], %add3A_21 {strides = array<i32>} : memref<2048x1xf32, #tpu.memory_space<vmem>>, vector<2048x1xf32>,
    %eq3A = arith.constant 0 : i32
    %eq3A_24 = arith.cmpi eq, %arg0, %eq3A : i32
    %convert_element_type3A = arith.extui %eq3A_24 : i1 to i32
    %cond3A = arith.constant 0 : i32
    %cond3A_25 = arith.cmpi ne, %convert_element_type3A, %cond3A : i32
    scf.if %cond3A_25 {
      %get3A_26 = arith.constant 0 : index
      %get3A_27 = arith.constant 0 : index
      %get3A_28 = vector.load %arg5[%get3A_26, %get3A_27] : memref<1x16xf32, #tpu.memory_space<vmem>>, vector<1x16xf32>
      %mul3A_29 = arith.constant 2.000000e-05 : f32
      %mul3A_30 = vector.broadcast %mul3A_29 : f32 to vector<1x16xf32>
      %mul3A_31 = arith.mulf %get3A_28, %mul3A_30 : vector<1x16xf32>
      %get3A_32 = arith.constant 0 : index
      %get3A_33 = arith.constant 0 : index
      %get3A_34 = vector.load %arg6[%get3A_32, %get3A_33] : memref<16x1xf32, #tpu.memory_space<vmem>>, vector<16x1xf32>
      %dot_general3A = arith.constant dense<0.000000e+00> : vector<1x1xf32>
      %dot_general3A_35 = tpu.matmul %mul3A_31, %get3A_34, %dot_general3A {dimension_numbers = #tpu.dot_dimension_numbers<[1], [0], [0], [1], [0, 0, 1, 1], [], []>, transpose_lhs_hint = false} : vector<1x16xf32>, vector<16x1xf32>, vector<1x1xf32> -> vector<1x1xf32>
      %get3A_36 = arith.constant 0 : index
      %get3A_37 = arith.constant 0 : index
      %get3A_38 = vector.load %arg7[%get3A_36, %get3A_37] : memref<1x1xf32, #tpu.memory_space<vmem>>, vector<1x1xf32>
      %add3A_39 = arith.addf %dot_general3A_35, %get3A_38 : vector<1x1xf32>
      %logistic3A = arith.negf %add3A_39 : vector<1x1xf32>
      %logistic3A_40 = math.exp %logistic3A : vector<1x1xf32>
      %logistic3A_41 = arith.constant 1.000000e+00 : f32
      %logistic3A_42 = vector.broadcast %logistic3A_41 : f32 to vector<1x1xf32>
      %logistic3A_43 = arith.addf %logistic3A_42, %logistic3A_40 : vector<1x1xf32>
      %logistic3A_44 = arith.divf %logistic3A_42, %logistic3A_43 : vector<1x1xf32>
      %swap3A_45 = arith.constant 0 : index
      %swap3A_46 = arith.constant 0 : index
      %swap3A_47 = vector.load %arg9[%swap3A_45, %swap3A_46] : memref<1x1xf32, #tpu.memory_space<vmem>>, vector<1x1xf32>
      tpu.vector_store %arg9[%swap3A_45, %swap3A_46], %logistic3A_44 {strides = array<i32>} : memref<1x1xf32, #tpu.memory_space<vmem>>, vector<1x1xf32>,
    } else {
    }
    return
  }
  func.func @transform_0(%arg0: i32) -> (i32, i32, i32) {
    %c0_i32 = arith.constant 0 : i32
    %c0_i32_0 = arith.constant 0 : i32
    %c0_i32_1 = arith.constant 0 : i32
    return %c0_i32, %arg0, %c0_i32_0 : i32, i32, i32
  }
  func.func @transform_1(%arg0: i32) -> (i32, i32) {
    %c0_i32 = arith.constant 0 : i32
    %c0_i32_0 = arith.constant 0 : i32
    return %arg0, %c0_i32 : i32, i32
  }
  func.func @transform_2(%arg0: i32) -> (i32, i32) {
    %c0_i32 = arith.constant 0 : i32
    %c0_i32_0 = arith.constant 0 : i32
    return %arg0, %c0_i32 : i32, i32
  }
  func.func @transform_3(%arg0: i32) -> (i32, i32) {
    %c0_i32 = arith.constant 0 : i32
    %c0_i32_0 = arith.constant 0 : i32
    %c0_i32_1 = arith.constant 0 : i32
    return %c0_i32, %c0_i32_0 : i32, i32
  }
  func.func @transform_4(%arg0: i32) -> (i32, i32) {
    %c0_i32 = arith.constant 0 : i32
    %c0_i32_0 = arith.constant 0 : i32
    %c0_i32_1 = arith.constant 0 : i32
    return %c0_i32, %c0_i32_0 : i32, i32
  }
  func.func @transform_5(%arg0: i32) -> (i32, i32) {
    %c0_i32 = arith.constant 0 : i32
    %c0_i32_0 = arith.constant 0 : i32
    %c0_i32_1 = arith.constant 0 : i32
    return %c0_i32, %c0_i32_0 : i32, i32
  }
  func.func @transform_6(%arg0: i32) -> (i32, i32) {
    %c0_i32 = arith.constant 0 : i32
    %c0_i32_0 = arith.constant 0 : i32
    %c0_i32_1 = arith.constant 0 : i32
    return %c0_i32, %c0_i32_0 : i32, i32
  }
  func.func @transform_7(%arg0: i32) -> (i32, i32) {
    %c0_i32 = arith.constant 0 : i32
    %c0_i32_0 = arith.constant 0 : i32
    return %arg0, %c0_i32 : i32, i32
  }
  func.func @transform_8(%arg0: i32) -> (i32, i32) {
    %c0_i32 = arith.constant 0 : i32
    %c0_i32_0 = arith.constant 0 : i32
    %c0_i32_1 = arith.constant 0 : i32
    return %c0_i32, %c0_i32_0 : i32, i32
  }
}

</mosaic_0001>

<sc_bundles>
// kernel: kernel.13.cloned.1.call-start
scs
__scs_entry_jumppad:
0x0: {  	(pc) =	sbr.rel $0x88, $3  }
0x1: {  	(tag) =	ssettag $0x0;
	lr =	simm.s32 $0x1  }
0x2: {  	[smem:$0x3F95] =	sst lr;
	_ =	strace $0xD0000000  }
0x3: {  	_ = 	snop  }
0x4: {  	_ = 	snop  }
0x5: {  	_ = 	snop  }
0x6: {  	_ = 	snop  }
0x7: {  	_ = 	snop  }
__scs_overlays_trampoline_lowered:
0x8: {  	[smem:$0x3FA4] =	sst s0  }
0x9: {  	[smem:$0x3FA5] =	sst s1  }
0xa: {  	[smem:$0x3FA6] =	sst s2  }
0xb: {  	[smem:$0x3FA7] =	sst s3  }
0xc: {  	[smem:$0x3FA8] =	sst s4  }
0xd: {  	[smem:$0x3FA9] =	sst s5  }
0xe: {  	[smem:$0x3FAA] =	sst s6  }
0xf: {  	[smem:$0x3FAB] =	sst s7  }
0x10: {  	[smem:$0x3FAC] =	sst s8  }
0x11: {  	[smem:$0x3FAD] =	sst s9;
	s0 =	simm.s32 @!p0 $0x0  }
0x12: {  	s1 =	sld [smem:$0x3F93];
	s0 =	simm.s32 @p0 $0x1  }
0x13: {  	[smem:$0x3FAE] =	sst s0;
	s0 =	simm.s32 @!p1 $0x0  }
0x14: {  	s2 =	sld [smem:$0x3F92];
	s0 =	simm.s32 @p1 $0x1  }
0x15: {  	[smem:$0x3FAF] =	sst s0;
	s0 =	simm.s32 @!p2 $0x0  }
0x16: {  	s3 =	sld [smem:$0x3FDB];
	s0 =	simm.s32 @p2 $0x1  }
0x17: {  	s4 =	simm.s32 $0x1BF5;
	[smem:$0x3FB1] =	sst s0  }
0x18: {  	s0 =	sld [smem:$0x3F94];
	_ =	swait.ge [sflag:s4], $0x0  }
0x19: {  	s7 =	sld [smem:$0x3F95]  }
0x1a: {  	s8 =	sadd.s32 $0xFFFFE003, lr  }
0x1b: {  	s9 =	sadd.s32 $0xFFFFFEF7, lr;
	s5 =	simm.s32 $0xFFFFFFFF;
	p2 =	slt.u32 s8, $0xFFFFF086  }
0x1c: {  	p1 =	slt.u32 s9, $0xF7A;
	s5 =	simm.s32 @!p2 $0x0  }
0x1d: {  	s5 =	simm.s32 @p1 $0x1;
	p0 =	seq.s32 s7, s2  }
0x1e: {  	s7 =	smul.u32 @!p0 $0xF7A, s2;
	p2 =	seq.s32 @!p0 s5, $0x0  }
0x1f: {  	s9 =	smul.u32 $0xF7A, s1;
	s8 =	simm.s32 @!p0 $0x1BF5;
	p2 =	por !p2, p0  }
0x20: {  	[sflag:s8] =	ssyncset.s32 @!p0 $0xFFFFF086;
	s6 =	sadd.s32 @!p0 s3, s7;
	s7 =	simm.s32 @!p0 $0x108  }
0x21: {  	s3 =	sadd.s32 s3, s9;
	s6 =	sadd.s32 @!p0 $0x88, s6;
	s7 =	simm.s32 @p2 $0x1082  }
0x22: {  	[simem:s7], [sflag:s8] =	dma.local @!p0 [hbm:s6], $0xF7A  }
0x23: {  	s9 =	sor.u32 $0xD0000000, s2;
	s6 =	simm.s32 $0x108;
	_ =	swait.ge @!p0 [sflag:s8], $0x0  }
0x24: {  	s3 =	sadd.s32 $0x88, s3;
	s6 =	simm.s32 @!p1 $0x1082;
	[sflag:s4] =	ssyncset.s32 $0xFFFFF086  }
0x25: {  	[simem:s6], [sflag:s4] =	dma.local [hbm:s3], $0xF7A  }
0x26: {  	[smem:$0x3F95] =	sst s1;
	(tag) =	ssettag s2;
	_ =	strace s9  }
0x27: {  	s1 =	sld [smem:$0x3FA5]  }
0x28: {  	s2 =	sld [smem:$0x3FA6]  }
0x29: {  	s4 =	sld [smem:$0x3FA8]  }
0x2a: {  	p0 =	seq.s32 s5, $0x0;
	s5 =	sld [smem:$0x3FA9]  }
0x2b: {  	s6 =	sld [smem:$0x3FAA]  }
0x2c: {  	s7 =	sld [smem:$0x3FAB]  }
0x2d: {  	s3 =	simm.s32 $0x108;
	s8 =	sld [smem:$0x3FAC]  }
0x2e: {  	s3 =	simm.s32 @!p0 $0x1082;
	s9 =	sld [smem:$0x3FAD]  }
0x2f: {  	lr =	sadd.s32 s0, s3;
	s0 =	sld [smem:$0x3FA4]  }
0x30: {  	s3 =	sld [smem:$0x3FA7]  }
0x31: {  	[smem:$0x3FB0] =	sst s10  }
0x32: {  	s10 =	sld [smem:$0x3FAE];
	_ =	sdelay $0x3  }
0x33: {  	p0 =	seq.s32 s10, $0x1;
	s10 =	sld [smem:$0x3FB0];
	_ =	sdelay $0x3  }
0x34: {  	[smem:$0x3FB0] =	sst s10  }
0x35: {  	s10 =	sld [smem:$0x3FAF];
	_ =	sdelay $0x3  }
0x36: {  	p1 =	seq.s32 s10, $0x1;
	s10 =	sld [smem:$0x3FB0];
	_ =	sdelay $0x3  }
0x37: {  	[smem:$0x3FB0] =	sst s10  }
0x38: {  	s10 =	sld [smem:$0x3FB1]  }
0x39: {  	_ = 	snop;
	(pc) =	sbr.ind lr, $3  }
0x3a: {  	_ = 	snop  }
0x3b: {  	_ = 	snop  }
0x3c: {  	p2 =	seq.s32 s10, $0x1;
	s10 =	sld [smem:$0x3FB0]  }
0x3d: {  	_ =	shalt  }
0x3e: {  	_ =	shalt  }
0x3f: {  	_ =	shalt  }
0x40: {  	_ =	shalt  }
0x41: {  	_ =	shalt  }
0x42: {  	_ =	shalt  }
0x43: {  	_ =	shalt  }
0x44: {  	_ =	shalt  }
0x45: {  	_ =	shalt  }
0x46: {  	_ =	shalt  }
0x47: {  	_ =	shalt  }
0x48: {  	_ =	shalt  }
0x49: {  	_ =	shalt  }
0x4a: {  	_ =	shalt  }
0x4b: {  	_ =	shalt  }
0x4c: {  	_ =	shalt  }
0x4d: {  	_ =	shalt  }
0x4e: {  	_ =	shalt  }
0x4f: {  	_ =	shalt  }
0x50: {  	_ =	shalt  }
0x51: {  	_ =	shalt  }
0x52: {  	_ =	shalt  }
0x53: {  	_ =	shalt  }
0x54: {  	_ =	shalt  }
0x55: {  	_ =	shalt  }
0x56: {  	_ =	shalt  }
0x57: {  	_ =	shalt  }
0x58: {  	_ =	shalt  }
0x59: {  	_ =	shalt  }
0x5a: {  	_ =	shalt  }
0x5b: {  	_ =	shalt  }
0x5c: {  	_ =	shalt  }
0x5d: {  	_ =	shalt  }
0x5e: {  	_ =	shalt  }
0x5f: {  	_ =	shalt  }
0x60: {  	_ =	shalt  }
0x61: {  	_ =	shalt  }
0x62: {  	_ =	shalt  }
0x63: {  	_ =	shalt  }
0x64: {  	_ =	shalt  }
0x65: {  	_ =	shalt  }
0x66: {  	_ =	shalt  }
0x67: {  	_ =	shalt  }
0x68: {  	_ =	shalt  }
0x69: {  	_ =	shalt  }
0x6a: {  	_ =	shalt  }
0x6b: {  	_ =	shalt  }
0x6c: {  	_ =	shalt  }
0x6d: {  	_ =	shalt  }
0x6e: {  	_ =	shalt  }
0x6f: {  	_ =	shalt  }
0x70: {  	_ =	shalt  }
0x71: {  	_ =	shalt  }
0x72: {  	_ =	shalt  }
0x73: {  	_ =	shalt  }
0x74: {  	_ =	shalt  }
0x75: {  	_ =	shalt  }
0x76: {  	_ =	shalt  }
0x77: {  	_ =	shalt  }
0x78: {  	_ =	shalt  }
0x79: {  	_ =	shalt  }
0x7a: {  	_ =	shalt  }
0x7b: {  	_ =	shalt  }
0x7c: {  	_ =	shalt  }
0x7d: {  	_ =	shalt  }
0x7e: {  	_ =	shalt  }
0x7f: {  	_ =	shalt  }
0x80: {  	_ =	shalt  }
0x81: {  	_ =	shalt  }
0x82: {  	_ =	shalt  }
0x83: {  	_ =	shalt  }
0x84: {  	_ =	shalt  }
0x85: {  	_ =	shalt  }
0x86: {  	_ =	shalt  }
0x87: {  	_ =	shalt  }
.Lfunc_end0:
.L_simem_size_0:
called_computation_lowered:
.L_overlay_start_0:
0x88: {  	s2 =	sld [smem:$0x3FD9]  }
0x89: {  	s3 =	sld [smem:$0x3FFE];
	_ =	sdelay $0x1  }
0x8a: {  	s1 =	srdreg.scid  }
0x8b: {  	s0 =	sand.u32 $0x1, s1  }
0x8c: {  	s14 =	sshll.u32 s0, $0xA;
	s2 =	sadd.s32 s3, s2  }
0x8d: {  	s2 =	sadd.s32 s2, s14  }
0x8e: {  	[smem:$0x3FBC] =	sst s2  }
0x8f: {  	_ = 	snop  }
0x90: {  	s2 =	sld [smem:$0x3FD0];
	_ =	sdelay $0x2  }
0x91: {  	s15 =	simm.s32 $0xB;
	s4 =	simm.s32 $0x10  }
0x92: {  	[smem:s4], [sflag:s15] =	dma.local [hbm:s2], $0x1  }
0x93: {  	_ =	swait.eq [sflag:s15], $0x1  }
0x94: {  	[sflag:s15] =	ssyncset.done $0x0  }
0x95: {  	[sflag:s15] =	ssyncadd.s32 $0xFFFFFFFF  }
0x96: {  	s16 =	sld [smem:$0x10];
	(tm) =	ssettm $0x1  }
0x97: {  	s17 =	sld [smem:$0x3FFB];
	_ =	sdelay $0x3  }
0x98: {  	_ =	strace s17  }
0x99: {  	s3 =	sld [smem:$0x3FFC];
	_ =	sdelay $0x3  }
0x9a: {  	_ =	strace s3  }
0x9b: {  	s3 =	sld [smem:$0x3FFD];
	_ =	sdelay $0x3  }
0x9c: {  	_ =	strace s3  }
0x9d: {  	_ =	strace $0x8FFFFFFF  }
0x9e: {  	s18 =	sld [smem:$0x3FDB];
	_ =	sdelay $0x1  }
0x9f: {  	s19 =	simm.s32 $_scs_section_size  }
0xa0: {  	s5 =	simm.s32 $_size__tile_overlayer_lowered;
	s6 =	simm.s32 $_tile_overlayer_lowered  }
0xa1: {  	s22 =	simm.s32 $0x1BFF;
	s21 =	sshll.u32 s6, $0x1;
	s3 =	sadd.s32 s19, s18  }
0xa2: {  	s7 =	simm.s32 $0x0;
	s20 =	sshll.u32 s5, $0x1;
	s5 =	sadd.s32 s21, s3  }
0xa3: {  	[timem:s7], [sflag:s22] =	dma.local [hbm:s5], s20  }
0xa4: {  	_ =	swait.ge [sflag:s22], s20  }
0xa5: {  	s4 =	ssub.s32 $0x0, s20;
	[sflag:s22] =	ssyncset.done $0x0  }
0xa6: {  	[sflag:s22] =	ssyncadd.s32 s4;
	_ =	sdelay $0x1  }
0xa7: {  	s23 =	simm.s32 $0x1B8B  }
0xa8: {  	_ =	swait.ge [sflag:s23], $0x1  }
0xa9: {  	[sflag:s23] =	ssyncset.done $0x0  }
0xaa: {  	s25 =	simm.s32 $0x1B8E;
	s24 =	sld [smem:$0x3FFE];
	[sflag:s23] =	ssyncadd.s32 $0xFFFFFFFF  }
0xab: {  	s26 =	simm.s32 $execute0_lowered;
	[smem:$0x3FD2] =	sst s25  }
0xac: {  	s5 =	sshll.u32 s26, $0x1;
	_ =	strace $0x80000046;
	[dreg:$0x1] =	wrdreg $0xFFFFFFFF  }
0xad: {  	s28 =	simm.s32 $_size_execute0_lowered;
	s3 =	sadd.s32 s3, s5;
	[dreg:$0x0] =	wrdreg $0x0  }
0xae: {  	s5 =	sshll.u32 s28, $0x1;
	[dreg:$0x2] =	wrdreg s3  }
0xaf: {  	[dreg:$0x3] =	wrdreg s5  }
0xb0: {  	[dreg:$0x4] =	wrdreg $0xC0  }
0xb1: {  	_ =	task [dreg:s7], $0x5FFFF  }
0xb2: {  	[dreg:$0x1] =	wrdreg $0xFFFFFFFF  }
0xb3: {  	[dreg:$0x0] =	wrdreg $0x60  }
0xb4: {  	[dreg:$0x2] =	wrdreg s24  }
0xb5: {  	[dreg:$0x3] =	wrdreg s16  }
0xb6: {  	[dreg:$0x4] =	wrdreg $0x4800  }
0xb7: {  	[dreg:$0x5] =	wrdreg $0x9  }
0xb8: {  	_ =	task.clear_ibuf [dreg:s7], $0x6FFFF;
	_ =	strace $0x90000046  }
0xb9: {  	s29 =	simm.s32 $0x9;
	_ =	strace $0x80000048  }
0xba: {  	_ =	swait.ge [sflag:s29], $0x1  }
0xbb: {  	[sflag:s29] =	ssyncadd.s32 $0xFFFFFFFF  }
0xbc: {  	_ =	strace $0x90000048  }
0xbd: {  	_ =	sfence  }
0xbe: {  	s30 =	sld [smem:$0x0];
	_ =	sdelay $0x2  }
0xbf: {  	s31 =	sshll.u32 s1, $0xD;
	s1 =	sshrl.u32 s1, $0x2  }
0xc0: {  	s3 =	sand.u32 $0x4000, s31;
	s1 =	sadd.s32 s1, s30  }
0xc1: {  	s0 =	sor.u32 s3, s0;
	s1 =	sshll.u32 s1, $0x11  }
0xc2: {  	s0 =	sor.u32 s1, s0  }
0xc3: {  	s0 =	sadd.s32 $0x8F2B, s0  }
0xc4: {  	[sflag:s0] =	ssyncadd.remote.s32 $0x1  }
0xc5: {  	_ =	sfence.sel $0xFFFF  }
0xc6: {  	[dreg:$0x0] =	wrdreg $0xFFFFFFFF;
	(pc) =	sbr.abs _section_cstart, $3  }
0xc7: {  	[dreg:$0x1] =	wrdreg $0xFFFFFFFF  }
0xc8: {  	_ =	task.clear_ibuf [dreg:s7], $0x2FFFF;
	_ =	strace $0x9FFFFFFF  }
0xc9: {  	(tm) =	ssettm $0x7FFFFFFF  }
tec
execute0_lowered:
.L_overlay_start_1:
0x0: {  	(tag) =	ssettag $0x1  }
0x1: {  	s5 =	rddreg [dreg:$0x0]  }
0x2: {  	s1 =	srdreg.scid;
	s2 =	rddreg [dreg:$0x1]  }
0x3: {  	s0 =	stileid.u32;
	s3 =	rddreg [dreg:$0x2]  }
0x4: {  	s4 =	simm.s32 $0x0;
	s13 =	simm.s32 $0x80;
	s14 =	simm.s32 $0x100  }
0x5: {  	s15 =	simm.s32 $0x180;
	s16 =	simm.s32 $0x200;
	s17 =	simm.s32 $0x280  }
0x6: {  	s18 =	simm.s32 $0x300;
	s19 =	simm.s32 $0x380;
	s7 =	smul.u32 $0x18800, s0  }
0x7: {  	s20 =	simm.s32 $0x1;
	s6 =	sand.u32 $0x1, s1;
	s29 =	smul.u32 $0xC80, s0  }
0x8: {  	s21 =	simm.s32 $0x0;
	s1 =	rddreg [dreg:$0x3];
	s8 =	smul.u32 $0xC400, s6  }
0x9: {  	[smem:$0x7FF] =	sst s4;
	s31 =	sshll.u32 s0, $0x6;
	s9 =	smul.u32 $0xC800, s6  }
0xa: {  	_ =	strace $0x80000047;
	s6 =	ssub.s32 $0x2, s6;
	s30 =	sshrl.u32 s29, $0x3  }
0xb: {  	s11 =	sshrl.u32 s6, $0x1;
	s12 =	sadd.s32 s29, s3;
	s7 =	sadd.s32 s8, s7  }
0xc: {  	s9 =	sadd.s32 s29, s9;
	s11 =	ssub.s32 s6, s11;
	s6 =	sor.u32 $0x1C02, s31  }
0xd: {  	s7 =	sshrl.u32 s7, $0x3;
	s9 =	sshrl.u32 s9, $0x3;
	s8 =	smax.u32 s11, $0x1  }
0xe: {  	s10 =	sadd.s32 s7, s5;
	s7 =	sadd.s32 s30, s5;
	s9 =	sadd.s32 s9, s5  }
0xf: {  	s11 =	simm.s32 $0x2;
	s5 =	sadd.s32 $0x34400, s7;
	s7 =	sadd.s32 $0x35E00, s9  }
0x10: {  	s9 =	sadd.s32 $0x3400, s10;
	s10 =	sshrl.u32 s12, $0x3;
	s12 =	simm.s32 $0x400  }
.LBB2_1:
0x11: {  	[spmem:s10], [sflag:s6] =	dma.local [hbm:s5], $0x190  }
0x12: {  	_ =	swait.ge [sflag:s11], $0x190  }
0x13: {  	[sflag:s11] =	ssyncset.done $0x0  }
0x14: {  	[sflag:s11] =	ssyncadd.s32 $0xFFFFFE70  }
0x15: {  	[tilespmem:s12], [sflag:$0x2] =	stream.linear.gather [hbm4b:s2+s4], $0x80, $0x38;
	[tilespmem:$0x1100] =	vst v63  }
0x16: {  	_ =	swait.ge [sflag:s11], $0x80  }
0x17: {  	[sflag:s11] =	ssyncset.done $0x0  }
0x18: {  	[sflag:s11] =	ssyncadd.s32 $0xFFFFFF80  }
0x19: {  	s22 =	sadd.s32 $0x0, s9;
	[bflag:$0x0] =	sbarrier.arrive $0xFFFF  }
0x1a: {  	[tilespmem:s4], [sflag:$0x2] =	stream.linear.gather [hbm4b:s22+s4], $0x400, $0x38;
	[tilespmem:$0x1100] =	vst v63  }
0x1b: {  	_ =	swait.ge [sflag:s11], $0x400  }
0x1c: {  	[sflag:s11] =	ssyncset.done $0x0  }
0x1d: {  	[sflag:s11] =	ssyncadd.s32 $0xFFFFFC00  }
0x1e: {  	[spmem:s3] =	stream.indirect.scatter.add.f32 [tilespmem:s12], [sflag:$0x1], $0x1, s4, s13, $0xb8;
	[tilespmem:$0x1100] =	vst v63  }
0x1f: {  	_ = 	snop  }
0x20: {  	[spmem:s3] =	stream.indirect.scatter.add.f32 [tilespmem:s12], [sflag:$0x1], $0x1, s13, s13, $0xb8;
	[tilespmem:$0x1100] =	vst v63  }
0x21: {  	_ = 	snop  }
0x22: {  	[spmem:s3] =	stream.indirect.scatter.add.f32 [tilespmem:s12], [sflag:$0x1], $0x1, s14, s13, $0xb8;
	[tilespmem:$0x1100] =	vst v63  }
0x23: {  	_ = 	snop  }
0x24: {  	[spmem:s3] =	stream.indirect.scatter.add.f32 [tilespmem:s12], [sflag:$0x1], $0x1, s15, s13, $0xb8;
	[tilespmem:$0x1100] =	vst v63  }
0x25: {  	_ = 	snop  }
0x26: {  	[spmem:s3] =	stream.indirect.scatter.add.f32 [tilespmem:s12], [sflag:$0x1], $0x1, s16, s13, $0xb8;
	[tilespmem:$0x1100] =	vst v63  }
0x27: {  	_ = 	snop  }
0x28: {  	[spmem:s3] =	stream.indirect.scatter.add.f32 [tilespmem:s12], [sflag:$0x1], $0x1, s17, s13, $0xb8;
	[tilespmem:$0x1100] =	vst v63  }
0x29: {  	_ = 	snop  }
0x2a: {  	[spmem:s3] =	stream.indirect.scatter.add.f32 [tilespmem:s12], [sflag:$0x1], $0x1, s18, s13, $0xb8;
	[tilespmem:$0x1100] =	vst v63  }
0x2b: {  	_ = 	snop  }
0x2c: {  	[spmem:s3] =	stream.indirect.scatter.add.f32 [tilespmem:s12], [sflag:$0x1], $0x1, s19, s13, $0xb8;
	[tilespmem:$0x1100] =	vst v63  }
0x2d: {  	_ =	swait.ge [sflag:s20], $0x80  }
0x2e: {  	[sflag:s20] =	ssyncset.done $0x0  }
0x2f: {  	[sflag:s20] =	ssyncadd.s32 $0xFFFFFF80  }
0x30: {  	_ =	swait.ge [sflag:s20], $0x80  }
0x31: {  	[sflag:s20] =	ssyncset.done $0x0  }
0x32: {  	[sflag:s20] =	ssyncadd.s32 $0xFFFFFF80  }
0x33: {  	_ =	swait.ge [sflag:s20], $0x80  }
0x34: {  	[sflag:s20] =	ssyncset.done $0x0  }
0x35: {  	[sflag:s20] =	ssyncadd.s32 $0xFFFFFF80  }
0x36: {  	_ =	swait.ge [sflag:s20], $0x80  }
0x37: {  	[sflag:s20] =	ssyncset.done $0x0  }
0x38: {  	[sflag:s20] =	ssyncadd.s32 $0xFFFFFF80  }
0x39: {  	_ =	swait.ge [sflag:s20], $0x80  }
0x3a: {  	[sflag:s20] =	ssyncset.done $0x0  }
0x3b: {  	[sflag:s20] =	ssyncadd.s32 $0xFFFFFF80  }
0x3c: {  	_ =	swait.ge [sflag:s20], $0x80  }
0x3d: {  	[sflag:s20] =	ssyncset.done $0x0  }
0x3e: {  	[sflag:s20] =	ssyncadd.s32 $0xFFFFFF80  }
0x3f: {  	_ =	swait.ge [sflag:s20], $0x80  }
0x40: {  	[sflag:s20] =	ssyncset.done $0x0  }
0x41: {  	[sflag:s20] =	ssyncadd.s32 $0xFFFFFF80  }
0x42: {  	_ =	swait.ge [sflag:s20], $0x80  }
0x43: {  	s24 =	simm.s32 $0x100;
	s22 =	simm.s32 $0x80;
	[sflag:s20] =	ssyncset.done $0x0  }
.LBB2_2:
0x44: {  	s25 =	sadd.s32 s22, s9  }
0x45: {  	[sflag:s20] =	ssyncadd.s32 $0xFFFFFF80;
	s22 =	smov.u32 s24;
	s23 =	sadd.s32 $0x80, s24  }
0x46: {  	[tilespmem:s4], [sflag:$0x2] =	stream.linear.gather [hbm4b:s25+s4], $0x400, $0x38;
	[tilespmem:$0x1100] =	vst v63  }
0x47: {  	p0 =	sne.s32 s24, $0x1800;
	_ =	swait.ge [sflag:s11], $0x400  }
0x48: {  	[sflag:s11] =	ssyncset.done $0x0  }
0x49: {  	[sflag:s11] =	ssyncadd.s32 $0xFFFFFC00  }
0x4a: {  	[spmem:s3] =	stream.indirect.scatter.add.f32 [tilespmem:s12], [sflag:$0x1], $0x1, s4, s13, $0xb8;
	[tilespmem:$0x1100] =	vst v63  }
0x4b: {  	_ = 	snop  }
0x4c: {  	[spmem:s3] =	stream.indirect.scatter.add.f32 [tilespmem:s12], [sflag:$0x1], $0x1, s13, s13, $0xb8;
	[tilespmem:$0x1100] =	vst v63  }
0x4d: {  	_ = 	snop  }
0x4e: {  	[spmem:s3] =	stream.indirect.scatter.add.f32 [tilespmem:s12], [sflag:$0x1], $0x1, s14, s13, $0xb8;
	[tilespmem:$0x1100] =	vst v63  }
0x4f: {  	_ = 	snop  }
0x50: {  	[spmem:s3] =	stream.indirect.scatter.add.f32 [tilespmem:s12], [sflag:$0x1], $0x1, s15, s13, $0xb8;
	[tilespmem:$0x1100] =	vst v63  }
0x51: {  	_ = 	snop  }
0x52: {  	[spmem:s3] =	stream.indirect.scatter.add.f32 [tilespmem:s12], [sflag:$0x1], $0x1, s16, s13, $0xb8;
	[tilespmem:$0x1100] =	vst v63  }
0x53: {  	_ = 	snop  }
0x54: {  	[spmem:s3] =	stream.indirect.scatter.add.f32 [tilespmem:s12], [sflag:$0x1], $0x1, s17, s13, $0xb8;
	[tilespmem:$0x1100] =	vst v63  }
0x55: {  	_ = 	snop  }
0x56: {  	[spmem:s3] =	stream.indirect.scatter.add.f32 [tilespmem:s12], [sflag:$0x1], $0x1, s18, s13, $0xb8;
	[tilespmem:$0x1100] =	vst v63  }
0x57: {  	_ = 	snop  }
0x58: {  	[spmem:s3] =	stream.indirect.scatter.add.f32 [tilespmem:s12], [sflag:$0x1], $0x1, s19, s13, $0xb8;
	[tilespmem:$0x1100] =	vst v63  }
0x59: {  	_ =	swait.ge [sflag:s20], $0x80  }
0x5a: {  	[sflag:s20] =	ssyncset.done $0x0  }
0x5b: {  	[sflag:s20] =	ssyncadd.s32 $0xFFFFFF80  }
0x5c: {  	_ =	swait.ge [sflag:s20], $0x80  }
0x5d: {  	[sflag:s20] =	ssyncset.done $0x0  }
0x5e: {  	[sflag:s20] =	ssyncadd.s32 $0xFFFFFF80  }
0x5f: {  	_ =	swait.ge [sflag:s20], $0x80  }
0x60: {  	[sflag:s20] =	ssyncset.done $0x0  }
0x61: {  	[sflag:s20] =	ssyncadd.s32 $0xFFFFFF80  }
0x62: {  	_ =	swait.ge [sflag:s20], $0x80  }
0x63: {  	[sflag:s20] =	ssyncset.done $0x0  }
0x64: {  	[sflag:s20] =	ssyncadd.s32 $0xFFFFFF80  }
0x65: {  	_ =	swait.ge [sflag:s20], $0x80  }
0x66: {  	[sflag:s20] =	ssyncset.done $0x0  }
0x67: {  	[sflag:s20] =	ssyncadd.s32 $0xFFFFFF80  }
0x68: {  	_ =	swait.ge [sflag:s20], $0x80  }
0x69: {  	[sflag:s20] =	ssyncset.done $0x0  }
0x6a: {  	[sflag:s20] =	ssyncadd.s32 $0xFFFFFF80  }
.Ltmp0:
0x6b: {  	_ =	swait.ge [sflag:s20], $0x80;
	(pc) =	sbr.rel @p0 .LBB2_2-.Ltmp0, $4  }
0x6c: {  	[sflag:s20] =	ssyncset.done $0x0  }
0x6d: {  	[sflag:s20] =	ssyncadd.s32 $0xFFFFFF80  }
0x6e: {  	_ =	swait.ge [sflag:s20], $0x80  }
0x6f: {  	s24 =	smov.u32 s23;
	[sflag:s20] =	ssyncset.done $0x0  }
0x70: {  	s22 =	sadd.s32 s22, s9;
	[sflag:s20] =	ssyncadd.s32 $0xFFFFFF80  }
0x71: {  	[tilespmem:s4], [sflag:$0x2] =	stream.linear.gather [hbm4b:s22+s4], $0x400, $0x38;
	[tilespmem:$0x1100] =	vst v63  }
0x72: {  	_ =	swait.ge [sflag:s11], $0x400  }
0x73: {  	[sflag:s11] =	ssyncset.done $0x0  }
0x74: {  	[sflag:s11] =	ssyncadd.s32 $0xFFFFFC00  }
0x75: {  	[spmem:s3] =	stream.indirect.scatter.add.f32 [tilespmem:s12], [sflag:$0x1], $0x1, s4, s13, $0xb8;
	[tilespmem:$0x1100] =	vst v63  }
0x76: {  	_ = 	snop  }
0x77: {  	[spmem:s3] =	stream.indirect.scatter.add.f32 [tilespmem:s12], [sflag:$0x1], $0x1, s13, s13, $0xb8;
	[tilespmem:$0x1100] =	vst v63  }
0x78: {  	_ = 	snop  }
0x79: {  	[spmem:s3] =	stream.indirect.scatter.add.f32 [tilespmem:s12], [sflag:$0x1], $0x1, s14, s13, $0xb8;
	[tilespmem:$0x1100] =	vst v63  }
0x7a: {  	_ = 	snop  }
0x7b: {  	[spmem:s3] =	stream.indirect.scatter.add.f32 [tilespmem:s12], [sflag:$0x1], $0x1, s15, s13, $0xb8;
	[tilespmem:$0x1100] =	vst v63  }
0x7c: {  	_ = 	snop  }
0x7d: {  	[spmem:s3] =	stream.indirect.scatter.add.f32 [tilespmem:s12], [sflag:$0x1], $0x1, s16, s13, $0xb8;
	[tilespmem:$0x1100] =	vst v63  }
0x7e: {  	_ = 	snop  }
0x7f: {  	[spmem:s3] =	stream.indirect.scatter.add.f32 [tilespmem:s12], [sflag:$0x1], $0x1, s17, s13, $0xb8;
	[tilespmem:$0x1100] =	vst v63  }
0x80: {  	_ = 	snop  }
0x81: {  	[spmem:s3] =	stream.indirect.scatter.add.f32 [tilespmem:s12], [sflag:$0x1], $0x1, s18, s13, $0xb8;
	[tilespmem:$0x1100] =	vst v63  }
0x82: {  	_ = 	snop  }
0x83: {  	[spmem:s3] =	stream.indirect.scatter.add.f32 [tilespmem:s12], [sflag:$0x1], $0x1, s19, s13, $0xb8;
	[tilespmem:$0x1100] =	vst v63  }
0x84: {  	_ =	swait.ge [sflag:s20], $0x80  }
0x85: {  	[sflag:s20] =	ssyncset.done $0x0  }
0x86: {  	[sflag:s20] =	ssyncadd.s32 $0xFFFFFF80  }
0x87: {  	_ =	swait.ge [sflag:s20], $0x80  }
0x88: {  	[sflag:s20] =	ssyncset.done $0x0  }
0x89: {  	[sflag:s20] =	ssyncadd.s32 $0xFFFFFF80  }
0x8a: {  	_ =	swait.ge [sflag:s20], $0x80  }
0x8b: {  	[sflag:s20] =	ssyncset.done $0x0  }
0x8c: {  	[sflag:s20] =	ssyncadd.s32 $0xFFFFFF80  }
0x8d: {  	_ =	swait.ge [sflag:s20], $0x80  }
0x8e: {  	[sflag:s20] =	ssyncset.done $0x0  }
0x8f: {  	[sflag:s20] =	ssyncadd.s32 $0xFFFFFF80  }
0x90: {  	_ =	swait.ge [sflag:s20], $0x80  }
0x91: {  	[sflag:s20] =	ssyncset.done $0x0  }
0x92: {  	[sflag:s20] =	ssyncadd.s32 $0xFFFFFF80  }
0x93: {  	_ =	swait.ge [sflag:s20], $0x80  }
0x94: {  	[sflag:s20] =	ssyncset.done $0x0  }
0x95: {  	[sflag:s20] =	ssyncadd.s32 $0xFFFFFF80  }
0x96: {  	_ =	swait.ge [sflag:s20], $0x80  }
0x97: {  	[sflag:s20] =	ssyncset.done $0x0  }
0x98: {  	[sflag:s20] =	ssyncadd.s32 $0xFFFFFF80  }
0x99: {  	_ =	swait.ge [sflag:s20], $0x80  }
0x9a: {  	s21 =	sadd.s32 $0x1, s21;
	[sflag:s20] =	ssyncset.done $0x0  }
0x9b: {  	p0 =	sne.s32 s21, s8;
	[sflag:s20] =	ssyncadd.s32 $0xFFFFFF80  }
.Ltmp1:
0x9c: {  	[bflag:$0x0] =	sbarrier.arrive $0xFFFF;
	(pc) =	sbr.rel @p0 .LBB2_1-.Ltmp1, $4  }
0x9d: {  	[hbm:s7], [sflag:s6] =	dma.local [spmem:s10], $0x190  }
0x9e: {  	_ =	swait.ge [sflag:s11], $0x190  }
0x9f: {  	[sflag:s11] =	ssyncset.done $0x0  }
0xa0: {  	[sflag:s11] =	ssyncadd.s32 $0xFFFFFE70  }
0xa1: {  	_ =	sfence.sel $0x180000  }
0xa2: {  	[bflag:$0x0] =	sbarrier.arrive $0xFFFF  }
0xa3: {  	p0 =	sne.s32 s0, $0x0;
	_ =	strace $0x90000047  }
0xa4: {  	s0 =	sadd.s32 @!p0 $0x100000, s1;
	[bflag:$0x2] =	sbarrier.arrive $0xFFFF  }
0xa5: {  	[sflag:s0] =	ssyncadd.tile.s32 @!p0 $0x1;
	_ =	shalt  }
.Lfunc_end2:
_tile_overlayer_lowered:
.L_overlay_start_2:
0xa6: {  	(tag) =	ssettag $0x2  }
0xa7: {  	s0 =	rddreg [dreg:$0x0];
	s2 =	stileid.u32  }
0xa8: {  	s1 =	rddreg [dreg:$0x1];
	p0 =	sne.s32 s2, $0x0  }
0xa9: {  	s3 =	rddreg [dreg:$0x2];
	[bflag:$0x3] =	sbarrier.arrive $0xFFFF;
	s2 =	simm.s32 @!p0 $0x1C02  }
0xaa: {  	[timem:s3], [sflag:s2] =	dma.local @!p0 [hbm:s0], s1  }
0xab: {  	s0 =	simm.s32 @!p0 $0x2  }
0xac: {  	_ =	swait.ge @!p0 [sflag:s0], s1  }
0xad: {  	s1 =	ssub.s32 @!p0 $0x0, s1;
	[sflag:s0] =	ssyncset.done @!p0 $0x0  }
0xae: {  	[sflag:s0] =	ssyncadd.s32 @!p0 s1  }
0xaf: {  	[bflag:$0x3] =	sbarrier.arrive $0xFFFF  }
0xb0: {  	_ =	shalt  }

// kernel: kernel.16.cloned.1.call-start
scs
__scs_entry_jumppad:
0x0: {  	(pc) =	sbr.rel $0x88, $3  }
0x1: {  	(tag) =	ssettag $0x0;
	lr =	simm.s32 $0x1  }
0x2: {  	[smem:$0x3F95] =	sst lr;
	_ =	strace $0xD0000000  }
0x3: {  	_ = 	snop  }
0x4: {  	_ = 	snop  }
0x5: {  	_ = 	snop  }
0x6: {  	_ = 	snop  }
0x7: {  	_ = 	snop  }
__scs_overlays_trampoline_lowered:
0x8: {  	[smem:$0x3FA4] =	sst s0  }
0x9: {  	[smem:$0x3FA5] =	sst s1  }
0xa: {  	[smem:$0x3FA6] =	sst s2  }
0xb: {  	[smem:$0x3FA7] =	sst s3  }
0xc: {  	[smem:$0x3FA8] =	sst s4  }
0xd: {  	[smem:$0x3FA9] =	sst s5  }
0xe: {  	[smem:$0x3FAA] =	sst s6  }
0xf: {  	[smem:$0x3FAB] =	sst s7  }
0x10: {  	[smem:$0x3FAC] =	sst s8  }
0x11: {  	[smem:$0x3FAD] =	sst s9;
	s0 =	simm.s32 @!p0 $0x0  }
0x12: {  	s1 =	sld [smem:$0x3F93];
	s0 =	simm.s32 @p0 $0x1  }
0x13: {  	[smem:$0x3FAE] =	sst s0;
	s0 =	simm.s32 @!p1 $0x0  }
0x14: {  	s2 =	sld [smem:$0x3F92];
	s0 =	simm.s32 @p1 $0x1  }
0x15: {  	[smem:$0x3FAF] =	sst s0;
	s0 =	simm.s32 @!p2 $0x0  }
0x16: {  	s3 =	sld [smem:$0x3FDB];
	s0 =	simm.s32 @p2 $0x1  }
0x17: {  	s4 =	simm.s32 $0x1BF5;
	[smem:$0x3FB1] =	sst s0  }
0x18: {  	s0 =	sld [smem:$0x3F94];
	_ =	swait.ge [sflag:s4], $0x0  }
0x19: {  	s7 =	sld [smem:$0x3F95]  }
0x1a: {  	s8 =	sadd.s32 $0xFFFFE003, lr  }
0x1b: {  	s9 =	sadd.s32 $0xFFFFFEF7, lr;
	s5 =	simm.s32 $0xFFFFFFFF;
	p2 =	slt.u32 s8, $0xFFFFF086  }
0x1c: {  	p1 =	slt.u32 s9, $0xF7A;
	s5 =	simm.s32 @!p2 $0x0  }
0x1d: {  	s5 =	simm.s32 @p1 $0x1;
	p0 =	seq.s32 s7, s2  }
0x1e: {  	s7 =	smul.u32 @!p0 $0xF7A, s2;
	p2 =	seq.s32 @!p0 s5, $0x0  }
0x1f: {  	s9 =	smul.u32 $0xF7A, s1;
	s8 =	simm.s32 @!p0 $0x1BF5;
	p2 =	por !p2, p0  }
0x20: {  	[sflag:s8] =	ssyncset.s32 @!p0 $0xFFFFF086;
	s6 =	sadd.s32 @!p0 s3, s7;
	s7 =	simm.s32 @!p0 $0x108  }
0x21: {  	s3 =	sadd.s32 s3, s9;
	s6 =	sadd.s32 @!p0 $0x88, s6;
	s7 =	simm.s32 @p2 $0x1082  }
0x22: {  	[simem:s7], [sflag:s8] =	dma.local @!p0 [hbm:s6], $0xF7A  }
0x23: {  	s9 =	sor.u32 $0xD0000000, s2;
	s6 =	simm.s32 $0x108;
	_ =	swait.ge @!p0 [sflag:s8], $0x0  }
0x24: {  	s3 =	sadd.s32 $0x88, s3;
	s6 =	simm.s32 @!p1 $0x1082;
	[sflag:s4] =	ssyncset.s32 $0xFFFFF086  }
0x25: {  	[simem:s6], [sflag:s4] =	dma.local [hbm:s3], $0xF7A  }
0x26: {  	[smem:$0x3F95] =	sst s1;
	(tag) =	ssettag s2;
	_ =	strace s9  }
0x27: {  	s1 =	sld [smem:$0x3FA5]  }
0x28: {  	s2 =	sld [smem:$0x3FA6]  }
0x29: {  	s4 =	sld [smem:$0x3FA8]  }
0x2a: {  	p0 =	seq.s32 s5, $0x0;
	s5 =	sld [smem:$0x3FA9]  }
0x2b: {  	s6 =	sld [smem:$0x3FAA]  }
0x2c: {  	s7 =	sld [smem:$0x3FAB]  }
0x2d: {  	s3 =	simm.s32 $0x108;
	s8 =	sld [smem:$0x3FAC]  }
0x2e: {  	s3 =	simm.s32 @!p0 $0x1082;
	s9 =	sld [smem:$0x3FAD]  }
0x2f: {  	lr =	sadd.s32 s0, s3;
	s0 =	sld [smem:$0x3FA4]  }
0x30: {  	s3 =	sld [smem:$0x3FA7]  }
0x31: {  	[smem:$0x3FB0] =	sst s10  }
0x32: {  	s10 =	sld [smem:$0x3FAE];
	_ =	sdelay $0x3  }
0x33: {  	p0 =	seq.s32 s10, $0x1;
	s10 =	sld [smem:$0x3FB0];
	_ =	sdelay $0x3  }
0x34: {  	[smem:$0x3FB0] =	sst s10  }
0x35: {  	s10 =	sld [smem:$0x3FAF];
	_ =	sdelay $0x3  }
0x36: {  	p1 =	seq.s32 s10, $0x1;
	s10 =	sld [smem:$0x3FB0];
	_ =	sdelay $0x3  }
0x37: {  	[smem:$0x3FB0] =	sst s10  }
0x38: {  	s10 =	sld [smem:$0x3FB1]  }
0x39: {  	_ = 	snop;
	(pc) =	sbr.ind lr, $3  }
0x3a: {  	_ = 	snop  }
0x3b: {  	_ = 	snop  }
0x3c: {  	p2 =	seq.s32 s10, $0x1;
	s10 =	sld [smem:$0x3FB0]  }
0x3d: {  	_ =	shalt  }
0x3e: {  	_ =	shalt  }
0x3f: {  	_ =	shalt  }
0x40: {  	_ =	shalt  }
0x41: {  	_ =	shalt  }
0x42: {  	_ =	shalt  }
0x43: {  	_ =	shalt  }
0x44: {  	_ =	shalt  }
0x45: {  	_ =	shalt  }
0x46: {  	_ =	shalt  }
0x47: {  	_ =	shalt  }
0x48: {  	_ =	shalt  }
0x49: {  	_ =	shalt  }
0x4a: {  	_ =	shalt  }
0x4b: {  	_ =	shalt  }
0x4c: {  	_ =	shalt  }
0x4d: {  	_ =	shalt  }
0x4e: {  	_ =	shalt  }
0x4f: {  	_ =	shalt  }
0x50: {  	_ =	shalt  }
0x51: {  	_ =	shalt  }
0x52: {  	_ =	shalt  }
0x53: {  	_ =	shalt  }
0x54: {  	_ =	shalt  }
0x55: {  	_ =	shalt  }
0x56: {  	_ =	shalt  }
0x57: {  	_ =	shalt  }
0x58: {  	_ =	shalt  }
0x59: {  	_ =	shalt  }
0x5a: {  	_ =	shalt  }
0x5b: {  	_ =	shalt  }
0x5c: {  	_ =	shalt  }
0x5d: {  	_ =	shalt  }
0x5e: {  	_ =	shalt  }
0x5f: {  	_ =	shalt  }
0x60: {  	_ =	shalt  }
0x61: {  	_ =	shalt  }
0x62: {  	_ =	shalt  }
0x63: {  	_ =	shalt  }
0x64: {  	_ =	shalt  }
0x65: {  	_ =	shalt  }
0x66: {  	_ =	shalt  }
0x67: {  	_ =	shalt  }
0x68: {  	_ =	shalt  }
0x69: {  	_ =	shalt  }
0x6a: {  	_ =	shalt  }
0x6b: {  	_ =	shalt  }
0x6c: {  	_ =	shalt  }
0x6d: {  	_ =	shalt  }
0x6e: {  	_ =	shalt  }
0x6f: {  	_ =	shalt  }
0x70: {  	_ =	shalt  }
0x71: {  	_ =	shalt  }
0x72: {  	_ =	shalt  }
0x73: {  	_ =	shalt  }
0x74: {  	_ =	shalt  }
0x75: {  	_ =	shalt  }
0x76: {  	_ =	shalt  }
0x77: {  	_ =	shalt  }
0x78: {  	_ =	shalt  }
0x79: {  	_ =	shalt  }
0x7a: {  	_ =	shalt  }
0x7b: {  	_ =	shalt  }
0x7c: {  	_ =	shalt  }
0x7d: {  	_ =	shalt  }
0x7e: {  	_ =	shalt  }
0x7f: {  	_ =	shalt  }
0x80: {  	_ =	shalt  }
0x81: {  	_ =	shalt  }
0x82: {  	_ =	shalt  }
0x83: {  	_ =	shalt  }
0x84: {  	_ =	shalt  }
0x85: {  	_ =	shalt  }
0x86: {  	_ =	shalt  }
0x87: {  	_ =	shalt  }
.Lfunc_end0:
.L_simem_size_0:
called_computation.1_lowered:
.L_overlay_start_0:
0x88: {  	s2 =	sld [smem:$0x3FD9]  }
0x89: {  	s3 =	sld [smem:$0x3FFE];
	_ =	sdelay $0x1  }
0x8a: {  	s1 =	srdreg.scid  }
0x8b: {  	s0 =	sand.u32 $0x1, s1  }
0x8c: {  	s16 =	sshll.u32 s0, $0xA;
	s2 =	sadd.s32 s3, s2  }
0x8d: {  	s2 =	sadd.s32 s2, s16  }
0x8e: {  	[smem:$0x3FBC] =	sst s2  }
0x8f: {  	_ = 	snop  }
0x90: {  	(tm) =	ssettm $0x1  }
0x91: {  	s17 =	sld [smem:$0x3FFB];
	_ =	sdelay $0x3  }
0x92: {  	_ =	strace s17  }
0x93: {  	s2 =	sld [smem:$0x3FFC];
	_ =	sdelay $0x3  }
0x94: {  	_ =	strace s2  }
0x95: {  	s2 =	sld [smem:$0x3FFD];
	_ =	sdelay $0x3  }
0x96: {  	_ =	strace s2  }
0x97: {  	_ =	strace $0x8FFFFFFF  }
0x98: {  	s18 =	sld [smem:$0x3FDB];
	_ =	sdelay $0x1  }
0x99: {  	s19 =	simm.s32 $_scs_section_size  }
0x9a: {  	s4 =	simm.s32 $_size__tile_overlayer_lowered;
	s5 =	simm.s32 $_tile_overlayer_lowered  }
0x9b: {  	s22 =	simm.s32 $0x1BFF;
	s21 =	sshll.u32 s5, $0x1;
	s2 =	sadd.s32 s19, s18  }
0x9c: {  	s6 =	simm.s32 $0x0;
	s20 =	sshll.u32 s4, $0x1;
	s4 =	sadd.s32 s21, s2  }
0x9d: {  	[timem:s6], [sflag:s22] =	dma.local [hbm:s4], s20  }
0x9e: {  	_ =	swait.ge [sflag:s22], s20  }
0x9f: {  	s3 =	ssub.s32 $0x0, s20;
	[sflag:s22] =	ssyncset.done $0x0  }
0xa0: {  	[sflag:s22] =	ssyncadd.s32 s3;
	_ =	sdelay $0x1  }
0xa1: {  	s23 =	simm.s32 $0x1B8B  }
0xa2: {  	_ =	swait.ge [sflag:s23], $0x1  }
0xa3: {  	[sflag:s23] =	ssyncset.done $0x0  }
0xa4: {  	s25 =	simm.s32 $0x1B8E;
	s24 =	sld [smem:$0x3FFE];
	[sflag:s23] =	ssyncadd.s32 $0xFFFFFFFF  }
0xa5: {  	s26 =	simm.s32 $execute0_lowered;
	[smem:$0x3FD2] =	sst s25  }
0xa6: {  	s4 =	sshll.u32 s26, $0x1;
	_ =	strace $0x80000049;
	[dreg:$0x1] =	wrdreg $0xFFFFFFFF  }
0xa7: {  	s28 =	simm.s32 $_size_execute0_lowered;
	s2 =	sadd.s32 s2, s4;
	[dreg:$0x0] =	wrdreg $0x0  }
0xa8: {  	s4 =	sshll.u32 s28, $0x1;
	[dreg:$0x2] =	wrdreg s2  }
0xa9: {  	[dreg:$0x3] =	wrdreg s4  }
0xaa: {  	[dreg:$0x4] =	wrdreg $0xC0  }
0xab: {  	_ =	task [dreg:s6], $0x5FFFF  }
0xac: {  	[dreg:$0x1] =	wrdreg $0xFFFFFFFF  }
0xad: {  	[dreg:$0x0] =	wrdreg $0x60  }
0xae: {  	[dreg:$0x2] =	wrdreg s24  }
0xaf: {  	[dreg:$0x3] =	wrdreg $0xC000  }
0xb0: {  	[dreg:$0x4] =	wrdreg $0x9  }
0xb1: {  	_ =	task.clear_ibuf [dreg:s6], $0x5FFFF;
	_ =	strace $0x90000049  }
0xb2: {  	s29 =	simm.s32 $0x9;
	_ =	strace $0x8000004B  }
0xb3: {  	_ =	swait.ge [sflag:s29], $0x1  }
0xb4: {  	[sflag:s29] =	ssyncadd.s32 $0xFFFFFFFF  }
0xb5: {  	_ =	strace $0x9000004B  }
0xb6: {  	_ =	sfence  }
0xb7: {  	s30 =	sld [smem:$0x0];
	_ =	sdelay $0x2  }
0xb8: {  	s31 =	sshll.u32 s1, $0xD;
	s1 =	sshrl.u32 s1, $0x2  }
0xb9: {  	s3 =	sand.u32 $0x4000, s31;
	s1 =	sadd.s32 s1, s30  }
0xba: {  	s0 =	sor.u32 s3, s0;
	s1 =	sshll.u32 s1, $0x11  }
0xbb: {  	s0 =	sor.u32 s1, s0  }
0xbc: {  	s0 =	sadd.s32 $0x8F2B, s0  }
0xbd: {  	[sflag:s0] =	ssyncadd.remote.s32 $0x1  }
0xbe: {  	_ =	sfence.sel $0xFFFF  }
0xbf: {  	[dreg:$0x0] =	wrdreg $0xFFFFFFFF;
	(pc) =	sbr.abs _section_cstart, $3  }
0xc0: {  	[dreg:$0x1] =	wrdreg $0xFFFFFFFF  }
0xc1: {  	_ =	task.clear_ibuf [dreg:s6], $0x2FFFF;
	_ =	strace $0x9FFFFFFF  }
0xc2: {  	(tm) =	ssettm $0x7FFFFFFF  }
0xc3: {  	_ =	shalt  }
tec
execute0_lowered:
.L_overlay_start_1:
0x0: {  	(tag) =	ssettag $0x1  }
0x1: {  	s0 =	srdreg.scid  }
0x2: {  	s10 =	stileid.u32;
	s1 =	rddreg [dreg:$0x0]  }
0x3: {  	s2 =	rddreg [dreg:$0x1];
	s3 =	simm.s32 $0x0;
	s11 =	simm.s32 $0x400  }
0x4: {  	s12 =	simm.s32 $0x80;
	s13 =	simm.s32 $0x800;
	s25 =	simm.s32 $0x100  }
0x5: {  	s14 =	simm.s32 $0x880;
	s26 =	simm.s32 $0x180;
	s15 =	simm.s32 $0x900  }
0x6: {  	s16 =	simm.s32 $0x980;
	s17 =	simm.s32 $0x200;
	s18 =	simm.s32 $0xA00  }
0x7: {  	s19 =	simm.s32 $0x280;
	s20 =	simm.s32 $0xA80;
	s28 =	simm.s32 $0x500  }
0x8: {  	s29 =	simm.s32 $0x580;
	s30 =	simm.s32 $0x600;
	s4 =	smul.u32 $0x18800, s10  }
0x9: {  	s31 =	simm.s32 $0x680;
	s0 =	sand.u32 $0x1, s0;
	s21 =	smul.u32 $0xC80, s10  }
0xa: {  	[smem:$0x7FF] =	sst s3;
	s23 =	sshll.u32 s10, $0x6;
	s10 =	simm.s32 $0x3  }
0xb: {  	s5 =	smul.u32 $0xC400, s0;
	_ =	strace $0x8000004A;
	[dreg:$0x5] =	wrdreg s25  }
0xc: {  	s7 =	smul.u32 $0xC800, s0;
	s0 =	ssub.s32 $0x2, s0;
	[dreg:$0x6] =	wrdreg s26  }
0xd: {  	s25 =	simm.s32 $0x1;
	s26 =	simm.s32 $0x480;
	s8 =	sshrl.u32 s21, $0x3  }
0xe: {  	s9 =	sshrl.u32 s0, $0x1;
	s4 =	sadd.s32 s5, s4;
	s7 =	sadd.s32 s21, s7  }
0xf: {  	s8 =	sadd.s32 s8, s1;
	s0 =	ssub.s32 s0, s9;
	s5 =	sadd.s32 s21, s2  }
0x10: {  	s21 =	simm.s32 $0x300;
	s9 =	simm.s32 $0x0;
	s6 =	sshrl.u32 s4, $0x3  }
0x11: {  	s4 =	sadd.s32 $0x35E00, s1;
	s7 =	sshrl.u32 s7, $0x3;
	s22 =	sadd.s32 $0x34400, s8  }
0x12: {  	s0 =	smax.u32 s0, $0x1;
	s8 =	sshrl.u32 s5, $0x3;
	[dreg:$0x7] =	wrdreg s22  }
0x13: {  	s5 =	simm.s32 $0x2;
	s6 =	sadd.s32 s6, s1;
	[dreg:$0xa] =	wrdreg s0  }
0x14: {  	s1 =	sadd.s32 s7, s1;
	s7 =	sor.u32 $0x1C03, s23;
	[dreg:$0xb] =	wrdreg s8  }
0x15: {  	s22 =	simm.s32 $0xB00;
	s24 =	sadd.s32 $0x3400, s6;
	[dreg:$0x8] =	wrdreg s7  }
0x16: {  	s23 =	simm.s32 $0x380;
	s1 =	sadd.s32 $0x37800, s1;
	[dreg:$0x3] =	wrdreg s24  }
0x17: {  	s0 =	simm.s32 $0x780;
	s6 =	sadd.s32 $0x101000, s6;
	[dreg:$0x9] =	wrdreg s1  }
0x18: {  	[dreg:$0x4] =	wrdreg s6;
	s24 =	simm.s32 $0xB80;
	s1 =	simm.s32 $0x700  }
.LBB2_1:
0x19: {  	[dreg:$0xc] =	wrdreg s9  }
0x1a: {  	s6 =	rddreg [dreg:$0x7]  }
0x1b: {  	[spmem:s8], [sflag:s7] =	dma.local [hbm:s6], $0x190  }
0x1c: {  	_ =	swait.ge [sflag:s10], $0x190  }
0x1d: {  	[sflag:s10] =	ssyncset.done $0x0  }
0x1e: {  	[sflag:s10] =	ssyncadd.s32 $0xFFFFFE70  }
0x1f: {  	[bflag:$0x0] =	sbarrier.arrive $0xFFFF  }
0x20: {  	s9 =	rddreg [dreg:$0x4]  }
0x21: {  	s6 =	sadd.s32 $0x0, s9  }
0x22: {  	[tilespmem:s3], [sflag:$0x3] =	stream.linear.gather [hbm4b:s6+s3], $0x400, $0x38;
	[tilespmem:$0x1880] =	vst v63  }
0x23: {  	_ =	swait.ge [sflag:s10], $0x400  }
0x24: {  	s7 =	rddreg [dreg:$0x3];
	[sflag:s10] =	ssyncset.done $0x0  }
0x25: {  	[sflag:s10] =	ssyncadd.s32 $0xFFFFFC00;
	s6 =	sadd.s32 $0x0, s7  }
0x26: {  	[tilespmem:s11], [sflag:$0x3] =	stream.linear.gather [hbm4b:s6+s3], $0x400, $0x38;
	[tilespmem:$0x1880] =	vst v63  }
0x27: {  	_ =	swait.ge [sflag:s10], $0x400  }
0x28: {  	[sflag:s10] =	ssyncset.done $0x0  }
0x29: {  	[sflag:s10] =	ssyncadd.s32 $0xFFFFFC00  }
0x2a: {  	[tilespmem:s13], [sflag:$0x1] =	stream.indirect.gather [hbm4b:s4+s12], $0x1, s3, s12, $0xb8;
	[tilespmem:$0x1880] =	vst v63  }
0x2b: {  	_ = 	snop  }
0x2c: {  	[tilespmem:s14], [sflag:$0x1] =	stream.indirect.gather [hbm4b:s4+s12], $0x1, s12, s12, $0xb8;
	[tilespmem:$0x1880] =	vst v63  }
0x2d: {  	s8 =	rddreg [dreg:$0x5]  }
0x2e: {  	[tilespmem:s15], [sflag:$0x1] =	stream.indirect.gather [hbm4b:s4+s12], $0x1, s8, s12, $0xb8;
	[tilespmem:$0x1880] =	vst v63  }
0x2f: {  	s9 =	rddreg [dreg:$0x6]  }
0x30: {  	[tilespmem:s16], [sflag:$0x1] =	stream.indirect.gather [hbm4b:s4+s12], $0x1, s9, s12, $0xb8;
	[tilespmem:$0x1880] =	vst v63  }
0x31: {  	_ = 	snop  }
0x32: {  	[tilespmem:s18], [sflag:$0x1] =	stream.indirect.gather [hbm4b:s4+s12], $0x1, s17, s12, $0xb8;
	[tilespmem:$0x1880] =	vst v63  }
0x33: {  	_ = 	snop  }
0x34: {  	[tilespmem:s20], [sflag:$0x1] =	stream.indirect.gather [hbm4b:s4+s12], $0x1, s19, s12, $0xb8;
	[tilespmem:$0x1880] =	vst v63  }
0x35: {  	_ = 	snop  }
0x36: {  	[tilespmem:s22], [sflag:$0x1] =	stream.indirect.gather [hbm4b:s4+s12], $0x1, s21, s12, $0xb8;
	[tilespmem:$0x1880] =	vst v63  }
0x37: {  	_ = 	snop  }
0x38: {  	[tilespmem:s24], [sflag:$0x1] =	stream.indirect.gather [hbm4b:s4+s12], $0x1, s23, s12, $0xb8;
	[tilespmem:$0x1880] =	vst v63  }
0x39: {  	_ =	swait.ge [sflag:s25], $0x80  }
0x3a: {  	[sflag:s25] =	ssyncset.done $0x0  }
0x3b: {  	[sflag:s25] =	ssyncadd.s32 $0xFFFFFF80  }
0x3c: {  	[spmem:s2] =	stream.indirect.scatter.add.f32 [tilespmem:s13], [sflag:$0x2], $0x1, s11, s12, $0xb8;
	[tilespmem:$0x1880] =	vst v63  }
0x3d: {  	_ =	swait.ge [sflag:s25], $0x80  }
0x3e: {  	[sflag:s25] =	ssyncset.done $0x0  }
0x3f: {  	[sflag:s25] =	ssyncadd.s32 $0xFFFFFF80  }
0x40: {  	[spmem:s2] =	stream.indirect.scatter.add.f32 [tilespmem:s14], [sflag:$0x2], $0x1, s26, s12, $0xb8;
	[tilespmem:$0x1880] =	vst v63  }
0x41: {  	_ =	swait.ge [sflag:s25], $0x80  }
0x42: {  	[sflag:s25] =	ssyncset.done $0x0  }
0x43: {  	[sflag:s25] =	ssyncadd.s32 $0xFFFFFF80  }
0x44: {  	[spmem:s2] =	stream.indirect.scatter.add.f32 [tilespmem:s15], [sflag:$0x2], $0x1, s28, s12, $0xb8;
	[tilespmem:$0x1880] =	vst v63  }
0x45: {  	_ =	swait.ge [sflag:s25], $0x80  }
0x46: {  	[sflag:s25] =	ssyncset.done $0x0  }
0x47: {  	[sflag:s25] =	ssyncadd.s32 $0xFFFFFF80  }
0x48: {  	[spmem:s2] =	stream.indirect.scatter.add.f32 [tilespmem:s16], [sflag:$0x2], $0x1, s29, s12, $0xb8;
	[tilespmem:$0x1880] =	vst v63  }
0x49: {  	_ =	swait.ge [sflag:s25], $0x80  }
0x4a: {  	[sflag:s25] =	ssyncset.done $0x0  }
0x4b: {  	[sflag:s25] =	ssyncadd.s32 $0xFFFFFF80  }
0x4c: {  	[spmem:s2] =	stream.indirect.scatter.add.f32 [tilespmem:s18], [sflag:$0x2], $0x1, s30, s12, $0xb8;
	[tilespmem:$0x1880] =	vst v63  }
0x4d: {  	_ =	swait.ge [sflag:s25], $0x80  }
0x4e: {  	[sflag:s25] =	ssyncset.done $0x0  }
0x4f: {  	[sflag:s25] =	ssyncadd.s32 $0xFFFFFF80  }
0x50: {  	[spmem:s2] =	stream.indirect.scatter.add.f32 [tilespmem:s20], [sflag:$0x2], $0x1, s31, s12, $0xb8;
	[tilespmem:$0x1880] =	vst v63  }
0x51: {  	_ =	swait.ge [sflag:s25], $0x80  }
0x52: {  	[sflag:s25] =	ssyncset.done $0x0  }
0x53: {  	[sflag:s25] =	ssyncadd.s32 $0xFFFFFF80  }
0x54: {  	[spmem:s2] =	stream.indirect.scatter.add.f32 [tilespmem:s22], [sflag:$0x2], $0x1, s1, s12, $0xb8;
	[tilespmem:$0x1880] =	vst v63  }
0x55: {  	_ =	swait.ge [sflag:s25], $0x80  }
0x56: {  	[sflag:s25] =	ssyncset.done $0x0  }
0x57: {  	[sflag:s25] =	ssyncadd.s32 $0xFFFFFF80  }
0x58: {  	[spmem:s2] =	stream.indirect.scatter.add.f32 [tilespmem:s24], [sflag:$0x2], $0x1, s0, s12, $0xb8;
	[tilespmem:$0x1880] =	vst v63  }
0x59: {  	_ =	swait.ge [sflag:s5], $0x80  }
0x5a: {  	[sflag:s5] =	ssyncset.done $0x0  }
0x5b: {  	[sflag:s5] =	ssyncadd.s32 $0xFFFFFF80  }
0x5c: {  	_ =	swait.ge [sflag:s5], $0x80  }
0x5d: {  	[sflag:s5] =	ssyncset.done $0x0  }
0x5e: {  	[sflag:s5] =	ssyncadd.s32 $0xFFFFFF80  }
0x5f: {  	_ =	swait.ge [sflag:s5], $0x80  }
0x60: {  	[sflag:s5] =	ssyncset.done $0x0  }
0x61: {  	[sflag:s5] =	ssyncadd.s32 $0xFFFFFF80  }
0x62: {  	_ =	swait.ge [sflag:s5], $0x80  }
0x63: {  	[sflag:s5] =	ssyncset.done $0x0  }
0x64: {  	[sflag:s5] =	ssyncadd.s32 $0xFFFFFF80  }
0x65: {  	_ =	swait.ge [sflag:s5], $0x80  }
0x66: {  	[sflag:s5] =	ssyncset.done $0x0  }
0x67: {  	[sflag:s5] =	ssyncadd.s32 $0xFFFFFF80  }
0x68: {  	_ =	swait.ge [sflag:s5], $0x80  }
0x69: {  	[sflag:s5] =	ssyncset.done $0x0  }
0x6a: {  	[sflag:s5] =	ssyncadd.s32 $0xFFFFFF80  }
0x6b: {  	_ =	swait.ge [sflag:s5], $0x80  }
0x6c: {  	[sflag:s5] =	ssyncset.done $0x0  }
0x6d: {  	[sflag:s5] =	ssyncadd.s32 $0xFFFFFF80  }
0x6e: {  	s6 =	simm.s32 $0x100;
	_ =	swait.ge [sflag:s5], $0x80  }
0x6f: {  	s8 =	simm.s32 $0x80;
	s9 =	rddreg [dreg:$0x4];
	[sflag:s5] =	ssyncset.done $0x0  }
.LBB2_2:
0x70: {  	[sflag:s5] =	ssyncadd.s32 $0xFFFFFF80;
	s9 =	sadd.s32 s8, s9  }
0x71: {  	[tilespmem:s3], [sflag:$0x3] =	stream.linear.gather [hbm4b:s9+s3], $0x400, $0x38;
	[tilespmem:$0x1880] =	vst v63  }
0x72: {  	_ =	swait.ge [sflag:s10], $0x400  }
0x73: {  	s9 =	rddreg [dreg:$0x3];
	[sflag:s10] =	ssyncset.done $0x0  }
0x74: {  	[sflag:s10] =	ssyncadd.s32 $0xFFFFFC00;
	s9 =	sadd.s32 s8, s9  }
0x75: {  	[tilespmem:s11], [sflag:$0x3] =	stream.linear.gather [hbm4b:s9+s3], $0x400, $0x38;
	[tilespmem:$0x1880] =	vst v63  }
0x76: {  	_ =	swait.ge [sflag:s10], $0x400  }
0x77: {  	[sflag:s10] =	ssyncset.done $0x0  }
0x78: {  	[sflag:s10] =	ssyncadd.s32 $0xFFFFFC00  }
0x79: {  	[tilespmem:s13], [sflag:$0x1] =	stream.indirect.gather [hbm4b:s4+s12], $0x1, s3, s12, $0xb8;
	[tilespmem:$0x1880] =	vst v63  }
0x7a: {  	s7 =	smov.u32 s6  }
0x7b: {  	[tilespmem:s14], [sflag:$0x1] =	stream.indirect.gather [hbm4b:s4+s12], $0x1, s12, s12, $0xb8;
	[tilespmem:$0x1880] =	vst v63  }
0x7c: {  	s8 =	smov.u32 s7;
	s7 =	rddreg [dreg:$0x5]  }
0x7d: {  	[tilespmem:s15], [sflag:$0x1] =	stream.indirect.gather [hbm4b:s4+s12], $0x1, s7, s12, $0xb8;
	[tilespmem:$0x1880] =	vst v63  }
0x7e: {  	s9 =	rddreg [dreg:$0x6]  }
0x7f: {  	[tilespmem:s16], [sflag:$0x1] =	stream.indirect.gather [hbm4b:s4+s12], $0x1, s9, s12, $0xb8;
	[tilespmem:$0x1880] =	vst v63  }
0x80: {  	_ = 	snop  }
0x81: {  	[tilespmem:s18], [sflag:$0x1] =	stream.indirect.gather [hbm4b:s4+s12], $0x1, s17, s12, $0xb8;
	[tilespmem:$0x1880] =	vst v63  }
0x82: {  	_ = 	snop  }
0x83: {  	[tilespmem:s20], [sflag:$0x1] =	stream.indirect.gather [hbm4b:s4+s12], $0x1, s19, s12, $0xb8;
	[tilespmem:$0x1880] =	vst v63  }
0x84: {  	_ = 	snop  }
0x85: {  	[tilespmem:s22], [sflag:$0x1] =	stream.indirect.gather [hbm4b:s4+s12], $0x1, s21, s12, $0xb8;
	[tilespmem:$0x1880] =	vst v63  }
0x86: {  	_ = 	snop  }
0x87: {  	[tilespmem:s24], [sflag:$0x1] =	stream.indirect.gather [hbm4b:s4+s12], $0x1, s23, s12, $0xb8;
	[tilespmem:$0x1880] =	vst v63  }
0x88: {  	_ =	swait.ge [sflag:s25], $0x80  }
0x89: {  	[sflag:s25] =	ssyncset.done $0x0  }
0x8a: {  	[sflag:s25] =	ssyncadd.s32 $0xFFFFFF80  }
0x8b: {  	[spmem:s2] =	stream.indirect.scatter.add.f32 [tilespmem:s13], [sflag:$0x2], $0x1, s11, s12, $0xb8;
	[tilespmem:$0x1880] =	vst v63  }
0x8c: {  	_ =	swait.ge [sflag:s25], $0x80  }
0x8d: {  	[sflag:s25] =	ssyncset.done $0x0  }
0x8e: {  	[sflag:s25] =	ssyncadd.s32 $0xFFFFFF80  }
0x8f: {  	[spmem:s2] =	stream.indirect.scatter.add.f32 [tilespmem:s14], [sflag:$0x2], $0x1, s26, s12, $0xb8;
	[tilespmem:$0x1880] =	vst v63  }
0x90: {  	_ =	swait.ge [sflag:s25], $0x80  }
0x91: {  	[sflag:s25] =	ssyncset.done $0x0  }
0x92: {  	[sflag:s25] =	ssyncadd.s32 $0xFFFFFF80  }
0x93: {  	[spmem:s2] =	stream.indirect.scatter.add.f32 [tilespmem:s15], [sflag:$0x2], $0x1, s28, s12, $0xb8;
	[tilespmem:$0x1880] =	vst v63  }
0x94: {  	_ =	swait.ge [sflag:s25], $0x80  }
0x95: {  	[sflag:s25] =	ssyncset.done $0x0  }
0x96: {  	[sflag:s25] =	ssyncadd.s32 $0xFFFFFF80  }
0x97: {  	[spmem:s2] =	stream.indirect.scatter.add.f32 [tilespmem:s16], [sflag:$0x2], $0x1, s29, s12, $0xb8;
	[tilespmem:$0x1880] =	vst v63  }
0x98: {  	_ =	swait.ge [sflag:s25], $0x80  }
0x99: {  	[sflag:s25] =	ssyncset.done $0x0  }
0x9a: {  	[sflag:s25] =	ssyncadd.s32 $0xFFFFFF80  }
0x9b: {  	[spmem:s2] =	stream.indirect.scatter.add.f32 [tilespmem:s18], [sflag:$0x2], $0x1, s30, s12, $0xb8;
	[tilespmem:$0x1880] =	vst v63  }
0x9c: {  	_ =	swait.ge [sflag:s25], $0x80  }
0x9d: {  	[sflag:s25] =	ssyncset.done $0x0  }
0x9e: {  	[sflag:s25] =	ssyncadd.s32 $0xFFFFFF80  }
0x9f: {  	[spmem:s2] =	stream.indirect.scatter.add.f32 [tilespmem:s20], [sflag:$0x2], $0x1, s31, s12, $0xb8;
	[tilespmem:$0x1880] =	vst v63  }
0xa0: {  	_ =	swait.ge [sflag:s25], $0x80  }
0xa1: {  	[sflag:s25] =	ssyncset.done $0x0  }
0xa2: {  	[sflag:s25] =	ssyncadd.s32 $0xFFFFFF80  }
0xa3: {  	[spmem:s2] =	stream.indirect.scatter.add.f32 [tilespmem:s22], [sflag:$0x2], $0x1, s1, s12, $0xb8;
	[tilespmem:$0x1880] =	vst v63  }
0xa4: {  	_ =	swait.ge [sflag:s25], $0x80  }
0xa5: {  	[sflag:s25] =	ssyncset.done $0x0  }
0xa6: {  	[sflag:s25] =	ssyncadd.s32 $0xFFFFFF80  }
0xa7: {  	[spmem:s2] =	stream.indirect.scatter.add.f32 [tilespmem:s24], [sflag:$0x2], $0x1, s0, s12, $0xb8;
	[tilespmem:$0x1880] =	vst v63  }
0xa8: {  	_ =	swait.ge [sflag:s5], $0x80  }
0xa9: {  	[sflag:s5] =	ssyncset.done $0x0  }
0xaa: {  	[sflag:s5] =	ssyncadd.s32 $0xFFFFFF80  }
0xab: {  	_ =	swait.ge [sflag:s5], $0x80  }
0xac: {  	[sflag:s5] =	ssyncset.done $0x0  }
0xad: {  	[sflag:s5] =	ssyncadd.s32 $0xFFFFFF80  }
0xae: {  	_ =	swait.ge [sflag:s5], $0x80  }
0xaf: {  	[sflag:s5] =	ssyncset.done $0x0  }
0xb0: {  	[sflag:s5] =	ssyncadd.s32 $0xFFFFFF80  }
0xb1: {  	_ =	swait.ge [sflag:s5], $0x80  }
0xb2: {  	[sflag:s5] =	ssyncset.done $0x0  }
0xb3: {  	[sflag:s5] =	ssyncadd.s32 $0xFFFFFF80  }
0xb4: {  	_ =	swait.ge [sflag:s5], $0x80  }
0xb5: {  	[sflag:s5] =	ssyncset.done $0x0  }
0xb6: {  	[sflag:s5] =	ssyncadd.s32 $0xFFFFFF80  }
0xb7: {  	_ =	swait.ge [sflag:s5], $0x80  }
0xb8: {  	[sflag:s5] =	ssyncset.done $0x0  }
0xb9: {  	p0 =	sne.s32 s6, $0x1800;
	[sflag:s5] =	ssyncadd.s32 $0xFFFFFF80  }
.Ltmp0:
0xba: {  	_ =	swait.ge [sflag:s5], $0x80;
	(pc) =	sbr.rel @p0 .LBB2_2-.Ltmp0, $4  }
0xbb: {  	[sflag:s5] =	ssyncset.done $0x0  }
0xbc: {  	[sflag:s5] =	ssyncadd.s32 $0xFFFFFF80  }
0xbd: {  	_ =	swait.ge [sflag:s5], $0x80  }
0xbe: {  	s6 =	sadd.s32 $0x80, s6;
	s9 =	rddreg [dreg:$0x4];
	[sflag:s5] =	ssyncset.done $0x0  }
0xbf: {  	[sflag:s5] =	ssyncadd.s32 $0xFFFFFF80;
	s6 =	sadd.s32 s8, s9  }
0xc0: {  	[tilespmem:s3], [sflag:$0x3] =	stream.linear.gather [hbm4b:s6+s3], $0x400, $0x38;
	[tilespmem:$0x1880] =	vst v63  }
0xc1: {  	_ =	swait.ge [sflag:s10], $0x400  }
0xc2: {  	s7 =	rddreg [dreg:$0x3];
	[sflag:s10] =	ssyncset.done $0x0  }
0xc3: {  	[sflag:s10] =	ssyncadd.s32 $0xFFFFFC00;
	s6 =	sadd.s32 s8, s7  }
0xc4: {  	[tilespmem:s11], [sflag:$0x3] =	stream.linear.gather [hbm4b:s6+s3], $0x400, $0x38;
	[tilespmem:$0x1880] =	vst v63  }
0xc5: {  	_ =	swait.ge [sflag:s10], $0x400  }
0xc6: {  	[sflag:s10] =	ssyncset.done $0x0  }
0xc7: {  	[sflag:s10] =	ssyncadd.s32 $0xFFFFFC00  }
0xc8: {  	[tilespmem:s13], [sflag:$0x1] =	stream.indirect.gather [hbm4b:s4+s12], $0x1, s3, s12, $0xb8;
	[tilespmem:$0x1880] =	vst v63  }
0xc9: {  	_ = 	snop  }
0xca: {  	[tilespmem:s14], [sflag:$0x1] =	stream.indirect.gather [hbm4b:s4+s12], $0x1, s12, s12, $0xb8;
	[tilespmem:$0x1880] =	vst v63  }
0xcb: {  	s8 =	rddreg [dreg:$0x5]  }
0xcc: {  	[tilespmem:s15], [sflag:$0x1] =	stream.indirect.gather [hbm4b:s4+s12], $0x1, s8, s12, $0xb8;
	[tilespmem:$0x1880] =	vst v63  }
0xcd: {  	s7 =	rddreg [dreg:$0x6]  }
0xce: {  	[tilespmem:s16], [sflag:$0x1] =	stream.indirect.gather [hbm4b:s4+s12], $0x1, s7, s12, $0xb8;
	[tilespmem:$0x1880] =	vst v63  }
0xcf: {  	_ = 	snop  }
0xd0: {  	[tilespmem:s18], [sflag:$0x1] =	stream.indirect.gather [hbm4b:s4+s12], $0x1, s17, s12, $0xb8;
	[tilespmem:$0x1880] =	vst v63  }
0xd1: {  	_ = 	snop  }
0xd2: {  	[tilespmem:s20], [sflag:$0x1] =	stream.indirect.gather [hbm4b:s4+s12], $0x1, s19, s12, $0xb8;
	[tilespmem:$0x1880] =	vst v63  }
0xd3: {  	_ = 	snop  }
0xd4: {  	[tilespmem:s22], [sflag:$0x1] =	stream.indirect.gather [hbm4b:s4+s12], $0x1, s21, s12, $0xb8;
	[tilespmem:$0x1880] =	vst v63  }
0xd5: {  	_ = 	snop  }
0xd6: {  	[tilespmem:s24], [sflag:$0x1] =	stream.indirect.gather [hbm4b:s4+s12], $0x1, s23, s12, $0xb8;
	[tilespmem:$0x1880] =	vst v63  }
0xd7: {  	_ =	swait.ge [sflag:s25], $0x80  }
0xd8: {  	[sflag:s25] =	ssyncset.done $0x0  }
0xd9: {  	[sflag:s25] =	ssyncadd.s32 $0xFFFFFF80  }
0xda: {  	[spmem:s2] =	stream.indirect.scatter.add.f32 [tilespmem:s13], [sflag:$0x2], $0x1, s11, s12, $0xb8;
	[tilespmem:$0x1880] =	vst v63  }
0xdb: {  	_ =	swait.ge [sflag:s25], $0x80  }
0xdc: {  	[sflag:s25] =	ssyncset.done $0x0  }
0xdd: {  	[sflag:s25] =	ssyncadd.s32 $0xFFFFFF80  }
0xde: {  	[spmem:s2] =	stream.indirect.scatter.add.f32 [tilespmem:s14], [sflag:$0x2], $0x1, s26, s12, $0xb8;
	[tilespmem:$0x1880] =	vst v63  }
0xdf: {  	_ =	swait.ge [sflag:s25], $0x80  }
0xe0: {  	[sflag:s25] =	ssyncset.done $0x0  }
0xe1: {  	[sflag:s25] =	ssyncadd.s32 $0xFFFFFF80  }
0xe2: {  	[spmem:s2] =	stream.indirect.scatter.add.f32 [tilespmem:s15], [sflag:$0x2], $0x1, s28, s12, $0xb8;
	[tilespmem:$0x1880] =	vst v63  }
0xe3: {  	_ =	swait.ge [sflag:s25], $0x80  }
0xe4: {  	[sflag:s25] =	ssyncset.done $0x0  }
0xe5: {  	[sflag:s25] =	ssyncadd.s32 $0xFFFFFF80  }
0xe6: {  	[spmem:s2] =	stream.indirect.scatter.add.f32 [tilespmem:s16], [sflag:$0x2], $0x1, s29, s12, $0xb8;
	[tilespmem:$0x1880] =	vst v63  }
0xe7: {  	_ =	swait.ge [sflag:s25], $0x80  }
0xe8: {  	[sflag:s25] =	ssyncset.done $0x0  }
0xe9: {  	[sflag:s25] =	ssyncadd.s32 $0xFFFFFF80  }
0xea: {  	[spmem:s2] =	stream.indirect.scatter.add.f32 [tilespmem:s18], [sflag:$0x2], $0x1, s30, s12, $0xb8;
	[tilespmem:$0x1880] =	vst v63  }
0xeb: {  	_ =	swait.ge [sflag:s25], $0x80  }
0xec: {  	[sflag:s25] =	ssyncset.done $0x0  }
0xed: {  	[sflag:s25] =	ssyncadd.s32 $0xFFFFFF80  }
0xee: {  	[spmem:s2] =	stream.indirect.scatter.add.f32 [tilespmem:s20], [sflag:$0x2], $0x1, s31, s12, $0xb8;
	[tilespmem:$0x1880] =	vst v63  }
0xef: {  	_ =	swait.ge [sflag:s25], $0x80  }
0xf0: {  	[sflag:s25] =	ssyncset.done $0x0  }
0xf1: {  	[sflag:s25] =	ssyncadd.s32 $0xFFFFFF80  }
0xf2: {  	[spmem:s2] =	stream.indirect.scatter.add.f32 [tilespmem:s22], [sflag:$0x2], $0x1, s1, s12, $0xb8;
	[tilespmem:$0x1880] =	vst v63  }
0xf3: {  	_ =	swait.ge [sflag:s25], $0x80  }
0xf4: {  	[sflag:s25] =	ssyncset.done $0x0  }
0xf5: {  	[sflag:s25] =	ssyncadd.s32 $0xFFFFFF80  }
0xf6: {  	[spmem:s2] =	stream.indirect.scatter.add.f32 [tilespmem:s24], [sflag:$0x2], $0x1, s0, s12, $0xb8;
	[tilespmem:$0x1880] =	vst v63  }
0xf7: {  	_ =	swait.ge [sflag:s5], $0x80  }
0xf8: {  	[sflag:s5] =	ssyncset.done $0x0  }
0xf9: {  	[sflag:s5] =	ssyncadd.s32 $0xFFFFFF80  }
0xfa: {  	_ =	swait.ge [sflag:s5], $0x80  }
0xfb: {  	[sflag:s5] =	ssyncset.done $0x0  }
0xfc: {  	[sflag:s5] =	ssyncadd.s32 $0xFFFFFF80  }
0xfd: {  	_ =	swait.ge [sflag:s5], $0x80  }
0xfe: {  	[sflag:s5] =	ssyncset.done $0x0  }
0xff: {  	[sflag:s5] =	ssyncadd.s32 $0xFFFFFF80  }
0x100: {  	_ =	swait.ge [sflag:s5], $0x80  }
0x101: {  	[sflag:s5] =	ssyncset.done $0x0  }
0x102: {  	[sflag:s5] =	ssyncadd.s32 $0xFFFFFF80  }
0x103: {  	_ =	swait.ge [sflag:s5], $0x80  }
0x104: {  	[sflag:s5] =	ssyncset.done $0x0  }
0x105: {  	[sflag:s5] =	ssyncadd.s32 $0xFFFFFF80  }
0x106: {  	_ =	swait.ge [sflag:s5], $0x80  }
0x107: {  	[sflag:s5] =	ssyncset.done $0x0  }
0x108: {  	[sflag:s5] =	ssyncadd.s32 $0xFFFFFF80  }
0x109: {  	_ =	swait.ge [sflag:s5], $0x80  }
0x10a: {  	[sflag:s5] =	ssyncset.done $0x0  }
0x10b: {  	[sflag:s5] =	ssyncadd.s32 $0xFFFFFF80  }
0x10c: {  	_ =	swait.ge [sflag:s5], $0x80  }
0x10d: {  	[sflag:s5] =	ssyncset.done $0x0  }
0x10e: {  	[sflag:s5] =	ssyncadd.s32 $0xFFFFFF80  }
0x10f: {  	[bflag:$0x0] =	sbarrier.arrive $0xFFFF  }
0x110: {  	s7 =	rddreg [dreg:$0x8]  }
0x111: {  	s9 =	rddreg [dreg:$0x9]  }
0x112: {  	s8 =	rddreg [dreg:$0xb]  }
0x113: {  	[hbm:s9], [sflag:s7] =	dma.local [spmem:s8], $0x190  }
0x114: {  	_ =	swait.ge [sflag:s10], $0x190  }
0x115: {  	s6 =	rddreg [dreg:$0xc]  }
0x116: {  	s9 =	sadd.s32 $0x1, s6;
	s6 =	rddreg [dreg:$0xa]  }
0x117: {  	p0 =	sne.s32 s9, s6  }
.Ltmp1:
0x118: {  	_ = 	snop;
	(pc) =	sbr.rel @p0 .LBB2_1-.Ltmp1, $3  }
0x119: {  	_ =	sdelay $0x1  }
0x11a: {  	[sflag:s10] =	ssyncset.done $0x0  }
0x11b: {  	[sflag:s10] =	ssyncadd.s32 $0xFFFFFE70  }
0x11c: {  	_ =	sfence.sel $0x180000  }
0x11d: {  	[bflag:$0x0] =	sbarrier.arrive $0xFFFF  }
0x11e: {  	_ =	strace $0x9000004A  }
0x11f: {  	s0 =	stileid.u32;
	[bflag:$0x2] =	sbarrier.arrive $0xFFFF  }
0x120: {  	p0 =	sne.s32 s0, $0x0;
	s0 =	rddreg [dreg:$0x2]  }
0x121: {  	s0 =	sadd.s32 @!p0 $0x100000, s0  }
0x122: {  	[sflag:s0] =	ssyncadd.tile.s32 @!p0 $0x1;
	_ =	shalt  }
.Lfunc_end2:
_tile_overlayer_lowered:
.L_overlay_start_2:
0x123: {  	(tag) =	ssettag $0x2  }
0x124: {  	s0 =	rddreg [dreg:$0x0];
	s2 =	stileid.u32  }
0x125: {  	s1 =	rddreg [dreg:$0x1];
	p0 =	sne.s32 s2, $0x0  }
0x126: {  	s3 =	rddreg [dreg:$0x2];
	[bflag:$0x3] =	sbarrier.arrive $0xFFFF;
	s2 =	simm.s32 @!p0 $0x1C03  }
0x127: {  	[timem:s3], [sflag:s2] =	dma.local @!p0 [hbm:s0], s1  }
0x128: {  	s0 =	simm.s32 @!p0 $0x3  }
0x129: {  	_ =	swait.ge @!p0 [sflag:s0], s1  }
0x12a: {  	s1 =	ssub.s32 @!p0 $0x0, s1;
	[sflag:s0] =	ssyncset.done @!p0 $0x0  }
0x12b: {  	[sflag:s0] =	ssyncadd.s32 @!p0 s1  }
0x12c: {  	[bflag:$0x3] =	sbarrier.arrive $0xFFFF  }
0x12d: {  	_ =	shalt  }

// kernel: kernel.19.cloned.1.call-start
scs
__scs_entry_jumppad:
0x0: {  	(pc) =	sbr.rel $0x88, $3  }
0x1: {  	(tag) =	ssettag $0x0;
	lr =	simm.s32 $0x1  }
0x2: {  	[smem:$0x3F95] =	sst lr;
	_ =	strace $0xD0000000  }
0x3: {  	_ = 	snop  }
0x4: {  	_ = 	snop  }
0x5: {  	_ = 	snop  }
0x6: {  	_ = 	snop  }
0x7: {  	_ = 	snop  }
__scs_overlays_trampoline_lowered:
0x8: {  	[smem:$0x3FA4] =	sst s0  }
0x9: {  	[smem:$0x3FA5] =	sst s1  }
0xa: {  	[smem:$0x3FA6] =	sst s2  }
0xb: {  	[smem:$0x3FA7] =	sst s3  }
0xc: {  	[smem:$0x3FA8] =	sst s4  }
0xd: {  	[smem:$0x3FA9] =	sst s5  }
0xe: {  	[smem:$0x3FAA] =	sst s6  }
0xf: {  	[smem:$0x3FAB] =	sst s7  }
0x10: {  	[smem:$0x3FAC] =	sst s8  }
0x11: {  	[smem:$0x3FAD] =	sst s9;
	s0 =	simm.s32 @!p0 $0x0  }
0x12: {  	s1 =	sld [smem:$0x3F93];
	s0 =	simm.s32 @p0 $0x1  }
0x13: {  	[smem:$0x3FAE] =	sst s0;
	s0 =	simm.s32 @!p1 $0x0  }
0x14: {  	s2 =	sld [smem:$0x3F92];
	s0 =	simm.s32 @p1 $0x1  }
0x15: {  	[smem:$0x3FAF] =	sst s0;
	s0 =	simm.s32 @!p2 $0x0  }
0x16: {  	s3 =	sld [smem:$0x3FDB];
	s0 =	simm.s32 @p2 $0x1  }
0x17: {  	s4 =	simm.s32 $0x1BF5;
	[smem:$0x3FB1] =	sst s0  }
0x18: {  	s0 =	sld [smem:$0x3F94];
	_ =	swait.ge [sflag:s4], $0x0  }
0x19: {  	s7 =	sld [smem:$0x3F95]  }
0x1a: {  	s8 =	sadd.s32 $0xFFFFE003, lr  }
0x1b: {  	s9 =	sadd.s32 $0xFFFFFEF7, lr;
	s5 =	simm.s32 $0xFFFFFFFF;
	p2 =	slt.u32 s8, $0xFFFFF086  }
0x1c: {  	p1 =	slt.u32 s9, $0xF7A;
	s5 =	simm.s32 @!p2 $0x0  }
0x1d: {  	s5 =	simm.s32 @p1 $0x1;
	p0 =	seq.s32 s7, s2  }
0x1e: {  	s7 =	smul.u32 @!p0 $0xF7A, s2;
	p2 =	seq.s32 @!p0 s5, $0x0  }
0x1f: {  	s9 =	smul.u32 $0xF7A, s1;
	s8 =	simm.s32 @!p0 $0x1BF5;
	p2 =	por !p2, p0  }
0x20: {  	[sflag:s8] =	ssyncset.s32 @!p0 $0xFFFFF086;
	s6 =	sadd.s32 @!p0 s3, s7;
	s7 =	simm.s32 @!p0 $0x108  }
0x21: {  	s3 =	sadd.s32 s3, s9;
	s6 =	sadd.s32 @!p0 $0x88, s6;
	s7 =	simm.s32 @p2 $0x1082  }
0x22: {  	[simem:s7], [sflag:s8] =	dma.local @!p0 [hbm:s6], $0xF7A  }
0x23: {  	s9 =	sor.u32 $0xD0000000, s2;
	s6 =	simm.s32 $0x108;
	_ =	swait.ge @!p0 [sflag:s8], $0x0  }
0x24: {  	s3 =	sadd.s32 $0x88, s3;
	s6 =	simm.s32 @!p1 $0x1082;
	[sflag:s4] =	ssyncset.s32 $0xFFFFF086  }
0x25: {  	[simem:s6], [sflag:s4] =	dma.local [hbm:s3], $0xF7A  }
0x26: {  	[smem:$0x3F95] =	sst s1;
	(tag) =	ssettag s2;
	_ =	strace s9  }
0x27: {  	s1 =	sld [smem:$0x3FA5]  }
0x28: {  	s2 =	sld [smem:$0x3FA6]  }
0x29: {  	s4 =	sld [smem:$0x3FA8]  }
0x2a: {  	p0 =	seq.s32 s5, $0x0;
	s5 =	sld [smem:$0x3FA9]  }
0x2b: {  	s6 =	sld [smem:$0x3FAA]  }
0x2c: {  	s7 =	sld [smem:$0x3FAB]  }
0x2d: {  	s3 =	simm.s32 $0x108;
	s8 =	sld [smem:$0x3FAC]  }
0x2e: {  	s3 =	simm.s32 @!p0 $0x1082;
	s9 =	sld [smem:$0x3FAD]  }
0x2f: {  	lr =	sadd.s32 s0, s3;
	s0 =	sld [smem:$0x3FA4]  }
0x30: {  	s3 =	sld [smem:$0x3FA7]  }
0x31: {  	[smem:$0x3FB0] =	sst s10  }
0x32: {  	s10 =	sld [smem:$0x3FAE];
	_ =	sdelay $0x3  }
0x33: {  	p0 =	seq.s32 s10, $0x1;
	s10 =	sld [smem:$0x3FB0];
	_ =	sdelay $0x3  }
0x34: {  	[smem:$0x3FB0] =	sst s10  }
0x35: {  	s10 =	sld [smem:$0x3FAF];
	_ =	sdelay $0x3  }
0x36: {  	p1 =	seq.s32 s10, $0x1;
	s10 =	sld [smem:$0x3FB0];
	_ =	sdelay $0x3  }
0x37: {  	[smem:$0x3FB0] =	sst s10  }
0x38: {  	s10 =	sld [smem:$0x3FB1]  }
0x39: {  	_ = 	snop;
	(pc) =	sbr.ind lr, $3  }
0x3a: {  	_ = 	snop  }
0x3b: {  	_ = 	snop  }
0x3c: {  	p2 =	seq.s32 s10, $0x1;
	s10 =	sld [smem:$0x3FB0]  }
0x3d: {  	_ =	shalt  }
0x3e: {  	_ =	shalt  }
0x3f: {  	_ =	shalt  }
0x40: {  	_ =	shalt  }
0x41: {  	_ =	shalt  }
0x42: {  	_ =	shalt  }
0x43: {  	_ =	shalt  }
0x44: {  	_ =	shalt  }
0x45: {  	_ =	shalt  }
0x46: {  	_ =	shalt  }
0x47: {  	_ =	shalt  }
0x48: {  	_ =	shalt  }
0x49: {  	_ =	shalt  }
0x4a: {  	_ =	shalt  }
0x4b: {  	_ =	shalt  }
0x4c: {  	_ =	shalt  }
0x4d: {  	_ =	shalt  }
0x4e: {  	_ =	shalt  }
0x4f: {  	_ =	shalt  }
0x50: {  	_ =	shalt  }
0x51: {  	_ =	shalt  }
0x52: {  	_ =	shalt  }
0x53: {  	_ =	shalt  }
0x54: {  	_ =	shalt  }
0x55: {  	_ =	shalt  }
0x56: {  	_ =	shalt  }
0x57: {  	_ =	shalt  }
0x58: {  	_ =	shalt  }
0x59: {  	_ =	shalt  }
0x5a: {  	_ =	shalt  }
0x5b: {  	_ =	shalt  }
0x5c: {  	_ =	shalt  }
0x5d: {  	_ =	shalt  }
0x5e: {  	_ =	shalt  }
0x5f: {  	_ =	shalt  }
0x60: {  	_ =	shalt  }
0x61: {  	_ =	shalt  }
0x62: {  	_ =	shalt  }
0x63: {  	_ =	shalt  }
0x64: {  	_ =	shalt  }
0x65: {  	_ =	shalt  }
0x66: {  	_ =	shalt  }
0x67: {  	_ =	shalt  }
0x68: {  	_ =	shalt  }
0x69: {  	_ =	shalt  }
0x6a: {  	_ =	shalt  }
0x6b: {  	_ =	shalt  }
0x6c: {  	_ =	shalt  }
0x6d: {  	_ =	shalt  }
0x6e: {  	_ =	shalt  }
0x6f: {  	_ =	shalt  }
0x70: {  	_ =	shalt  }
0x71: {  	_ =	shalt  }
0x72: {  	_ =	shalt  }
0x73: {  	_ =	shalt  }
0x74: {  	_ =	shalt  }
0x75: {  	_ =	shalt  }
0x76: {  	_ =	shalt  }
0x77: {  	_ =	shalt  }
0x78: {  	_ =	shalt  }
0x79: {  	_ =	shalt  }
0x7a: {  	_ =	shalt  }
0x7b: {  	_ =	shalt  }
0x7c: {  	_ =	shalt  }
0x7d: {  	_ =	shalt  }
0x7e: {  	_ =	shalt  }
0x7f: {  	_ =	shalt  }
0x80: {  	_ =	shalt  }
0x81: {  	_ =	shalt  }
0x82: {  	_ =	shalt  }
0x83: {  	_ =	shalt  }
0x84: {  	_ =	shalt  }
0x85: {  	_ =	shalt  }
0x86: {  	_ =	shalt  }
0x87: {  	_ =	shalt  }
.Lfunc_end0:
.L_simem_size_0:
called_computation.2_lowered:
.L_overlay_start_0:
0x88: {  	s2 =	sld [smem:$0x3FD9]  }
0x89: {  	s3 =	sld [smem:$0x3FFE];
	_ =	sdelay $0x1  }
0x8a: {  	s1 =	srdreg.scid  }
0x8b: {  	s0 =	sand.u32 $0x1, s1  }
0x8c: {  	s17 =	sshll.u32 s0, $0xA;
	s2 =	sadd.s32 s3, s2  }
0x8d: {  	s2 =	sadd.s32 s2, s17  }
0x8e: {  	[smem:$0x3FBC] =	sst s2  }
0x8f: {  	_ = 	snop  }
0x90: {  	(tm) =	ssettm $0x1  }
0x91: {  	s18 =	sld [smem:$0x3FFB];
	_ =	sdelay $0x3  }
0x92: {  	_ =	strace s18  }
0x93: {  	s2 =	sld [smem:$0x3FFC];
	_ =	sdelay $0x3  }
0x94: {  	_ =	strace s2  }
0x95: {  	s2 =	sld [smem:$0x3FFD];
	_ =	sdelay $0x3  }
0x96: {  	_ =	strace s2  }
0x97: {  	_ =	strace $0x8FFFFFFF  }
0x98: {  	s19 =	sld [smem:$0x3FDB];
	_ =	sdelay $0x1  }
0x99: {  	s20 =	simm.s32 $_scs_section_size  }
0x9a: {  	s4 =	simm.s32 $_size__tile_overlayer_lowered;
	s5 =	simm.s32 $_tile_overlayer_lowered  }
0x9b: {  	s6 =	simm.s32 $0x1BFF;
	s21 =	sshll.u32 s5, $0x1;
	s3 =	sadd.s32 s20, s19  }
0x9c: {  	s22 =	simm.s32 $0x0;
	s4 =	sshll.u32 s4, $0x1;
	s5 =	sadd.s32 s21, s3  }
0x9d: {  	[timem:s22], [sflag:s6] =	dma.local [hbm:s5], s4  }
0x9e: {  	_ =	swait.ge [sflag:s6], s4  }
0x9f: {  	s4 =	ssub.s32 $0x0, s4;
	[sflag:s6] =	ssyncset.done $0x0  }
0xa0: {  	[sflag:s6] =	ssyncadd.s32 s4;
	_ =	sdelay $0x1  }
0xa1: {  	s23 =	simm.s32 $0x1B8B  }
0xa2: {  	_ =	swait.ge [sflag:s23], $0x1  }
0xa3: {  	[sflag:s23] =	ssyncset.done $0x0  }
0xa4: {  	[sflag:s23] =	ssyncadd.s32 $0xFFFFFFFF  }
0xa5: {  	s4 =	sld [smem:$0x0]  }
0xa6: {  	s5 =	sand.u32 $0xFFFFFFFE, s1  }
0xa7: {  	p0 =	sne.s32 s1, s5  }
0xa8: {  	s5 =	sshll.u32 @p0 s5, $0xE  }
0xa9: {  	s5 =	sadd.s32 @p0 $0x11B8D, s5;
	s6 =	sshll.u32 @p0 s4, $0x11  }
0xaa: {  	s5 =	sor.u32 @p0 s6, s5  }
0xab: {  	[sflag:s5] =	ssyncadd.remote.s32 @p0 $0x1;
	_ =	sdelay $0x1  }
0xac: {  	s5 =	simm.s32 @p0 $0x1B8D  }
0xad: {  	_ =	swait.eq @p0 [sflag:s5], $0x1  }
0xae: {  	[sflag:s5] =	ssyncadd.s32 @p0 $0xFFFFFFFF  }
0xaf: {  	s6 =	sshll.u32 @!p0 s1, $0xE  }
0xb0: {  	s6 =	sor.u32 @!p0 $0x4000, s6;
	s5 =	simm.s32 @!p0 $0x1B8D  }
0xb1: {  	s4 =	sshll.u32 @!p0 s4, $0x11;
	s6 =	sadd.s32 @!p0 $0x11B8D, s6;
	_ =	swait.eq @!p0 [sflag:s5], $0x1  }
0xb2: {  	s4 =	sor.u32 @!p0 s4, s6;
	[sflag:s5] =	ssyncadd.s32 @!p0 $0xFFFFFFFF  }
0xb3: {  	s25 =	simm.s32 $0x1B8E;
	s24 =	sld [smem:$0x3FFE];
	[sflag:s4] =	ssyncadd.remote.s32 @!p0 $0x1  }
0xb4: {  	s26 =	simm.s32 $execute0_lowered;
	[smem:$0x3FD2] =	sst s25  }
0xb5: {  	s5 =	sshll.u32 s26, $0x1;
	_ =	strace $0x8000004F;
	[dreg:$0x1] =	wrdreg $0xFFFFFFFF  }
0xb6: {  	s28 =	simm.s32 $_size_execute0_lowered;
	s3 =	sadd.s32 s3, s5;
	[dreg:$0x0] =	wrdreg $0x0  }
0xb7: {  	s5 =	sshll.u32 s28, $0x1;
	[dreg:$0x2] =	wrdreg s3  }
0xb8: {  	[dreg:$0x3] =	wrdreg s5  }
0xb9: {  	[dreg:$0x4] =	wrdreg $0xC0  }
0xba: {  	_ =	task [dreg:s22], $0x5FFFF  }
0xbb: {  	[dreg:$0x1] =	wrdreg $0xFFFFFFFF  }
0xbc: {  	[dreg:$0x0] =	wrdreg $0x60  }
0xbd: {  	[dreg:$0x2] =	wrdreg s24  }
0xbe: {  	[dreg:$0x3] =	wrdreg $0x48000  }
0xbf: {  	[dreg:$0x4] =	wrdreg $0x9  }
0xc0: {  	_ =	task.clear_ibuf [dreg:s22], $0x5FFFF;
	_ =	strace $0x9000004F  }
0xc1: {  	s29 =	simm.s32 $0x9;
	_ =	strace $0x80000051  }
0xc2: {  	_ =	swait.ge [sflag:s29], $0x1  }
0xc3: {  	[sflag:s29] =	ssyncadd.s32 $0xFFFFFFFF  }
0xc4: {  	_ =	strace $0x90000051  }
0xc5: {  	_ =	sfence  }
0xc6: {  	s30 =	sld [smem:$0x0];
	_ =	sdelay $0x2  }
0xc7: {  	s31 =	sshll.u32 s1, $0xD;
	s1 =	sshrl.u32 s1, $0x2  }
0xc8: {  	s4 =	sand.u32 $0x4000, s31;
	s1 =	sadd.s32 s1, s30  }
0xc9: {  	s0 =	sor.u32 s4, s0;
	s1 =	sshll.u32 s1, $0x11  }
0xca: {  	s0 =	sor.u32 s1, s0  }
0xcb: {  	s0 =	sadd.s32 $0x8F2B, s0  }
0xcc: {  	[sflag:s0] =	ssyncadd.remote.s32 $0x1  }
0xcd: {  	_ =	sfence.sel $0xFFFF  }
0xce: {  	[dreg:$0x0] =	wrdreg $0xFFFFFFFF;
	(pc) =	sbr.abs _section_cstart, $3  }
0xcf: {  	[dreg:$0x1] =	wrdreg $0xFFFFFFFF  }
0xd0: {  	_ =	task.clear_ibuf [dreg:s22], $0x2FFFF;
	_ =	strace $0x9FFFFFFF  }
0xd1: {  	(tm) =	ssettm $0x7FFFFFFF  }
tec
execute0_lowered:
.L_overlay_start_1:
0x0: {  	(tag) =	ssettag $0x1  }
0x1: {  	s0 =	srdreg.scid  }
0x2: {  	s10 =	stileid.u32;
	s1 =	rddreg [dreg:$0x0]  }
0x3: {  	s2 =	rddreg [dreg:$0x1];
	s3 =	simm.s32 $0x0;
	s11 =	simm.s32 $0x400  }
0x4: {  	s12 =	simm.s32 $0x80;
	s13 =	simm.s32 $0x800;
	s25 =	simm.s32 $0x100  }
0x5: {  	s14 =	simm.s32 $0x1000;
	s26 =	simm.s32 $0x180;
	s15 =	simm.s32 $0x1800  }
0x6: {  	s16 =	simm.s32 $0x2000;
	s17 =	simm.s32 $0x200;
	s18 =	simm.s32 $0x2800  }
0x7: {  	s19 =	simm.s32 $0x280;
	s20 =	simm.s32 $0x3000;
	s28 =	simm.s32 $0x500  }
0x8: {  	s29 =	simm.s32 $0x580;
	s30 =	simm.s32 $0x600;
	s4 =	smul.u32 $0x18800, s10  }
0x9: {  	s31 =	simm.s32 $0x680;
	s0 =	sand.u32 $0x1, s0;
	s21 =	smul.u32 $0xC800, s10  }
0xa: {  	[smem:$0x7FF] =	sst s3;
	s23 =	sshll.u32 s10, $0x6;
	s10 =	simm.s32 $0x3  }
0xb: {  	s5 =	smul.u32 $0xC400, s0;
	_ =	strace $0x80000050;
	[dreg:$0x5] =	wrdreg s25  }
0xc: {  	s7 =	smul.u32 $0xC8000, s0;
	s0 =	ssub.s32 $0x2, s0;
	[dreg:$0x6] =	wrdreg s26  }
0xd: {  	s25 =	simm.s32 $0x1;
	s26 =	simm.s32 $0x480;
	s8 =	sshrl.u32 s21, $0x3  }
0xe: {  	s9 =	sshrl.u32 s0, $0x1;
	s4 =	sadd.s32 s5, s4;
	s7 =	sadd.s32 s21, s7  }
0xf: {  	s8 =	sadd.s32 s8, s1;
	s0 =	ssub.s32 s0, s9;
	s5 =	sadd.s32 s21, s2  }
0x10: {  	s21 =	simm.s32 $0x300;
	s9 =	simm.s32 $0x0;
	s6 =	sshrl.u32 s4, $0x3  }
0x11: {  	s4 =	sadd.s32 $0x196000, s1;
	s7 =	sshrl.u32 s7, $0x3;
	s22 =	sadd.s32 $0x14B000, s8  }
0x12: {  	s0 =	smax.u32 s0, $0x1;
	s8 =	sshrl.u32 s5, $0x3;
	[dreg:$0x7] =	wrdreg s22  }
0x13: {  	s5 =	simm.s32 $0x2;
	s6 =	sadd.s32 s6, s1;
	[dreg:$0xa] =	wrdreg s0  }
0x14: {  	s1 =	sadd.s32 s7, s1;
	s7 =	sor.u32 $0x1C03, s23;
	[dreg:$0xb] =	wrdreg s8  }
0x15: {  	s22 =	simm.s32 $0x3800;
	s24 =	sadd.s32 $0x3400, s6;
	[dreg:$0x8] =	wrdreg s7  }
0x16: {  	s23 =	simm.s32 $0x380;
	s1 =	sadd.s32 $0x1AF000, s1;
	[dreg:$0x3] =	wrdreg s24  }
0x17: {  	s0 =	simm.s32 $0x780;
	s6 =	sadd.s32 $0x101000, s6;
	[dreg:$0x9] =	wrdreg s1  }
0x18: {  	[dreg:$0x4] =	wrdreg s6;
	s24 =	simm.s32 $0x4000;
	s1 =	simm.s32 $0x700  }
.LBB2_1:
0x19: {  	[dreg:$0xc] =	wrdreg s9  }
0x1a: {  	s6 =	rddreg [dreg:$0x7]  }
0x1b: {  	[spmem:s8], [sflag:s7] =	dma.local [hbm:s6], $0x1900  }
0x1c: {  	_ =	swait.ge [sflag:s10], $0x1900  }
0x1d: {  	[sflag:s10] =	ssyncset.done $0x0  }
0x1e: {  	[sflag:s10] =	ssyncadd.s32 $0xFFFFE700  }
0x1f: {  	[bflag:$0x0] =	sbarrier.arrive $0xFFFF  }
0x20: {  	s9 =	rddreg [dreg:$0x4]  }
0x21: {  	s6 =	sadd.s32 $0x0, s9  }
0x22: {  	[tilespmem:s3], [sflag:$0x3] =	stream.linear.gather [hbm4b:s6+s3], $0x400, $0x38;
	[tilespmem:$0x11000] =	vst v63  }
0x23: {  	_ =	swait.ge [sflag:s10], $0x400  }
0x24: {  	s7 =	rddreg [dreg:$0x3];
	[sflag:s10] =	ssyncset.done $0x0  }
0x25: {  	[sflag:s10] =	ssyncadd.s32 $0xFFFFFC00;
	s6 =	sadd.s32 $0x0, s7  }
0x26: {  	[tilespmem:s11], [sflag:$0x3] =	stream.linear.gather [hbm4b:s6+s3], $0x400, $0x38;
	[tilespmem:$0x11000] =	vst v63  }
0x27: {  	_ =	swait.ge [sflag:s10], $0x400  }
0x28: {  	[sflag:s10] =	ssyncset.done $0x0  }
0x29: {  	[sflag:s10] =	ssyncadd.s32 $0xFFFFFC00  }
0x2a: {  	[tilespmem:s13], [sflag:$0x1] =	stream.indirect.gather [hbm4b:s4+s12], $0x10, s3, s12, $0xb8;
	[tilespmem:$0x11000] =	vst v63  }
0x2b: {  	_ = 	snop  }
0x2c: {  	[tilespmem:s14], [sflag:$0x1] =	stream.indirect.gather [hbm4b:s4+s12], $0x10, s12, s12, $0xb8;
	[tilespmem:$0x11000] =	vst v63  }
0x2d: {  	s8 =	rddreg [dreg:$0x5]  }
0x2e: {  	[tilespmem:s15], [sflag:$0x1] =	stream.indirect.gather [hbm4b:s4+s12], $0x10, s8, s12, $0xb8;
	[tilespmem:$0x11000] =	vst v63  }
0x2f: {  	s9 =	rddreg [dreg:$0x6]  }
0x30: {  	[tilespmem:s16], [sflag:$0x1] =	stream.indirect.gather [hbm4b:s4+s12], $0x10, s9, s12, $0xb8;
	[tilespmem:$0x11000] =	vst v63  }
0x31: {  	_ = 	snop  }
0x32: {  	[tilespmem:s18], [sflag:$0x1] =	stream.indirect.gather [hbm4b:s4+s12], $0x10, s17, s12, $0xb8;
	[tilespmem:$0x11000] =	vst v63  }
0x33: {  	_ = 	snop  }
0x34: {  	[tilespmem:s20], [sflag:$0x1] =	stream.indirect.gather [hbm4b:s4+s12], $0x10, s19, s12, $0xb8;
	[tilespmem:$0x11000] =	vst v63  }
0x35: {  	_ = 	snop  }
0x36: {  	[tilespmem:s22], [sflag:$0x1] =	stream.indirect.gather [hbm4b:s4+s12], $0x10, s21, s12, $0xb8;
	[tilespmem:$0x11000] =	vst v63  }
0x37: {  	_ = 	snop  }
0x38: {  	[tilespmem:s24], [sflag:$0x1] =	stream.indirect.gather [hbm4b:s4+s12], $0x10, s23, s12, $0xb8;
	[tilespmem:$0x11000] =	vst v63  }
0x39: {  	_ =	swait.ge [sflag:s25], $0x800  }
0x3a: {  	[sflag:s25] =	ssyncset.done $0x0  }
0x3b: {  	[sflag:s25] =	ssyncadd.s32 $0xFFFFF800  }
0x3c: {  	[spmem:s2] =	stream.indirect.scatter.add.f32 [tilespmem:s13], [sflag:$0x2], $0x10, s11, s12, $0xb8;
	[tilespmem:$0x11000] =	vst v63  }
0x3d: {  	_ =	swait.ge [sflag:s25], $0x800  }
0x3e: {  	[sflag:s25] =	ssyncset.done $0x0  }
0x3f: {  	[sflag:s25] =	ssyncadd.s32 $0xFFFFF800  }
0x40: {  	[spmem:s2] =	stream.indirect.scatter.add.f32 [tilespmem:s14], [sflag:$0x2], $0x10, s26, s12, $0xb8;
	[tilespmem:$0x11000] =	vst v63  }
0x41: {  	_ =	swait.ge [sflag:s25], $0x800  }
0x42: {  	[sflag:s25] =	ssyncset.done $0x0  }
0x43: {  	[sflag:s25] =	ssyncadd.s32 $0xFFFFF800  }
0x44: {  	[spmem:s2] =	stream.indirect.scatter.add.f32 [tilespmem:s15], [sflag:$0x2], $0x10, s28, s12, $0xb8;
	[tilespmem:$0x11000] =	vst v63  }
0x45: {  	_ =	swait.ge [sflag:s25], $0x800  }
0x46: {  	[sflag:s25] =	ssyncset.done $0x0  }
0x47: {  	[sflag:s25] =	ssyncadd.s32 $0xFFFFF800  }
0x48: {  	[spmem:s2] =	stream.indirect.scatter.add.f32 [tilespmem:s16], [sflag:$0x2], $0x10, s29, s12, $0xb8;
	[tilespmem:$0x11000] =	vst v63  }
0x49: {  	_ =	swait.ge [sflag:s25], $0x800  }
0x4a: {  	[sflag:s25] =	ssyncset.done $0x0  }
0x4b: {  	[sflag:s25] =	ssyncadd.s32 $0xFFFFF800  }
0x4c: {  	[spmem:s2] =	stream.indirect.scatter.add.f32 [tilespmem:s18], [sflag:$0x2], $0x10, s30, s12, $0xb8;
	[tilespmem:$0x11000] =	vst v63  }
0x4d: {  	_ =	swait.ge [sflag:s25], $0x800  }
0x4e: {  	[sflag:s25] =	ssyncset.done $0x0  }
0x4f: {  	[sflag:s25] =	ssyncadd.s32 $0xFFFFF800  }
0x50: {  	[spmem:s2] =	stream.indirect.scatter.add.f32 [tilespmem:s20], [sflag:$0x2], $0x10, s31, s12, $0xb8;
	[tilespmem:$0x11000] =	vst v63  }
0x51: {  	_ =	swait.ge [sflag:s25], $0x800  }
0x52: {  	[sflag:s25] =	ssyncset.done $0x0  }
0x53: {  	[sflag:s25] =	ssyncadd.s32 $0xFFFFF800  }
0x54: {  	[spmem:s2] =	stream.indirect.scatter.add.f32 [tilespmem:s22], [sflag:$0x2], $0x10, s1, s12, $0xb8;
	[tilespmem:$0x11000] =	vst v63  }
0x55: {  	_ =	swait.ge [sflag:s25], $0x800  }
0x56: {  	[sflag:s25] =	ssyncset.done $0x0  }
0x57: {  	[sflag:s25] =	ssyncadd.s32 $0xFFFFF800  }
0x58: {  	[spmem:s2] =	stream.indirect.scatter.add.f32 [tilespmem:s24], [sflag:$0x2], $0x10, s0, s12, $0xb8;
	[tilespmem:$0x11000] =	vst v63  }
0x59: {  	_ =	swait.ge [sflag:s5], $0x800  }
0x5a: {  	[sflag:s5] =	ssyncset.done $0x0  }
0x5b: {  	[sflag:s5] =	ssyncadd.s32 $0xFFFFF800  }
0x5c: {  	_ =	swait.ge [sflag:s5], $0x800  }
0x5d: {  	[sflag:s5] =	ssyncset.done $0x0  }
0x5e: {  	[sflag:s5] =	ssyncadd.s32 $0xFFFFF800  }
0x5f: {  	_ =	swait.ge [sflag:s5], $0x800  }
0x60: {  	[sflag:s5] =	ssyncset.done $0x0  }
0x61: {  	[sflag:s5] =	ssyncadd.s32 $0xFFFFF800  }
0x62: {  	_ =	swait.ge [sflag:s5], $0x800  }
0x63: {  	[sflag:s5] =	ssyncset.done $0x0  }
0x64: {  	[sflag:s5] =	ssyncadd.s32 $0xFFFFF800  }
0x65: {  	_ =	swait.ge [sflag:s5], $0x800  }
0x66: {  	[sflag:s5] =	ssyncset.done $0x0  }
0x67: {  	[sflag:s5] =	ssyncadd.s32 $0xFFFFF800  }
0x68: {  	_ =	swait.ge [sflag:s5], $0x800  }
0x69: {  	[sflag:s5] =	ssyncset.done $0x0  }
0x6a: {  	[sflag:s5] =	ssyncadd.s32 $0xFFFFF800  }
0x6b: {  	_ =	swait.ge [sflag:s5], $0x800  }
0x6c: {  	[sflag:s5] =	ssyncset.done $0x0  }
0x6d: {  	[sflag:s5] =	ssyncadd.s32 $0xFFFFF800  }
0x6e: {  	s6 =	simm.s32 $0x100;
	_ =	swait.ge [sflag:s5], $0x800  }
0x6f: {  	s8 =	simm.s32 $0x80;
	s9 =	rddreg [dreg:$0x4];
	[sflag:s5] =	ssyncset.done $0x0  }
.LBB2_2:
0x70: {  	[sflag:s5] =	ssyncadd.s32 $0xFFFFF800;
	s9 =	sadd.s32 s8, s9  }
0x71: {  	[tilespmem:s3], [sflag:$0x3] =	stream.linear.gather [hbm4b:s9+s3], $0x400, $0x38;
	[tilespmem:$0x11000] =	vst v63  }
0x72: {  	_ =	swait.ge [sflag:s10], $0x400  }
0x73: {  	s9 =	rddreg [dreg:$0x3];
	[sflag:s10] =	ssyncset.done $0x0  }
0x74: {  	[sflag:s10] =	ssyncadd.s32 $0xFFFFFC00;
	s9 =	sadd.s32 s8, s9  }
0x75: {  	[tilespmem:s11], [sflag:$0x3] =	stream.linear.gather [hbm4b:s9+s3], $0x400, $0x38;
	[tilespmem:$0x11000] =	vst v63  }
0x76: {  	_ =	swait.ge [sflag:s10], $0x400  }
0x77: {  	[sflag:s10] =	ssyncset.done $0x0  }
0x78: {  	[sflag:s10] =	ssyncadd.s32 $0xFFFFFC00  }
0x79: {  	[tilespmem:s13], [sflag:$0x1] =	stream.indirect.gather [hbm4b:s4+s12], $0x10, s3, s12, $0xb8;
	[tilespmem:$0x11000] =	vst v63  }
0x7a: {  	s7 =	smov.u32 s6  }
0x7b: {  	[tilespmem:s14], [sflag:$0x1] =	stream.indirect.gather [hbm4b:s4+s12], $0x10, s12, s12, $0xb8;
	[tilespmem:$0x11000] =	vst v63  }
0x7c: {  	s8 =	smov.u32 s7;
	s7 =	rddreg [dreg:$0x5]  }
0x7d: {  	[tilespmem:s15], [sflag:$0x1] =	stream.indirect.gather [hbm4b:s4+s12], $0x10, s7, s12, $0xb8;
	[tilespmem:$0x11000] =	vst v63  }
0x7e: {  	s9 =	rddreg [dreg:$0x6]  }
0x7f: {  	[tilespmem:s16], [sflag:$0x1] =	stream.indirect.gather [hbm4b:s4+s12], $0x10, s9, s12, $0xb8;
	[tilespmem:$0x11000] =	vst v63  }
0x80: {  	_ = 	snop  }
0x81: {  	[tilespmem:s18], [sflag:$0x1] =	stream.indirect.gather [hbm4b:s4+s12], $0x10, s17, s12, $0xb8;
	[tilespmem:$0x11000] =	vst v63  }
0x82: {  	_ = 	snop  }
0x83: {  	[tilespmem:s20], [sflag:$0x1] =	stream.indirect.gather [hbm4b:s4+s12], $0x10, s19, s12, $0xb8;
	[tilespmem:$0x11000] =	vst v63  }
0x84: {  	_ = 	snop  }
0x85: {  	[tilespmem:s22], [sflag:$0x1] =	stream.indirect.gather [hbm4b:s4+s12], $0x10, s21, s12, $0xb8;
	[tilespmem:$0x11000] =	vst v63  }
0x86: {  	_ = 	snop  }
0x87: {  	[tilespmem:s24], [sflag:$0x1] =	stream.indirect.gather [hbm4b:s4+s12], $0x10, s23, s12, $0xb8;
	[tilespmem:$0x11000] =	vst v63  }
0x88: {  	_ =	swait.ge [sflag:s25], $0x800  }
0x89: {  	[sflag:s25] =	ssyncset.done $0x0  }
0x8a: {  	[sflag:s25] =	ssyncadd.s32 $0xFFFFF800  }
0x8b: {  	[spmem:s2] =	stream.indirect.scatter.add.f32 [tilespmem:s13], [sflag:$0x2], $0x10, s11, s12, $0xb8;
	[tilespmem:$0x11000] =	vst v63  }
0x8c: {  	_ =	swait.ge [sflag:s25], $0x800  }
0x8d: {  	[sflag:s25] =	ssyncset.done $0x0  }
0x8e: {  	[sflag:s25] =	ssyncadd.s32 $0xFFFFF800  }
0x8f: {  	[spmem:s2] =	stream.indirect.scatter.add.f32 [tilespmem:s14], [sflag:$0x2], $0x10, s26, s12, $0xb8;
	[tilespmem:$0x11000] =	vst v63  }
0x90: {  	_ =	swait.ge [sflag:s25], $0x800  }
0x91: {  	[sflag:s25] =	ssyncset.done $0x0  }
0x92: {  	[sflag:s25] =	ssyncadd.s32 $0xFFFFF800  }
0x93: {  	[spmem:s2] =	stream.indirect.scatter.add.f32 [tilespmem:s15], [sflag:$0x2], $0x10, s28, s12, $0xb8;
	[tilespmem:$0x11000] =	vst v63  }
0x94: {  	_ =	swait.ge [sflag:s25], $0x800  }
0x95: {  	[sflag:s25] =	ssyncset.done $0x0  }
0x96: {  	[sflag:s25] =	ssyncadd.s32 $0xFFFFF800  }
0x97: {  	[spmem:s2] =	stream.indirect.scatter.add.f32 [tilespmem:s16], [sflag:$0x2], $0x10, s29, s12, $0xb8;
	[tilespmem:$0x11000] =	vst v63  }
0x98: {  	_ =	swait.ge [sflag:s25], $0x800  }
0x99: {  	[sflag:s25] =	ssyncset.done $0x0  }
0x9a: {  	[sflag:s25] =	ssyncadd.s32 $0xFFFFF800  }
0x9b: {  	[spmem:s2] =	stream.indirect.scatter.add.f32 [tilespmem:s18], [sflag:$0x2], $0x10, s30, s12, $0xb8;
	[tilespmem:$0x11000] =	vst v63  }
0x9c: {  	_ =	swait.ge [sflag:s25], $0x800  }
0x9d: {  	[sflag:s25] =	ssyncset.done $0x0  }
0x9e: {  	[sflag:s25] =	ssyncadd.s32 $0xFFFFF800  }
0x9f: {  	[spmem:s2] =	stream.indirect.scatter.add.f32 [tilespmem:s20], [sflag:$0x2], $0x10, s31, s12, $0xb8;
	[tilespmem:$0x11000] =	vst v63  }
0xa0: {  	_ =	swait.ge [sflag:s25], $0x800  }
0xa1: {  	[sflag:s25] =	ssyncset.done $0x0  }
0xa2: {  	[sflag:s25] =	ssyncadd.s32 $0xFFFFF800  }
0xa3: {  	[spmem:s2] =	stream.indirect.scatter.add.f32 [tilespmem:s22], [sflag:$0x2], $0x10, s1, s12, $0xb8;
	[tilespmem:$0x11000] =	vst v63  }
0xa4: {  	_ =	swait.ge [sflag:s25], $0x800  }
0xa5: {  	[sflag:s25] =	ssyncset.done $0x0  }
0xa6: {  	[sflag:s25] =	ssyncadd.s32 $0xFFFFF800  }
0xa7: {  	[spmem:s2] =	stream.indirect.scatter.add.f32 [tilespmem:s24], [sflag:$0x2], $0x10, s0, s12, $0xb8;
	[tilespmem:$0x11000] =	vst v63  }
0xa8: {  	_ =	swait.ge [sflag:s5], $0x800  }
0xa9: {  	[sflag:s5] =	ssyncset.done $0x0  }
0xaa: {  	[sflag:s5] =	ssyncadd.s32 $0xFFFFF800  }
0xab: {  	_ =	swait.ge [sflag:s5], $0x800  }
0xac: {  	[sflag:s5] =	ssyncset.done $0x0  }
0xad: {  	[sflag:s5] =	ssyncadd.s32 $0xFFFFF800  }
0xae: {  	_ =	swait.ge [sflag:s5], $0x800  }
0xaf: {  	[sflag:s5] =	ssyncset.done $0x0  }
0xb0: {  	[sflag:s5] =	ssyncadd.s32 $0xFFFFF800  }
0xb1: {  	_ =	swait.ge [sflag:s5], $0x800  }
0xb2: {  	[sflag:s5] =	ssyncset.done $0x0  }
0xb3: {  	[sflag:s5] =	ssyncadd.s32 $0xFFFFF800  }
0xb4: {  	_ =	swait.ge [sflag:s5], $0x800  }
0xb5: {  	[sflag:s5] =	ssyncset.done $0x0  }
0xb6: {  	[sflag:s5] =	ssyncadd.s32 $0xFFFFF800  }
0xb7: {  	_ =	swait.ge [sflag:s5], $0x800  }
0xb8: {  	[sflag:s5] =	ssyncset.done $0x0  }
0xb9: {  	p0 =	sne.s32 s6, $0x1800;
	[sflag:s5] =	ssyncadd.s32 $0xFFFFF800  }
.Ltmp0:
0xba: {  	_ =	swait.ge [sflag:s5], $0x800;
	(pc) =	sbr.rel @p0 .LBB2_2-.Ltmp0, $4  }
0xbb: {  	[sflag:s5] =	ssyncset.done $0x0  }
0xbc: {  	[sflag:s5] =	ssyncadd.s32 $0xFFFFF800  }
0xbd: {  	_ =	swait.ge [sflag:s5], $0x800  }
0xbe: {  	s6 =	sadd.s32 $0x80, s6;
	s9 =	rddreg [dreg:$0x4];
	[sflag:s5] =	ssyncset.done $0x0  }
0xbf: {  	[sflag:s5] =	ssyncadd.s32 $0xFFFFF800;
	s6 =	sadd.s32 s8, s9  }
0xc0: {  	[tilespmem:s3], [sflag:$0x3] =	stream.linear.gather [hbm4b:s6+s3], $0x400, $0x38;
	[tilespmem:$0x11000] =	vst v63  }
0xc1: {  	_ =	swait.ge [sflag:s10], $0x400  }
0xc2: {  	s7 =	rddreg [dreg:$0x3];
	[sflag:s10] =	ssyncset.done $0x0  }
0xc3: {  	[sflag:s10] =	ssyncadd.s32 $0xFFFFFC00;
	s6 =	sadd.s32 s8, s7  }
0xc4: {  	[tilespmem:s11], [sflag:$0x3] =	stream.linear.gather [hbm4b:s6+s3], $0x400, $0x38;
	[tilespmem:$0x11000] =	vst v63  }
0xc5: {  	_ =	swait.ge [sflag:s10], $0x400  }
0xc6: {  	[sflag:s10] =	ssyncset.done $0x0  }
0xc7: {  	[sflag:s10] =	ssyncadd.s32 $0xFFFFFC00  }
0xc8: {  	[tilespmem:s13], [sflag:$0x1] =	stream.indirect.gather [hbm4b:s4+s12], $0x10, s3, s12, $0xb8;
	[tilespmem:$0x11000] =	vst v63  }
0xc9: {  	_ = 	snop  }
0xca: {  	[tilespmem:s14], [sflag:$0x1] =	stream.indirect.gather [hbm4b:s4+s12], $0x10, s12, s12, $0xb8;
	[tilespmem:$0x11000] =	vst v63  }
0xcb: {  	s8 =	rddreg [dreg:$0x5]  }
0xcc: {  	[tilespmem:s15], [sflag:$0x1] =	stream.indirect.gather [hbm4b:s4+s12], $0x10, s8, s12, $0xb8;
	[tilespmem:$0x11000] =	vst v63  }
0xcd: {  	s7 =	rddreg [dreg:$0x6]  }
0xce: {  	[tilespmem:s16], [sflag:$0x1] =	stream.indirect.gather [hbm4b:s4+s12], $0x10, s7, s12, $0xb8;
	[tilespmem:$0x11000] =	vst v63  }
0xcf: {  	_ = 	snop  }
0xd0: {  	[tilespmem:s18], [sflag:$0x1] =	stream.indirect.gather [hbm4b:s4+s12], $0x10, s17, s12, $0xb8;
	[tilespmem:$0x11000] =	vst v63  }
0xd1: {  	_ = 	snop  }
0xd2: {  	[tilespmem:s20], [sflag:$0x1] =	stream.indirect.gather [hbm4b:s4+s12], $0x10, s19, s12, $0xb8;
	[tilespmem:$0x11000] =	vst v63  }
0xd3: {  	_ = 	snop  }
0xd4: {  	[tilespmem:s22], [sflag:$0x1] =	stream.indirect.gather [hbm4b:s4+s12], $0x10, s21, s12, $0xb8;
	[tilespmem:$0x11000] =	vst v63  }
0xd5: {  	_ = 	snop  }
0xd6: {  	[tilespmem:s24], [sflag:$0x1] =	stream.indirect.gather [hbm4b:s4+s12], $0x10, s23, s12, $0xb8;
	[tilespmem:$0x11000] =	vst v63  }
0xd7: {  	_ =	swait.ge [sflag:s25], $0x800  }
0xd8: {  	[sflag:s25] =	ssyncset.done $0x0  }
0xd9: {  	[sflag:s25] =	ssyncadd.s32 $0xFFFFF800  }
0xda: {  	[spmem:s2] =	stream.indirect.scatter.add.f32 [tilespmem:s13], [sflag:$0x2], $0x10, s11, s12, $0xb8;
	[tilespmem:$0x11000] =	vst v63  }
0xdb: {  	_ =	swait.ge [sflag:s25], $0x800  }
0xdc: {  	[sflag:s25] =	ssyncset.done $0x0  }
0xdd: {  	[sflag:s25] =	ssyncadd.s32 $0xFFFFF800  }
0xde: {  	[spmem:s2] =	stream.indirect.scatter.add.f32 [tilespmem:s14], [sflag:$0x2], $0x10, s26, s12, $0xb8;
	[tilespmem:$0x11000] =	vst v63  }
0xdf: {  	_ =	swait.ge [sflag:s25], $0x800  }
0xe0: {  	[sflag:s25] =	ssyncset.done $0x0  }
0xe1: {  	[sflag:s25] =	ssyncadd.s32 $0xFFFFF800  }
0xe2: {  	[spmem:s2] =	stream.indirect.scatter.add.f32 [tilespmem:s15], [sflag:$0x2], $0x10, s28, s12, $0xb8;
	[tilespmem:$0x11000] =	vst v63  }
0xe3: {  	_ =	swait.ge [sflag:s25], $0x800  }
0xe4: {  	[sflag:s25] =	ssyncset.done $0x0  }
0xe5: {  	[sflag:s25] =	ssyncadd.s32 $0xFFFFF800  }
0xe6: {  	[spmem:s2] =	stream.indirect.scatter.add.f32 [tilespmem:s16], [sflag:$0x2], $0x10, s29, s12, $0xb8;
	[tilespmem:$0x11000] =	vst v63  }
0xe7: {  	_ =	swait.ge [sflag:s25], $0x800  }
0xe8: {  	[sflag:s25] =	ssyncset.done $0x0  }
0xe9: {  	[sflag:s25] =	ssyncadd.s32 $0xFFFFF800  }
0xea: {  	[spmem:s2] =	stream.indirect.scatter.add.f32 [tilespmem:s18], [sflag:$0x2], $0x10, s30, s12, $0xb8;
	[tilespmem:$0x11000] =	vst v63  }
0xeb: {  	_ =	swait.ge [sflag:s25], $0x800  }
0xec: {  	[sflag:s25] =	ssyncset.done $0x0  }
0xed: {  	[sflag:s25] =	ssyncadd.s32 $0xFFFFF800  }
0xee: {  	[spmem:s2] =	stream.indirect.scatter.add.f32 [tilespmem:s20], [sflag:$0x2], $0x10, s31, s12, $0xb8;
	[tilespmem:$0x11000] =	vst v63  }
0xef: {  	_ =	swait.ge [sflag:s25], $0x800  }
0xf0: {  	[sflag:s25] =	ssyncset.done $0x0  }
0xf1: {  	[sflag:s25] =	ssyncadd.s32 $0xFFFFF800  }
0xf2: {  	[spmem:s2] =	stream.indirect.scatter.add.f32 [tilespmem:s22], [sflag:$0x2], $0x10, s1, s12, $0xb8;
	[tilespmem:$0x11000] =	vst v63  }
0xf3: {  	_ =	swait.ge [sflag:s25], $0x800  }
0xf4: {  	[sflag:s25] =	ssyncset.done $0x0  }
0xf5: {  	[sflag:s25] =	ssyncadd.s32 $0xFFFFF800  }
0xf6: {  	[spmem:s2] =	stream.indirect.scatter.add.f32 [tilespmem:s24], [sflag:$0x2], $0x10, s0, s12, $0xb8;
	[tilespmem:$0x11000] =	vst v63  }
0xf7: {  	_ =	swait.ge [sflag:s5], $0x800  }
0xf8: {  	[sflag:s5] =	ssyncset.done $0x0  }
0xf9: {  	[sflag:s5] =	ssyncadd.s32 $0xFFFFF800  }
0xfa: {  	_ =	swait.ge [sflag:s5], $0x800  }
0xfb: {  	[sflag:s5] =	ssyncset.done $0x0  }
0xfc: {  	[sflag:s5] =	ssyncadd.s32 $0xFFFFF800  }
0xfd: {  	_ =	swait.ge [sflag:s5], $0x800  }
0xfe: {  	[sflag:s5] =	ssyncset.done $0x0  }
0xff: {  	[sflag:s5] =	ssyncadd.s32 $0xFFFFF800  }
0x100: {  	_ =	swait.ge [sflag:s5], $0x800  }
0x101: {  	[sflag:s5] =	ssyncset.done $0x0  }
0x102: {  	[sflag:s5] =	ssyncadd.s32 $0xFFFFF800  }
0x103: {  	_ =	swait.ge [sflag:s5], $0x800  }
0x104: {  	[sflag:s5] =	ssyncset.done $0x0  }
0x105: {  	[sflag:s5] =	ssyncadd.s32 $0xFFFFF800  }
0x106: {  	_ =	swait.ge [sflag:s5], $0x800  }
0x107: {  	[sflag:s5] =	ssyncset.done $0x0  }
0x108: {  	[sflag:s5] =	ssyncadd.s32 $0xFFFFF800  }
0x109: {  	_ =	swait.ge [sflag:s5], $0x800  }
0x10a: {  	[sflag:s5] =	ssyncset.done $0x0  }
0x10b: {  	[sflag:s5] =	ssyncadd.s32 $0xFFFFF800  }
0x10c: {  	_ =	swait.ge [sflag:s5], $0x800  }
0x10d: {  	[sflag:s5] =	ssyncset.done $0x0  }
0x10e: {  	[sflag:s5] =	ssyncadd.s32 $0xFFFFF800  }
0x10f: {  	[bflag:$0x0] =	sbarrier.arrive $0xFFFF  }
0x110: {  	s7 =	rddreg [dreg:$0x8]  }
0x111: {  	s9 =	rddreg [dreg:$0x9]  }
0x112: {  	s8 =	rddreg [dreg:$0xb]  }
0x113: {  	[hbm:s9], [sflag:s7] =	dma.local [spmem:s8], $0x1900  }
0x114: {  	_ =	swait.ge [sflag:s10], $0x1900  }
0x115: {  	s6 =	rddreg [dreg:$0xc]  }
0x116: {  	s9 =	sadd.s32 $0x1, s6;
	s6 =	rddreg [dreg:$0xa]  }
0x117: {  	p0 =	sne.s32 s9, s6  }
.Ltmp1:
0x118: {  	_ = 	snop;
	(pc) =	sbr.rel @p0 .LBB2_1-.Ltmp1, $3  }
0x119: {  	_ =	sdelay $0x1  }
0x11a: {  	[sflag:s10] =	ssyncset.done $0x0  }
0x11b: {  	[sflag:s10] =	ssyncadd.s32 $0xFFFFE700  }
0x11c: {  	_ =	sfence.sel $0x180000  }
0x11d: {  	[bflag:$0x0] =	sbarrier.arrive $0xFFFF  }
0x11e: {  	_ =	strace $0x90000050  }
0x11f: {  	s0 =	stileid.u32;
	[bflag:$0x2] =	sbarrier.arrive $0xFFFF  }
0x120: {  	p0 =	sne.s32 s0, $0x0;
	s0 =	rddreg [dreg:$0x2]  }
0x121: {  	s0 =	sadd.s32 @!p0 $0x100000, s0  }
0x122: {  	[sflag:s0] =	ssyncadd.tile.s32 @!p0 $0x1;
	_ =	shalt  }
.Lfunc_end2:
_tile_overlayer_lowered:
.L_overlay_start_2:
0x123: {  	(tag) =	ssettag $0x2  }
0x124: {  	s0 =	rddreg [dreg:$0x0];
	s2 =	stileid.u32  }
0x125: {  	s1 =	rddreg [dreg:$0x1];
	p0 =	sne.s32 s2, $0x0  }
0x126: {  	s3 =	rddreg [dreg:$0x2];
	[bflag:$0x3] =	sbarrier.arrive $0xFFFF;
	s2 =	simm.s32 @!p0 $0x1C03  }
0x127: {  	[timem:s3], [sflag:s2] =	dma.local @!p0 [hbm:s0], s1  }
0x128: {  	s0 =	simm.s32 @!p0 $0x3  }
0x129: {  	_ =	swait.ge @!p0 [sflag:s0], s1  }
0x12a: {  	s1 =	ssub.s32 @!p0 $0x0, s1;
	[sflag:s0] =	ssyncset.done @!p0 $0x0  }
0x12b: {  	[sflag:s0] =	ssyncadd.s32 @!p0 s1  }
0x12c: {  	[bflag:$0x3] =	sbarrier.arrive $0xFFFF  }
0x12d: {  	_ =	shalt  }

// kernel: kernel.22.cloned.1.call-start
scs
__scs_entry_jumppad:
0x0: {  	(pc) =	sbr.rel $0x88, $3  }
0x1: {  	(tag) =	ssettag $0x0;
	lr =	simm.s32 $0x1  }
0x2: {  	[smem:$0x3F95] =	sst lr;
	_ =	strace $0xD0000000  }
0x3: {  	_ = 	snop  }
0x4: {  	_ = 	snop  }
0x5: {  	_ = 	snop  }
0x6: {  	_ = 	snop  }
0x7: {  	_ = 	snop  }
__scs_overlays_trampoline_lowered:
0x8: {  	[smem:$0x3FA4] =	sst s0  }
0x9: {  	[smem:$0x3FA5] =	sst s1  }
0xa: {  	[smem:$0x3FA6] =	sst s2  }
0xb: {  	[smem:$0x3FA7] =	sst s3  }
0xc: {  	[smem:$0x3FA8] =	sst s4  }
0xd: {  	[smem:$0x3FA9] =	sst s5  }
0xe: {  	[smem:$0x3FAA] =	sst s6  }
0xf: {  	[smem:$0x3FAB] =	sst s7  }
0x10: {  	[smem:$0x3FAC] =	sst s8  }
0x11: {  	[smem:$0x3FAD] =	sst s9;
	s0 =	simm.s32 @!p0 $0x0  }
0x12: {  	s1 =	sld [smem:$0x3F93];
	s0 =	simm.s32 @p0 $0x1  }
0x13: {  	[smem:$0x3FAE] =	sst s0;
	s0 =	simm.s32 @!p1 $0x0  }
0x14: {  	s2 =	sld [smem:$0x3F92];
	s0 =	simm.s32 @p1 $0x1  }
0x15: {  	[smem:$0x3FAF] =	sst s0;
	s0 =	simm.s32 @!p2 $0x0  }
0x16: {  	s3 =	sld [smem:$0x3FDB];
	s0 =	simm.s32 @p2 $0x1  }
0x17: {  	s4 =	simm.s32 $0x1BF5;
	[smem:$0x3FB1] =	sst s0  }
0x18: {  	s0 =	sld [smem:$0x3F94];
	_ =	swait.ge [sflag:s4], $0x0  }
0x19: {  	s7 =	sld [smem:$0x3F95]  }
0x1a: {  	s8 =	sadd.s32 $0xFFFFE003, lr  }
0x1b: {  	s9 =	sadd.s32 $0xFFFFFEF7, lr;
	s5 =	simm.s32 $0xFFFFFFFF;
	p2 =	slt.u32 s8, $0xFFFFF086  }
0x1c: {  	p1 =	slt.u32 s9, $0xF7A;
	s5 =	simm.s32 @!p2 $0x0  }
0x1d: {  	s5 =	simm.s32 @p1 $0x1;
	p0 =	seq.s32 s7, s2  }
0x1e: {  	s7 =	smul.u32 @!p0 $0xF7A, s2;
	p2 =	seq.s32 @!p0 s5, $0x0  }
0x1f: {  	s9 =	smul.u32 $0xF7A, s1;
	s8 =	simm.s32 @!p0 $0x1BF5;
	p2 =	por !p2, p0  }
0x20: {  	[sflag:s8] =	ssyncset.s32 @!p0 $0xFFFFF086;
	s6 =	sadd.s32 @!p0 s3, s7;
	s7 =	simm.s32 @!p0 $0x108  }
0x21: {  	s3 =	sadd.s32 s3, s9;
	s6 =	sadd.s32 @!p0 $0x88, s6;
	s7 =	simm.s32 @p2 $0x1082  }
0x22: {  	[simem:s7], [sflag:s8] =	dma.local @!p0 [hbm:s6], $0xF7A  }
0x23: {  	s9 =	sor.u32 $0xD0000000, s2;
	s6 =	simm.s32 $0x108;
	_ =	swait.ge @!p0 [sflag:s8], $0x0  }
0x24: {  	s3 =	sadd.s32 $0x88, s3;
	s6 =	simm.s32 @!p1 $0x1082;
	[sflag:s4] =	ssyncset.s32 $0xFFFFF086  }
0x25: {  	[simem:s6], [sflag:s4] =	dma.local [hbm:s3], $0xF7A  }
0x26: {  	[smem:$0x3F95] =	sst s1;
	(tag) =	ssettag s2;
	_ =	strace s9  }
0x27: {  	s1 =	sld [smem:$0x3FA5]  }
0x28: {  	s2 =	sld [smem:$0x3FA6]  }
0x29: {  	s4 =	sld [smem:$0x3FA8]  }
0x2a: {  	p0 =	seq.s32 s5, $0x0;
	s5 =	sld [smem:$0x3FA9]  }
0x2b: {  	s6 =	sld [smem:$0x3FAA]  }
0x2c: {  	s7 =	sld [smem:$0x3FAB]  }
0x2d: {  	s3 =	simm.s32 $0x108;
	s8 =	sld [smem:$0x3FAC]  }
0x2e: {  	s3 =	simm.s32 @!p0 $0x1082;
	s9 =	sld [smem:$0x3FAD]  }
0x2f: {  	lr =	sadd.s32 s0, s3;
	s0 =	sld [smem:$0x3FA4]  }
0x30: {  	s3 =	sld [smem:$0x3FA7]  }
0x31: {  	[smem:$0x3FB0] =	sst s10  }
0x32: {  	s10 =	sld [smem:$0x3FAE];
	_ =	sdelay $0x3  }
0x33: {  	p0 =	seq.s32 s10, $0x1;
	s10 =	sld [smem:$0x3FB0];
	_ =	sdelay $0x3  }
0x34: {  	[smem:$0x3FB0] =	sst s10  }
0x35: {  	s10 =	sld [smem:$0x3FAF];
	_ =	sdelay $0x3  }
0x36: {  	p1 =	seq.s32 s10, $0x1;
	s10 =	sld [smem:$0x3FB0];
	_ =	sdelay $0x3  }
0x37: {  	[smem:$0x3FB0] =	sst s10  }
0x38: {  	s10 =	sld [smem:$0x3FB1]  }
0x39: {  	_ = 	snop;
	(pc) =	sbr.ind lr, $3  }
0x3a: {  	_ = 	snop  }
0x3b: {  	_ = 	snop  }
0x3c: {  	p2 =	seq.s32 s10, $0x1;
	s10 =	sld [smem:$0x3FB0]  }
0x3d: {  	_ =	shalt  }
0x3e: {  	_ =	shalt  }
0x3f: {  	_ =	shalt  }
0x40: {  	_ =	shalt  }
0x41: {  	_ =	shalt  }
0x42: {  	_ =	shalt  }
0x43: {  	_ =	shalt  }
0x44: {  	_ =	shalt  }
0x45: {  	_ =	shalt  }
0x46: {  	_ =	shalt  }
0x47: {  	_ =	shalt  }
0x48: {  	_ =	shalt  }
0x49: {  	_ =	shalt  }
0x4a: {  	_ =	shalt  }
0x4b: {  	_ =	shalt  }
0x4c: {  	_ =	shalt  }
0x4d: {  	_ =	shalt  }
0x4e: {  	_ =	shalt  }
0x4f: {  	_ =	shalt  }
0x50: {  	_ =	shalt  }
0x51: {  	_ =	shalt  }
0x52: {  	_ =	shalt  }
0x53: {  	_ =	shalt  }
0x54: {  	_ =	shalt  }
0x55: {  	_ =	shalt  }
0x56: {  	_ =	shalt  }
0x57: {  	_ =	shalt  }
0x58: {  	_ =	shalt  }
0x59: {  	_ =	shalt  }
0x5a: {  	_ =	shalt  }
0x5b: {  	_ =	shalt  }
0x5c: {  	_ =	shalt  }
0x5d: {  	_ =	shalt  }
0x5e: {  	_ =	shalt  }
0x5f: {  	_ =	shalt  }
0x60: {  	_ =	shalt  }
0x61: {  	_ =	shalt  }
0x62: {  	_ =	shalt  }
0x63: {  	_ =	shalt  }
0x64: {  	_ =	shalt  }
0x65: {  	_ =	shalt  }
0x66: {  	_ =	shalt  }
0x67: {  	_ =	shalt  }
0x68: {  	_ =	shalt  }
0x69: {  	_ =	shalt  }
0x6a: {  	_ =	shalt  }
0x6b: {  	_ =	shalt  }
0x6c: {  	_ =	shalt  }
0x6d: {  	_ =	shalt  }
0x6e: {  	_ =	shalt  }
0x6f: {  	_ =	shalt  }
0x70: {  	_ =	shalt  }
0x71: {  	_ =	shalt  }
0x72: {  	_ =	shalt  }
0x73: {  	_ =	shalt  }
0x74: {  	_ =	shalt  }
0x75: {  	_ =	shalt  }
0x76: {  	_ =	shalt  }
0x77: {  	_ =	shalt  }
0x78: {  	_ =	shalt  }
0x79: {  	_ =	shalt  }
0x7a: {  	_ =	shalt  }
0x7b: {  	_ =	shalt  }
0x7c: {  	_ =	shalt  }
0x7d: {  	_ =	shalt  }
0x7e: {  	_ =	shalt  }
0x7f: {  	_ =	shalt  }
0x80: {  	_ =	shalt  }
0x81: {  	_ =	shalt  }
0x82: {  	_ =	shalt  }
0x83: {  	_ =	shalt  }
0x84: {  	_ =	shalt  }
0x85: {  	_ =	shalt  }
0x86: {  	_ =	shalt  }
0x87: {  	_ =	shalt  }
.Lfunc_end0:
.L_simem_size_0:
called_computation.3_lowered:
.L_overlay_start_0:
0x88: {  	s2 =	sld [smem:$0x3FD9]  }
0x89: {  	s3 =	sld [smem:$0x3FFE];
	_ =	sdelay $0x1  }
0x8a: {  	s1 =	srdreg.scid  }
0x8b: {  	s0 =	sand.u32 $0x1, s1  }
0x8c: {  	s16 =	sshll.u32 s0, $0xA;
	s2 =	sadd.s32 s3, s2  }
0x8d: {  	s2 =	sadd.s32 s2, s16  }
0x8e: {  	[smem:$0x3FBC] =	sst s2  }
0x8f: {  	_ = 	snop  }
0x90: {  	(tm) =	ssettm $0x1  }
0x91: {  	s17 =	sld [smem:$0x3FFB];
	_ =	sdelay $0x3  }
0x92: {  	_ =	strace s17  }
0x93: {  	s2 =	sld [smem:$0x3FFC];
	_ =	sdelay $0x3  }
0x94: {  	_ =	strace s2  }
0x95: {  	s2 =	sld [smem:$0x3FFD];
	_ =	sdelay $0x3  }
0x96: {  	_ =	strace s2  }
0x97: {  	_ =	strace $0x8FFFFFFF  }
0x98: {  	s18 =	sld [smem:$0x3FDB];
	_ =	sdelay $0x1  }
0x99: {  	s19 =	simm.s32 $_scs_section_size  }
0x9a: {  	s4 =	simm.s32 $_size__tile_overlayer_lowered;
	s5 =	simm.s32 $_tile_overlayer_lowered  }
0x9b: {  	s22 =	simm.s32 $0x1BFF;
	s21 =	sshll.u32 s5, $0x1;
	s2 =	sadd.s32 s19, s18  }
0x9c: {  	s6 =	simm.s32 $0x0;
	s20 =	sshll.u32 s4, $0x1;
	s4 =	sadd.s32 s21, s2  }
0x9d: {  	[timem:s6], [sflag:s22] =	dma.local [hbm:s4], s20  }
0x9e: {  	_ =	swait.ge [sflag:s22], s20  }
0x9f: {  	s3 =	ssub.s32 $0x0, s20;
	[sflag:s22] =	ssyncset.done $0x0  }
0xa0: {  	[sflag:s22] =	ssyncadd.s32 s3;
	_ =	sdelay $0x1  }
0xa1: {  	s23 =	simm.s32 $0x1B8B  }
0xa2: {  	_ =	swait.ge [sflag:s23], $0x1  }
0xa3: {  	[sflag:s23] =	ssyncset.done $0x0  }
0xa4: {  	s25 =	simm.s32 $0x1B8E;
	s24 =	sld [smem:$0x3FFE];
	[sflag:s23] =	ssyncadd.s32 $0xFFFFFFFF  }
0xa5: {  	s26 =	simm.s32 $execute0_lowered;
	[smem:$0x3FD2] =	sst s25  }
0xa6: {  	s4 =	sshll.u32 s26, $0x1;
	_ =	strace $0x8000004C;
	[dreg:$0x1] =	wrdreg $0xFFFFFFFF  }
0xa7: {  	s28 =	simm.s32 $_size_execute0_lowered;
	s2 =	sadd.s32 s2, s4;
	[dreg:$0x0] =	wrdreg $0x0  }
0xa8: {  	s4 =	sshll.u32 s28, $0x1;
	[dreg:$0x2] =	wrdreg s2  }
0xa9: {  	[dreg:$0x3] =	wrdreg s4  }
0xaa: {  	[dreg:$0x4] =	wrdreg $0xC0  }
0xab: {  	_ =	task [dreg:s6], $0x5FFFF  }
0xac: {  	[dreg:$0x1] =	wrdreg $0xFFFFFFFF  }
0xad: {  	[dreg:$0x0] =	wrdreg $0x60  }
0xae: {  	[dreg:$0x2] =	wrdreg s24  }
0xaf: {  	[dreg:$0x3] =	wrdreg $0x48000  }
0xb0: {  	[dreg:$0x4] =	wrdreg $0xA  }
0xb1: {  	_ =	task.clear_ibuf [dreg:s6], $0x5FFFF;
	_ =	strace $0x9000004C  }
0xb2: {  	s29 =	simm.s32 $0xA;
	_ =	strace $0x8000004E  }
0xb3: {  	_ =	swait.ge [sflag:s29], $0x1  }
0xb4: {  	[sflag:s29] =	ssyncadd.s32 $0xFFFFFFFF  }
0xb5: {  	_ =	strace $0x9000004E  }
0xb6: {  	_ =	sfence  }
0xb7: {  	s30 =	sld [smem:$0x0];
	_ =	sdelay $0x2  }
0xb8: {  	s31 =	sshll.u32 s1, $0xD;
	s1 =	sshrl.u32 s1, $0x2  }
0xb9: {  	s3 =	sand.u32 $0x4000, s31;
	s1 =	sadd.s32 s1, s30  }
0xba: {  	s0 =	sor.u32 s3, s0;
	s1 =	sshll.u32 s1, $0x11  }
0xbb: {  	s0 =	sor.u32 s1, s0  }
0xbc: {  	s0 =	sadd.s32 $0x8F2B, s0  }
0xbd: {  	[sflag:s0] =	ssyncadd.remote.s32 $0x1  }
0xbe: {  	_ =	sfence.sel $0xFFFF  }
0xbf: {  	[dreg:$0x0] =	wrdreg $0xFFFFFFFF;
	(pc) =	sbr.abs _section_cstart, $3  }
0xc0: {  	[dreg:$0x1] =	wrdreg $0xFFFFFFFF  }
0xc1: {  	_ =	task.clear_ibuf [dreg:s6], $0x2FFFF;
	_ =	strace $0x9FFFFFFF  }
0xc2: {  	(tm) =	ssettm $0x7FFFFFFF  }
0xc3: {  	_ =	shalt  }
tec
execute0_lowered:
.L_overlay_start_1:
0x0: {  	(tag) =	ssettag $0x1  }
0x1: {  	s0 =	srdreg.scid  }
0x2: {  	s10 =	stileid.u32;
	s1 =	rddreg [dreg:$0x0]  }
0x3: {  	s2 =	rddreg [dreg:$0x1];
	s3 =	simm.s32 $0x0;
	s11 =	simm.s32 $0x400  }
0x4: {  	s12 =	simm.s32 $0x80;
	s13 =	simm.s32 $0x800;
	s25 =	simm.s32 $0x100  }
0x5: {  	s14 =	simm.s32 $0x1000;
	s26 =	simm.s32 $0x180;
	s15 =	simm.s32 $0x1800  }
0x6: {  	s16 =	simm.s32 $0x2000;
	s17 =	simm.s32 $0x200;
	s18 =	simm.s32 $0x2800  }
0x7: {  	s19 =	simm.s32 $0x280;
	s20 =	simm.s32 $0x3000;
	s28 =	simm.s32 $0x500  }
0x8: {  	s29 =	simm.s32 $0x580;
	s30 =	simm.s32 $0x600;
	s4 =	smul.u32 $0x18800, s10  }
0x9: {  	s31 =	simm.s32 $0x680;
	s0 =	sand.u32 $0x1, s0;
	s21 =	smul.u32 $0xC800, s10  }
0xa: {  	[smem:$0x7FF] =	sst s3;
	s23 =	sshll.u32 s10, $0x6;
	s10 =	simm.s32 $0x3  }
0xb: {  	s5 =	smul.u32 $0xC400, s0;
	_ =	strace $0x8000004D;
	[dreg:$0x5] =	wrdreg s25  }
0xc: {  	s7 =	smul.u32 $0xC8000, s0;
	s0 =	ssub.s32 $0x2, s0;
	[dreg:$0x6] =	wrdreg s26  }
0xd: {  	s25 =	simm.s32 $0x1;
	s26 =	simm.s32 $0x480;
	s8 =	sshrl.u32 s21, $0x3  }
0xe: {  	s9 =	sshrl.u32 s0, $0x1;
	s4 =	sadd.s32 s5, s4;
	s7 =	sadd.s32 s21, s7  }
0xf: {  	s8 =	sadd.s32 s8, s1;
	s0 =	ssub.s32 s0, s9;
	s5 =	sadd.s32 s21, s2  }
0x10: {  	s21 =	simm.s32 $0x300;
	s9 =	simm.s32 $0x0;
	s6 =	sshrl.u32 s4, $0x3  }
0x11: {  	s4 =	sadd.s32 $0x132000, s1;
	s7 =	sshrl.u32 s7, $0x3;
	s22 =	sadd.s32 $0x14B000, s8  }
0x12: {  	s0 =	smax.u32 s0, $0x1;
	s8 =	sshrl.u32 s5, $0x3;
	[dreg:$0x7] =	wrdreg s22  }
0x13: {  	s5 =	simm.s32 $0x2;
	s6 =	sadd.s32 s6, s1;
	[dreg:$0xa] =	wrdreg s0  }
0x14: {  	s1 =	sadd.s32 s7, s1;
	s7 =	sor.u32 $0x1C03, s23;
	[dreg:$0xb] =	wrdreg s8  }
0x15: {  	s22 =	simm.s32 $0x3800;
	s24 =	sadd.s32 $0x3400, s6;
	[dreg:$0x8] =	wrdreg s7  }
0x16: {  	s23 =	simm.s32 $0x380;
	s1 =	sadd.s32 $0x164000, s1;
	[dreg:$0x3] =	wrdreg s24  }
0x17: {  	s0 =	simm.s32 $0x780;
	s6 =	sadd.s32 $0x101000, s6;
	[dreg:$0x9] =	wrdreg s1  }
0x18: {  	[dreg:$0x4] =	wrdreg s6;
	s24 =	simm.s32 $0x4000;
	s1 =	simm.s32 $0x700  }
.LBB2_1:
0x19: {  	[dreg:$0xc] =	wrdreg s9  }
0x1a: {  	s6 =	rddreg [dreg:$0x7]  }
0x1b: {  	[spmem:s8], [sflag:s7] =	dma.local [hbm:s6], $0x1900  }
0x1c: {  	_ =	swait.ge [sflag:s10], $0x1900  }
0x1d: {  	[sflag:s10] =	ssyncset.done $0x0  }
0x1e: {  	[sflag:s10] =	ssyncadd.s32 $0xFFFFE700  }
0x1f: {  	[bflag:$0x0] =	sbarrier.arrive $0xFFFF  }
0x20: {  	s9 =	rddreg [dreg:$0x4]  }
0x21: {  	s6 =	sadd.s32 $0x0, s9  }
0x22: {  	[tilespmem:s3], [sflag:$0x3] =	stream.linear.gather [hbm4b:s6+s3], $0x400, $0x38;
	[tilespmem:$0x11000] =	vst v63  }
0x23: {  	_ =	swait.ge [sflag:s10], $0x400  }
0x24: {  	s7 =	rddreg [dreg:$0x3];
	[sflag:s10] =	ssyncset.done $0x0  }
0x25: {  	[sflag:s10] =	ssyncadd.s32 $0xFFFFFC00;
	s6 =	sadd.s32 $0x0, s7  }
0x26: {  	[tilespmem:s11], [sflag:$0x3] =	stream.linear.gather [hbm4b:s6+s3], $0x400, $0x38;
	[tilespmem:$0x11000] =	vst v63  }
0x27: {  	_ =	swait.ge [sflag:s10], $0x400  }
0x28: {  	[sflag:s10] =	ssyncset.done $0x0  }
0x29: {  	[sflag:s10] =	ssyncadd.s32 $0xFFFFFC00  }
0x2a: {  	[tilespmem:s13], [sflag:$0x1] =	stream.indirect.gather [hbm4b:s4+s12], $0x10, s3, s12, $0xb8;
	[tilespmem:$0x11000] =	vst v63  }
0x2b: {  	_ = 	snop  }
0x2c: {  	[tilespmem:s14], [sflag:$0x1] =	stream.indirect.gather [hbm4b:s4+s12], $0x10, s12, s12, $0xb8;
	[tilespmem:$0x11000] =	vst v63  }
0x2d: {  	s8 =	rddreg [dreg:$0x5]  }
0x2e: {  	[tilespmem:s15], [sflag:$0x1] =	stream.indirect.gather [hbm4b:s4+s12], $0x10, s8, s12, $0xb8;
	[tilespmem:$0x11000] =	vst v63  }
0x2f: {  	s9 =	rddreg [dreg:$0x6]  }
0x30: {  	[tilespmem:s16], [sflag:$0x1] =	stream.indirect.gather [hbm4b:s4+s12], $0x10, s9, s12, $0xb8;
	[tilespmem:$0x11000] =	vst v63  }
0x31: {  	_ = 	snop  }
0x32: {  	[tilespmem:s18], [sflag:$0x1] =	stream.indirect.gather [hbm4b:s4+s12], $0x10, s17, s12, $0xb8;
	[tilespmem:$0x11000] =	vst v63  }
0x33: {  	_ = 	snop  }
0x34: {  	[tilespmem:s20], [sflag:$0x1] =	stream.indirect.gather [hbm4b:s4+s12], $0x10, s19, s12, $0xb8;
	[tilespmem:$0x11000] =	vst v63  }
0x35: {  	_ = 	snop  }
0x36: {  	[tilespmem:s22], [sflag:$0x1] =	stream.indirect.gather [hbm4b:s4+s12], $0x10, s21, s12, $0xb8;
	[tilespmem:$0x11000] =	vst v63  }
0x37: {  	_ = 	snop  }
0x38: {  	[tilespmem:s24], [sflag:$0x1] =	stream.indirect.gather [hbm4b:s4+s12], $0x10, s23, s12, $0xb8;
	[tilespmem:$0x11000] =	vst v63  }
0x39: {  	_ =	swait.ge [sflag:s25], $0x800  }
0x3a: {  	[sflag:s25] =	ssyncset.done $0x0  }
0x3b: {  	[sflag:s25] =	ssyncadd.s32 $0xFFFFF800  }
0x3c: {  	[spmem:s2] =	stream.indirect.scatter.add.f32 [tilespmem:s13], [sflag:$0x2], $0x10, s11, s12, $0xb8;
	[tilespmem:$0x11000] =	vst v63  }
0x3d: {  	_ =	swait.ge [sflag:s25], $0x800  }
0x3e: {  	[sflag:s25] =	ssyncset.done $0x0  }
0x3f: {  	[sflag:s25] =	ssyncadd.s32 $0xFFFFF800  }
0x40: {  	[spmem:s2] =	stream.indirect.scatter.add.f32 [tilespmem:s14], [sflag:$0x2], $0x10, s26, s12, $0xb8;
	[tilespmem:$0x11000] =	vst v63  }
0x41: {  	_ =	swait.ge [sflag:s25], $0x800  }
0x42: {  	[sflag:s25] =	ssyncset.done $0x0  }
0x43: {  	[sflag:s25] =	ssyncadd.s32 $0xFFFFF800  }
0x44: {  	[spmem:s2] =	stream.indirect.scatter.add.f32 [tilespmem:s15], [sflag:$0x2], $0x10, s28, s12, $0xb8;
	[tilespmem:$0x11000] =	vst v63  }
0x45: {  	_ =	swait.ge [sflag:s25], $0x800  }
0x46: {  	[sflag:s25] =	ssyncset.done $0x0  }
0x47: {  	[sflag:s25] =	ssyncadd.s32 $0xFFFFF800  }
0x48: {  	[spmem:s2] =	stream.indirect.scatter.add.f32 [tilespmem:s16], [sflag:$0x2], $0x10, s29, s12, $0xb8;
	[tilespmem:$0x11000] =	vst v63  }
0x49: {  	_ =	swait.ge [sflag:s25], $0x800  }
0x4a: {  	[sflag:s25] =	ssyncset.done $0x0  }
0x4b: {  	[sflag:s25] =	ssyncadd.s32 $0xFFFFF800  }
0x4c: {  	[spmem:s2] =	stream.indirect.scatter.add.f32 [tilespmem:s18], [sflag:$0x2], $0x10, s30, s12, $0xb8;
	[tilespmem:$0x11000] =	vst v63  }
0x4d: {  	_ =	swait.ge [sflag:s25], $0x800  }
0x4e: {  	[sflag:s25] =	ssyncset.done $0x0  }
0x4f: {  	[sflag:s25] =	ssyncadd.s32 $0xFFFFF800  }
0x50: {  	[spmem:s2] =	stream.indirect.scatter.add.f32 [tilespmem:s20], [sflag:$0x2], $0x10, s31, s12, $0xb8;
	[tilespmem:$0x11000] =	vst v63  }
0x51: {  	_ =	swait.ge [sflag:s25], $0x800  }
0x52: {  	[sflag:s25] =	ssyncset.done $0x0  }
0x53: {  	[sflag:s25] =	ssyncadd.s32 $0xFFFFF800  }
0x54: {  	[spmem:s2] =	stream.indirect.scatter.add.f32 [tilespmem:s22], [sflag:$0x2], $0x10, s1, s12, $0xb8;
	[tilespmem:$0x11000] =	vst v63  }
0x55: {  	_ =	swait.ge [sflag:s25], $0x800  }
0x56: {  	[sflag:s25] =	ssyncset.done $0x0  }
0x57: {  	[sflag:s25] =	ssyncadd.s32 $0xFFFFF800  }
0x58: {  	[spmem:s2] =	stream.indirect.scatter.add.f32 [tilespmem:s24], [sflag:$0x2], $0x10, s0, s12, $0xb8;
	[tilespmem:$0x11000] =	vst v63  }
0x59: {  	_ =	swait.ge [sflag:s5], $0x800  }
0x5a: {  	[sflag:s5] =	ssyncset.done $0x0  }
0x5b: {  	[sflag:s5] =	ssyncadd.s32 $0xFFFFF800  }
0x5c: {  	_ =	swait.ge [sflag:s5], $0x800  }
0x5d: {  	[sflag:s5] =	ssyncset.done $0x0  }
0x5e: {  	[sflag:s5] =	ssyncadd.s32 $0xFFFFF800  }
0x5f: {  	_ =	swait.ge [sflag:s5], $0x800  }
0x60: {  	[sflag:s5] =	ssyncset.done $0x0  }
0x61: {  	[sflag:s5] =	ssyncadd.s32 $0xFFFFF800  }
0x62: {  	_ =	swait.ge [sflag:s5], $0x800  }
0x63: {  	[sflag:s5] =	ssyncset.done $0x0  }
0x64: {  	[sflag:s5] =	ssyncadd.s32 $0xFFFFF800  }
0x65: {  	_ =	swait.ge [sflag:s5], $0x800  }
0x66: {  	[sflag:s5] =	ssyncset.done $0x0  }
0x67: {  	[sflag:s5] =	ssyncadd.s32 $0xFFFFF800  }
0x68: {  	_ =	swait.ge [sflag:s5], $0x800  }
0x69: {  	[sflag:s5] =	ssyncset.done $0x0  }
0x6a: {  	[sflag:s5] =	ssyncadd.s32 $0xFFFFF800  }
0x6b: {  	_ =	swait.ge [sflag:s5], $0x800  }
0x6c: {  	[sflag:s5] =	ssyncset.done $0x0  }
0x6d: {  	[sflag:s5] =	ssyncadd.s32 $0xFFFFF800  }
0x6e: {  	s6 =	simm.s32 $0x100;
	_ =	swait.ge [sflag:s5], $0x800  }
0x6f: {  	s8 =	simm.s32 $0x80;
	s9 =	rddreg [dreg:$0x4];
	[sflag:s5] =	ssyncset.done $0x0  }
.LBB2_2:
0x70: {  	[sflag:s5] =	ssyncadd.s32 $0xFFFFF800;
	s9 =	sadd.s32 s8, s9  }
0x71: {  	[tilespmem:s3], [sflag:$0x3] =	stream.linear.gather [hbm4b:s9+s3], $0x400, $0x38;
	[tilespmem:$0x11000] =	vst v63  }
0x72: {  	_ =	swait.ge [sflag:s10], $0x400  }
0x73: {  	s9 =	rddreg [dreg:$0x3];
	[sflag:s10] =	ssyncset.done $0x0  }
0x74: {  	[sflag:s10] =	ssyncadd.s32 $0xFFFFFC00;
	s9 =	sadd.s32 s8, s9  }
0x75: {  	[tilespmem:s11], [sflag:$0x3] =	stream.linear.gather [hbm4b:s9+s3], $0x400, $0x38;
	[tilespmem:$0x11000] =	vst v63  }
0x76: {  	_ =	swait.ge [sflag:s10], $0x400  }
0x77: {  	[sflag:s10] =	ssyncset.done $0x0  }
0x78: {  	[sflag:s10] =	ssyncadd.s32 $0xFFFFFC00  }
0x79: {  	[tilespmem:s13], [sflag:$0x1] =	stream.indirect.gather [hbm4b:s4+s12], $0x10, s3, s12, $0xb8;
	[tilespmem:$0x11000] =	vst v63  }
0x7a: {  	s7 =	smov.u32 s6  }
0x7b: {  	[tilespmem:s14], [sflag:$0x1] =	stream.indirect.gather [hbm4b:s4+s12], $0x10, s12, s12, $0xb8;
	[tilespmem:$0x11000] =	vst v63  }
0x7c: {  	s8 =	smov.u32 s7;
	s7 =	rddreg [dreg:$0x5]  }
0x7d: {  	[tilespmem:s15], [sflag:$0x1] =	stream.indirect.gather [hbm4b:s4+s12], $0x10, s7, s12, $0xb8;
	[tilespmem:$0x11000] =	vst v63  }
0x7e: {  	s9 =	rddreg [dreg:$0x6]  }
0x7f: {  	[tilespmem:s16], [sflag:$0x1] =	stream.indirect.gather [hbm4b:s4+s12], $0x10, s9, s12, $0xb8;
	[tilespmem:$0x11000] =	vst v63  }
0x80: {  	_ = 	snop  }
0x81: {  	[tilespmem:s18], [sflag:$0x1] =	stream.indirect.gather [hbm4b:s4+s12], $0x10, s17, s12, $0xb8;
	[tilespmem:$0x11000] =	vst v63  }
0x82: {  	_ = 	snop  }
0x83: {  	[tilespmem:s20], [sflag:$0x1] =	stream.indirect.gather [hbm4b:s4+s12], $0x10, s19, s12, $0xb8;
	[tilespmem:$0x11000] =	vst v63  }
0x84: {  	_ = 	snop  }
0x85: {  	[tilespmem:s22], [sflag:$0x1] =	stream.indirect.gather [hbm4b:s4+s12], $0x10, s21, s12, $0xb8;
	[tilespmem:$0x11000] =	vst v63  }
0x86: {  	_ = 	snop  }
0x87: {  	[tilespmem:s24], [sflag:$0x1] =	stream.indirect.gather [hbm4b:s4+s12], $0x10, s23, s12, $0xb8;
	[tilespmem:$0x11000] =	vst v63  }
0x88: {  	_ =	swait.ge [sflag:s25], $0x800  }
0x89: {  	[sflag:s25] =	ssyncset.done $0x0  }
0x8a: {  	[sflag:s25] =	ssyncadd.s32 $0xFFFFF800  }
0x8b: {  	[spmem:s2] =	stream.indirect.scatter.add.f32 [tilespmem:s13], [sflag:$0x2], $0x10, s11, s12, $0xb8;
	[tilespmem:$0x11000] =	vst v63  }
0x8c: {  	_ =	swait.ge [sflag:s25], $0x800  }
0x8d: {  	[sflag:s25] =	ssyncset.done $0x0  }
0x8e: {  	[sflag:s25] =	ssyncadd.s32 $0xFFFFF800  }
0x8f: {  	[spmem:s2] =	stream.indirect.scatter.add.f32 [tilespmem:s14], [sflag:$0x2], $0x10, s26, s12, $0xb8;
	[tilespmem:$0x11000] =	vst v63  }
0x90: {  	_ =	swait.ge [sflag:s25], $0x800  }
0x91: {  	[sflag:s25] =	ssyncset.done $0x0  }
0x92: {  	[sflag:s25] =	ssyncadd.s32 $0xFFFFF800  }
0x93: {  	[spmem:s2] =	stream.indirect.scatter.add.f32 [tilespmem:s15], [sflag:$0x2], $0x10, s28, s12, $0xb8;
	[tilespmem:$0x11000] =	vst v63  }
0x94: {  	_ =	swait.ge [sflag:s25], $0x800  }
0x95: {  	[sflag:s25] =	ssyncset.done $0x0  }
0x96: {  	[sflag:s25] =	ssyncadd.s32 $0xFFFFF800  }
0x97: {  	[spmem:s2] =	stream.indirect.scatter.add.f32 [tilespmem:s16], [sflag:$0x2], $0x10, s29, s12, $0xb8;
	[tilespmem:$0x11000] =	vst v63  }
0x98: {  	_ =	swait.ge [sflag:s25], $0x800  }
0x99: {  	[sflag:s25] =	ssyncset.done $0x0  }
0x9a: {  	[sflag:s25] =	ssyncadd.s32 $0xFFFFF800  }
0x9b: {  	[spmem:s2] =	stream.indirect.scatter.add.f32 [tilespmem:s18], [sflag:$0x2], $0x10, s30, s12, $0xb8;
	[tilespmem:$0x11000] =	vst v63  }
0x9c: {  	_ =	swait.ge [sflag:s25], $0x800  }
0x9d: {  	[sflag:s25] =	ssyncset.done $0x0  }
0x9e: {  	[sflag:s25] =	ssyncadd.s32 $0xFFFFF800  }
0x9f: {  	[spmem:s2] =	stream.indirect.scatter.add.f32 [tilespmem:s20], [sflag:$0x2], $0x10, s31, s12, $0xb8;
	[tilespmem:$0x11000] =	vst v63  }
0xa0: {  	_ =	swait.ge [sflag:s25], $0x800  }
0xa1: {  	[sflag:s25] =	ssyncset.done $0x0  }
0xa2: {  	[sflag:s25] =	ssyncadd.s32 $0xFFFFF800  }
0xa3: {  	[spmem:s2] =	stream.indirect.scatter.add.f32 [tilespmem:s22], [sflag:$0x2], $0x10, s1, s12, $0xb8;
	[tilespmem:$0x11000] =	vst v63  }
0xa4: {  	_ =	swait.ge [sflag:s25], $0x800  }
0xa5: {  	[sflag:s25] =	ssyncset.done $0x0  }
0xa6: {  	[sflag:s25] =	ssyncadd.s32 $0xFFFFF800  }
0xa7: {  	[spmem:s2] =	stream.indirect.scatter.add.f32 [tilespmem:s24], [sflag:$0x2], $0x10, s0, s12, $0xb8;
	[tilespmem:$0x11000] =	vst v63  }
0xa8: {  	_ =	swait.ge [sflag:s5], $0x800  }
0xa9: {  	[sflag:s5] =	ssyncset.done $0x0  }
0xaa: {  	[sflag:s5] =	ssyncadd.s32 $0xFFFFF800  }
0xab: {  	_ =	swait.ge [sflag:s5], $0x800  }
0xac: {  	[sflag:s5] =	ssyncset.done $0x0  }
0xad: {  	[sflag:s5] =	ssyncadd.s32 $0xFFFFF800  }
0xae: {  	_ =	swait.ge [sflag:s5], $0x800  }
0xaf: {  	[sflag:s5] =	ssyncset.done $0x0  }
0xb0: {  	[sflag:s5] =	ssyncadd.s32 $0xFFFFF800  }
0xb1: {  	_ =	swait.ge [sflag:s5], $0x800  }
0xb2: {  	[sflag:s5] =	ssyncset.done $0x0  }
0xb3: {  	[sflag:s5] =	ssyncadd.s32 $0xFFFFF800  }
0xb4: {  	_ =	swait.ge [sflag:s5], $0x800  }
0xb5: {  	[sflag:s5] =	ssyncset.done $0x0  }
0xb6: {  	[sflag:s5] =	ssyncadd.s32 $0xFFFFF800  }
0xb7: {  	_ =	swait.ge [sflag:s5], $0x800  }
0xb8: {  	[sflag:s5] =	ssyncset.done $0x0  }
0xb9: {  	p0 =	sne.s32 s6, $0x1800;
	[sflag:s5] =	ssyncadd.s32 $0xFFFFF800  }
.Ltmp0:
0xba: {  	_ =	swait.ge [sflag:s5], $0x800;
	(pc) =	sbr.rel @p0 .LBB2_2-.Ltmp0, $4  }
0xbb: {  	[sflag:s5] =	ssyncset.done $0x0  }
0xbc: {  	[sflag:s5] =	ssyncadd.s32 $0xFFFFF800  }
0xbd: {  	_ =	swait.ge [sflag:s5], $0x800  }
0xbe: {  	s6 =	sadd.s32 $0x80, s6;
	s9 =	rddreg [dreg:$0x4];
	[sflag:s5] =	ssyncset.done $0x0  }
0xbf: {  	[sflag:s5] =	ssyncadd.s32 $0xFFFFF800;
	s6 =	sadd.s32 s8, s9  }
0xc0: {  	[tilespmem:s3], [sflag:$0x3] =	stream.linear.gather [hbm4b:s6+s3], $0x400, $0x38;
	[tilespmem:$0x11000] =	vst v63  }
0xc1: {  	_ =	swait.ge [sflag:s10], $0x400  }
0xc2: {  	s7 =	rddreg [dreg:$0x3];
	[sflag:s10] =	ssyncset.done $0x0  }
0xc3: {  	[sflag:s10] =	ssyncadd.s32 $0xFFFFFC00;
	s6 =	sadd.s32 s8, s7  }
0xc4: {  	[tilespmem:s11], [sflag:$0x3] =	stream.linear.gather [hbm4b:s6+s3], $0x400, $0x38;
	[tilespmem:$0x11000] =	vst v63  }
0xc5: {  	_ =	swait.ge [sflag:s10], $0x400  }
0xc6: {  	[sflag:s10] =	ssyncset.done $0x0  }
0xc7: {  	[sflag:s10] =	ssyncadd.s32 $0xFFFFFC00  }
0xc8: {  	[tilespmem:s13], [sflag:$0x1] =	stream.indirect.gather [hbm4b:s4+s12], $0x10, s3, s12, $0xb8;
	[tilespmem:$0x11000] =	vst v63  }
0xc9: {  	_ = 	snop  }
0xca: {  	[tilespmem:s14], [sflag:$0x1] =	stream.indirect.gather [hbm4b:s4+s12], $0x10, s12, s12, $0xb8;
	[tilespmem:$0x11000] =	vst v63  }
0xcb: {  	s8 =	rddreg [dreg:$0x5]  }
0xcc: {  	[tilespmem:s15], [sflag:$0x1] =	stream.indirect.gather [hbm4b:s4+s12], $0x10, s8, s12, $0xb8;
	[tilespmem:$0x11000] =	vst v63  }
0xcd: {  	s7 =	rddreg [dreg:$0x6]  }
0xce: {  	[tilespmem:s16], [sflag:$0x1] =	stream.indirect.gather [hbm4b:s4+s12], $0x10, s7, s12, $0xb8;
	[tilespmem:$0x11000] =	vst v63  }
0xcf: {  	_ = 	snop  }
0xd0: {  	[tilespmem:s18], [sflag:$0x1] =	stream.indirect.gather [hbm4b:s4+s12], $0x10, s17, s12, $0xb8;
	[tilespmem:$0x11000] =	vst v63  }
0xd1: {  	_ = 	snop  }
0xd2: {  	[tilespmem:s20], [sflag:$0x1] =	stream.indirect.gather [hbm4b:s4+s12], $0x10, s19, s12, $0xb8;
	[tilespmem:$0x11000] =	vst v63  }
0xd3: {  	_ = 	snop  }
0xd4: {  	[tilespmem:s22], [sflag:$0x1] =	stream.indirect.gather [hbm4b:s4+s12], $0x10, s21, s12, $0xb8;
	[tilespmem:$0x11000] =	vst v63  }
0xd5: {  	_ = 	snop  }
0xd6: {  	[tilespmem:s24], [sflag:$0x1] =	stream.indirect.gather [hbm4b:s4+s12], $0x10, s23, s12, $0xb8;
	[tilespmem:$0x11000] =	vst v63  }
0xd7: {  	_ =	swait.ge [sflag:s25], $0x800  }
0xd8: {  	[sflag:s25] =	ssyncset.done $0x0  }
0xd9: {  	[sflag:s25] =	ssyncadd.s32 $0xFFFFF800  }
0xda: {  	[spmem:s2] =	stream.indirect.scatter.add.f32 [tilespmem:s13], [sflag:$0x2], $0x10, s11, s12, $0xb8;
	[tilespmem:$0x11000] =	vst v63  }
0xdb: {  	_ =	swait.ge [sflag:s25], $0x800  }
0xdc: {  	[sflag:s25] =	ssyncset.done $0x0  }
0xdd: {  	[sflag:s25] =	ssyncadd.s32 $0xFFFFF800  }
0xde: {  	[spmem:s2] =	stream.indirect.scatter.add.f32 [tilespmem:s14], [sflag:$0x2], $0x10, s26, s12, $0xb8;
	[tilespmem:$0x11000] =	vst v63  }
0xdf: {  	_ =	swait.ge [sflag:s25], $0x800  }
0xe0: {  	[sflag:s25] =	ssyncset.done $0x0  }
0xe1: {  	[sflag:s25] =	ssyncadd.s32 $0xFFFFF800  }
0xe2: {  	[spmem:s2] =	stream.indirect.scatter.add.f32 [tilespmem:s15], [sflag:$0x2], $0x10, s28, s12, $0xb8;
	[tilespmem:$0x11000] =	vst v63  }
0xe3: {  	_ =	swait.ge [sflag:s25], $0x800  }
0xe4: {  	[sflag:s25] =	ssyncset.done $0x0  }
0xe5: {  	[sflag:s25] =	ssyncadd.s32 $0xFFFFF800  }
0xe6: {  	[spmem:s2] =	stream.indirect.scatter.add.f32 [tilespmem:s16], [sflag:$0x2], $0x10, s29, s12, $0xb8;
	[tilespmem:$0x11000] =	vst v63  }
0xe7: {  	_ =	swait.ge [sflag:s25], $0x800  }
0xe8: {  	[sflag:s25] =	ssyncset.done $0x0  }
0xe9: {  	[sflag:s25] =	ssyncadd.s32 $0xFFFFF800  }
0xea: {  	[spmem:s2] =	stream.indirect.scatter.add.f32 [tilespmem:s18], [sflag:$0x2], $0x10, s30, s12, $0xb8;
	[tilespmem:$0x11000] =	vst v63  }
0xeb: {  	_ =	swait.ge [sflag:s25], $0x800  }
0xec: {  	[sflag:s25] =	ssyncset.done $0x0  }
0xed: {  	[sflag:s25] =	ssyncadd.s32 $0xFFFFF800  }
0xee: {  	[spmem:s2] =	stream.indirect.scatter.add.f32 [tilespmem:s20], [sflag:$0x2], $0x10, s31, s12, $0xb8;
	[tilespmem:$0x11000] =	vst v63  }
0xef: {  	_ =	swait.ge [sflag:s25], $0x800  }
0xf0: {  	[sflag:s25] =	ssyncset.done $0x0  }
0xf1: {  	[sflag:s25] =	ssyncadd.s32 $0xFFFFF800  }
0xf2: {  	[spmem:s2] =	stream.indirect.scatter.add.f32 [tilespmem:s22], [sflag:$0x2], $0x10, s1, s12, $0xb8;
	[tilespmem:$0x11000] =	vst v63  }
0xf3: {  	_ =	swait.ge [sflag:s25], $0x800  }
0xf4: {  	[sflag:s25] =	ssyncset.done $0x0  }
0xf5: {  	[sflag:s25] =	ssyncadd.s32 $0xFFFFF800  }
0xf6: {  	[spmem:s2] =	stream.indirect.scatter.add.f32 [tilespmem:s24], [sflag:$0x2], $0x10, s0, s12, $0xb8;
	[tilespmem:$0x11000] =	vst v63  }
0xf7: {  	_ =	swait.ge [sflag:s5], $0x800  }
0xf8: {  	[sflag:s5] =	ssyncset.done $0x0  }
0xf9: {  	[sflag:s5] =	ssyncadd.s32 $0xFFFFF800  }
0xfa: {  	_ =	swait.ge [sflag:s5], $0x800  }
0xfb: {  	[sflag:s5] =	ssyncset.done $0x0  }
0xfc: {  	[sflag:s5] =	ssyncadd.s32 $0xFFFFF800  }
0xfd: {  	_ =	swait.ge [sflag:s5], $0x800  }
0xfe: {  	[sflag:s5] =	ssyncset.done $0x0  }
0xff: {  	[sflag:s5] =	ssyncadd.s32 $0xFFFFF800  }
0x100: {  	_ =	swait.ge [sflag:s5], $0x800  }
0x101: {  	[sflag:s5] =	ssyncset.done $0x0  }
0x102: {  	[sflag:s5] =	ssyncadd.s32 $0xFFFFF800  }
0x103: {  	_ =	swait.ge [sflag:s5], $0x800  }
0x104: {  	[sflag:s5] =	ssyncset.done $0x0  }
0x105: {  	[sflag:s5] =	ssyncadd.s32 $0xFFFFF800  }
0x106: {  	_ =	swait.ge [sflag:s5], $0x800  }
0x107: {  	[sflag:s5] =	ssyncset.done $0x0  }
0x108: {  	[sflag:s5] =	ssyncadd.s32 $0xFFFFF800  }
0x109: {  	_ =	swait.ge [sflag:s5], $0x800  }
0x10a: {  	[sflag:s5] =	ssyncset.done $0x0  }
0x10b: {  	[sflag:s5] =	ssyncadd.s32 $0xFFFFF800  }
0x10c: {  	_ =	swait.ge [sflag:s5], $0x800  }
0x10d: {  	[sflag:s5] =	ssyncset.done $0x0  }
0x10e: {  	[sflag:s5] =	ssyncadd.s32 $0xFFFFF800  }
0x10f: {  	[bflag:$0x0] =	sbarrier.arrive $0xFFFF  }
0x110: {  	s7 =	rddreg [dreg:$0x8]  }
0x111: {  	s9 =	rddreg [dreg:$0x9]  }
0x112: {  	s8 =	rddreg [dreg:$0xb]  }
0x113: {  	[hbm:s9], [sflag:s7] =	dma.local [spmem:s8], $0x1900  }
0x114: {  	_ =	swait.ge [sflag:s10], $0x1900  }
0x115: {  	s6 =	rddreg [dreg:$0xc]  }
0x116: {  	s9 =	sadd.s32 $0x1, s6;
	s6 =	rddreg [dreg:$0xa]  }
0x117: {  	p0 =	sne.s32 s9, s6  }
.Ltmp1:
0x118: {  	_ = 	snop;
	(pc) =	sbr.rel @p0 .LBB2_1-.Ltmp1, $3  }
0x119: {  	_ =	sdelay $0x1  }
0x11a: {  	[sflag:s10] =	ssyncset.done $0x0  }
0x11b: {  	[sflag:s10] =	ssyncadd.s32 $0xFFFFE700  }
0x11c: {  	_ =	sfence.sel $0x180000  }
0x11d: {  	[bflag:$0x0] =	sbarrier.arrive $0xFFFF  }
0x11e: {  	_ =	strace $0x9000004D  }
0x11f: {  	s0 =	stileid.u32;
	[bflag:$0x2] =	sbarrier.arrive $0xFFFF  }
0x120: {  	p0 =	sne.s32 s0, $0x0;
	s0 =	rddreg [dreg:$0x2]  }
0x121: {  	s0 =	sadd.s32 @!p0 $0x100000, s0  }
0x122: {  	[sflag:s0] =	ssyncadd.tile.s32 @!p0 $0x1;
	_ =	shalt  }
.Lfunc_end2:
_tile_overlayer_lowered:
.L_overlay_start_2:
0x123: {  	(tag) =	ssettag $0x2  }
0x124: {  	s0 =	rddreg [dreg:$0x0];
	s2 =	stileid.u32  }
0x125: {  	s1 =	rddreg [dreg:$0x1];
	p0 =	sne.s32 s2, $0x0  }
0x126: {  	s3 =	rddreg [dreg:$0x2];
	[bflag:$0x3] =	sbarrier.arrive $0xFFFF;
	s2 =	simm.s32 @!p0 $0x1C03  }
0x127: {  	[timem:s3], [sflag:s2] =	dma.local @!p0 [hbm:s0], s1  }
0x128: {  	s0 =	simm.s32 @!p0 $0x3  }
0x129: {  	_ =	swait.ge @!p0 [sflag:s0], s1  }
0x12a: {  	s1 =	ssub.s32 @!p0 $0x0, s1;
	[sflag:s0] =	ssyncset.done @!p0 $0x0  }
0x12b: {  	[sflag:s0] =	ssyncadd.s32 @!p0 s1  }
0x12c: {  	[bflag:$0x3] =	sbarrier.arrive $0xFFFF  }
0x12d: {  	_ =	shalt  }

// kernel: kernel.25.cloned.1.call-start
scs
__scs_entry_jumppad:
0x0: {  	(pc) =	sbr.rel $0x88, $3  }
0x1: {  	(tag) =	ssettag $0x0;
	lr =	simm.s32 $0x1  }
0x2: {  	[smem:$0x3F95] =	sst lr;
	_ =	strace $0xD0000000  }
0x3: {  	_ = 	snop  }
0x4: {  	_ = 	snop  }
0x5: {  	_ = 	snop  }
0x6: {  	_ = 	snop  }
0x7: {  	_ = 	snop  }
__scs_overlays_trampoline_lowered:
0x8: {  	[smem:$0x3FA4] =	sst s0  }
0x9: {  	[smem:$0x3FA5] =	sst s1  }
0xa: {  	[smem:$0x3FA6] =	sst s2  }
0xb: {  	[smem:$0x3FA7] =	sst s3  }
0xc: {  	[smem:$0x3FA8] =	sst s4  }
0xd: {  	[smem:$0x3FA9] =	sst s5  }
0xe: {  	[smem:$0x3FAA] =	sst s6  }
0xf: {  	[smem:$0x3FAB] =	sst s7  }
0x10: {  	[smem:$0x3FAC] =	sst s8  }
0x11: {  	[smem:$0x3FAD] =	sst s9;
	s0 =	simm.s32 @!p0 $0x0  }
0x12: {  	s1 =	sld [smem:$0x3F93];
	s0 =	simm.s32 @p0 $0x1  }
0x13: {  	[smem:$0x3FAE] =	sst s0;
	s0 =	simm.s32 @!p1 $0x0  }
0x14: {  	s2 =	sld [smem:$0x3F92];
	s0 =	simm.s32 @p1 $0x1  }
0x15: {  	[smem:$0x3FAF] =	sst s0;
	s0 =	simm.s32 @!p2 $0x0  }
0x16: {  	s3 =	sld [smem:$0x3FDB];
	s0 =	simm.s32 @p2 $0x1  }
0x17: {  	s4 =	simm.s32 $0x1BF5;
	[smem:$0x3FB1] =	sst s0  }
0x18: {  	s0 =	sld [smem:$0x3F94];
	_ =	swait.ge [sflag:s4], $0x0  }
0x19: {  	s7 =	sld [smem:$0x3F95]  }
0x1a: {  	s8 =	sadd.s32 $0xFFFFE003, lr  }
0x1b: {  	s9 =	sadd.s32 $0xFFFFFEF7, lr;
	s5 =	simm.s32 $0xFFFFFFFF;
	p2 =	slt.u32 s8, $0xFFFFF086  }
0x1c: {  	p1 =	slt.u32 s9, $0xF7A;
	s5 =	simm.s32 @!p2 $0x0  }
0x1d: {  	s5 =	simm.s32 @p1 $0x1;
	p0 =	seq.s32 s7, s2  }
0x1e: {  	s7 =	smul.u32 @!p0 $0xF7A, s2;
	p2 =	seq.s32 @!p0 s5, $0x0  }
0x1f: {  	s9 =	smul.u32 $0xF7A, s1;
	s8 =	simm.s32 @!p0 $0x1BF5;
	p2 =	por !p2, p0  }
0x20: {  	[sflag:s8] =	ssyncset.s32 @!p0 $0xFFFFF086;
	s6 =	sadd.s32 @!p0 s3, s7;
	s7 =	simm.s32 @!p0 $0x108  }
0x21: {  	s3 =	sadd.s32 s3, s9;
	s6 =	sadd.s32 @!p0 $0x88, s6;
	s7 =	simm.s32 @p2 $0x1082  }
0x22: {  	[simem:s7], [sflag:s8] =	dma.local @!p0 [hbm:s6], $0xF7A  }
0x23: {  	s9 =	sor.u32 $0xD0000000, s2;
	s6 =	simm.s32 $0x108;
	_ =	swait.ge @!p0 [sflag:s8], $0x0  }
0x24: {  	s3 =	sadd.s32 $0x88, s3;
	s6 =	simm.s32 @!p1 $0x1082;
	[sflag:s4] =	ssyncset.s32 $0xFFFFF086  }
0x25: {  	[simem:s6], [sflag:s4] =	dma.local [hbm:s3], $0xF7A  }
0x26: {  	[smem:$0x3F95] =	sst s1;
	(tag) =	ssettag s2;
	_ =	strace s9  }
0x27: {  	s1 =	sld [smem:$0x3FA5]  }
0x28: {  	s2 =	sld [smem:$0x3FA6]  }
0x29: {  	s4 =	sld [smem:$0x3FA8]  }
0x2a: {  	p0 =	seq.s32 s5, $0x0;
	s5 =	sld [smem:$0x3FA9]  }
0x2b: {  	s6 =	sld [smem:$0x3FAA]  }
0x2c: {  	s7 =	sld [smem:$0x3FAB]  }
0x2d: {  	s3 =	simm.s32 $0x108;
	s8 =	sld [smem:$0x3FAC]  }
0x2e: {  	s3 =	simm.s32 @!p0 $0x1082;
	s9 =	sld [smem:$0x3FAD]  }
0x2f: {  	lr =	sadd.s32 s0, s3;
	s0 =	sld [smem:$0x3FA4]  }
0x30: {  	s3 =	sld [smem:$0x3FA7]  }
0x31: {  	[smem:$0x3FB0] =	sst s10  }
0x32: {  	s10 =	sld [smem:$0x3FAE];
	_ =	sdelay $0x3  }
0x33: {  	p0 =	seq.s32 s10, $0x1;
	s10 =	sld [smem:$0x3FB0];
	_ =	sdelay $0x3  }
0x34: {  	[smem:$0x3FB0] =	sst s10  }
0x35: {  	s10 =	sld [smem:$0x3FAF];
	_ =	sdelay $0x3  }
0x36: {  	p1 =	seq.s32 s10, $0x1;
	s10 =	sld [smem:$0x3FB0];
	_ =	sdelay $0x3  }
0x37: {  	[smem:$0x3FB0] =	sst s10  }
0x38: {  	s10 =	sld [smem:$0x3FB1]  }
0x39: {  	_ = 	snop;
	(pc) =	sbr.ind lr, $3  }
0x3a: {  	_ = 	snop  }
0x3b: {  	_ = 	snop  }
0x3c: {  	p2 =	seq.s32 s10, $0x1;
	s10 =	sld [smem:$0x3FB0]  }
0x3d: {  	_ =	shalt  }
0x3e: {  	_ =	shalt  }
0x3f: {  	_ =	shalt  }
0x40: {  	_ =	shalt  }
0x41: {  	_ =	shalt  }
0x42: {  	_ =	shalt  }
0x43: {  	_ =	shalt  }
0x44: {  	_ =	shalt  }
0x45: {  	_ =	shalt  }
0x46: {  	_ =	shalt  }
0x47: {  	_ =	shalt  }
0x48: {  	_ =	shalt  }
0x49: {  	_ =	shalt  }
0x4a: {  	_ =	shalt  }
0x4b: {  	_ =	shalt  }
0x4c: {  	_ =	shalt  }
0x4d: {  	_ =	shalt  }
0x4e: {  	_ =	shalt  }
0x4f: {  	_ =	shalt  }
0x50: {  	_ =	shalt  }
0x51: {  	_ =	shalt  }
0x52: {  	_ =	shalt  }
0x53: {  	_ =	shalt  }
0x54: {  	_ =	shalt  }
0x55: {  	_ =	shalt  }
0x56: {  	_ =	shalt  }
0x57: {  	_ =	shalt  }
0x58: {  	_ =	shalt  }
0x59: {  	_ =	shalt  }
0x5a: {  	_ =	shalt  }
0x5b: {  	_ =	shalt  }
0x5c: {  	_ =	shalt  }
0x5d: {  	_ =	shalt  }
0x5e: {  	_ =	shalt  }
0x5f: {  	_ =	shalt  }
0x60: {  	_ =	shalt  }
0x61: {  	_ =	shalt  }
0x62: {  	_ =	shalt  }
0x63: {  	_ =	shalt  }
0x64: {  	_ =	shalt  }
0x65: {  	_ =	shalt  }
0x66: {  	_ =	shalt  }
0x67: {  	_ =	shalt  }
0x68: {  	_ =	shalt  }
0x69: {  	_ =	shalt  }
0x6a: {  	_ =	shalt  }
0x6b: {  	_ =	shalt  }
0x6c: {  	_ =	shalt  }
0x6d: {  	_ =	shalt  }
0x6e: {  	_ =	shalt  }
0x6f: {  	_ =	shalt  }
0x70: {  	_ =	shalt  }
0x71: {  	_ =	shalt  }
0x72: {  	_ =	shalt  }
0x73: {  	_ =	shalt  }
0x74: {  	_ =	shalt  }
0x75: {  	_ =	shalt  }
0x76: {  	_ =	shalt  }
0x77: {  	_ =	shalt  }
0x78: {  	_ =	shalt  }
0x79: {  	_ =	shalt  }
0x7a: {  	_ =	shalt  }
0x7b: {  	_ =	shalt  }
0x7c: {  	_ =	shalt  }
0x7d: {  	_ =	shalt  }
0x7e: {  	_ =	shalt  }
0x7f: {  	_ =	shalt  }
0x80: {  	_ =	shalt  }
0x81: {  	_ =	shalt  }
0x82: {  	_ =	shalt  }
0x83: {  	_ =	shalt  }
0x84: {  	_ =	shalt  }
0x85: {  	_ =	shalt  }
0x86: {  	_ =	shalt  }
0x87: {  	_ =	shalt  }
.Lfunc_end0:
.L_simem_size_0:
called_computation.4_lowered:
.L_overlay_start_0:
0x88: {  	s2 =	sld [smem:$0x3FD9]  }
0x89: {  	s3 =	sld [smem:$0x3FFE];
	_ =	sdelay $0x1  }
0x8a: {  	s1 =	srdreg.scid  }
0x8b: {  	s0 =	sand.u32 $0x1, s1  }
0x8c: {  	s16 =	sshll.u32 s0, $0xA;
	s2 =	sadd.s32 s3, s2  }
0x8d: {  	s2 =	sadd.s32 s2, s16  }
0x8e: {  	[smem:$0x3FBC] =	sst s2  }
0x8f: {  	_ = 	snop  }
0x90: {  	(tm) =	ssettm $0x1  }
0x91: {  	s17 =	sld [smem:$0x3FFB];
	_ =	sdelay $0x3  }
0x92: {  	_ =	strace s17  }
0x93: {  	s2 =	sld [smem:$0x3FFC];
	_ =	sdelay $0x3  }
0x94: {  	_ =	strace s2  }
0x95: {  	s2 =	sld [smem:$0x3FFD];
	_ =	sdelay $0x3  }
0x96: {  	_ =	strace s2  }
0x97: {  	_ =	strace $0x8FFFFFFF  }
0x98: {  	s18 =	sld [smem:$0x3FDB];
	_ =	sdelay $0x1  }
0x99: {  	s19 =	simm.s32 $_scs_section_size  }
0x9a: {  	s4 =	simm.s32 $_size__tile_overlayer_lowered;
	s5 =	simm.s32 $_tile_overlayer_lowered  }
0x9b: {  	s22 =	simm.s32 $0x1BFF;
	s21 =	sshll.u32 s5, $0x1;
	s2 =	sadd.s32 s19, s18  }
0x9c: {  	s6 =	simm.s32 $0x0;
	s20 =	sshll.u32 s4, $0x1;
	s4 =	sadd.s32 s21, s2  }
0x9d: {  	[timem:s6], [sflag:s22] =	dma.local [hbm:s4], s20  }
0x9e: {  	_ =	swait.ge [sflag:s22], s20  }
0x9f: {  	s3 =	ssub.s32 $0x0, s20;
	[sflag:s22] =	ssyncset.done $0x0  }
0xa0: {  	[sflag:s22] =	ssyncadd.s32 s3;
	_ =	sdelay $0x1  }
0xa1: {  	s23 =	simm.s32 $0x1B8B  }
0xa2: {  	_ =	swait.ge [sflag:s23], $0x1  }
0xa3: {  	[sflag:s23] =	ssyncset.done $0x0  }
0xa4: {  	s25 =	simm.s32 $0x1B8E;
	s24 =	sld [smem:$0x3FFE];
	[sflag:s23] =	ssyncadd.s32 $0xFFFFFFFF  }
0xa5: {  	s26 =	simm.s32 $execute0_lowered;
	[smem:$0x3FD2] =	sst s25  }
0xa6: {  	s4 =	sshll.u32 s26, $0x1;
	_ =	strace $0x80000052;
	[dreg:$0x1] =	wrdreg $0xFFFFFFFF  }
0xa7: {  	s28 =	simm.s32 $_size_execute0_lowered;
	s2 =	sadd.s32 s2, s4;
	[dreg:$0x0] =	wrdreg $0x0  }
0xa8: {  	s4 =	sshll.u32 s28, $0x1;
	[dreg:$0x2] =	wrdreg s2  }
0xa9: {  	[dreg:$0x3] =	wrdreg s4  }
0xaa: {  	[dreg:$0x4] =	wrdreg $0xC0  }
0xab: {  	_ =	task [dreg:s6], $0x5FFFF  }
0xac: {  	[dreg:$0x1] =	wrdreg $0xFFFFFFFF  }
0xad: {  	[dreg:$0x0] =	wrdreg $0x60  }
0xae: {  	[dreg:$0x2] =	wrdreg s24  }
0xaf: {  	[dreg:$0x3] =	wrdreg $0x48000  }
0xb0: {  	[dreg:$0x4] =	wrdreg $0x9  }
0xb1: {  	_ =	task.clear_ibuf [dreg:s6], $0x5FFFF;
	_ =	strace $0x90000052  }
0xb2: {  	s29 =	simm.s32 $0x9;
	_ =	strace $0x80000054  }
0xb3: {  	_ =	swait.ge [sflag:s29], $0x1  }
0xb4: {  	[sflag:s29] =	ssyncadd.s32 $0xFFFFFFFF  }
0xb5: {  	_ =	strace $0x90000054  }
0xb6: {  	_ =	sfence  }
0xb7: {  	s30 =	sld [smem:$0x0];
	_ =	sdelay $0x2  }
0xb8: {  	s31 =	sshll.u32 s1, $0xD;
	s1 =	sshrl.u32 s1, $0x2  }
0xb9: {  	s3 =	sand.u32 $0x4000, s31;
	s1 =	sadd.s32 s1, s30  }
0xba: {  	s0 =	sor.u32 s3, s0;
	s1 =	sshll.u32 s1, $0x11  }
0xbb: {  	s0 =	sor.u32 s1, s0  }
0xbc: {  	s0 =	sadd.s32 $0x8F2B, s0  }
0xbd: {  	[sflag:s0] =	ssyncadd.remote.s32 $0x1  }
0xbe: {  	_ =	sfence.sel $0xFFFF  }
0xbf: {  	[dreg:$0x0] =	wrdreg $0xFFFFFFFF;
	(pc) =	sbr.abs _section_cstart, $3  }
0xc0: {  	[dreg:$0x1] =	wrdreg $0xFFFFFFFF  }
0xc1: {  	_ =	task.clear_ibuf [dreg:s6], $0x2FFFF;
	_ =	strace $0x9FFFFFFF  }
0xc2: {  	(tm) =	ssettm $0x7FFFFFFF  }
0xc3: {  	_ =	shalt  }
tec
execute0_lowered:
.L_overlay_start_1:
0x0: {  	(tag) =	ssettag $0x1  }
0x1: {  	s0 =	srdreg.scid  }
0x2: {  	s10 =	stileid.u32;
	s1 =	rddreg [dreg:$0x0]  }
0x3: {  	s2 =	rddreg [dreg:$0x1];
	s3 =	simm.s32 $0x0;
	s11 =	simm.s32 $0x400  }
0x4: {  	s12 =	simm.s32 $0x80;
	s13 =	simm.s32 $0x800;
	s25 =	simm.s32 $0x100  }
0x5: {  	s14 =	simm.s32 $0x1000;
	s26 =	simm.s32 $0x180;
	s15 =	simm.s32 $0x1800  }
0x6: {  	s16 =	simm.s32 $0x2000;
	s17 =	simm.s32 $0x200;
	s18 =	simm.s32 $0x2800  }
0x7: {  	s19 =	simm.s32 $0x280;
	s20 =	simm.s32 $0x3000;
	s28 =	simm.s32 $0x500  }
0x8: {  	s29 =	simm.s32 $0x580;
	s30 =	simm.s32 $0x600;
	s4 =	smul.u32 $0x18800, s10  }
0x9: {  	s31 =	simm.s32 $0x680;
	s0 =	sand.u32 $0x1, s0;
	s21 =	smul.u32 $0xC800, s10  }
0xa: {  	[smem:$0x7FF] =	sst s3;
	s23 =	sshll.u32 s10, $0x6;
	s10 =	simm.s32 $0x3  }
0xb: {  	s5 =	smul.u32 $0xC400, s0;
	_ =	strace $0x80000053;
	[dreg:$0x5] =	wrdreg s25  }
0xc: {  	s7 =	smul.u32 $0xC8000, s0;
	s0 =	ssub.s32 $0x2, s0;
	[dreg:$0x6] =	wrdreg s26  }
0xd: {  	s25 =	simm.s32 $0x1;
	s26 =	simm.s32 $0x480;
	s8 =	sshrl.u32 s21, $0x3  }
0xe: {  	s9 =	sshrl.u32 s0, $0x1;
	s4 =	sadd.s32 s5, s4;
	s7 =	sadd.s32 s21, s7  }
0xf: {  	s8 =	sadd.s32 s8, s1;
	s0 =	ssub.s32 s0, s9;
	s5 =	sadd.s32 s21, s2  }
0x10: {  	s21 =	simm.s32 $0x300;
	s9 =	simm.s32 $0x0;
	s6 =	sshrl.u32 s4, $0x3  }
0x11: {  	s4 =	sadd.s32 $0x132000, s1;
	s7 =	sshrl.u32 s7, $0x3;
	s22 =	sadd.s32 $0x14B000, s8  }
0x12: {  	s0 =	smax.u32 s0, $0x1;
	s8 =	sshrl.u32 s5, $0x3;
	[dreg:$0x7] =	wrdreg s22  }
0x13: {  	s5 =	simm.s32 $0x2;
	s6 =	sadd.s32 s6, s1;
	[dreg:$0xa] =	wrdreg s0  }
0x14: {  	s1 =	sadd.s32 s7, s1;
	s7 =	sor.u32 $0x1C03, s23;
	[dreg:$0xb] =	wrdreg s8  }
0x15: {  	s22 =	simm.s32 $0x3800;
	s24 =	sadd.s32 $0x3400, s6;
	[dreg:$0x8] =	wrdreg s7  }
0x16: {  	s23 =	simm.s32 $0x380;
	s1 =	sadd.s32 $0x35E00, s1;
	[dreg:$0x3] =	wrdreg s24  }
0x17: {  	s0 =	simm.s32 $0x780;
	s6 =	sadd.s32 $0x101000, s6;
	[dreg:$0x9] =	wrdreg s1  }
0x18: {  	[dreg:$0x4] =	wrdreg s6;
	s24 =	simm.s32 $0x4000;
	s1 =	simm.s32 $0x700  }
.LBB2_1:
0x19: {  	[dreg:$0xc] =	wrdreg s9  }
0x1a: {  	s6 =	rddreg [dreg:$0x7]  }
0x1b: {  	[spmem:s8], [sflag:s7] =	dma.local [hbm:s6], $0x1900  }
0x1c: {  	_ =	swait.ge [sflag:s10], $0x1900  }
0x1d: {  	[sflag:s10] =	ssyncset.done $0x0  }
0x1e: {  	[sflag:s10] =	ssyncadd.s32 $0xFFFFE700  }
0x1f: {  	[bflag:$0x0] =	sbarrier.arrive $0xFFFF  }
0x20: {  	s9 =	rddreg [dreg:$0x4]  }
0x21: {  	s6 =	sadd.s32 $0x0, s9  }
0x22: {  	[tilespmem:s3], [sflag:$0x3] =	stream.linear.gather [hbm4b:s6+s3], $0x400, $0x38;
	[tilespmem:$0x11000] =	vst v63  }
0x23: {  	_ =	swait.ge [sflag:s10], $0x400  }
0x24: {  	s7 =	rddreg [dreg:$0x3];
	[sflag:s10] =	ssyncset.done $0x0  }
0x25: {  	[sflag:s10] =	ssyncadd.s32 $0xFFFFFC00;
	s6 =	sadd.s32 $0x0, s7  }
0x26: {  	[tilespmem:s11], [sflag:$0x3] =	stream.linear.gather [hbm4b:s6+s3], $0x400, $0x38;
	[tilespmem:$0x11000] =	vst v63  }
0x27: {  	_ =	swait.ge [sflag:s10], $0x400  }
0x28: {  	[sflag:s10] =	ssyncset.done $0x0  }
0x29: {  	[sflag:s10] =	ssyncadd.s32 $0xFFFFFC00  }
0x2a: {  	[tilespmem:s13], [sflag:$0x1] =	stream.indirect.gather [hbm4b:s4+s12], $0x10, s3, s12, $0xb8;
	[tilespmem:$0x11000] =	vst v63  }
0x2b: {  	_ = 	snop  }
0x2c: {  	[tilespmem:s14], [sflag:$0x1] =	stream.indirect.gather [hbm4b:s4+s12], $0x10, s12, s12, $0xb8;
	[tilespmem:$0x11000] =	vst v63  }
0x2d: {  	s8 =	rddreg [dreg:$0x5]  }
0x2e: {  	[tilespmem:s15], [sflag:$0x1] =	stream.indirect.gather [hbm4b:s4+s12], $0x10, s8, s12, $0xb8;
	[tilespmem:$0x11000] =	vst v63  }
0x2f: {  	s9 =	rddreg [dreg:$0x6]  }
0x30: {  	[tilespmem:s16], [sflag:$0x1] =	stream.indirect.gather [hbm4b:s4+s12], $0x10, s9, s12, $0xb8;
	[tilespmem:$0x11000] =	vst v63  }
0x31: {  	_ = 	snop  }
0x32: {  	[tilespmem:s18], [sflag:$0x1] =	stream.indirect.gather [hbm4b:s4+s12], $0x10, s17, s12, $0xb8;
	[tilespmem:$0x11000] =	vst v63  }
0x33: {  	_ = 	snop  }
0x34: {  	[tilespmem:s20], [sflag:$0x1] =	stream.indirect.gather [hbm4b:s4+s12], $0x10, s19, s12, $0xb8;
	[tilespmem:$0x11000] =	vst v63  }
0x35: {  	_ = 	snop  }
0x36: {  	[tilespmem:s22], [sflag:$0x1] =	stream.indirect.gather [hbm4b:s4+s12], $0x10, s21, s12, $0xb8;
	[tilespmem:$0x11000] =	vst v63  }
0x37: {  	_ = 	snop  }
0x38: {  	[tilespmem:s24], [sflag:$0x1] =	stream.indirect.gather [hbm4b:s4+s12], $0x10, s23, s12, $0xb8;
	[tilespmem:$0x11000] =	vst v63  }
0x39: {  	_ =	swait.ge [sflag:s25], $0x800  }
0x3a: {  	[sflag:s25] =	ssyncset.done $0x0  }
0x3b: {  	[sflag:s25] =	ssyncadd.s32 $0xFFFFF800  }
0x3c: {  	[spmem:s2] =	stream.indirect.scatter.add.f32 [tilespmem:s13], [sflag:$0x2], $0x10, s11, s12, $0xb8;
	[tilespmem:$0x11000] =	vst v63  }
0x3d: {  	_ =	swait.ge [sflag:s25], $0x800  }
0x3e: {  	[sflag:s25] =	ssyncset.done $0x0  }
0x3f: {  	[sflag:s25] =	ssyncadd.s32 $0xFFFFF800  }
0x40: {  	[spmem:s2] =	stream.indirect.scatter.add.f32 [tilespmem:s14], [sflag:$0x2], $0x10, s26, s12, $0xb8;
	[tilespmem:$0x11000] =	vst v63  }
0x41: {  	_ =	swait.ge [sflag:s25], $0x800  }
0x42: {  	[sflag:s25] =	ssyncset.done $0x0  }
0x43: {  	[sflag:s25] =	ssyncadd.s32 $0xFFFFF800  }
0x44: {  	[spmem:s2] =	stream.indirect.scatter.add.f32 [tilespmem:s15], [sflag:$0x2], $0x10, s28, s12, $0xb8;
	[tilespmem:$0x11000] =	vst v63  }
0x45: {  	_ =	swait.ge [sflag:s25], $0x800  }
0x46: {  	[sflag:s25] =	ssyncset.done $0x0  }
0x47: {  	[sflag:s25] =	ssyncadd.s32 $0xFFFFF800  }
0x48: {  	[spmem:s2] =	stream.indirect.scatter.add.f32 [tilespmem:s16], [sflag:$0x2], $0x10, s29, s12, $0xb8;
	[tilespmem:$0x11000] =	vst v63  }
0x49: {  	_ =	swait.ge [sflag:s25], $0x800  }
0x4a: {  	[sflag:s25] =	ssyncset.done $0x0  }
0x4b: {  	[sflag:s25] =	ssyncadd.s32 $0xFFFFF800  }
0x4c: {  	[spmem:s2] =	stream.indirect.scatter.add.f32 [tilespmem:s18], [sflag:$0x2], $0x10, s30, s12, $0xb8;
	[tilespmem:$0x11000] =	vst v63  }
0x4d: {  	_ =	swait.ge [sflag:s25], $0x800  }
0x4e: {  	[sflag:s25] =	ssyncset.done $0x0  }
0x4f: {  	[sflag:s25] =	ssyncadd.s32 $0xFFFFF800  }
0x50: {  	[spmem:s2] =	stream.indirect.scatter.add.f32 [tilespmem:s20], [sflag:$0x2], $0x10, s31, s12, $0xb8;
	[tilespmem:$0x11000] =	vst v63  }
0x51: {  	_ =	swait.ge [sflag:s25], $0x800  }
0x52: {  	[sflag:s25] =	ssyncset.done $0x0  }
0x53: {  	[sflag:s25] =	ssyncadd.s32 $0xFFFFF800  }
0x54: {  	[spmem:s2] =	stream.indirect.scatter.add.f32 [tilespmem:s22], [sflag:$0x2], $0x10, s1, s12, $0xb8;
	[tilespmem:$0x11000] =	vst v63  }
0x55: {  	_ =	swait.ge [sflag:s25], $0x800  }
0x56: {  	[sflag:s25] =	ssyncset.done $0x0  }
0x57: {  	[sflag:s25] =	ssyncadd.s32 $0xFFFFF800  }
0x58: {  	[spmem:s2] =	stream.indirect.scatter.add.f32 [tilespmem:s24], [sflag:$0x2], $0x10, s0, s12, $0xb8;
	[tilespmem:$0x11000] =	vst v63  }
0x59: {  	_ =	swait.ge [sflag:s5], $0x800  }
0x5a: {  	[sflag:s5] =	ssyncset.done $0x0  }
0x5b: {  	[sflag:s5] =	ssyncadd.s32 $0xFFFFF800  }
0x5c: {  	_ =	swait.ge [sflag:s5], $0x800  }
0x5d: {  	[sflag:s5] =	ssyncset.done $0x0  }
0x5e: {  	[sflag:s5] =	ssyncadd.s32 $0xFFFFF800  }
0x5f: {  	_ =	swait.ge [sflag:s5], $0x800  }
0x60: {  	[sflag:s5] =	ssyncset.done $0x0  }
0x61: {  	[sflag:s5] =	ssyncadd.s32 $0xFFFFF800  }
0x62: {  	_ =	swait.ge [sflag:s5], $0x800  }
0x63: {  	[sflag:s5] =	ssyncset.done $0x0  }
0x64: {  	[sflag:s5] =	ssyncadd.s32 $0xFFFFF800  }
0x65: {  	_ =	swait.ge [sflag:s5], $0x800  }
0x66: {  	[sflag:s5] =	ssyncset.done $0x0  }
0x67: {  	[sflag:s5] =	ssyncadd.s32 $0xFFFFF800  }
0x68: {  	_ =	swait.ge [sflag:s5], $0x800  }
0x69: {  	[sflag:s5] =	ssyncset.done $0x0  }
0x6a: {  	[sflag:s5] =	ssyncadd.s32 $0xFFFFF800  }
0x6b: {  	_ =	swait.ge [sflag:s5], $0x800  }
0x6c: {  	[sflag:s5] =	ssyncset.done $0x0  }
0x6d: {  	[sflag:s5] =	ssyncadd.s32 $0xFFFFF800  }
0x6e: {  	s6 =	simm.s32 $0x100;
	_ =	swait.ge [sflag:s5], $0x800  }
0x6f: {  	s8 =	simm.s32 $0x80;
	s9 =	rddreg [dreg:$0x4];
	[sflag:s5] =	ssyncset.done $0x0  }
.LBB2_2:
0x70: {  	[sflag:s5] =	ssyncadd.s32 $0xFFFFF800;
	s9 =	sadd.s32 s8, s9  }
0x71: {  	[tilespmem:s3], [sflag:$0x3] =	stream.linear.gather [hbm4b:s9+s3], $0x400, $0x38;
	[tilespmem:$0x11000] =	vst v63  }
0x72: {  	_ =	swait.ge [sflag:s10], $0x400  }
0x73: {  	s9 =	rddreg [dreg:$0x3];
	[sflag:s10] =	ssyncset.done $0x0  }
0x74: {  	[sflag:s10] =	ssyncadd.s32 $0xFFFFFC00;
	s9 =	sadd.s32 s8, s9  }
0x75: {  	[tilespmem:s11], [sflag:$0x3] =	stream.linear.gather [hbm4b:s9+s3], $0x400, $0x38;
	[tilespmem:$0x11000] =	vst v63  }
0x76: {  	_ =	swait.ge [sflag:s10], $0x400  }
0x77: {  	[sflag:s10] =	ssyncset.done $0x0  }
0x78: {  	[sflag:s10] =	ssyncadd.s32 $0xFFFFFC00  }
0x79: {  	[tilespmem:s13], [sflag:$0x1] =	stream.indirect.gather [hbm4b:s4+s12], $0x10, s3, s12, $0xb8;
	[tilespmem:$0x11000] =	vst v63  }
0x7a: {  	s7 =	smov.u32 s6  }
0x7b: {  	[tilespmem:s14], [sflag:$0x1] =	stream.indirect.gather [hbm4b:s4+s12], $0x10, s12, s12, $0xb8;
	[tilespmem:$0x11000] =	vst v63  }
0x7c: {  	s8 =	smov.u32 s7;
	s7 =	rddreg [dreg:$0x5]  }
0x7d: {  	[tilespmem:s15], [sflag:$0x1] =	stream.indirect.gather [hbm4b:s4+s12], $0x10, s7, s12, $0xb8;
	[tilespmem:$0x11000] =	vst v63  }
0x7e: {  	s9 =	rddreg [dreg:$0x6]  }
0x7f: {  	[tilespmem:s16], [sflag:$0x1] =	stream.indirect.gather [hbm4b:s4+s12], $0x10, s9, s12, $0xb8;
	[tilespmem:$0x11000] =	vst v63  }
0x80: {  	_ = 	snop  }
0x81: {  	[tilespmem:s18], [sflag:$0x1] =	stream.indirect.gather [hbm4b:s4+s12], $0x10, s17, s12, $0xb8;
	[tilespmem:$0x11000] =	vst v63  }
0x82: {  	_ = 	snop  }
0x83: {  	[tilespmem:s20], [sflag:$0x1] =	stream.indirect.gather [hbm4b:s4+s12], $0x10, s19, s12, $0xb8;
	[tilespmem:$0x11000] =	vst v63  }
0x84: {  	_ = 	snop  }
0x85: {  	[tilespmem:s22], [sflag:$0x1] =	stream.indirect.gather [hbm4b:s4+s12], $0x10, s21, s12, $0xb8;
	[tilespmem:$0x11000] =	vst v63  }
0x86: {  	_ = 	snop  }
0x87: {  	[tilespmem:s24], [sflag:$0x1] =	stream.indirect.gather [hbm4b:s4+s12], $0x10, s23, s12, $0xb8;
	[tilespmem:$0x11000] =	vst v63  }
0x88: {  	_ =	swait.ge [sflag:s25], $0x800  }
0x89: {  	[sflag:s25] =	ssyncset.done $0x0  }
0x8a: {  	[sflag:s25] =	ssyncadd.s32 $0xFFFFF800  }
0x8b: {  	[spmem:s2] =	stream.indirect.scatter.add.f32 [tilespmem:s13], [sflag:$0x2], $0x10, s11, s12, $0xb8;
	[tilespmem:$0x11000] =	vst v63  }
0x8c: {  	_ =	swait.ge [sflag:s25], $0x800  }
0x8d: {  	[sflag:s25] =	ssyncset.done $0x0  }
0x8e: {  	[sflag:s25] =	ssyncadd.s32 $0xFFFFF800  }
0x8f: {  	[spmem:s2] =	stream.indirect.scatter.add.f32 [tilespmem:s14], [sflag:$0x2], $0x10, s26, s12, $0xb8;
	[tilespmem:$0x11000] =	vst v63  }
0x90: {  	_ =	swait.ge [sflag:s25], $0x800  }
0x91: {  	[sflag:s25] =	ssyncset.done $0x0  }
0x92: {  	[sflag:s25] =	ssyncadd.s32 $0xFFFFF800  }
0x93: {  	[spmem:s2] =	stream.indirect.scatter.add.f32 [tilespmem:s15], [sflag:$0x2], $0x10, s28, s12, $0xb8;
	[tilespmem:$0x11000] =	vst v63  }
0x94: {  	_ =	swait.ge [sflag:s25], $0x800  }
0x95: {  	[sflag:s25] =	ssyncset.done $0x0  }
0x96: {  	[sflag:s25] =	ssyncadd.s32 $0xFFFFF800  }
0x97: {  	[spmem:s2] =	stream.indirect.scatter.add.f32 [tilespmem:s16], [sflag:$0x2], $0x10, s29, s12, $0xb8;
	[tilespmem:$0x11000] =	vst v63  }
0x98: {  	_ =	swait.ge [sflag:s25], $0x800  }
0x99: {  	[sflag:s25] =	ssyncset.done $0x0  }
0x9a: {  	[sflag:s25] =	ssyncadd.s32 $0xFFFFF800  }
0x9b: {  	[spmem:s2] =	stream.indirect.scatter.add.f32 [tilespmem:s18], [sflag:$0x2], $0x10, s30, s12, $0xb8;
	[tilespmem:$0x11000] =	vst v63  }
0x9c: {  	_ =	swait.ge [sflag:s25], $0x800  }
0x9d: {  	[sflag:s25] =	ssyncset.done $0x0  }
0x9e: {  	[sflag:s25] =	ssyncadd.s32 $0xFFFFF800  }
0x9f: {  	[spmem:s2] =	stream.indirect.scatter.add.f32 [tilespmem:s20], [sflag:$0x2], $0x10, s31, s12, $0xb8;
	[tilespmem:$0x11000] =	vst v63  }
0xa0: {  	_ =	swait.ge [sflag:s25], $0x800  }
0xa1: {  	[sflag:s25] =	ssyncset.done $0x0  }
0xa2: {  	[sflag:s25] =	ssyncadd.s32 $0xFFFFF800  }
0xa3: {  	[spmem:s2] =	stream.indirect.scatter.add.f32 [tilespmem:s22], [sflag:$0x2], $0x10, s1, s12, $0xb8;
	[tilespmem:$0x11000] =	vst v63  }
0xa4: {  	_ =	swait.ge [sflag:s25], $0x800  }
0xa5: {  	[sflag:s25] =	ssyncset.done $0x0  }
0xa6: {  	[sflag:s25] =	ssyncadd.s32 $0xFFFFF800  }
0xa7: {  	[spmem:s2] =	stream.indirect.scatter.add.f32 [tilespmem:s24], [sflag:$0x2], $0x10, s0, s12, $0xb8;
	[tilespmem:$0x11000] =	vst v63  }
0xa8: {  	_ =	swait.ge [sflag:s5], $0x800  }
0xa9: {  	[sflag:s5] =	ssyncset.done $0x0  }
0xaa: {  	[sflag:s5] =	ssyncadd.s32 $0xFFFFF800  }
0xab: {  	_ =	swait.ge [sflag:s5], $0x800  }
0xac: {  	[sflag:s5] =	ssyncset.done $0x0  }
0xad: {  	[sflag:s5] =	ssyncadd.s32 $0xFFFFF800  }
0xae: {  	_ =	swait.ge [sflag:s5], $0x800  }
0xaf: {  	[sflag:s5] =	ssyncset.done $0x0  }
0xb0: {  	[sflag:s5] =	ssyncadd.s32 $0xFFFFF800  }
0xb1: {  	_ =	swait.ge [sflag:s5], $0x800  }
0xb2: {  	[sflag:s5] =	ssyncset.done $0x0  }
0xb3: {  	[sflag:s5] =	ssyncadd.s32 $0xFFFFF800  }
0xb4: {  	_ =	swait.ge [sflag:s5], $0x800  }
0xb5: {  	[sflag:s5] =	ssyncset.done $0x0  }
0xb6: {  	[sflag:s5] =	ssyncadd.s32 $0xFFFFF800  }
0xb7: {  	_ =	swait.ge [sflag:s5], $0x800  }
0xb8: {  	[sflag:s5] =	ssyncset.done $0x0  }
0xb9: {  	p0 =	sne.s32 s6, $0x1800;
	[sflag:s5] =	ssyncadd.s32 $0xFFFFF800  }
.Ltmp0:
0xba: {  	_ =	swait.ge [sflag:s5], $0x800;
	(pc) =	sbr.rel @p0 .LBB2_2-.Ltmp0, $4  }
0xbb: {  	[sflag:s5] =	ssyncset.done $0x0  }
0xbc: {  	[sflag:s5] =	ssyncadd.s32 $0xFFFFF800  }
0xbd: {  	_ =	swait.ge [sflag:s5], $0x800  }
0xbe: {  	s6 =	sadd.s32 $0x80, s6;
	s9 =	rddreg [dreg:$0x4];
	[sflag:s5] =	ssyncset.done $0x0  }
0xbf: {  	[sflag:s5] =	ssyncadd.s32 $0xFFFFF800;
	s6 =	sadd.s32 s8, s9  }
0xc0: {  	[tilespmem:s3], [sflag:$0x3] =	stream.linear.gather [hbm4b:s6+s3], $0x400, $0x38;
	[tilespmem:$0x11000] =	vst v63  }
0xc1: {  	_ =	swait.ge [sflag:s10], $0x400  }
0xc2: {  	s7 =	rddreg [dreg:$0x3];
	[sflag:s10] =	ssyncset.done $0x0  }
0xc3: {  	[sflag:s10] =	ssyncadd.s32 $0xFFFFFC00;
	s6 =	sadd.s32 s8, s7  }
0xc4: {  	[tilespmem:s11], [sflag:$0x3] =	stream.linear.gather [hbm4b:s6+s3], $0x400, $0x38;
	[tilespmem:$0x11000] =	vst v63  }
0xc5: {  	_ =	swait.ge [sflag:s10], $0x400  }
0xc6: {  	[sflag:s10] =	ssyncset.done $0x0  }
0xc7: {  	[sflag:s10] =	ssyncadd.s32 $0xFFFFFC00  }
0xc8: {  	[tilespmem:s13], [sflag:$0x1] =	stream.indirect.gather [hbm4b:s4+s12], $0x10, s3, s12, $0xb8;
	[tilespmem:$0x11000] =	vst v63  }
0xc9: {  	_ = 	snop  }
0xca: {  	[tilespmem:s14], [sflag:$0x1] =	stream.indirect.gather [hbm4b:s4+s12], $0x10, s12, s12, $0xb8;
	[tilespmem:$0x11000] =	vst v63  }
0xcb: {  	s8 =	rddreg [dreg:$0x5]  }
0xcc: {  	[tilespmem:s15], [sflag:$0x1] =	stream.indirect.gather [hbm4b:s4+s12], $0x10, s8, s12, $0xb8;
	[tilespmem:$0x11000] =	vst v63  }
0xcd: {  	s7 =	rddreg [dreg:$0x6]  }
0xce: {  	[tilespmem:s16], [sflag:$0x1] =	stream.indirect.gather [hbm4b:s4+s12], $0x10, s7, s12, $0xb8;
	[tilespmem:$0x11000] =	vst v63  }
0xcf: {  	_ = 	snop  }
0xd0: {  	[tilespmem:s18], [sflag:$0x1] =	stream.indirect.gather [hbm4b:s4+s12], $0x10, s17, s12, $0xb8;
	[tilespmem:$0x11000] =	vst v63  }
0xd1: {  	_ = 	snop  }
0xd2: {  	[tilespmem:s20], [sflag:$0x1] =	stream.indirect.gather [hbm4b:s4+s12], $0x10, s19, s12, $0xb8;
	[tilespmem:$0x11000] =	vst v63  }
0xd3: {  	_ = 	snop  }
0xd4: {  	[tilespmem:s22], [sflag:$0x1] =	stream.indirect.gather [hbm4b:s4+s12], $0x10, s21, s12, $0xb8;
	[tilespmem:$0x11000] =	vst v63  }
0xd5: {  	_ = 	snop  }
0xd6: {  	[tilespmem:s24], [sflag:$0x1] =	stream.indirect.gather [hbm4b:s4+s12], $0x10, s23, s12, $0xb8;
	[tilespmem:$0x11000] =	vst v63  }
0xd7: {  	_ =	swait.ge [sflag:s25], $0x800  }
0xd8: {  	[sflag:s25] =	ssyncset.done $0x0  }
0xd9: {  	[sflag:s25] =	ssyncadd.s32 $0xFFFFF800  }
0xda: {  	[spmem:s2] =	stream.indirect.scatter.add.f32 [tilespmem:s13], [sflag:$0x2], $0x10, s11, s12, $0xb8;
	[tilespmem:$0x11000] =	vst v63  }
0xdb: {  	_ =	swait.ge [sflag:s25], $0x800  }
0xdc: {  	[sflag:s25] =	ssyncset.done $0x0  }
0xdd: {  	[sflag:s25] =	ssyncadd.s32 $0xFFFFF800  }
0xde: {  	[spmem:s2] =	stream.indirect.scatter.add.f32 [tilespmem:s14], [sflag:$0x2], $0x10, s26, s12, $0xb8;
	[tilespmem:$0x11000] =	vst v63  }
0xdf: {  	_ =	swait.ge [sflag:s25], $0x800  }
0xe0: {  	[sflag:s25] =	ssyncset.done $0x0  }
0xe1: {  	[sflag:s25] =	ssyncadd.s32 $0xFFFFF800  }
0xe2: {  	[spmem:s2] =	stream.indirect.scatter.add.f32 [tilespmem:s15], [sflag:$0x2], $0x10, s28, s12, $0xb8;
	[tilespmem:$0x11000] =	vst v63  }
0xe3: {  	_ =	swait.ge [sflag:s25], $0x800  }
0xe4: {  	[sflag:s25] =	ssyncset.done $0x0  }
0xe5: {  	[sflag:s25] =	ssyncadd.s32 $0xFFFFF800  }
0xe6: {  	[spmem:s2] =	stream.indirect.scatter.add.f32 [tilespmem:s16], [sflag:$0x2], $0x10, s29, s12, $0xb8;
	[tilespmem:$0x11000] =	vst v63  }
0xe7: {  	_ =	swait.ge [sflag:s25], $0x800  }
0xe8: {  	[sflag:s25] =	ssyncset.done $0x0  }
0xe9: {  	[sflag:s25] =	ssyncadd.s32 $0xFFFFF800  }
0xea: {  	[spmem:s2] =	stream.indirect.scatter.add.f32 [tilespmem:s18], [sflag:$0x2], $0x10, s30, s12, $0xb8;
	[tilespmem:$0x11000] =	vst v63  }
0xeb: {  	_ =	swait.ge [sflag:s25], $0x800  }
0xec: {  	[sflag:s25] =	ssyncset.done $0x0  }
0xed: {  	[sflag:s25] =	ssyncadd.s32 $0xFFFFF800  }
0xee: {  	[spmem:s2] =	stream.indirect.scatter.add.f32 [tilespmem:s20], [sflag:$0x2], $0x10, s31, s12, $0xb8;
	[tilespmem:$0x11000] =	vst v63  }
0xef: {  	_ =	swait.ge [sflag:s25], $0x800  }
0xf0: {  	[sflag:s25] =	ssyncset.done $0x0  }
0xf1: {  	[sflag:s25] =	ssyncadd.s32 $0xFFFFF800  }
0xf2: {  	[spmem:s2] =	stream.indirect.scatter.add.f32 [tilespmem:s22], [sflag:$0x2], $0x10, s1, s12, $0xb8;
	[tilespmem:$0x11000] =	vst v63  }
0xf3: {  	_ =	swait.ge [sflag:s25], $0x800  }
0xf4: {  	[sflag:s25] =	ssyncset.done $0x0  }
0xf5: {  	[sflag:s25] =	ssyncadd.s32 $0xFFFFF800  }
0xf6: {  	[spmem:s2] =	stream.indirect.scatter.add.f32 [tilespmem:s24], [sflag:$0x2], $0x10, s0, s12, $0xb8;
	[tilespmem:$0x11000] =	vst v63  }
0xf7: {  	_ =	swait.ge [sflag:s5], $0x800  }
0xf8: {  	[sflag:s5] =	ssyncset.done $0x0  }
0xf9: {  	[sflag:s5] =	ssyncadd.s32 $0xFFFFF800  }
0xfa: {  	_ =	swait.ge [sflag:s5], $0x800  }
0xfb: {  	[sflag:s5] =	ssyncset.done $0x0  }
0xfc: {  	[sflag:s5] =	ssyncadd.s32 $0xFFFFF800  }
0xfd: {  	_ =	swait.ge [sflag:s5], $0x800  }
0xfe: {  	[sflag:s5] =	ssyncset.done $0x0  }
0xff: {  	[sflag:s5] =	ssyncadd.s32 $0xFFFFF800  }
0x100: {  	_ =	swait.ge [sflag:s5], $0x800  }
0x101: {  	[sflag:s5] =	ssyncset.done $0x0  }
0x102: {  	[sflag:s5] =	ssyncadd.s32 $0xFFFFF800  }
0x103: {  	_ =	swait.ge [sflag:s5], $0x800  }
0x104: {  	[sflag:s5] =	ssyncset.done $0x0  }
0x105: {  	[sflag:s5] =	ssyncadd.s32 $0xFFFFF800  }
0x106: {  	_ =	swait.ge [sflag:s5], $0x800  }
0x107: {  	[sflag:s5] =	ssyncset.done $0x0  }
0x108: {  	[sflag:s5] =	ssyncadd.s32 $0xFFFFF800  }
0x109: {  	_ =	swait.ge [sflag:s5], $0x800  }
0x10a: {  	[sflag:s5] =	ssyncset.done $0x0  }
0x10b: {  	[sflag:s5] =	ssyncadd.s32 $0xFFFFF800  }
0x10c: {  	_ =	swait.ge [sflag:s5], $0x800  }
0x10d: {  	[sflag:s5] =	ssyncset.done $0x0  }
0x10e: {  	[sflag:s5] =	ssyncadd.s32 $0xFFFFF800  }
0x10f: {  	[bflag:$0x0] =	sbarrier.arrive $0xFFFF  }
0x110: {  	s7 =	rddreg [dreg:$0x8]  }
0x111: {  	s9 =	rddreg [dreg:$0x9]  }
0x112: {  	s8 =	rddreg [dreg:$0xb]  }
0x113: {  	[hbm:s9], [sflag:s7] =	dma.local [spmem:s8], $0x1900  }
0x114: {  	_ =	swait.ge [sflag:s10], $0x1900  }
0x115: {  	s6 =	rddreg [dreg:$0xc]  }
0x116: {  	s9 =	sadd.s32 $0x1, s6;
	s6 =	rddreg [dreg:$0xa]  }
0x117: {  	p0 =	sne.s32 s9, s6  }
.Ltmp1:
0x118: {  	_ = 	snop;
	(pc) =	sbr.rel @p0 .LBB2_1-.Ltmp1, $3  }
0x119: {  	_ =	sdelay $0x1  }
0x11a: {  	[sflag:s10] =	ssyncset.done $0x0  }
0x11b: {  	[sflag:s10] =	ssyncadd.s32 $0xFFFFE700  }
0x11c: {  	_ =	sfence.sel $0x180000  }
0x11d: {  	[bflag:$0x0] =	sbarrier.arrive $0xFFFF  }
0x11e: {  	_ =	strace $0x90000053  }
0x11f: {  	s0 =	stileid.u32;
	[bflag:$0x2] =	sbarrier.arrive $0xFFFF  }
0x120: {  	p0 =	sne.s32 s0, $0x0;
	s0 =	rddreg [dreg:$0x2]  }
0x121: {  	s0 =	sadd.s32 @!p0 $0x100000, s0  }
0x122: {  	[sflag:s0] =	ssyncadd.tile.s32 @!p0 $0x1;
	_ =	shalt  }
.Lfunc_end2:
_tile_overlayer_lowered:
.L_overlay_start_2:
0x123: {  	(tag) =	ssettag $0x2  }
0x124: {  	s0 =	rddreg [dreg:$0x0];
	s2 =	stileid.u32  }
0x125: {  	s1 =	rddreg [dreg:$0x1];
	p0 =	sne.s32 s2, $0x0  }
0x126: {  	s3 =	rddreg [dreg:$0x2];
	[bflag:$0x3] =	sbarrier.arrive $0xFFFF;
	s2 =	simm.s32 @!p0 $0x1C03  }
0x127: {  	[timem:s3], [sflag:s2] =	dma.local @!p0 [hbm:s0], s1  }
0x128: {  	s0 =	simm.s32 @!p0 $0x3  }
0x129: {  	_ =	swait.ge @!p0 [sflag:s0], s1  }
0x12a: {  	s1 =	ssub.s32 @!p0 $0x0, s1;
	[sflag:s0] =	ssyncset.done @!p0 $0x0  }
0x12b: {  	[sflag:s0] =	ssyncadd.s32 @!p0 s1  }
0x12c: {  	[bflag:$0x3] =	sbarrier.arrive $0xFFFF  }
0x12d: {  	_ =	shalt  }

// kernel: kernel.28.cloned.1.call-start
scs
__scs_entry_jumppad:
0x0: {  	(pc) =	sbr.rel $0x88, $3  }
0x1: {  	(tag) =	ssettag $0x0;
	lr =	simm.s32 $0x1  }
0x2: {  	[smem:$0x3F95] =	sst lr;
	_ =	strace $0xD0000000  }
0x3: {  	_ = 	snop  }
0x4: {  	_ = 	snop  }
0x5: {  	_ = 	snop  }
0x6: {  	_ = 	snop  }
0x7: {  	_ = 	snop  }
__scs_overlays_trampoline_lowered:
0x8: {  	[smem:$0x3FA4] =	sst s0  }
0x9: {  	[smem:$0x3FA5] =	sst s1  }
0xa: {  	[smem:$0x3FA6] =	sst s2  }
0xb: {  	[smem:$0x3FA7] =	sst s3  }
0xc: {  	[smem:$0x3FA8] =	sst s4  }
0xd: {  	[smem:$0x3FA9] =	sst s5  }
0xe: {  	[smem:$0x3FAA] =	sst s6  }
0xf: {  	[smem:$0x3FAB] =	sst s7  }
0x10: {  	[smem:$0x3FAC] =	sst s8  }
0x11: {  	[smem:$0x3FAD] =	sst s9;
	s0 =	simm.s32 @!p0 $0x0  }
0x12: {  	s1 =	sld [smem:$0x3F93];
	s0 =	simm.s32 @p0 $0x1  }
0x13: {  	[smem:$0x3FAE] =	sst s0;
	s0 =	simm.s32 @!p1 $0x0  }
0x14: {  	s2 =	sld [smem:$0x3F92];
	s0 =	simm.s32 @p1 $0x1  }
0x15: {  	[smem:$0x3FAF] =	sst s0;
	s0 =	simm.s32 @!p2 $0x0  }
0x16: {  	s3 =	sld [smem:$0x3FDB];
	s0 =	simm.s32 @p2 $0x1  }
0x17: {  	s4 =	simm.s32 $0x1BF5;
	[smem:$0x3FB1] =	sst s0  }
0x18: {  	s0 =	sld [smem:$0x3F94];
	_ =	swait.ge [sflag:s4], $0x0  }
0x19: {  	s7 =	sld [smem:$0x3F95]  }
0x1a: {  	s8 =	sadd.s32 $0xFFFFE003, lr  }
0x1b: {  	s9 =	sadd.s32 $0xFFFFFEF7, lr;
	s5 =	simm.s32 $0xFFFFFFFF;
	p2 =	slt.u32 s8, $0xFFFFF086  }
0x1c: {  	p1 =	slt.u32 s9, $0xF7A;
	s5 =	simm.s32 @!p2 $0x0  }
0x1d: {  	s5 =	simm.s32 @p1 $0x1;
	p0 =	seq.s32 s7, s2  }
0x1e: {  	s7 =	smul.u32 @!p0 $0xF7A, s2;
	p2 =	seq.s32 @!p0 s5, $0x0  }
0x1f: {  	s9 =	smul.u32 $0xF7A, s1;
	s8 =	simm.s32 @!p0 $0x1BF5;
	p2 =	por !p2, p0  }
0x20: {  	[sflag:s8] =	ssyncset.s32 @!p0 $0xFFFFF086;
	s6 =	sadd.s32 @!p0 s3, s7;
	s7 =	simm.s32 @!p0 $0x108  }
0x21: {  	s3 =	sadd.s32 s3, s9;
	s6 =	sadd.s32 @!p0 $0x88, s6;
	s7 =	simm.s32 @p2 $0x1082  }
0x22: {  	[simem:s7], [sflag:s8] =	dma.local @!p0 [hbm:s6], $0xF7A  }
0x23: {  	s9 =	sor.u32 $0xD0000000, s2;
	s6 =	simm.s32 $0x108;
	_ =	swait.ge @!p0 [sflag:s8], $0x0  }
0x24: {  	s3 =	sadd.s32 $0x88, s3;
	s6 =	simm.s32 @!p1 $0x1082;
	[sflag:s4] =	ssyncset.s32 $0xFFFFF086  }
0x25: {  	[simem:s6], [sflag:s4] =	dma.local [hbm:s3], $0xF7A  }
0x26: {  	[smem:$0x3F95] =	sst s1;
	(tag) =	ssettag s2;
	_ =	strace s9  }
0x27: {  	s1 =	sld [smem:$0x3FA5]  }
0x28: {  	s2 =	sld [smem:$0x3FA6]  }
0x29: {  	s4 =	sld [smem:$0x3FA8]  }
0x2a: {  	p0 =	seq.s32 s5, $0x0;
	s5 =	sld [smem:$0x3FA9]  }
0x2b: {  	s6 =	sld [smem:$0x3FAA]  }
0x2c: {  	s7 =	sld [smem:$0x3FAB]  }
0x2d: {  	s3 =	simm.s32 $0x108;
	s8 =	sld [smem:$0x3FAC]  }
0x2e: {  	s3 =	simm.s32 @!p0 $0x1082;
	s9 =	sld [smem:$0x3FAD]  }
0x2f: {  	lr =	sadd.s32 s0, s3;
	s0 =	sld [smem:$0x3FA4]  }
0x30: {  	s3 =	sld [smem:$0x3FA7]  }
0x31: {  	[smem:$0x3FB0] =	sst s10  }
0x32: {  	s10 =	sld [smem:$0x3FAE];
	_ =	sdelay $0x3  }
0x33: {  	p0 =	seq.s32 s10, $0x1;
	s10 =	sld [smem:$0x3FB0];
	_ =	sdelay $0x3  }
0x34: {  	[smem:$0x3FB0] =	sst s10  }
0x35: {  	s10 =	sld [smem:$0x3FAF];
	_ =	sdelay $0x3  }
0x36: {  	p1 =	seq.s32 s10, $0x1;
	s10 =	sld [smem:$0x3FB0];
	_ =	sdelay $0x3  }
0x37: {  	[smem:$0x3FB0] =	sst s10  }
0x38: {  	s10 =	sld [smem:$0x3FB1]  }
0x39: {  	_ = 	snop;
	(pc) =	sbr.ind lr, $3  }
0x3a: {  	_ = 	snop  }
0x3b: {  	_ = 	snop  }
0x3c: {  	p2 =	seq.s32 s10, $0x1;
	s10 =	sld [smem:$0x3FB0]  }
0x3d: {  	_ =	shalt  }
0x3e: {  	_ =	shalt  }
0x3f: {  	_ =	shalt  }
0x40: {  	_ =	shalt  }
0x41: {  	_ =	shalt  }
0x42: {  	_ =	shalt  }
0x43: {  	_ =	shalt  }
0x44: {  	_ =	shalt  }
0x45: {  	_ =	shalt  }
0x46: {  	_ =	shalt  }
0x47: {  	_ =	shalt  }
0x48: {  	_ =	shalt  }
0x49: {  	_ =	shalt  }
0x4a: {  	_ =	shalt  }
0x4b: {  	_ =	shalt  }
0x4c: {  	_ =	shalt  }
0x4d: {  	_ =	shalt  }
0x4e: {  	_ =	shalt  }
0x4f: {  	_ =	shalt  }
0x50: {  	_ =	shalt  }
0x51: {  	_ =	shalt  }
0x52: {  	_ =	shalt  }
0x53: {  	_ =	shalt  }
0x54: {  	_ =	shalt  }
0x55: {  	_ =	shalt  }
0x56: {  	_ =	shalt  }
0x57: {  	_ =	shalt  }
0x58: {  	_ =	shalt  }
0x59: {  	_ =	shalt  }
0x5a: {  	_ =	shalt  }
0x5b: {  	_ =	shalt  }
0x5c: {  	_ =	shalt  }
0x5d: {  	_ =	shalt  }
0x5e: {  	_ =	shalt  }
0x5f: {  	_ =	shalt  }
0x60: {  	_ =	shalt  }
0x61: {  	_ =	shalt  }
0x62: {  	_ =	shalt  }
0x63: {  	_ =	shalt  }
0x64: {  	_ =	shalt  }
0x65: {  	_ =	shalt  }
0x66: {  	_ =	shalt  }
0x67: {  	_ =	shalt  }
0x68: {  	_ =	shalt  }
0x69: {  	_ =	shalt  }
0x6a: {  	_ =	shalt  }
0x6b: {  	_ =	shalt  }
0x6c: {  	_ =	shalt  }
0x6d: {  	_ =	shalt  }
0x6e: {  	_ =	shalt  }
0x6f: {  	_ =	shalt  }
0x70: {  	_ =	shalt  }
0x71: {  	_ =	shalt  }
0x72: {  	_ =	shalt  }
0x73: {  	_ =	shalt  }
0x74: {  	_ =	shalt  }
0x75: {  	_ =	shalt  }
0x76: {  	_ =	shalt  }
0x77: {  	_ =	shalt  }
0x78: {  	_ =	shalt  }
0x79: {  	_ =	shalt  }
0x7a: {  	_ =	shalt  }
0x7b: {  	_ =	shalt  }
0x7c: {  	_ =	shalt  }
0x7d: {  	_ =	shalt  }
0x7e: {  	_ =	shalt  }
0x7f: {  	_ =	shalt  }
0x80: {  	_ =	shalt  }
0x81: {  	_ =	shalt  }
0x82: {  	_ =	shalt  }
0x83: {  	_ =	shalt  }
0x84: {  	_ =	shalt  }
0x85: {  	_ =	shalt  }
0x86: {  	_ =	shalt  }
0x87: {  	_ =	shalt  }
.Lfunc_end0:
.L_simem_size_0:
called_computation.5_lowered:
.L_overlay_start_0:
0x88: {  	s2 =	sld [smem:$0x3FD9]  }
0x89: {  	s3 =	sld [smem:$0x3FFE];
	_ =	sdelay $0x1  }
0x8a: {  	s1 =	srdreg.scid  }
0x8b: {  	s0 =	sand.u32 $0x1, s1  }
0x8c: {  	s16 =	sshll.u32 s0, $0xA;
	s2 =	sadd.s32 s3, s2  }
0x8d: {  	s2 =	sadd.s32 s2, s16  }
0x8e: {  	[smem:$0x3FBC] =	sst s2  }
0x8f: {  	_ = 	snop  }
0x90: {  	(tm) =	ssettm $0x1  }
0x91: {  	s17 =	sld [smem:$0x3FFB];
	_ =	sdelay $0x3  }
0x92: {  	_ =	strace s17  }
0x93: {  	s2 =	sld [smem:$0x3FFC];
	_ =	sdelay $0x3  }
0x94: {  	_ =	strace s2  }
0x95: {  	s2 =	sld [smem:$0x3FFD];
	_ =	sdelay $0x3  }
0x96: {  	_ =	strace s2  }
0x97: {  	_ =	strace $0x8FFFFFFF  }
0x98: {  	s18 =	sld [smem:$0x3FDB];
	_ =	sdelay $0x1  }
0x99: {  	s19 =	simm.s32 $_scs_section_size  }
0x9a: {  	s4 =	simm.s32 $_size__tile_overlayer_lowered;
	s5 =	simm.s32 $_tile_overlayer_lowered  }
0x9b: {  	s22 =	simm.s32 $0x1BFF;
	s21 =	sshll.u32 s5, $0x1;
	s2 =	sadd.s32 s19, s18  }
0x9c: {  	s6 =	simm.s32 $0x0;
	s20 =	sshll.u32 s4, $0x1;
	s4 =	sadd.s32 s21, s2  }
0x9d: {  	[timem:s6], [sflag:s22] =	dma.local [hbm:s4], s20  }
0x9e: {  	_ =	swait.ge [sflag:s22], s20  }
0x9f: {  	s3 =	ssub.s32 $0x0, s20;
	[sflag:s22] =	ssyncset.done $0x0  }
0xa0: {  	[sflag:s22] =	ssyncadd.s32 s3;
	_ =	sdelay $0x1  }
0xa1: {  	s23 =	simm.s32 $0x1B8B  }
0xa2: {  	_ =	swait.ge [sflag:s23], $0x1  }
0xa3: {  	[sflag:s23] =	ssyncset.done $0x0  }
0xa4: {  	s25 =	simm.s32 $0x1B8E;
	s24 =	sld [smem:$0x3FFE];
	[sflag:s23] =	ssyncadd.s32 $0xFFFFFFFF  }
0xa5: {  	s26 =	simm.s32 $execute0_lowered;
	[smem:$0x3FD2] =	sst s25  }
0xa6: {  	s4 =	sshll.u32 s26, $0x1;
	_ =	strace $0x80000055;
	[dreg:$0x1] =	wrdreg $0xFFFFFFFF  }
0xa7: {  	s28 =	simm.s32 $_size_execute0_lowered;
	s2 =	sadd.s32 s2, s4;
	[dreg:$0x0] =	wrdreg $0x0  }
0xa8: {  	s4 =	sshll.u32 s28, $0x1;
	[dreg:$0x2] =	wrdreg s2  }
0xa9: {  	[dreg:$0x3] =	wrdreg s4  }
0xaa: {  	[dreg:$0x4] =	wrdreg $0xC0  }
0xab: {  	_ =	task [dreg:s6], $0x5FFFF  }
0xac: {  	[dreg:$0x1] =	wrdreg $0xFFFFFFFF  }
0xad: {  	[dreg:$0x0] =	wrdreg $0x60  }
0xae: {  	[dreg:$0x2] =	wrdreg s24  }
0xaf: {  	[dreg:$0x3] =	wrdreg $0xC000  }
0xb0: {  	[dreg:$0x4] =	wrdreg $0x9  }
0xb1: {  	_ =	task.clear_ibuf [dreg:s6], $0x5FFFF;
	_ =	strace $0x90000055  }
0xb2: {  	s29 =	simm.s32 $0x9;
	_ =	strace $0x80000057  }
0xb3: {  	_ =	swait.ge [sflag:s29], $0x1  }
0xb4: {  	[sflag:s29] =	ssyncadd.s32 $0xFFFFFFFF  }
0xb5: {  	_ =	strace $0x90000057  }
0xb6: {  	_ =	sfence  }
0xb7: {  	s30 =	sld [smem:$0x0];
	_ =	sdelay $0x2  }
0xb8: {  	s31 =	sshll.u32 s1, $0xD;
	s1 =	sshrl.u32 s1, $0x2  }
0xb9: {  	s3 =	sand.u32 $0x4000, s31;
	s1 =	sadd.s32 s1, s30  }
0xba: {  	s0 =	sor.u32 s3, s0;
	s1 =	sshll.u32 s1, $0x11  }
0xbb: {  	s0 =	sor.u32 s1, s0  }
0xbc: {  	s0 =	sadd.s32 $0x8F2B, s0  }
0xbd: {  	[sflag:s0] =	ssyncadd.remote.s32 $0x1  }
0xbe: {  	_ =	sfence.sel $0xFFFF  }
0xbf: {  	[dreg:$0x0] =	wrdreg $0xFFFFFFFF;
	(pc) =	sbr.abs _section_cstart, $3  }
0xc0: {  	[dreg:$0x1] =	wrdreg $0xFFFFFFFF  }
0xc1: {  	_ =	task.clear_ibuf [dreg:s6], $0x2FFFF;
	_ =	strace $0x9FFFFFFF  }
0xc2: {  	(tm) =	ssettm $0x7FFFFFFF  }
0xc3: {  	_ =	shalt  }
tec
execute0_lowered:
.L_overlay_start_1:
0x0: {  	(tag) =	ssettag $0x1  }
0x1: {  	s0 =	srdreg.scid  }
0x2: {  	s10 =	stileid.u32;
	s1 =	rddreg [dreg:$0x0]  }
0x3: {  	s2 =	rddreg [dreg:$0x1];
	s3 =	simm.s32 $0x0;
	s11 =	simm.s32 $0x400  }
0x4: {  	s12 =	simm.s32 $0x80;
	s13 =	simm.s32 $0x800;
	s25 =	simm.s32 $0x100  }
0x5: {  	s14 =	simm.s32 $0x880;
	s26 =	simm.s32 $0x180;
	s15 =	simm.s32 $0x900  }
0x6: {  	s16 =	simm.s32 $0x980;
	s17 =	simm.s32 $0x200;
	s18 =	simm.s32 $0xA00  }
0x7: {  	s19 =	simm.s32 $0x280;
	s20 =	simm.s32 $0xA80;
	s28 =	simm.s32 $0x500  }
0x8: {  	s29 =	simm.s32 $0x580;
	s30 =	simm.s32 $0x600;
	s4 =	smul.u32 $0x18800, s10  }
0x9: {  	s31 =	simm.s32 $0x680;
	s0 =	sand.u32 $0x1, s0;
	s21 =	smul.u32 $0xC80, s10  }
0xa: {  	[smem:$0x7FF] =	sst s3;
	s23 =	sshll.u32 s10, $0x6;
	s10 =	simm.s32 $0x3  }
0xb: {  	s5 =	smul.u32 $0xC400, s0;
	_ =	strace $0x80000056;
	[dreg:$0x5] =	wrdreg s25  }
0xc: {  	s7 =	smul.u32 $0xC800, s0;
	s0 =	ssub.s32 $0x2, s0;
	[dreg:$0x6] =	wrdreg s26  }
0xd: {  	s25 =	simm.s32 $0x1;
	s26 =	simm.s32 $0x480;
	s8 =	sshrl.u32 s21, $0x3  }
0xe: {  	s9 =	sshrl.u32 s0, $0x1;
	s4 =	sadd.s32 s5, s4;
	s7 =	sadd.s32 s21, s7  }
0xf: {  	s8 =	sadd.s32 s8, s1;
	s0 =	ssub.s32 s0, s9;
	s5 =	sadd.s32 s21, s2  }
0x10: {  	s21 =	simm.s32 $0x300;
	s9 =	simm.s32 $0x0;
	s6 =	sshrl.u32 s4, $0x3  }
0x11: {  	s4 =	sadd.s32 $0x35E00, s1;
	s7 =	sshrl.u32 s7, $0x3;
	s22 =	sadd.s32 $0x34400, s8  }
0x12: {  	s0 =	smax.u32 s0, $0x1;
	s8 =	sshrl.u32 s5, $0x3;
	[dreg:$0x7] =	wrdreg s22  }
0x13: {  	s5 =	simm.s32 $0x2;
	s6 =	sadd.s32 s6, s1;
	[dreg:$0xa] =	wrdreg s0  }
0x14: {  	s1 =	sadd.s32 s7, s1;
	s7 =	sor.u32 $0x1C03, s23;
	[dreg:$0xb] =	wrdreg s8  }
0x15: {  	s22 =	simm.s32 $0xB00;
	s24 =	sadd.s32 $0x3400, s6;
	[dreg:$0x8] =	wrdreg s7  }
0x16: {  	s23 =	simm.s32 $0x380;
	s1 =	sadd.s32 $0x37800, s1;
	[dreg:$0x3] =	wrdreg s24  }
0x17: {  	s0 =	simm.s32 $0x780;
	s6 =	sadd.s32 $0x101000, s6;
	[dreg:$0x9] =	wrdreg s1  }
0x18: {  	[dreg:$0x4] =	wrdreg s6;
	s24 =	simm.s32 $0xB80;
	s1 =	simm.s32 $0x700  }
.LBB2_1:
0x19: {  	[dreg:$0xc] =	wrdreg s9  }
0x1a: {  	s6 =	rddreg [dreg:$0x7]  }
0x1b: {  	[spmem:s8], [sflag:s7] =	dma.local [hbm:s6], $0x190  }
0x1c: {  	_ =	swait.ge [sflag:s10], $0x190  }
0x1d: {  	[sflag:s10] =	ssyncset.done $0x0  }
0x1e: {  	[sflag:s10] =	ssyncadd.s32 $0xFFFFFE70  }
0x1f: {  	[bflag:$0x0] =	sbarrier.arrive $0xFFFF  }
0x20: {  	s9 =	rddreg [dreg:$0x4]  }
0x21: {  	s6 =	sadd.s32 $0x0, s9  }
0x22: {  	[tilespmem:s3], [sflag:$0x3] =	stream.linear.gather [hbm4b:s6+s3], $0x400, $0x38;
	[tilespmem:$0x1880] =	vst v63  }
0x23: {  	_ =	swait.ge [sflag:s10], $0x400  }
0x24: {  	s7 =	rddreg [dreg:$0x3];
	[sflag:s10] =	ssyncset.done $0x0  }
0x25: {  	[sflag:s10] =	ssyncadd.s32 $0xFFFFFC00;
	s6 =	sadd.s32 $0x0, s7  }
0x26: {  	[tilespmem:s11], [sflag:$0x3] =	stream.linear.gather [hbm4b:s6+s3], $0x400, $0x38;
	[tilespmem:$0x1880] =	vst v63  }
0x27: {  	_ =	swait.ge [sflag:s10], $0x400  }
0x28: {  	[sflag:s10] =	ssyncset.done $0x0  }
0x29: {  	[sflag:s10] =	ssyncadd.s32 $0xFFFFFC00  }
0x2a: {  	[tilespmem:s13], [sflag:$0x1] =	stream.indirect.gather [hbm4b:s4+s12], $0x1, s3, s12, $0xb8;
	[tilespmem:$0x1880] =	vst v63  }
0x2b: {  	_ = 	snop  }
0x2c: {  	[tilespmem:s14], [sflag:$0x1] =	stream.indirect.gather [hbm4b:s4+s12], $0x1, s12, s12, $0xb8;
	[tilespmem:$0x1880] =	vst v63  }
0x2d: {  	s8 =	rddreg [dreg:$0x5]  }
0x2e: {  	[tilespmem:s15], [sflag:$0x1] =	stream.indirect.gather [hbm4b:s4+s12], $0x1, s8, s12, $0xb8;
	[tilespmem:$0x1880] =	vst v63  }
0x2f: {  	s9 =	rddreg [dreg:$0x6]  }
0x30: {  	[tilespmem:s16], [sflag:$0x1] =	stream.indirect.gather [hbm4b:s4+s12], $0x1, s9, s12, $0xb8;
	[tilespmem:$0x1880] =	vst v63  }
0x31: {  	_ = 	snop  }
0x32: {  	[tilespmem:s18], [sflag:$0x1] =	stream.indirect.gather [hbm4b:s4+s12], $0x1, s17, s12, $0xb8;
	[tilespmem:$0x1880] =	vst v63  }
0x33: {  	_ = 	snop  }
0x34: {  	[tilespmem:s20], [sflag:$0x1] =	stream.indirect.gather [hbm4b:s4+s12], $0x1, s19, s12, $0xb8;
	[tilespmem:$0x1880] =	vst v63  }
0x35: {  	_ = 	snop  }
0x36: {  	[tilespmem:s22], [sflag:$0x1] =	stream.indirect.gather [hbm4b:s4+s12], $0x1, s21, s12, $0xb8;
	[tilespmem:$0x1880] =	vst v63  }
0x37: {  	_ = 	snop  }
0x38: {  	[tilespmem:s24], [sflag:$0x1] =	stream.indirect.gather [hbm4b:s4+s12], $0x1, s23, s12, $0xb8;
	[tilespmem:$0x1880] =	vst v63  }
0x39: {  	_ =	swait.ge [sflag:s25], $0x80  }
0x3a: {  	[sflag:s25] =	ssyncset.done $0x0  }
0x3b: {  	[sflag:s25] =	ssyncadd.s32 $0xFFFFFF80  }
0x3c: {  	[spmem:s2] =	stream.indirect.scatter.add.f32 [tilespmem:s13], [sflag:$0x2], $0x1, s11, s12, $0xb8;
	[tilespmem:$0x1880] =	vst v63  }
0x3d: {  	_ =	swait.ge [sflag:s25], $0x80  }
0x3e: {  	[sflag:s25] =	ssyncset.done $0x0  }
0x3f: {  	[sflag:s25] =	ssyncadd.s32 $0xFFFFFF80  }
0x40: {  	[spmem:s2] =	stream.indirect.scatter.add.f32 [tilespmem:s14], [sflag:$0x2], $0x1, s26, s12, $0xb8;
	[tilespmem:$0x1880] =	vst v63  }
0x41: {  	_ =	swait.ge [sflag:s25], $0x80  }
0x42: {  	[sflag:s25] =	ssyncset.done $0x0  }
0x43: {  	[sflag:s25] =	ssyncadd.s32 $0xFFFFFF80  }
0x44: {  	[spmem:s2] =	stream.indirect.scatter.add.f32 [tilespmem:s15], [sflag:$0x2], $0x1, s28, s12, $0xb8;
	[tilespmem:$0x1880] =	vst v63  }
0x45: {  	_ =	swait.ge [sflag:s25], $0x80  }
0x46: {  	[sflag:s25] =	ssyncset.done $0x0  }
0x47: {  	[sflag:s25] =	ssyncadd.s32 $0xFFFFFF80  }
0x48: {  	[spmem:s2] =	stream.indirect.scatter.add.f32 [tilespmem:s16], [sflag:$0x2], $0x1, s29, s12, $0xb8;
	[tilespmem:$0x1880] =	vst v63  }
0x49: {  	_ =	swait.ge [sflag:s25], $0x80  }
0x4a: {  	[sflag:s25] =	ssyncset.done $0x0  }
0x4b: {  	[sflag:s25] =	ssyncadd.s32 $0xFFFFFF80  }
0x4c: {  	[spmem:s2] =	stream.indirect.scatter.add.f32 [tilespmem:s18], [sflag:$0x2], $0x1, s30, s12, $0xb8;
	[tilespmem:$0x1880] =	vst v63  }
0x4d: {  	_ =	swait.ge [sflag:s25], $0x80  }
0x4e: {  	[sflag:s25] =	ssyncset.done $0x0  }
0x4f: {  	[sflag:s25] =	ssyncadd.s32 $0xFFFFFF80  }
0x50: {  	[spmem:s2] =	stream.indirect.scatter.add.f32 [tilespmem:s20], [sflag:$0x2], $0x1, s31, s12, $0xb8;
	[tilespmem:$0x1880] =	vst v63  }
0x51: {  	_ =	swait.ge [sflag:s25], $0x80  }
0x52: {  	[sflag:s25] =	ssyncset.done $0x0  }
0x53: {  	[sflag:s25] =	ssyncadd.s32 $0xFFFFFF80  }
0x54: {  	[spmem:s2] =	stream.indirect.scatter.add.f32 [tilespmem:s22], [sflag:$0x2], $0x1, s1, s12, $0xb8;
	[tilespmem:$0x1880] =	vst v63  }
0x55: {  	_ =	swait.ge [sflag:s25], $0x80  }
0x56: {  	[sflag:s25] =	ssyncset.done $0x0  }
0x57: {  	[sflag:s25] =	ssyncadd.s32 $0xFFFFFF80  }
0x58: {  	[spmem:s2] =	stream.indirect.scatter.add.f32 [tilespmem:s24], [sflag:$0x2], $0x1, s0, s12, $0xb8;
	[tilespmem:$0x1880] =	vst v63  }
0x59: {  	_ =	swait.ge [sflag:s5], $0x80  }
0x5a: {  	[sflag:s5] =	ssyncset.done $0x0  }
0x5b: {  	[sflag:s5] =	ssyncadd.s32 $0xFFFFFF80  }
0x5c: {  	_ =	swait.ge [sflag:s5], $0x80  }
0x5d: {  	[sflag:s5] =	ssyncset.done $0x0  }
0x5e: {  	[sflag:s5] =	ssyncadd.s32 $0xFFFFFF80  }
0x5f: {  	_ =	swait.ge [sflag:s5], $0x80  }
0x60: {  	[sflag:s5] =	ssyncset.done $0x0  }
0x61: {  	[sflag:s5] =	ssyncadd.s32 $0xFFFFFF80  }
0x62: {  	_ =	swait.ge [sflag:s5], $0x80  }
0x63: {  	[sflag:s5] =	ssyncset.done $0x0  }
0x64: {  	[sflag:s5] =	ssyncadd.s32 $0xFFFFFF80  }
0x65: {  	_ =	swait.ge [sflag:s5], $0x80  }
0x66: {  	[sflag:s5] =	ssyncset.done $0x0  }
0x67: {  	[sflag:s5] =	ssyncadd.s32 $0xFFFFFF80  }
0x68: {  	_ =	swait.ge [sflag:s5], $0x80  }
0x69: {  	[sflag:s5] =	ssyncset.done $0x0  }
0x6a: {  	[sflag:s5] =	ssyncadd.s32 $0xFFFFFF80  }
0x6b: {  	_ =	swait.ge [sflag:s5], $0x80  }
0x6c: {  	[sflag:s5] =	ssyncset.done $0x0  }
0x6d: {  	[sflag:s5] =	ssyncadd.s32 $0xFFFFFF80  }
0x6e: {  	s6 =	simm.s32 $0x100;
	_ =	swait.ge [sflag:s5], $0x80  }
0x6f: {  	s8 =	simm.s32 $0x80;
	s9 =	rddreg [dreg:$0x4];
	[sflag:s5] =	ssyncset.done $0x0  }
.LBB2_2:
0x70: {  	[sflag:s5] =	ssyncadd.s32 $0xFFFFFF80;
	s9 =	sadd.s32 s8, s9  }
0x71: {  	[tilespmem:s3], [sflag:$0x3] =	stream.linear.gather [hbm4b:s9+s3], $0x400, $0x38;
	[tilespmem:$0x1880] =	vst v63  }
0x72: {  	_ =	swait.ge [sflag:s10], $0x400  }
0x73: {  	s9 =	rddreg [dreg:$0x3];
	[sflag:s10] =	ssyncset.done $0x0  }
0x74: {  	[sflag:s10] =	ssyncadd.s32 $0xFFFFFC00;
	s9 =	sadd.s32 s8, s9  }
0x75: {  	[tilespmem:s11], [sflag:$0x3] =	stream.linear.gather [hbm4b:s9+s3], $0x400, $0x38;
	[tilespmem:$0x1880] =	vst v63  }
0x76: {  	_ =	swait.ge [sflag:s10], $0x400  }
0x77: {  	[sflag:s10] =	ssyncset.done $0x0  }
0x78: {  	[sflag:s10] =	ssyncadd.s32 $0xFFFFFC00  }
0x79: {  	[tilespmem:s13], [sflag:$0x1] =	stream.indirect.gather [hbm4b:s4+s12], $0x1, s3, s12, $0xb8;
	[tilespmem:$0x1880] =	vst v63  }
0x7a: {  	s7 =	smov.u32 s6  }
0x7b: {  	[tilespmem:s14], [sflag:$0x1] =	stream.indirect.gather [hbm4b:s4+s12], $0x1, s12, s12, $0xb8;
	[tilespmem:$0x1880] =	vst v63  }
0x7c: {  	s8 =	smov.u32 s7;
	s7 =	rddreg [dreg:$0x5]  }
0x7d: {  	[tilespmem:s15], [sflag:$0x1] =	stream.indirect.gather [hbm4b:s4+s12], $0x1, s7, s12, $0xb8;
	[tilespmem:$0x1880] =	vst v63  }
0x7e: {  	s9 =	rddreg [dreg:$0x6]  }
0x7f: {  	[tilespmem:s16], [sflag:$0x1] =	stream.indirect.gather [hbm4b:s4+s12], $0x1, s9, s12, $0xb8;
	[tilespmem:$0x1880] =	vst v63  }
0x80: {  	_ = 	snop  }
0x81: {  	[tilespmem:s18], [sflag:$0x1] =	stream.indirect.gather [hbm4b:s4+s12], $0x1, s17, s12, $0xb8;
	[tilespmem:$0x1880] =	vst v63  }
0x82: {  	_ = 	snop  }
0x83: {  	[tilespmem:s20], [sflag:$0x1] =	stream.indirect.gather [hbm4b:s4+s12], $0x1, s19, s12, $0xb8;
	[tilespmem:$0x1880] =	vst v63  }
0x84: {  	_ = 	snop  }
0x85: {  	[tilespmem:s22], [sflag:$0x1] =	stream.indirect.gather [hbm4b:s4+s12], $0x1, s21, s12, $0xb8;
	[tilespmem:$0x1880] =	vst v63  }
0x86: {  	_ = 	snop  }
0x87: {  	[tilespmem:s24], [sflag:$0x1] =	stream.indirect.gather [hbm4b:s4+s12], $0x1, s23, s12, $0xb8;
	[tilespmem:$0x1880] =	vst v63  }
0x88: {  	_ =	swait.ge [sflag:s25], $0x80  }
0x89: {  	[sflag:s25] =	ssyncset.done $0x0  }
0x8a: {  	[sflag:s25] =	ssyncadd.s32 $0xFFFFFF80  }
0x8b: {  	[spmem:s2] =	stream.indirect.scatter.add.f32 [tilespmem:s13], [sflag:$0x2], $0x1, s11, s12, $0xb8;
	[tilespmem:$0x1880] =	vst v63  }
0x8c: {  	_ =	swait.ge [sflag:s25], $0x80  }
0x8d: {  	[sflag:s25] =	ssyncset.done $0x0  }
0x8e: {  	[sflag:s25] =	ssyncadd.s32 $0xFFFFFF80  }
0x8f: {  	[spmem:s2] =	stream.indirect.scatter.add.f32 [tilespmem:s14], [sflag:$0x2], $0x1, s26, s12, $0xb8;
	[tilespmem:$0x1880] =	vst v63  }
0x90: {  	_ =	swait.ge [sflag:s25], $0x80  }
0x91: {  	[sflag:s25] =	ssyncset.done $0x0  }
0x92: {  	[sflag:s25] =	ssyncadd.s32 $0xFFFFFF80  }
0x93: {  	[spmem:s2] =	stream.indirect.scatter.add.f32 [tilespmem:s15], [sflag:$0x2], $0x1, s28, s12, $0xb8;
	[tilespmem:$0x1880] =	vst v63  }
0x94: {  	_ =	swait.ge [sflag:s25], $0x80  }
0x95: {  	[sflag:s25] =	ssyncset.done $0x0  }
0x96: {  	[sflag:s25] =	ssyncadd.s32 $0xFFFFFF80  }
0x97: {  	[spmem:s2] =	stream.indirect.scatter.add.f32 [tilespmem:s16], [sflag:$0x2], $0x1, s29, s12, $0xb8;
	[tilespmem:$0x1880] =	vst v63  }
0x98: {  	_ =	swait.ge [sflag:s25], $0x80  }
0x99: {  	[sflag:s25] =	ssyncset.done $0x0  }
0x9a: {  	[sflag:s25] =	ssyncadd.s32 $0xFFFFFF80  }
0x9b: {  	[spmem:s2] =	stream.indirect.scatter.add.f32 [tilespmem:s18], [sflag:$0x2], $0x1, s30, s12, $0xb8;
	[tilespmem:$0x1880] =	vst v63  }
0x9c: {  	_ =	swait.ge [sflag:s25], $0x80  }
0x9d: {  	[sflag:s25] =	ssyncset.done $0x0  }
0x9e: {  	[sflag:s25] =	ssyncadd.s32 $0xFFFFFF80  }
0x9f: {  	[spmem:s2] =	stream.indirect.scatter.add.f32 [tilespmem:s20], [sflag:$0x2], $0x1, s31, s12, $0xb8;
	[tilespmem:$0x1880] =	vst v63  }
0xa0: {  	_ =	swait.ge [sflag:s25], $0x80  }
0xa1: {  	[sflag:s25] =	ssyncset.done $0x0  }
0xa2: {  	[sflag:s25] =	ssyncadd.s32 $0xFFFFFF80  }
0xa3: {  	[spmem:s2] =	stream.indirect.scatter.add.f32 [tilespmem:s22], [sflag:$0x2], $0x1, s1, s12, $0xb8;
	[tilespmem:$0x1880] =	vst v63  }
0xa4: {  	_ =	swait.ge [sflag:s25], $0x80  }
0xa5: {  	[sflag:s25] =	ssyncset.done $0x0  }
0xa6: {  	[sflag:s25] =	ssyncadd.s32 $0xFFFFFF80  }
0xa7: {  	[spmem:s2] =	stream.indirect.scatter.add.f32 [tilespmem:s24], [sflag:$0x2], $0x1, s0, s12, $0xb8;
	[tilespmem:$0x1880] =	vst v63  }
0xa8: {  	_ =	swait.ge [sflag:s5], $0x80  }
0xa9: {  	[sflag:s5] =	ssyncset.done $0x0  }
0xaa: {  	[sflag:s5] =	ssyncadd.s32 $0xFFFFFF80  }
0xab: {  	_ =	swait.ge [sflag:s5], $0x80  }
0xac: {  	[sflag:s5] =	ssyncset.done $0x0  }
0xad: {  	[sflag:s5] =	ssyncadd.s32 $0xFFFFFF80  }
0xae: {  	_ =	swait.ge [sflag:s5], $0x80  }
0xaf: {  	[sflag:s5] =	ssyncset.done $0x0  }
0xb0: {  	[sflag:s5] =	ssyncadd.s32 $0xFFFFFF80  }
0xb1: {  	_ =	swait.ge [sflag:s5], $0x80  }
0xb2: {  	[sflag:s5] =	ssyncset.done $0x0  }
0xb3: {  	[sflag:s5] =	ssyncadd.s32 $0xFFFFFF80  }
0xb4: {  	_ =	swait.ge [sflag:s5], $0x80  }
0xb5: {  	[sflag:s5] =	ssyncset.done $0x0  }
0xb6: {  	[sflag:s5] =	ssyncadd.s32 $0xFFFFFF80  }
0xb7: {  	_ =	swait.ge [sflag:s5], $0x80  }
0xb8: {  	[sflag:s5] =	ssyncset.done $0x0  }
0xb9: {  	p0 =	sne.s32 s6, $0x1800;
	[sflag:s5] =	ssyncadd.s32 $0xFFFFFF80  }
.Ltmp0:
0xba: {  	_ =	swait.ge [sflag:s5], $0x80;
	(pc) =	sbr.rel @p0 .LBB2_2-.Ltmp0, $4  }
0xbb: {  	[sflag:s5] =	ssyncset.done $0x0  }
0xbc: {  	[sflag:s5] =	ssyncadd.s32 $0xFFFFFF80  }
0xbd: {  	_ =	swait.ge [sflag:s5], $0x80  }
0xbe: {  	s6 =	sadd.s32 $0x80, s6;
	s9 =	rddreg [dreg:$0x4];
	[sflag:s5] =	ssyncset.done $0x0  }
0xbf: {  	[sflag:s5] =	ssyncadd.s32 $0xFFFFFF80;
	s6 =	sadd.s32 s8, s9  }
0xc0: {  	[tilespmem:s3], [sflag:$0x3] =	stream.linear.gather [hbm4b:s6+s3], $0x400, $0x38;
	[tilespmem:$0x1880] =	vst v63  }
0xc1: {  	_ =	swait.ge [sflag:s10], $0x400  }
0xc2: {  	s7 =	rddreg [dreg:$0x3];
	[sflag:s10] =	ssyncset.done $0x0  }
0xc3: {  	[sflag:s10] =	ssyncadd.s32 $0xFFFFFC00;
	s6 =	sadd.s32 s8, s7  }
0xc4: {  	[tilespmem:s11], [sflag:$0x3] =	stream.linear.gather [hbm4b:s6+s3], $0x400, $0x38;
	[tilespmem:$0x1880] =	vst v63  }
0xc5: {  	_ =	swait.ge [sflag:s10], $0x400  }
0xc6: {  	[sflag:s10] =	ssyncset.done $0x0  }
0xc7: {  	[sflag:s10] =	ssyncadd.s32 $0xFFFFFC00  }
0xc8: {  	[tilespmem:s13], [sflag:$0x1] =	stream.indirect.gather [hbm4b:s4+s12], $0x1, s3, s12, $0xb8;
	[tilespmem:$0x1880] =	vst v63  }
0xc9: {  	_ = 	snop  }
0xca: {  	[tilespmem:s14], [sflag:$0x1] =	stream.indirect.gather [hbm4b:s4+s12], $0x1, s12, s12, $0xb8;
	[tilespmem:$0x1880] =	vst v63  }
0xcb: {  	s8 =	rddreg [dreg:$0x5]  }
0xcc: {  	[tilespmem:s15], [sflag:$0x1] =	stream.indirect.gather [hbm4b:s4+s12], $0x1, s8, s12, $0xb8;
	[tilespmem:$0x1880] =	vst v63  }
0xcd: {  	s7 =	rddreg [dreg:$0x6]  }
0xce: {  	[tilespmem:s16], [sflag:$0x1] =	stream.indirect.gather [hbm4b:s4+s12], $0x1, s7, s12, $0xb8;
	[tilespmem:$0x1880] =	vst v63  }
0xcf: {  	_ = 	snop  }
0xd0: {  	[tilespmem:s18], [sflag:$0x1] =	stream.indirect.gather [hbm4b:s4+s12], $0x1, s17, s12, $0xb8;
	[tilespmem:$0x1880] =	vst v63  }
0xd1: {  	_ = 	snop  }
0xd2: {  	[tilespmem:s20], [sflag:$0x1] =	stream.indirect.gather [hbm4b:s4+s12], $0x1, s19, s12, $0xb8;
	[tilespmem:$0x1880] =	vst v63  }
0xd3: {  	_ = 	snop  }
0xd4: {  	[tilespmem:s22], [sflag:$0x1] =	stream.indirect.gather [hbm4b:s4+s12], $0x1, s21, s12, $0xb8;
	[tilespmem:$0x1880] =	vst v63  }
0xd5: {  	_ = 	snop  }
0xd6: {  	[tilespmem:s24], [sflag:$0x1] =	stream.indirect.gather [hbm4b:s4+s12], $0x1, s23, s12, $0xb8;
	[tilespmem:$0x1880] =	vst v63  }
0xd7: {  	_ =	swait.ge [sflag:s25], $0x80  }
0xd8: {  	[sflag:s25] =	ssyncset.done $0x0  }
0xd9: {  	[sflag:s25] =	ssyncadd.s32 $0xFFFFFF80  }
0xda: {  	[spmem:s2] =	stream.indirect.scatter.add.f32 [tilespmem:s13], [sflag:$0x2], $0x1, s11, s12, $0xb8;
	[tilespmem:$0x1880] =	vst v63  }
0xdb: {  	_ =	swait.ge [sflag:s25], $0x80  }
0xdc: {  	[sflag:s25] =	ssyncset.done $0x0  }
0xdd: {  	[sflag:s25] =	ssyncadd.s32 $0xFFFFFF80  }
0xde: {  	[spmem:s2] =	stream.indirect.scatter.add.f32 [tilespmem:s14], [sflag:$0x2], $0x1, s26, s12, $0xb8;
	[tilespmem:$0x1880] =	vst v63  }
0xdf: {  	_ =	swait.ge [sflag:s25], $0x80  }
0xe0: {  	[sflag:s25] =	ssyncset.done $0x0  }
0xe1: {  	[sflag:s25] =	ssyncadd.s32 $0xFFFFFF80  }
0xe2: {  	[spmem:s2] =	stream.indirect.scatter.add.f32 [tilespmem:s15], [sflag:$0x2], $0x1, s28, s12, $0xb8;
	[tilespmem:$0x1880] =	vst v63  }
0xe3: {  	_ =	swait.ge [sflag:s25], $0x80  }
0xe4: {  	[sflag:s25] =	ssyncset.done $0x0  }
0xe5: {  	[sflag:s25] =	ssyncadd.s32 $0xFFFFFF80  }
0xe6: {  	[spmem:s2] =	stream.indirect.scatter.add.f32 [tilespmem:s16], [sflag:$0x2], $0x1, s29, s12, $0xb8;
	[tilespmem:$0x1880] =	vst v63  }
0xe7: {  	_ =	swait.ge [sflag:s25], $0x80  }
0xe8: {  	[sflag:s25] =	ssyncset.done $0x0  }
0xe9: {  	[sflag:s25] =	ssyncadd.s32 $0xFFFFFF80  }
0xea: {  	[spmem:s2] =	stream.indirect.scatter.add.f32 [tilespmem:s18], [sflag:$0x2], $0x1, s30, s12, $0xb8;
	[tilespmem:$0x1880] =	vst v63  }
0xeb: {  	_ =	swait.ge [sflag:s25], $0x80  }
0xec: {  	[sflag:s25] =	ssyncset.done $0x0  }
0xed: {  	[sflag:s25] =	ssyncadd.s32 $0xFFFFFF80  }
0xee: {  	[spmem:s2] =	stream.indirect.scatter.add.f32 [tilespmem:s20], [sflag:$0x2], $0x1, s31, s12, $0xb8;
	[tilespmem:$0x1880] =	vst v63  }
0xef: {  	_ =	swait.ge [sflag:s25], $0x80  }
0xf0: {  	[sflag:s25] =	ssyncset.done $0x0  }
0xf1: {  	[sflag:s25] =	ssyncadd.s32 $0xFFFFFF80  }
0xf2: {  	[spmem:s2] =	stream.indirect.scatter.add.f32 [tilespmem:s22], [sflag:$0x2], $0x1, s1, s12, $0xb8;
	[tilespmem:$0x1880] =	vst v63  }
0xf3: {  	_ =	swait.ge [sflag:s25], $0x80  }
0xf4: {  	[sflag:s25] =	ssyncset.done $0x0  }
0xf5: {  	[sflag:s25] =	ssyncadd.s32 $0xFFFFFF80  }
0xf6: {  	[spmem:s2] =	stream.indirect.scatter.add.f32 [tilespmem:s24], [sflag:$0x2], $0x1, s0, s12, $0xb8;
	[tilespmem:$0x1880] =	vst v63  }
0xf7: {  	_ =	swait.ge [sflag:s5], $0x80  }
0xf8: {  	[sflag:s5] =	ssyncset.done $0x0  }
0xf9: {  	[sflag:s5] =	ssyncadd.s32 $0xFFFFFF80  }
0xfa: {  	_ =	swait.ge [sflag:s5], $0x80  }
0xfb: {  	[sflag:s5] =	ssyncset.done $0x0  }
0xfc: {  	[sflag:s5] =	ssyncadd.s32 $0xFFFFFF80  }
0xfd: {  	_ =	swait.ge [sflag:s5], $0x80  }
0xfe: {  	[sflag:s5] =	ssyncset.done $0x0  }
0xff: {  	[sflag:s5] =	ssyncadd.s32 $0xFFFFFF80  }
0x100: {  	_ =	swait.ge [sflag:s5], $0x80  }
0x101: {  	[sflag:s5] =	ssyncset.done $0x0  }
0x102: {  	[sflag:s5] =	ssyncadd.s32 $0xFFFFFF80  }
0x103: {  	_ =	swait.ge [sflag:s5], $0x80  }
0x104: {  	[sflag:s5] =	ssyncset.done $0x0  }
0x105: {  	[sflag:s5] =	ssyncadd.s32 $0xFFFFFF80  }
0x106: {  	_ =	swait.ge [sflag:s5], $0x80  }
0x107: {  	[sflag:s5] =	ssyncset.done $0x0  }
0x108: {  	[sflag:s5] =	ssyncadd.s32 $0xFFFFFF80  }
0x109: {  	_ =	swait.ge [sflag:s5], $0x80  }
0x10a: {  	[sflag:s5] =	ssyncset.done $0x0  }
0x10b: {  	[sflag:s5] =	ssyncadd.s32 $0xFFFFFF80  }
0x10c: {  	_ =	swait.ge [sflag:s5], $0x80  }
0x10d: {  	[sflag:s5] =	ssyncset.done $0x0  }
0x10e: {  	[sflag:s5] =	ssyncadd.s32 $0xFFFFFF80  }
0x10f: {  	[bflag:$0x0] =	sbarrier.arrive $0xFFFF  }
0x110: {  	s7 =	rddreg [dreg:$0x8]  }
0x111: {  	s9 =	rddreg [dreg:$0x9]  }
0x112: {  	s8 =	rddreg [dreg:$0xb]  }
0x113: {  	[hbm:s9], [sflag:s7] =	dma.local [spmem:s8], $0x190  }
0x114: {  	_ =	swait.ge [sflag:s10], $0x190  }
0x115: {  	s6 =	rddreg [dreg:$0xc]  }
0x116: {  	s9 =	sadd.s32 $0x1, s6;
	s6 =	rddreg [dreg:$0xa]  }
0x117: {  	p0 =	sne.s32 s9, s6  }
.Ltmp1:
0x118: {  	_ = 	snop;
	(pc) =	sbr.rel @p0 .LBB2_1-.Ltmp1, $3  }
0x119: {  	_ =	sdelay $0x1  }
0x11a: {  	[sflag:s10] =	ssyncset.done $0x0  }
0x11b: {  	[sflag:s10] =	ssyncadd.s32 $0xFFFFFE70  }
0x11c: {  	_ =	sfence.sel $0x180000  }
0x11d: {  	[bflag:$0x0] =	sbarrier.arrive $0xFFFF  }
0x11e: {  	_ =	strace $0x90000056  }
0x11f: {  	s0 =	stileid.u32;
	[bflag:$0x2] =	sbarrier.arrive $0xFFFF  }
0x120: {  	p0 =	sne.s32 s0, $0x0;
	s0 =	rddreg [dreg:$0x2]  }
0x121: {  	s0 =	sadd.s32 @!p0 $0x100000, s0  }
0x122: {  	[sflag:s0] =	ssyncadd.tile.s32 @!p0 $0x1;
	_ =	shalt  }
.Lfunc_end2:
_tile_overlayer_lowered:
.L_overlay_start_2:
0x123: {  	(tag) =	ssettag $0x2  }
0x124: {  	s0 =	rddreg [dreg:$0x0];
	s2 =	stileid.u32  }
0x125: {  	s1 =	rddreg [dreg:$0x1];
	p0 =	sne.s32 s2, $0x0  }
0x126: {  	s3 =	rddreg [dreg:$0x2];
	[bflag:$0x3] =	sbarrier.arrive $0xFFFF;
	s2 =	simm.s32 @!p0 $0x1C03  }
0x127: {  	[timem:s3], [sflag:s2] =	dma.local @!p0 [hbm:s0], s1  }
0x128: {  	s0 =	simm.s32 @!p0 $0x3  }
0x129: {  	_ =	swait.ge @!p0 [sflag:s0], s1  }
0x12a: {  	s1 =	ssub.s32 @!p0 $0x0, s1;
	[sflag:s0] =	ssyncset.done @!p0 $0x0  }
0x12b: {  	[sflag:s0] =	ssyncadd.s32 @!p0 s1  }
0x12c: {  	[bflag:$0x3] =	sbarrier.arrive $0xFFFF  }
0x12d: {  	_ =	shalt  }

</sc_bundles>
